<compile_context>
chip_gen: v7x
topology: tpu7x:2x2x1
jax: 0.10.2.dev20260603
libtpu: 0.0.44.dev20260713+nightly
codegen_flags: <defaults>
</compile_context>

<pallas_src>
import dataclasses
import functools

import numpy as np
import jax
import jax.numpy as jnp
from jax import lax
from jax.experimental import pallas as pl
from jax.experimental.pallas import tpu as pltpu
from jax.experimental.pallas import tpu_sc as plsc

_NC = 2
_NS = 16
_NW = _NC * _NS
_L = 16
_CHUNK = 80


def _make_sc_edge_pass(n_seg, n_edges):
    pad = (-n_seg) % (_NS * 8)
    P = n_seg + pad
    assert P % 128 == 0
    rows_per_tile = P // _NS
    epw = n_edges // _NW
    n_iters = epw // _CHUNK
    assert n_edges == epw * _NW and epw == n_iters * _CHUNK
    mesh = plsc.VectorSubcoreMesh(core_axis_name="c", subcore_axis_name="s")
    cp = pltpu.CompilerParams()
    if "needs_layout_passes" in pltpu.CompilerParams.__dataclass_fields__:
        cp = dataclasses.replace(cp, needs_layout_passes=False)

    @functools.partial(
        pl.kernel,
        compiler_params=cp,
        out_type=jax.ShapeDtypeStruct((_NC, P, 128), jnp.float32),
        mesh=mesh,
        scratch_types=[
            pltpu.VMEM((_CHUNK,), jnp.int32),
            pltpu.VMEM((_CHUNK,), jnp.int32),
            pltpu.VMEM((_CHUNK,), jnp.int32),
            pltpu.VMEM((_CHUNK, 128), jnp.float32),
            pltpu.VMEM((_CHUNK, 128), jnp.float32),
            pltpu.VMEM((_CHUNK,), jnp.float32),
            pltpu.VMEM((_CHUNK, 128), jnp.float32),
            pltpu.VMEM((8, 128), jnp.float32),
            pltpu.VMEM_SHARED((P, 128), jnp.float32),
        ],
    )
    def sc_pass(kv_hbm, q_hbm, src_hbm, dst_hbm, out_hbm,
                src_v, dst_v, dsth_v, kv_rows, q_rows, w_v, out_rows,
                zbuf, acc):
        c = lax.axis_index("c")
        s = lax.axis_index("s")
        wid = c * _NS + s
        zeros16 = jnp.zeros((_L,), jnp.float32)

        @pl.loop(0, 8)
        def _(r):
            for j in range(8):
                zbuf[r, pl.ds(j * _L, _L)] = zeros16

        @pl.loop(0, rows_per_tile // 8)
        def _(r):
            pltpu.sync_copy(zbuf,
                            acc.at[pl.ds(s * rows_per_tile + r * 8, 8)])

        @pl.loop(0, _CHUNK)
        def _(e):
            for j in range(5, 8):
                out_rows[e, pl.ds(j * _L, _L)] = zeros16

        plsc.subcore_barrier()

        lane = lax.iota(jnp.int32, _L)
        one0 = jnp.where(lane == 0, jnp.float32(1.0), jnp.float32(0.0))
        scale = jnp.float32(1.0 / np.sqrt(64.0))
        base = wid * epw

        @pl.loop(0, n_iters)
        def _(t):
            e0 = base + t * _CHUNK
            pltpu.sync_copy(src_hbm.at[pl.ds(e0, _CHUNK)], src_v)
            pltpu.sync_copy(dst_hbm.at[pl.ds(e0, _CHUNK)], dst_v)

            for g in range(_CHUNK // _L):
                d16 = dst_v[pl.ds(g * _L, _L)]
                dsth_v[pl.ds(g * _L, _L)] = lax.shift_right_logical(d16, 1)

            pltpu.sync_copy(kv_hbm.at[src_v], kv_rows)
            pltpu.sync_copy(q_hbm.at[dsth_v], q_rows)

            for g in range(_CHUNK // _L):
                row_idx = lane + g * _L
                qcol0 = (dst_v[pl.ds(g * _L, _L)] & 1) * 64

                def dot_step(d0, acc_v, row_idx=row_idx, qcol0=qcol0):
                    for i in range(16):
                        d = d0 * 16 + i
                        col = jnp.full((_L,), d, jnp.int32)
                        kv_d = plsc.load_gather(kv_rows, [row_idx, col])
                        q_d = plsc.load_gather(q_rows, [row_idx, qcol0 + d])
                        acc_v = acc_v + kv_d * q_d
                    return acc_v

                sdot = lax.fori_loop(0, 4, dot_step, zeros16)
                lrelu = jnp.where(sdot >= 0, sdot, sdot * jnp.float32(0.01))
                w_v[pl.ds(g * _L, _L)] = jnp.exp(lrelu * scale)

            @pl.loop(0, _CHUNK)
            def _(e):
                wv = plsc.load_gather(w_v, [jnp.full((_L,), e, jnp.int32)])
                for j in range(4):
                    out_rows[e, pl.ds(j * _L, _L)] = (
                        wv * kv_rows[e, pl.ds(64 + j * _L, _L)])
                out_rows[e, pl.ds(64, _L)] = wv * one0

            pltpu.sync_copy(out_rows, acc.at[dst_v], add=True)

        plsc.subcore_barrier()
        r0 = s * rows_per_tile
        pltpu.sync_copy(acc.at[pl.ds(r0, rows_per_tile)],
                        out_hbm.at[c, pl.ds(r0, rows_per_tile)])

    return sc_pass


def _tc_dense1(vfeat, efeat, Wvtx, bvtx, Wc1, bc1, Wqe, bqe, Wqv, bqv):
    n_v = vfeat.shape[0]
    n_e = efeat.shape[0]

    def body(v_ref, e_ref, wv_ref, bv_ref, wc_ref, bc_ref, wq_ref, bq_ref,
             wq2_ref, bq2_ref, fv_ref, kv1_ref, q1_ref, q2_ref):
        fv = jnp.dot(v_ref[...], wv_ref[...],
                     preferred_element_type=jnp.float32) + bv_ref[...]
        fv_ref[...] = fv
        kv1_ref[...] = jnp.dot(fv, wc_ref[...],
                               preferred_element_type=jnp.float32) + bc_ref[...]
        q1_ref[...] = jnp.dot(e_ref[...], wq_ref[...],
                              preferred_element_type=jnp.float32) + bq_ref[...]
        q2_ref[...] = jnp.dot(fv, wq2_ref[...],
                              preferred_element_type=jnp.float32) + bq2_ref[...]

    return pl.pallas_call(
        body,
        out_shape=[
            jax.ShapeDtypeStruct((n_v, 64), jnp.float32),
            jax.ShapeDtypeStruct((n_v, 128), jnp.float32),
            jax.ShapeDtypeStruct((n_e, 64), jnp.float32),
            jax.ShapeDtypeStruct((n_v, 64), jnp.float32),
        ],
    )(vfeat, efeat, Wvtx, bvtx, Wc1, bc1, Wqe, bqe, Wqv, bqv)


def _tc_mid(part1, Wc2, bc2, n_seg):
    def body(p_ref, w_ref, b_ref, fe_ref, kv2_ref):
        p = p_ref[0] + p_ref[1]
        h = p[:n_seg, :64]
        den = p[:n_seg, 64:65]
        den = jnp.where(den == 0.0, jnp.float32(1.0), den)
        fe = jnp.maximum(h / den, 0.0)
        fe_ref[...] = fe
        kv2_ref[...] = jnp.dot(fe, w_ref[...],
                               preferred_element_type=jnp.float32) + b_ref[...]

    return pl.pallas_call(
        body,
        out_shape=[
            jax.ShapeDtypeStruct((n_seg, 64), jnp.float32),
            jax.ShapeDtypeStruct((n_seg, 128), jnp.float32),
        ],
    )(part1, Wc2, bc2)


def _tc_fin(part2, n_seg):
    def body(p_ref, o_ref):
        p = p_ref[0] + p_ref[1]
        h = p[:n_seg, :64]
        den = p[:n_seg, 64:65]
        den = jnp.where(den == 0.0, jnp.float32(1.0), den)
        o_ref[...] = jnp.maximum(h / den, 0.0)

    return pl.pallas_call(
        body,
        out_shape=jax.ShapeDtypeStruct((n_seg, 64), jnp.float32),
    )(part2)


def kernel(vfeat, efeat, src_nodes, dst_edges, src_edges, dst_nodes,
           Wvtx, bvtx, Wqe, bqe, Wkv, bkv, Wvv, bvv, Wqv, bqv,
           Wke, bke, Wve, bve):
    n_v = vfeat.shape[0]
    n_e = efeat.shape[0]
    n_edges = src_nodes.shape[0]
    src_n = src_nodes.astype(jnp.int32)
    dst_e = dst_edges.astype(jnp.int32)
    src_e = src_edges.astype(jnp.int32)
    dst_n = dst_nodes.astype(jnp.int32)

    Wc1 = jnp.concatenate([Wkv, Wvv], axis=1)
    bc1 = jnp.concatenate([bkv, bvv])[None, :]
    Wc2 = jnp.concatenate([Wke, Wve], axis=1)
    bc2 = jnp.concatenate([bke, bve])[None, :]

    fv, kv1, q1, q2 = _tc_dense1(vfeat, efeat, Wvtx, bvtx[None, :],
                                 Wc1, bc1, Wqe, bqe[None, :], Wqv, bqv[None, :])
    q1p = jnp.reshape(q1, (n_e // 2, 128))
    q2p = jnp.reshape(q2, (n_v // 2, 128))
    part1 = _make_sc_edge_pass(n_e, n_edges)(kv1, q1p, src_n, dst_e)
    fe, kv2 = _tc_mid(part1, Wc2, bc2, n_e)
    part2 = _make_sc_edge_pass(n_v, n_edges)(kv2, q2p, src_e, dst_n)
    fv_out = _tc_fin(part2, n_v)
    return fv_out, fe

# --- scband reference (transcript-rebuilt; emitter-appended) ---
"""Pipeline reference for scband-hyper-attn-layer-2576980378157 (READ-ONLY COPY).

The authoritative reference and input builder live on the scoring server;
editing this copy changes nothing except your own understanding.
"""

import jax, jax.numpy as jnp
import numpy as np

NV = 10000
NE = 5000
EDGES = 320000
IN_VDIM = 128
IN_EDIM = 128
QD = 64
VD = 64
ED = 64


def _lin(key, din, dout):
    k1, k2 = jax.random.split(key)
    lim = 1.0 / np.sqrt(din)
    W = jax.random.uniform(k1, (din, dout), minval=-lim, maxval=lim, dtype=jnp.float32)
    b = jax.random.uniform(k2, (dout,), minval=-lim, maxval=lim, dtype=jnp.float32)
    return W, b


def setup_inputs(seed: int = 0) -> dict:
    key = jax.random.key(seed)
    ks = jax.random.split(key, 16)
    vfeat = jax.random.normal(ks[0], (NV, IN_VDIM), dtype=jnp.float32)
    efeat = jax.random.normal(ks[1], (NE, IN_EDIM), dtype=jnp.float32)
    src_nodes = jax.random.randint(ks[2], (EDGES,), 0, NV, dtype=jnp.int64 if jax.config.jax_enable_x64 else jnp.int32)
    dst_edges = jax.random.randint(ks[3], (EDGES,), 0, NE, dtype=jnp.int64 if jax.config.jax_enable_x64 else jnp.int32)
    src_edges = jax.random.randint(ks[4], (EDGES,), 0, NE, dtype=jnp.int64 if jax.config.jax_enable_x64 else jnp.int32)
    dst_nodes = jax.random.randint(ks[5], (EDGES,), 0, NV, dtype=jnp.int64 if jax.config.jax_enable_x64 else jnp.int32)
    Wvtx, bvtx = _lin(ks[6], IN_VDIM, VD)
    Wqe, bqe = _lin(ks[7], IN_EDIM, QD)
    Wkv, bkv = _lin(ks[8], VD, QD)
    Wvv, bvv = _lin(ks[9], VD, ED)
    Wqv, bqv = _lin(ks[10], VD, QD)
    Wke, bke = _lin(ks[11], ED, QD)
    Wve, bve = _lin(ks[12], ED, VD)
    return {
        'vfeat': vfeat, 'efeat': efeat,
        'src_nodes': src_nodes, 'dst_edges': dst_edges,
        'src_edges': src_edges, 'dst_nodes': dst_nodes,
        'Wvtx': Wvtx, 'bvtx': bvtx, 'Wqe': Wqe, 'bqe': bqe,
        'Wkv': Wkv, 'bkv': bkv, 'Wvv': Wvv, 'bvv': bvv,
        'Wqv': Wqv, 'bqv': bqv, 'Wke': Wke, 'bke': bke,
        'Wve': Wve, 'bve': bve,
    }


def _segment_softmax(scores, seg, num_segments):
    m = jax.ops.segment_max(scores, seg, num_segments=num_segments)
    m = jnp.where(jnp.isfinite(m), m, 0.0)
    ex = jnp.exp(scores - m[seg])
    denom = jax.ops.segment_sum(ex, seg, num_segments=num_segments)
    denom = jnp.where(denom == 0.0, 1.0, denom)
    return ex / denom[seg]


def reference(vfeat, efeat, src_nodes, dst_edges, src_edges, dst_nodes,
              Wvtx, bvtx, Wqe, bqe, Wkv, bkv, Wvv, bvv, Wqv, bqv, Wke, bke, Wve, bve):
    scale = 1.0 / np.sqrt(QD)
    # stage 1: nodes -> hyperedges (etype 'in')
    feat_v = vfeat @ Wvtx + bvtx                      # [NV, VD]
    k1 = feat_v @ Wkv + bkv                           # [NV, QD]
    v1 = feat_v @ Wvv + bvv                           # [NV, ED]
    q1 = efeat @ Wqe + bqe                            # [NE, QD]
    attn1 = jax.nn.leaky_relu(jnp.sum(k1[src_nodes] * q1[dst_edges], axis=-1)) * scale
    alpha1 = _segment_softmax(attn1, dst_edges, NE)
    h_e = jax.ops.segment_sum(alpha1[:, None] * v1[src_nodes], dst_edges, num_segments=NE)
    feat_e = jax.nn.relu(h_e)                         # [NE, ED]
    # stage 2: hyperedges -> nodes (etype 'con')
    k2 = feat_e @ Wke + bke                           # [NE, QD]
    v2 = feat_e @ Wve + bve                           # [NE, VD]
    q2 = feat_v @ Wqv + bqv                           # [NV, QD]
    attn2 = jax.nn.leaky_relu(jnp.sum(k2[src_edges] * q2[dst_nodes], axis=-1)) * scale
    alpha2 = _segment_softmax(attn2, dst_nodes, NV)
    h_v = jax.ops.segment_sum(alpha2[:, None] * v2[src_edges], dst_nodes, num_segments=NV)
    feat_v_out = jax.nn.relu(h_v)                     # [NV, VD] (dropout p=0.0 -> identity)
    return (feat_v_out, feat_e)

if __name__ == "__main__":
    import jax
    _d = setup_inputs()
    print(jax.jit(kernel)(*tuple(_d.values())))

</pallas_src>

<mosaic_0001>
#map = affine_map<(d0, d1) -> (0, 0)>
#map1 = affine_map<(d0, d1) -> (0)>
#map2 = affine_map<(d0, d1) -> (0, 0, 0)>
module attributes {stable_mosaic.version = 14 : i64} {
  func.func @sc_pass(%arg0: i32, %arg1: i32, %arg2: memref<10000x128xf32, #tpu.memory_space<hbm>>, %arg3: memref<2500x128xf32, #tpu.memory_space<hbm>>, %arg4: memref<320000xi32, #tpu.memory_space<hbm>>, %arg5: memref<320000xi32, #tpu.memory_space<hbm>>, %arg6: memref<2x5120x128xf32, #tpu.memory_space<hbm>>, %arg7: memref<80xi32, #tpu.memory_space<vmem>>, %arg8: memref<80xi32, #tpu.memory_space<vmem>>, %arg9: memref<80xi32, #tpu.memory_space<vmem>>, %arg10: memref<80x128xf32, #tpu.memory_space<vmem>>, %arg11: memref<80x128xf32, #tpu.memory_space<vmem>>, %arg12: memref<80xf32, #tpu.memory_space<vmem>>, %arg13: memref<80x128xf32, #tpu.memory_space<vmem>>, %arg14: memref<8x128xf32, #tpu.memory_space<vmem>>, %arg15: memref<5120x128xf32, #tpu.memory_space<vmem_shared>>) attributes {dimension_semantics = [#tpu.dimension_semantics<core_parallel>, #tpu.dimension_semantics<subcore_parallel>], iteration_bounds = array<i64: 2, 16>, scalar_prefetch = 0 : i64, scratch_operands = 9 : i64, tpu.core_type = #tpu.core_type<sc_vector_subcore>, window_params = [{transform_indices = #map}, {transform_indices = #map}, {transform_indices = #map1}, {transform_indices = #map1}, {transform_indices = #map2}]} {
    %mul3A = arith.constant 16 : i32
    %mul3A_0 = arith.muli %arg0, %mul3A : i32
    %add3A = arith.addi %mul3A_0, %arg1 : i32
    %broadcast_in_dim3A = arith.constant 0.000000e+00 : f32
    %broadcast_in_dim3A_1 = vector.broadcast %broadcast_in_dim3A : f32 to vector<16xf32>
    %scan3A = arith.constant 0 : i32
    %scan3A_2 = arith.constant 8 : i32
    %scan3A_3 = arith.addi %scan3A, %scan3A_2 : i32
    %scan3A_4 = arith.constant 1 : i32
    scf.for %scan3A_32 = %scan3A to %scan3A_3 step %scan3A_4  : i32 {
      %mul3A_33 = arith.constant 1 : i32
      %mul3A_34 = arith.muli %scan3A_32, %mul3A_33 : i32
      %add3A_35 = arith.constant 0 : i32
      %add3A_36 = arith.addi %add3A_35, %mul3A_34 : i32
      %swap3A = arith.index_cast %add3A_36 : i32 to index
      %swap3A_37 = arith.constant 0 : index
      %swap3A_38 = tpu.vector_load %arg14[%swap3A, %swap3A_37] {strides = array<i32>} : memref<8x128xf32, #tpu.memory_space<vmem>>, vector<16xf32>,
      tpu.vector_store %arg14[%swap3A, %swap3A_37], %broadcast_in_dim3A_1 {strides = array<i32>} : memref<8x128xf32, #tpu.memory_space<vmem>>, vector<16xf32>,
      %swap3A_39 = arith.index_cast %add3A_36 : i32 to index
      %swap3A_40 = arith.constant 16 : index
      %swap3A_41 = tpu.vector_load %arg14[%swap3A_39, %swap3A_40] {strides = array<i32>} : memref<8x128xf32, #tpu.memory_space<vmem>>, vector<16xf32>,
      tpu.vector_store %arg14[%swap3A_39, %swap3A_40], %broadcast_in_dim3A_1 {strides = array<i32>} : memref<8x128xf32, #tpu.memory_space<vmem>>, vector<16xf32>,
      %swap3A_42 = arith.index_cast %add3A_36 : i32 to index
      %swap3A_43 = arith.constant 32 : index
      %swap3A_44 = tpu.vector_load %arg14[%swap3A_42, %swap3A_43] {strides = array<i32>} : memref<8x128xf32, #tpu.memory_space<vmem>>, vector<16xf32>,
      tpu.vector_store %arg14[%swap3A_42, %swap3A_43], %broadcast_in_dim3A_1 {strides = array<i32>} : memref<8x128xf32, #tpu.memory_space<vmem>>, vector<16xf32>,
      %swap3A_45 = arith.index_cast %add3A_36 : i32 to index
      %swap3A_46 = arith.constant 48 : index
      %swap3A_47 = tpu.vector_load %arg14[%swap3A_45, %swap3A_46] {strides = array<i32>} : memref<8x128xf32, #tpu.memory_space<vmem>>, vector<16xf32>,
      tpu.vector_store %arg14[%swap3A_45, %swap3A_46], %broadcast_in_dim3A_1 {strides = array<i32>} : memref<8x128xf32, #tpu.memory_space<vmem>>, vector<16xf32>,
      %swap3A_48 = arith.index_cast %add3A_36 : i32 to index
      %swap3A_49 = arith.constant 64 : index
      %swap3A_50 = tpu.vector_load %arg14[%swap3A_48, %swap3A_49] {strides = array<i32>} : memref<8x128xf32, #tpu.memory_space<vmem>>, vector<16xf32>,
      tpu.vector_store %arg14[%swap3A_48, %swap3A_49], %broadcast_in_dim3A_1 {strides = array<i32>} : memref<8x128xf32, #tpu.memory_space<vmem>>, vector<16xf32>,
      %swap3A_51 = arith.index_cast %add3A_36 : i32 to index
      %swap3A_52 = arith.constant 80 : index
      %swap3A_53 = tpu.vector_load %arg14[%swap3A_51, %swap3A_52] {strides = array<i32>} : memref<8x128xf32, #tpu.memory_space<vmem>>, vector<16xf32>,
      tpu.vector_store %arg14[%swap3A_51, %swap3A_52], %broadcast_in_dim3A_1 {strides = array<i32>} : memref<8x128xf32, #tpu.memory_space<vmem>>, vector<16xf32>,
      %swap3A_54 = arith.index_cast %add3A_36 : i32 to index
      %swap3A_55 = arith.constant 96 : index
      %swap3A_56 = tpu.vector_load %arg14[%swap3A_54, %swap3A_55] {strides = array<i32>} : memref<8x128xf32, #tpu.memory_space<vmem>>, vector<16xf32>,
      tpu.vector_store %arg14[%swap3A_54, %swap3A_55], %broadcast_in_dim3A_1 {strides = array<i32>} : memref<8x128xf32, #tpu.memory_space<vmem>>, vector<16xf32>,
      %swap3A_57 = arith.index_cast %add3A_36 : i32 to index
      %swap3A_58 = arith.constant 112 : index
      %swap3A_59 = tpu.vector_load %arg14[%swap3A_57, %swap3A_58] {strides = array<i32>} : memref<8x128xf32, #tpu.memory_space<vmem>>, vector<16xf32>,
      tpu.vector_store %arg14[%swap3A_57, %swap3A_58], %broadcast_in_dim3A_1 {strides = array<i32>} : memref<8x128xf32, #tpu.memory_space<vmem>>, vector<16xf32>,
    }
    %scan3A_5 = arith.constant 8 : i32
    %scan3A_6 = arith.constant 0 : i32
    %scan3A_7 = arith.constant 40 : i32
    %scan3A_8 = arith.addi %scan3A_6, %scan3A_7 : i32
    %scan3A_9 = arith.constant 1 : i32
    scf.for %scan3A_32 = %scan3A_6 to %scan3A_8 step %scan3A_9  : i32 {
      %mul3A_33 = arith.constant 1 : i32
      %mul3A_34 = arith.muli %scan3A_32, %mul3A_33 : i32
      %add3A_35 = arith.constant 0 : i32
      %add3A_36 = arith.addi %add3A_35, %mul3A_34 : i32
      %mul3A_37 = arith.constant 320 : i32
      %mul3A_38 = arith.muli %arg1, %mul3A_37 : i32
      %mul3A_39 = arith.constant 8 : i32
      %mul3A_40 = arith.muli %add3A_36, %mul3A_39 : i32
      %add3A_41 = arith.addi %mul3A_38, %mul3A_40 : i32
      "tpu.region"() ({
        %run_scoped3A = tpu.sem_alloc : memref<!tpu.dma_semaphore, #tpu.memory_space<semaphore_mem>>
        %dma_start3A = arith.constant 0 : i32
        %dma_start3A_42 = tpu.memref_slice %arg15[%add3A_41, %dma_start3A] : memref<5120x128xf32, #tpu.memory_space<vmem_shared>> -> memref<8x128xf32, #tpu.memory_space<vmem_shared>>
        %dma_start3A_43 = arith.constant 0 : i32
        %dma_start3A_44 = tpu.memref_slice %arg15[%add3A_41, %dma_start3A_43] : memref<5120x128xf32, #tpu.memory_space<vmem_shared>> -> memref<8x128xf32, #tpu.memory_space<vmem_shared>>
        tpu.enqueue_dma source(%arg14 : memref<8x128xf32, #tpu.memory_space<vmem>>) target(%dma_start3A_44 : memref<8x128xf32, #tpu.memory_space<vmem_shared>>) target_semaphore(%run_scoped3A : memref<!tpu.dma_semaphore, #tpu.memory_space<semaphore_mem>>)
        %dma_wait3A = arith.constant 0 : i32
        %dma_wait3A_45 = tpu.memref_slice %arg15[%add3A_41, %dma_wait3A] : memref<5120x128xf32, #tpu.memory_space<vmem_shared>> -> memref<8x128xf32, #tpu.memory_space<vmem_shared>>
        %dma_wait3A_46 = arith.constant 0 : i32
        %dma_wait3A_47 = tpu.memref_slice %arg15[%add3A_41, %dma_wait3A_46] : memref<5120x128xf32, #tpu.memory_space<vmem_shared>> -> memref<8x128xf32, #tpu.memory_space<vmem_shared>>
        tpu.wait_dma2 semaphore(%run_scoped3A : memref<!tpu.dma_semaphore, #tpu.memory_space<semaphore_mem>>) src(%arg14 : memref<8x128xf32, #tpu.memory_space<vmem>>) dst(%dma_wait3A_47 : memref<8x128xf32, #tpu.memory_space<vmem_shared>>)
        tpu.yield
      }) : () -> ()
    }
    %scan3A_10 = arith.constant 40 : i32
    %scan3A_11 = arith.constant 0 : i32
    %scan3A_12 = arith.constant 80 : i32
    %scan3A_13 = arith.addi %scan3A_11, %scan3A_12 : i32
    %scan3A_14 = arith.constant 1 : i32
    scf.for %scan3A_32 = %scan3A_11 to %scan3A_13 step %scan3A_14  : i32 {
      %mul3A_33 = arith.constant 1 : i32
      %mul3A_34 = arith.muli %scan3A_32, %mul3A_33 : i32
      %add3A_35 = arith.constant 0 : i32
      %add3A_36 = arith.addi %add3A_35, %mul3A_34 : i32
      %swap3A = arith.index_cast %add3A_36 : i32 to index
      %swap3A_37 = arith.constant 80 : index
      %swap3A_38 = tpu.vector_load %arg13[%swap3A, %swap3A_37] {strides = array<i32>} : memref<80x128xf32, #tpu.memory_space<vmem>>, vector<16xf32>,
      tpu.vector_store %arg13[%swap3A, %swap3A_37], %broadcast_in_dim3A_1 {strides = array<i32>} : memref<80x128xf32, #tpu.memory_space<vmem>>, vector<16xf32>,
      %swap3A_39 = arith.index_cast %add3A_36 : i32 to index
      %swap3A_40 = arith.constant 96 : index
      %swap3A_41 = tpu.vector_load %arg13[%swap3A_39, %swap3A_40] {strides = array<i32>} : memref<80x128xf32, #tpu.memory_space<vmem>>, vector<16xf32>,
      tpu.vector_store %arg13[%swap3A_39, %swap3A_40], %broadcast_in_dim3A_1 {strides = array<i32>} : memref<80x128xf32, #tpu.memory_space<vmem>>, vector<16xf32>,
      %swap3A_42 = arith.index_cast %add3A_36 : i32 to index
      %swap3A_43 = arith.constant 112 : index
      %swap3A_44 = tpu.vector_load %arg13[%swap3A_42, %swap3A_43] {strides = array<i32>} : memref<80x128xf32, #tpu.memory_space<vmem>>, vector<16xf32>,
      tpu.vector_store %arg13[%swap3A_42, %swap3A_43], %broadcast_in_dim3A_1 {strides = array<i32>} : memref<80x128xf32, #tpu.memory_space<vmem>>, vector<16xf32>,
    }
    %scan3A_15 = arith.constant 80 : i32
    %barrier3A = arith.constant 0 : index
    tpu.barrier barrier_id(%barrier3A)
    %iota3A = tpu.iota {dimensions = array<i32: 0>} : vector<16xi32>
    %eq3A = arith.constant 0 : i32
    %eq3A_16 = vector.broadcast %eq3A : i32 to vector<16xi32>
    %eq3A_17 = arith.cmpi eq, %iota3A, %eq3A_16 : vector<16xi32>
    %jit3A = arith.constant 1.000000e+00 : f32
    %jit3A_18 = arith.constant 0.000000e+00 : f32
    %broadcast_in_dim3A_19 = vector.broadcast %jit3A : f32 to vector<16xf32>
    %broadcast_in_dim3A_20 = vector.broadcast %jit3A_18 : f32 to vector<16xf32>
    %select_n3A = arith.select %eq3A_17, %broadcast_in_dim3A_19, %broadcast_in_dim3A_20 : vector<16xi1>, vector<16xf32>
    %mul3A_21 = arith.constant 10000 : i32
    %mul3A_22 = arith.muli %add3A, %mul3A_21 : i32
    %scan3A_23 = arith.constant 1.250000e-01 : f32
    %scan3A_24 = arith.constant 0 : i32
    %scan3A_25 = arith.constant 125 : i32
    %scan3A_26 = arith.addi %scan3A_24, %scan3A_25 : i32
    %scan3A_27 = arith.constant 1 : i32
    scf.for %scan3A_32 = %scan3A_24 to %scan3A_26 step %scan3A_27  : i32 {
      %mul3A_33 = arith.constant 1 : i32
      %mul3A_34 = arith.muli %scan3A_32, %mul3A_33 : i32
      %add3A_35 = arith.constant 0 : i32
      %add3A_36 = arith.addi %add3A_35, %mul3A_34 : i32
      %mul3A_37 = arith.constant 80 : i32
      %mul3A_38 = arith.muli %add3A_36, %mul3A_37 : i32
      %add3A_39 = arith.addi %mul3A_22, %mul3A_38 : i32
      "tpu.region"() ({
        %run_scoped3A = tpu.sem_alloc : memref<!tpu.dma_semaphore, #tpu.memory_space<semaphore_mem>>
        %dma_start3A = tpu.memref_slice %arg4[%add3A_39] : memref<320000xi32, #tpu.memory_space<hbm>> -> memref<80xi32, #tpu.memory_space<hbm>>
        %dma_start3A_219 = tpu.memref_slice %arg4[%add3A_39] : memref<320000xi32, #tpu.memory_space<hbm>> -> memref<80xi32, #tpu.memory_space<hbm>>
        tpu.enqueue_dma source(%dma_start3A_219 : memref<80xi32, #tpu.memory_space<hbm>>) target(%arg7 : memref<80xi32, #tpu.memory_space<vmem>>) target_semaphore(%run_scoped3A : memref<!tpu.dma_semaphore, #tpu.memory_space<semaphore_mem>>)
        %dma_wait3A = tpu.memref_slice %arg4[%add3A_39] : memref<320000xi32, #tpu.memory_space<hbm>> -> memref<80xi32, #tpu.memory_space<hbm>>
        %dma_wait3A_220 = tpu.memref_slice %arg4[%add3A_39] : memref<320000xi32, #tpu.memory_space<hbm>> -> memref<80xi32, #tpu.memory_space<hbm>>
        tpu.wait_dma2 semaphore(%run_scoped3A : memref<!tpu.dma_semaphore, #tpu.memory_space<semaphore_mem>>) src(%dma_wait3A_220 : memref<80xi32, #tpu.memory_space<hbm>>) dst(%arg7 : memref<80xi32, #tpu.memory_space<vmem>>)
        tpu.yield
      }) : () -> ()
      "tpu.region"() ({
        %run_scoped3A = tpu.sem_alloc : memref<!tpu.dma_semaphore, #tpu.memory_space<semaphore_mem>>
        %dma_start3A = tpu.memref_slice %arg5[%add3A_39] : memref<320000xi32, #tpu.memory_space<hbm>> -> memref<80xi32, #tpu.memory_space<hbm>>
        %dma_start3A_219 = tpu.memref_slice %arg5[%add3A_39] : memref<320000xi32, #tpu.memory_space<hbm>> -> memref<80xi32, #tpu.memory_space<hbm>>
        tpu.enqueue_dma source(%dma_start3A_219 : memref<80xi32, #tpu.memory_space<hbm>>) target(%arg8 : memref<80xi32, #tpu.memory_space<vmem>>) target_semaphore(%run_scoped3A : memref<!tpu.dma_semaphore, #tpu.memory_space<semaphore_mem>>)
        %dma_wait3A = tpu.memref_slice %arg5[%add3A_39] : memref<320000xi32, #tpu.memory_space<hbm>> -> memref<80xi32, #tpu.memory_space<hbm>>
        %dma_wait3A_220 = tpu.memref_slice %arg5[%add3A_39] : memref<320000xi32, #tpu.memory_space<hbm>> -> memref<80xi32, #tpu.memory_space<hbm>>
        tpu.wait_dma2 semaphore(%run_scoped3A : memref<!tpu.dma_semaphore, #tpu.memory_space<semaphore_mem>>) src(%dma_wait3A_220 : memref<80xi32, #tpu.memory_space<hbm>>) dst(%arg8 : memref<80xi32, #tpu.memory_space<vmem>>)
        tpu.yield
      }) : () -> ()
      %get3A = arith.constant 0 : index
      %get3A_40 = tpu.vector_load %arg8[%get3A] {strides = array<i32>} : memref<80xi32, #tpu.memory_space<vmem>>, vector<16xi32>,
      %shift_right_logical3A = arith.constant 1 : i32
      %shift_right_logical3A_41 = vector.broadcast %shift_right_logical3A : i32 to vector<16xi32>
      %shift_right_logical3A_42 = arith.shrui %get3A_40, %shift_right_logical3A_41 : vector<16xi32>
      %swap3A = arith.constant 0 : index
      %swap3A_43 = tpu.vector_load %arg9[%swap3A] {strides = array<i32>} : memref<80xi32, #tpu.memory_space<vmem>>, vector<16xi32>,
      tpu.vector_store %arg9[%swap3A], %shift_right_logical3A_42 {strides = array<i32>} : memref<80xi32, #tpu.memory_space<vmem>>, vector<16xi32>,
      %get3A_44 = arith.constant 16 : index
      %get3A_45 = tpu.vector_load %arg8[%get3A_44] {strides = array<i32>} : memref<80xi32, #tpu.memory_space<vmem>>, vector<16xi32>,
      %shift_right_logical3A_46 = arith.constant 1 : i32
      %shift_right_logical3A_47 = vector.broadcast %shift_right_logical3A_46 : i32 to vector<16xi32>
      %shift_right_logical3A_48 = arith.shrui %get3A_45, %shift_right_logical3A_47 : vector<16xi32>
      %swap3A_49 = arith.constant 16 : index
      %swap3A_50 = tpu.vector_load %arg9[%swap3A_49] {strides = array<i32>} : memref<80xi32, #tpu.memory_space<vmem>>, vector<16xi32>,
      tpu.vector_store %arg9[%swap3A_49], %shift_right_logical3A_48 {strides = array<i32>} : memref<80xi32, #tpu.memory_space<vmem>>, vector<16xi32>,
      %get3A_51 = arith.constant 32 : index
      %get3A_52 = tpu.vector_load %arg8[%get3A_51] {strides = array<i32>} : memref<80xi32, #tpu.memory_space<vmem>>, vector<16xi32>,
      %shift_right_logical3A_53 = arith.constant 1 : i32
      %shift_right_logical3A_54 = vector.broadcast %shift_right_logical3A_53 : i32 to vector<16xi32>
      %shift_right_logical3A_55 = arith.shrui %get3A_52, %shift_right_logical3A_54 : vector<16xi32>
      %swap3A_56 = arith.constant 32 : index
      %swap3A_57 = tpu.vector_load %arg9[%swap3A_56] {strides = array<i32>} : memref<80xi32, #tpu.memory_space<vmem>>, vector<16xi32>,
      tpu.vector_store %arg9[%swap3A_56], %shift_right_logical3A_55 {strides = array<i32>} : memref<80xi32, #tpu.memory_space<vmem>>, vector<16xi32>,
      %get3A_58 = arith.constant 48 : index
      %get3A_59 = tpu.vector_load %arg8[%get3A_58] {strides = array<i32>} : memref<80xi32, #tpu.memory_space<vmem>>, vector<16xi32>,
      %shift_right_logical3A_60 = arith.constant 1 : i32
      %shift_right_logical3A_61 = vector.broadcast %shift_right_logical3A_60 : i32 to vector<16xi32>
      %shift_right_logical3A_62 = arith.shrui %get3A_59, %shift_right_logical3A_61 : vector<16xi32>
      %swap3A_63 = arith.constant 48 : index
      %swap3A_64 = tpu.vector_load %arg9[%swap3A_63] {strides = array<i32>} : memref<80xi32, #tpu.memory_space<vmem>>, vector<16xi32>,
      tpu.vector_store %arg9[%swap3A_63], %shift_right_logical3A_62 {strides = array<i32>} : memref<80xi32, #tpu.memory_space<vmem>>, vector<16xi32>,
      %get3A_65 = arith.constant 64 : index
      %get3A_66 = tpu.vector_load %arg8[%get3A_65] {strides = array<i32>} : memref<80xi32, #tpu.memory_space<vmem>>, vector<16xi32>,
      %shift_right_logical3A_67 = arith.constant 1 : i32
      %shift_right_logical3A_68 = vector.broadcast %shift_right_logical3A_67 : i32 to vector<16xi32>
      %shift_right_logical3A_69 = arith.shrui %get3A_66, %shift_right_logical3A_68 : vector<16xi32>
      %swap3A_70 = arith.constant 64 : index
      %swap3A_71 = tpu.vector_load %arg9[%swap3A_70] {strides = array<i32>} : memref<80xi32, #tpu.memory_space<vmem>>, vector<16xi32>,
      tpu.vector_store %arg9[%swap3A_70], %shift_right_logical3A_69 {strides = array<i32>} : memref<80xi32, #tpu.memory_space<vmem>>, vector<16xi32>,
      "tpu.region"() ({
        %run_scoped3A = tpu.sem_alloc : memref<!tpu.dma_semaphore, #tpu.memory_space<semaphore_mem>>
        %dma_start3A = arith.constant 0 : i32
        %dma_start3A_219 = arith.constant 0 : i32
        %dma_start3A_220 = tpu.memref_slice %arg2[%dma_start3A, %dma_start3A_219] : memref<10000x128xf32, #tpu.memory_space<hbm>> -> memref<10000x128xf32, #tpu.memory_space<hbm>>
        tpu.enqueue_indirect_dma source(%dma_start3A_220 : memref<10000x128xf32, #tpu.memory_space<hbm>>) target(%arg10 : memref<80x128xf32, #tpu.memory_space<vmem>>) offsets(%arg7 : memref<80xi32, #tpu.memory_space<vmem>>) semaphore(%run_scoped3A : memref<!tpu.dma_semaphore, #tpu.memory_space<semaphore_mem>>)
        %dma_wait3A = arith.constant 0 : i32
        %dma_wait3A_221 = arith.constant 0 : i32
        %dma_wait3A_222 = tpu.memref_slice %arg2[%dma_wait3A, %dma_wait3A_221] : memref<10000x128xf32, #tpu.memory_space<hbm>> -> memref<10000x128xf32, #tpu.memory_space<hbm>>
        tpu.wait_indirect_dma semaphore(%run_scoped3A : memref<!tpu.dma_semaphore, #tpu.memory_space<semaphore_mem>>) src(%dma_wait3A_222 : memref<10000x128xf32, #tpu.memory_space<hbm>>) dst(%arg10 : memref<80x128xf32, #tpu.memory_space<vmem>>)
        tpu.yield
      }) : () -> ()
      "tpu.region"() ({
        %run_scoped3A = tpu.sem_alloc : memref<!tpu.dma_semaphore, #tpu.memory_space<semaphore_mem>>
        %dma_start3A = arith.constant 0 : i32
        %dma_start3A_219 = arith.constant 0 : i32
        %dma_start3A_220 = tpu.memref_slice %arg3[%dma_start3A, %dma_start3A_219] : memref<2500x128xf32, #tpu.memory_space<hbm>> -> memref<2500x128xf32, #tpu.memory_space<hbm>>
        tpu.enqueue_indirect_dma source(%dma_start3A_220 : memref<2500x128xf32, #tpu.memory_space<hbm>>) target(%arg11 : memref<80x128xf32, #tpu.memory_space<vmem>>) offsets(%arg9 : memref<80xi32, #tpu.memory_space<vmem>>) semaphore(%run_scoped3A : memref<!tpu.dma_semaphore, #tpu.memory_space<semaphore_mem>>)
        %dma_wait3A = arith.constant 0 : i32
        %dma_wait3A_221 = arith.constant 0 : i32
        %dma_wait3A_222 = tpu.memref_slice %arg3[%dma_wait3A, %dma_wait3A_221] : memref<2500x128xf32, #tpu.memory_space<hbm>> -> memref<2500x128xf32, #tpu.memory_space<hbm>>
        tpu.wait_indirect_dma semaphore(%run_scoped3A : memref<!tpu.dma_semaphore, #tpu.memory_space<semaphore_mem>>) src(%dma_wait3A_222 : memref<2500x128xf32, #tpu.memory_space<hbm>>) dst(%arg11 : memref<80x128xf32, #tpu.memory_space<vmem>>)
        tpu.yield
      }) : () -> ()
      %add3A_72 = arith.constant 0 : i32
      %add3A_73 = vector.broadcast %add3A_72 : i32 to vector<16xi32>
      %add3A_74 = arith.addi %iota3A, %add3A_73 : vector<16xi32>
      %get3A_75 = arith.constant 0 : index
      %get3A_76 = tpu.vector_load %arg8[%get3A_75] {strides = array<i32>} : memref<80xi32, #tpu.memory_space<vmem>>, vector<16xi32>,
      %and3A = arith.constant 1 : i32
      %and3A_77 = vector.broadcast %and3A : i32 to vector<16xi32>
      %and3A_78 = arith.andi %get3A_76, %and3A_77 : vector<16xi32>
      %mul3A_79 = arith.constant 64 : i32
      %mul3A_80 = vector.broadcast %mul3A_79 : i32 to vector<16xi32>
      %mul3A_81 = arith.muli %and3A_78, %mul3A_80 : vector<16xi32>
      %scan3A_82 = arith.constant 0 : i32
      %scan3A_83 = arith.constant 4 : i32
      %scan3A_84 = arith.addi %scan3A_82, %scan3A_83 : i32
      %scan3A_85 = arith.constant 1 : i32
      %scan3A_86 = scf.for %scan3A_219 = %scan3A_82 to %scan3A_84 step %scan3A_85 iter_args(%scan3A_220 = %broadcast_in_dim3A_1) -> (vector<16xf32>)  : i32 {
        %mul3A_221 = arith.constant 16 : i32
        %mul3A_222 = arith.muli %scan3A_219, %mul3A_221 : i32
        %add3A_223 = arith.constant 0 : i32
        %add3A_224 = arith.addi %mul3A_222, %add3A_223 : i32
        %broadcast_in_dim3A_225 = vector.broadcast %add3A_224 : i32 to vector<16xi32>
        %gather3A = tpu.vector_load_idx %arg10[%add3A_74, %broadcast_in_dim3A_225] : memref<80x128xf32, #tpu.memory_space<vmem>>[vector<16xi32>, vector<16xi32>], vector<16xf32>,
        %add3A_226 = vector.broadcast %add3A_224 : i32 to vector<16xi32>
        %add3A_227 = arith.addi %mul3A_81, %add3A_226 : vector<16xi32>
        %gather3A_228 = tpu.vector_load_idx %arg11[%add3A_74, %add3A_227] : memref<80x128xf32, #tpu.memory_space<vmem>>[vector<16xi32>, vector<16xi32>], vector<16xf32>,
        %mul3A_229 = arith.mulf %gather3A, %gather3A_228 : vector<16xf32>
        %add3A_230 = arith.addf %scan3A_220, %mul3A_229 : vector<16xf32>
        %mul3A_231 = arith.constant 16 : i32
        %mul3A_232 = arith.muli %scan3A_219, %mul3A_231 : i32
        %add3A_233 = arith.constant 1 : i32
        %add3A_234 = arith.addi %mul3A_232, %add3A_233 : i32
        %broadcast_in_dim3A_235 = vector.broadcast %add3A_234 : i32 to vector<16xi32>
        %gather3A_236 = tpu.vector_load_idx %arg10[%add3A_74, %broadcast_in_dim3A_235] : memref<80x128xf32, #tpu.memory_space<vmem>>[vector<16xi32>, vector<16xi32>], vector<16xf32>,
        %add3A_237 = vector.broadcast %add3A_234 : i32 to vector<16xi32>
        %add3A_238 = arith.addi %mul3A_81, %add3A_237 : vector<16xi32>
        %gather3A_239 = tpu.vector_load_idx %arg11[%add3A_74, %add3A_238] : memref<80x128xf32, #tpu.memory_space<vmem>>[vector<16xi32>, vector<16xi32>], vector<16xf32>,
        %mul3A_240 = arith.mulf %gather3A_236, %gather3A_239 : vector<16xf32>
        %add3A_241 = arith.addf %add3A_230, %mul3A_240 : vector<16xf32>
        %mul3A_242 = arith.constant 16 : i32
        %mul3A_243 = arith.muli %scan3A_219, %mul3A_242 : i32
        %add3A_244 = arith.constant 2 : i32
        %add3A_245 = arith.addi %mul3A_243, %add3A_244 : i32
        %broadcast_in_dim3A_246 = vector.broadcast %add3A_245 : i32 to vector<16xi32>
        %gather3A_247 = tpu.vector_load_idx %arg10[%add3A_74, %broadcast_in_dim3A_246] : memref<80x128xf32, #tpu.memory_space<vmem>>[vector<16xi32>, vector<16xi32>], vector<16xf32>,
        %add3A_248 = vector.broadcast %add3A_245 : i32 to vector<16xi32>
        %add3A_249 = arith.addi %mul3A_81, %add3A_248 : vector<16xi32>
        %gather3A_250 = tpu.vector_load_idx %arg11[%add3A_74, %add3A_249] : memref<80x128xf32, #tpu.memory_space<vmem>>[vector<16xi32>, vector<16xi32>], vector<16xf32>,
        %mul3A_251 = arith.mulf %gather3A_247, %gather3A_250 : vector<16xf32>
        %add3A_252 = arith.addf %add3A_241, %mul3A_251 : vector<16xf32>
        %mul3A_253 = arith.constant 16 : i32
        %mul3A_254 = arith.muli %scan3A_219, %mul3A_253 : i32
        %add3A_255 = arith.constant 3 : i32
        %add3A_256 = arith.addi %mul3A_254, %add3A_255 : i32
        %broadcast_in_dim3A_257 = vector.broadcast %add3A_256 : i32 to vector<16xi32>
        %gather3A_258 = tpu.vector_load_idx %arg10[%add3A_74, %broadcast_in_dim3A_257] : memref<80x128xf32, #tpu.memory_space<vmem>>[vector<16xi32>, vector<16xi32>], vector<16xf32>,
        %add3A_259 = vector.broadcast %add3A_256 : i32 to vector<16xi32>
        %add3A_260 = arith.addi %mul3A_81, %add3A_259 : vector<16xi32>
        %gather3A_261 = tpu.vector_load_idx %arg11[%add3A_74, %add3A_260] : memref<80x128xf32, #tpu.memory_space<vmem>>[vector<16xi32>, vector<16xi32>], vector<16xf32>,
        %mul3A_262 = arith.mulf %gather3A_258, %gather3A_261 : vector<16xf32>
        %add3A_263 = arith.addf %add3A_252, %mul3A_262 : vector<16xf32>
        %mul3A_264 = arith.constant 16 : i32
        %mul3A_265 = arith.muli %scan3A_219, %mul3A_264 : i32
        %add3A_266 = arith.constant 4 : i32
        %add3A_267 = arith.addi %mul3A_265, %add3A_266 : i32
        %broadcast_in_dim3A_268 = vector.broadcast %add3A_267 : i32 to vector<16xi32>
        %gather3A_269 = tpu.vector_load_idx %arg10[%add3A_74, %broadcast_in_dim3A_268] : memref<80x128xf32, #tpu.memory_space<vmem>>[vector<16xi32>, vector<16xi32>], vector<16xf32>,
        %add3A_270 = vector.broadcast %add3A_267 : i32 to vector<16xi32>
        %add3A_271 = arith.addi %mul3A_81, %add3A_270 : vector<16xi32>
        %gather3A_272 = tpu.vector_load_idx %arg11[%add3A_74, %add3A_271] : memref<80x128xf32, #tpu.memory_space<vmem>>[vector<16xi32>, vector<16xi32>], vector<16xf32>,
        %mul3A_273 = arith.mulf %gather3A_269, %gather3A_272 : vector<16xf32>
        %add3A_274 = arith.addf %add3A_263, %mul3A_273 : vector<16xf32>
        %mul3A_275 = arith.constant 16 : i32
        %mul3A_276 = arith.muli %scan3A_219, %mul3A_275 : i32
        %add3A_277 = arith.constant 5 : i32
        %add3A_278 = arith.addi %mul3A_276, %add3A_277 : i32
        %broadcast_in_dim3A_279 = vector.broadcast %add3A_278 : i32 to vector<16xi32>
        %gather3A_280 = tpu.vector_load_idx %arg10[%add3A_74, %broadcast_in_dim3A_279] : memref<80x128xf32, #tpu.memory_space<vmem>>[vector<16xi32>, vector<16xi32>], vector<16xf32>,
        %add3A_281 = vector.broadcast %add3A_278 : i32 to vector<16xi32>
        %add3A_282 = arith.addi %mul3A_81, %add3A_281 : vector<16xi32>
        %gather3A_283 = tpu.vector_load_idx %arg11[%add3A_74, %add3A_282] : memref<80x128xf32, #tpu.memory_space<vmem>>[vector<16xi32>, vector<16xi32>], vector<16xf32>,
        %mul3A_284 = arith.mulf %gather3A_280, %gather3A_283 : vector<16xf32>
        %add3A_285 = arith.addf %add3A_274, %mul3A_284 : vector<16xf32>
        %mul3A_286 = arith.constant 16 : i32
        %mul3A_287 = arith.muli %scan3A_219, %mul3A_286 : i32
        %add3A_288 = arith.constant 6 : i32
        %add3A_289 = arith.addi %mul3A_287, %add3A_288 : i32
        %broadcast_in_dim3A_290 = vector.broadcast %add3A_289 : i32 to vector<16xi32>
        %gather3A_291 = tpu.vector_load_idx %arg10[%add3A_74, %broadcast_in_dim3A_290] : memref<80x128xf32, #tpu.memory_space<vmem>>[vector<16xi32>, vector<16xi32>], vector<16xf32>,
        %add3A_292 = vector.broadcast %add3A_289 : i32 to vector<16xi32>
        %add3A_293 = arith.addi %mul3A_81, %add3A_292 : vector<16xi32>
        %gather3A_294 = tpu.vector_load_idx %arg11[%add3A_74, %add3A_293] : memref<80x128xf32, #tpu.memory_space<vmem>>[vector<16xi32>, vector<16xi32>], vector<16xf32>,
        %mul3A_295 = arith.mulf %gather3A_291, %gather3A_294 : vector<16xf32>
        %add3A_296 = arith.addf %add3A_285, %mul3A_295 : vector<16xf32>
        %mul3A_297 = arith.constant 16 : i32
        %mul3A_298 = arith.muli %scan3A_219, %mul3A_297 : i32
        %add3A_299 = arith.constant 7 : i32
        %add3A_300 = arith.addi %mul3A_298, %add3A_299 : i32
        %broadcast_in_dim3A_301 = vector.broadcast %add3A_300 : i32 to vector<16xi32>
        %gather3A_302 = tpu.vector_load_idx %arg10[%add3A_74, %broadcast_in_dim3A_301] : memref<80x128xf32, #tpu.memory_space<vmem>>[vector<16xi32>, vector<16xi32>], vector<16xf32>,
        %add3A_303 = vector.broadcast %add3A_300 : i32 to vector<16xi32>
        %add3A_304 = arith.addi %mul3A_81, %add3A_303 : vector<16xi32>
        %gather3A_305 = tpu.vector_load_idx %arg11[%add3A_74, %add3A_304] : memref<80x128xf32, #tpu.memory_space<vmem>>[vector<16xi32>, vector<16xi32>], vector<16xf32>,
        %mul3A_306 = arith.mulf %gather3A_302, %gather3A_305 : vector<16xf32>
        %add3A_307 = arith.addf %add3A_296, %mul3A_306 : vector<16xf32>
        %mul3A_308 = arith.constant 16 : i32
        %mul3A_309 = arith.muli %scan3A_219, %mul3A_308 : i32
        %add3A_310 = arith.constant 8 : i32
        %add3A_311 = arith.addi %mul3A_309, %add3A_310 : i32
        %broadcast_in_dim3A_312 = vector.broadcast %add3A_311 : i32 to vector<16xi32>
        %gather3A_313 = tpu.vector_load_idx %arg10[%add3A_74, %broadcast_in_dim3A_312] : memref<80x128xf32, #tpu.memory_space<vmem>>[vector<16xi32>, vector<16xi32>], vector<16xf32>,
        %add3A_314 = vector.broadcast %add3A_311 : i32 to vector<16xi32>
        %add3A_315 = arith.addi %mul3A_81, %add3A_314 : vector<16xi32>
        %gather3A_316 = tpu.vector_load_idx %arg11[%add3A_74, %add3A_315] : memref<80x128xf32, #tpu.memory_space<vmem>>[vector<16xi32>, vector<16xi32>], vector<16xf32>,
        %mul3A_317 = arith.mulf %gather3A_313, %gather3A_316 : vector<16xf32>
        %add3A_318 = arith.addf %add3A_307, %mul3A_317 : vector<16xf32>
        %mul3A_319 = arith.constant 16 : i32
        %mul3A_320 = arith.muli %scan3A_219, %mul3A_319 : i32
        %add3A_321 = arith.constant 9 : i32
        %add3A_322 = arith.addi %mul3A_320, %add3A_321 : i32
        %broadcast_in_dim3A_323 = vector.broadcast %add3A_322 : i32 to vector<16xi32>
        %gather3A_324 = tpu.vector_load_idx %arg10[%add3A_74, %broadcast_in_dim3A_323] : memref<80x128xf32, #tpu.memory_space<vmem>>[vector<16xi32>, vector<16xi32>], vector<16xf32>,
        %add3A_325 = vector.broadcast %add3A_322 : i32 to vector<16xi32>
        %add3A_326 = arith.addi %mul3A_81, %add3A_325 : vector<16xi32>
        %gather3A_327 = tpu.vector_load_idx %arg11[%add3A_74, %add3A_326] : memref<80x128xf32, #tpu.memory_space<vmem>>[vector<16xi32>, vector<16xi32>], vector<16xf32>,
        %mul3A_328 = arith.mulf %gather3A_324, %gather3A_327 : vector<16xf32>
        %add3A_329 = arith.addf %add3A_318, %mul3A_328 : vector<16xf32>
        %mul3A_330 = arith.constant 16 : i32
        %mul3A_331 = arith.muli %scan3A_219, %mul3A_330 : i32
        %add3A_332 = arith.constant 10 : i32
        %add3A_333 = arith.addi %mul3A_331, %add3A_332 : i32
        %broadcast_in_dim3A_334 = vector.broadcast %add3A_333 : i32 to vector<16xi32>
        %gather3A_335 = tpu.vector_load_idx %arg10[%add3A_74, %broadcast_in_dim3A_334] : memref<80x128xf32, #tpu.memory_space<vmem>>[vector<16xi32>, vector<16xi32>], vector<16xf32>,
        %add3A_336 = vector.broadcast %add3A_333 : i32 to vector<16xi32>
        %add3A_337 = arith.addi %mul3A_81, %add3A_336 : vector<16xi32>
        %gather3A_338 = tpu.vector_load_idx %arg11[%add3A_74, %add3A_337] : memref<80x128xf32, #tpu.memory_space<vmem>>[vector<16xi32>, vector<16xi32>], vector<16xf32>,
        %mul3A_339 = arith.mulf %gather3A_335, %gather3A_338 : vector<16xf32>
        %add3A_340 = arith.addf %add3A_329, %mul3A_339 : vector<16xf32>
        %mul3A_341 = arith.constant 16 : i32
        %mul3A_342 = arith.muli %scan3A_219, %mul3A_341 : i32
        %add3A_343 = arith.constant 11 : i32
        %add3A_344 = arith.addi %mul3A_342, %add3A_343 : i32
        %broadcast_in_dim3A_345 = vector.broadcast %add3A_344 : i32 to vector<16xi32>
        %gather3A_346 = tpu.vector_load_idx %arg10[%add3A_74, %broadcast_in_dim3A_345] : memref<80x128xf32, #tpu.memory_space<vmem>>[vector<16xi32>, vector<16xi32>], vector<16xf32>,
        %add3A_347 = vector.broadcast %add3A_344 : i32 to vector<16xi32>
        %add3A_348 = arith.addi %mul3A_81, %add3A_347 : vector<16xi32>
        %gather3A_349 = tpu.vector_load_idx %arg11[%add3A_74, %add3A_348] : memref<80x128xf32, #tpu.memory_space<vmem>>[vector<16xi32>, vector<16xi32>], vector<16xf32>,
        %mul3A_350 = arith.mulf %gather3A_346, %gather3A_349 : vector<16xf32>
        %add3A_351 = arith.addf %add3A_340, %mul3A_350 : vector<16xf32>
        %mul3A_352 = arith.constant 16 : i32
        %mul3A_353 = arith.muli %scan3A_219, %mul3A_352 : i32
        %add3A_354 = arith.constant 12 : i32
        %add3A_355 = arith.addi %mul3A_353, %add3A_354 : i32
        %broadcast_in_dim3A_356 = vector.broadcast %add3A_355 : i32 to vector<16xi32>
        %gather3A_357 = tpu.vector_load_idx %arg10[%add3A_74, %broadcast_in_dim3A_356] : memref<80x128xf32, #tpu.memory_space<vmem>>[vector<16xi32>, vector<16xi32>], vector<16xf32>,
        %add3A_358 = vector.broadcast %add3A_355 : i32 to vector<16xi32>
        %add3A_359 = arith.addi %mul3A_81, %add3A_358 : vector<16xi32>
        %gather3A_360 = tpu.vector_load_idx %arg11[%add3A_74, %add3A_359] : memref<80x128xf32, #tpu.memory_space<vmem>>[vector<16xi32>, vector<16xi32>], vector<16xf32>,
        %mul3A_361 = arith.mulf %gather3A_357, %gather3A_360 : vector<16xf32>
        %add3A_362 = arith.addf %add3A_351, %mul3A_361 : vector<16xf32>
        %mul3A_363 = arith.constant 16 : i32
        %mul3A_364 = arith.muli %scan3A_219, %mul3A_363 : i32
        %add3A_365 = arith.constant 13 : i32
        %add3A_366 = arith.addi %mul3A_364, %add3A_365 : i32
        %broadcast_in_dim3A_367 = vector.broadcast %add3A_366 : i32 to vector<16xi32>
        %gather3A_368 = tpu.vector_load_idx %arg10[%add3A_74, %broadcast_in_dim3A_367] : memref<80x128xf32, #tpu.memory_space<vmem>>[vector<16xi32>, vector<16xi32>], vector<16xf32>,
        %add3A_369 = vector.broadcast %add3A_366 : i32 to vector<16xi32>
        %add3A_370 = arith.addi %mul3A_81, %add3A_369 : vector<16xi32>
        %gather3A_371 = tpu.vector_load_idx %arg11[%add3A_74, %add3A_370] : memref<80x128xf32, #tpu.memory_space<vmem>>[vector<16xi32>, vector<16xi32>], vector<16xf32>,
        %mul3A_372 = arith.mulf %gather3A_368, %gather3A_371 : vector<16xf32>
        %add3A_373 = arith.addf %add3A_362, %mul3A_372 : vector<16xf32>
        %mul3A_374 = arith.constant 16 : i32
        %mul3A_375 = arith.muli %scan3A_219, %mul3A_374 : i32
        %add3A_376 = arith.constant 14 : i32
        %add3A_377 = arith.addi %mul3A_375, %add3A_376 : i32
        %broadcast_in_dim3A_378 = vector.broadcast %add3A_377 : i32 to vector<16xi32>
        %gather3A_379 = tpu.vector_load_idx %arg10[%add3A_74, %broadcast_in_dim3A_378] : memref<80x128xf32, #tpu.memory_space<vmem>>[vector<16xi32>, vector<16xi32>], vector<16xf32>,
        %add3A_380 = vector.broadcast %add3A_377 : i32 to vector<16xi32>
        %add3A_381 = arith.addi %mul3A_81, %add3A_380 : vector<16xi32>
        %gather3A_382 = tpu.vector_load_idx %arg11[%add3A_74, %add3A_381] : memref<80x128xf32, #tpu.memory_space<vmem>>[vector<16xi32>, vector<16xi32>], vector<16xf32>,
        %mul3A_383 = arith.mulf %gather3A_379, %gather3A_382 : vector<16xf32>
        %add3A_384 = arith.addf %add3A_373, %mul3A_383 : vector<16xf32>
        %mul3A_385 = arith.constant 16 : i32
        %mul3A_386 = arith.muli %scan3A_219, %mul3A_385 : i32
        %add3A_387 = arith.constant 15 : i32
        %add3A_388 = arith.addi %mul3A_386, %add3A_387 : i32
        %broadcast_in_dim3A_389 = vector.broadcast %add3A_388 : i32 to vector<16xi32>
        %gather3A_390 = tpu.vector_load_idx %arg10[%add3A_74, %broadcast_in_dim3A_389] : memref<80x128xf32, #tpu.memory_space<vmem>>[vector<16xi32>, vector<16xi32>], vector<16xf32>,
        %add3A_391 = vector.broadcast %add3A_388 : i32 to vector<16xi32>
        %add3A_392 = arith.addi %mul3A_81, %add3A_391 : vector<16xi32>
        %gather3A_393 = tpu.vector_load_idx %arg11[%add3A_74, %add3A_392] : memref<80x128xf32, #tpu.memory_space<vmem>>[vector<16xi32>, vector<16xi32>], vector<16xf32>,
        %mul3A_394 = arith.mulf %gather3A_390, %gather3A_393 : vector<16xf32>
        %add3A_395 = arith.addf %add3A_384, %mul3A_394 : vector<16xf32>
        scf.yield %add3A_395 : vector<16xf32>
      }
      %scan3A_87 = arith.constant 4 : i32
      %ge3A = arith.constant 0.000000e+00 : f32
      %ge3A_88 = vector.broadcast %ge3A : f32 to vector<16xf32>
      %ge3A_89 = arith.cmpf oge, %scan3A_86, %ge3A_88 : vector<16xf32>
      %mul3A_90 = arith.constant 0.00999999977 : f32
      %mul3A_91 = vector.broadcast %mul3A_90 : f32 to vector<16xf32>
      %mul3A_92 = arith.mulf %scan3A_86, %mul3A_91 : vector<16xf32>
      %select_n3A_93 = arith.select %ge3A_89, %scan3A_86, %mul3A_92 : vector<16xi1>, vector<16xf32>
      %mul3A_94 = vector.broadcast %scan3A_23 : f32 to vector<16xf32>
      %mul3A_95 = arith.mulf %select_n3A_93, %mul3A_94 : vector<16xf32>
      %exp3A = math.exp %mul3A_95 : vector<16xf32>
      %swap3A_96 = arith.constant 0 : index
      %swap3A_97 = tpu.vector_load %arg12[%swap3A_96] {strides = array<i32>} : memref<80xf32, #tpu.memory_space<vmem>>, vector<16xf32>,
      tpu.vector_store %arg12[%swap3A_96], %exp3A {strides = array<i32>} : memref<80xf32, #tpu.memory_space<vmem>>, vector<16xf32>,
      %add3A_98 = arith.constant 16 : i32
      %add3A_99 = vector.broadcast %add3A_98 : i32 to vector<16xi32>
      %add3A_100 = arith.addi %iota3A, %add3A_99 : vector<16xi32>
      %get3A_101 = arith.constant 16 : index
      %get3A_102 = tpu.vector_load %arg8[%get3A_101] {strides = array<i32>} : memref<80xi32, #tpu.memory_space<vmem>>, vector<16xi32>,
      %and3A_103 = arith.constant 1 : i32
      %and3A_104 = vector.broadcast %and3A_103 : i32 to vector<16xi32>
      %and3A_105 = arith.andi %get3A_102, %and3A_104 : vector<16xi32>
      %mul3A_106 = arith.constant 64 : i32
      %mul3A_107 = vector.broadcast %mul3A_106 : i32 to vector<16xi32>
      %mul3A_108 = arith.muli %and3A_105, %mul3A_107 : vector<16xi32>
      %scan3A_109 = arith.constant 0 : i32
      %scan3A_110 = arith.constant 4 : i32
      %scan3A_111 = arith.addi %scan3A_109, %scan3A_110 : i32
      %scan3A_112 = arith.constant 1 : i32
      %scan3A_113 = scf.for %scan3A_219 = %scan3A_109 to %scan3A_111 step %scan3A_112 iter_args(%scan3A_220 = %broadcast_in_dim3A_1) -> (vector<16xf32>)  : i32 {
        %mul3A_221 = arith.constant 16 : i32
        %mul3A_222 = arith.muli %scan3A_219, %mul3A_221 : i32
        %add3A_223 = arith.constant 0 : i32
        %add3A_224 = arith.addi %mul3A_222, %add3A_223 : i32
        %broadcast_in_dim3A_225 = vector.broadcast %add3A_224 : i32 to vector<16xi32>
        %gather3A = tpu.vector_load_idx %arg10[%add3A_100, %broadcast_in_dim3A_225] : memref<80x128xf32, #tpu.memory_space<vmem>>[vector<16xi32>, vector<16xi32>], vector<16xf32>,
        %add3A_226 = vector.broadcast %add3A_224 : i32 to vector<16xi32>
        %add3A_227 = arith.addi %mul3A_108, %add3A_226 : vector<16xi32>
        %gather3A_228 = tpu.vector_load_idx %arg11[%add3A_100, %add3A_227] : memref<80x128xf32, #tpu.memory_space<vmem>>[vector<16xi32>, vector<16xi32>], vector<16xf32>,
        %mul3A_229 = arith.mulf %gather3A, %gather3A_228 : vector<16xf32>
        %add3A_230 = arith.addf %scan3A_220, %mul3A_229 : vector<16xf32>
        %mul3A_231 = arith.constant 16 : i32
        %mul3A_232 = arith.muli %scan3A_219, %mul3A_231 : i32
        %add3A_233 = arith.constant 1 : i32
        %add3A_234 = arith.addi %mul3A_232, %add3A_233 : i32
        %broadcast_in_dim3A_235 = vector.broadcast %add3A_234 : i32 to vector<16xi32>
        %gather3A_236 = tpu.vector_load_idx %arg10[%add3A_100, %broadcast_in_dim3A_235] : memref<80x128xf32, #tpu.memory_space<vmem>>[vector<16xi32>, vector<16xi32>], vector<16xf32>,
        %add3A_237 = vector.broadcast %add3A_234 : i32 to vector<16xi32>
        %add3A_238 = arith.addi %mul3A_108, %add3A_237 : vector<16xi32>
        %gather3A_239 = tpu.vector_load_idx %arg11[%add3A_100, %add3A_238] : memref<80x128xf32, #tpu.memory_space<vmem>>[vector<16xi32>, vector<16xi32>], vector<16xf32>,
        %mul3A_240 = arith.mulf %gather3A_236, %gather3A_239 : vector<16xf32>
        %add3A_241 = arith.addf %add3A_230, %mul3A_240 : vector<16xf32>
        %mul3A_242 = arith.constant 16 : i32
        %mul3A_243 = arith.muli %scan3A_219, %mul3A_242 : i32
        %add3A_244 = arith.constant 2 : i32
        %add3A_245 = arith.addi %mul3A_243, %add3A_244 : i32
        %broadcast_in_dim3A_246 = vector.broadcast %add3A_245 : i32 to vector<16xi32>
        %gather3A_247 = tpu.vector_load_idx %arg10[%add3A_100, %broadcast_in_dim3A_246] : memref<80x128xf32, #tpu.memory_space<vmem>>[vector<16xi32>, vector<16xi32>], vector<16xf32>,
        %add3A_248 = vector.broadcast %add3A_245 : i32 to vector<16xi32>
        %add3A_249 = arith.addi %mul3A_108, %add3A_248 : vector<16xi32>
        %gather3A_250 = tpu.vector_load_idx %arg11[%add3A_100, %add3A_249] : memref<80x128xf32, #tpu.memory_space<vmem>>[vector<16xi32>, vector<16xi32>], vector<16xf32>,
        %mul3A_251 = arith.mulf %gather3A_247, %gather3A_250 : vector<16xf32>
        %add3A_252 = arith.addf %add3A_241, %mul3A_251 : vector<16xf32>
        %mul3A_253 = arith.constant 16 : i32
        %mul3A_254 = arith.muli %scan3A_219, %mul3A_253 : i32
        %add3A_255 = arith.constant 3 : i32
        %add3A_256 = arith.addi %mul3A_254, %add3A_255 : i32
        %broadcast_in_dim3A_257 = vector.broadcast %add3A_256 : i32 to vector<16xi32>
        %gather3A_258 = tpu.vector_load_idx %arg10[%add3A_100, %broadcast_in_dim3A_257] : memref<80x128xf32, #tpu.memory_space<vmem>>[vector<16xi32>, vector<16xi32>], vector<16xf32>,
        %add3A_259 = vector.broadcast %add3A_256 : i32 to vector<16xi32>
        %add3A_260 = arith.addi %mul3A_108, %add3A_259 : vector<16xi32>
        %gather3A_261 = tpu.vector_load_idx %arg11[%add3A_100, %add3A_260] : memref<80x128xf32, #tpu.memory_space<vmem>>[vector<16xi32>, vector<16xi32>], vector<16xf32>,
        %mul3A_262 = arith.mulf %gather3A_258, %gather3A_261 : vector<16xf32>
        %add3A_263 = arith.addf %add3A_252, %mul3A_262 : vector<16xf32>
        %mul3A_264 = arith.constant 16 : i32
        %mul3A_265 = arith.muli %scan3A_219, %mul3A_264 : i32
        %add3A_266 = arith.constant 4 : i32
        %add3A_267 = arith.addi %mul3A_265, %add3A_266 : i32
        %broadcast_in_dim3A_268 = vector.broadcast %add3A_267 : i32 to vector<16xi32>
        %gather3A_269 = tpu.vector_load_idx %arg10[%add3A_100, %broadcast_in_dim3A_268] : memref<80x128xf32, #tpu.memory_space<vmem>>[vector<16xi32>, vector<16xi32>], vector<16xf32>,
        %add3A_270 = vector.broadcast %add3A_267 : i32 to vector<16xi32>
        %add3A_271 = arith.addi %mul3A_108, %add3A_270 : vector<16xi32>
        %gather3A_272 = tpu.vector_load_idx %arg11[%add3A_100, %add3A_271] : memref<80x128xf32, #tpu.memory_space<vmem>>[vector<16xi32>, vector<16xi32>], vector<16xf32>,
        %mul3A_273 = arith.mulf %gather3A_269, %gather3A_272 : vector<16xf32>
        %add3A_274 = arith.addf %add3A_263, %mul3A_273 : vector<16xf32>
        %mul3A_275 = arith.constant 16 : i32
        %mul3A_276 = arith.muli %scan3A_219, %mul3A_275 : i32
        %add3A_277 = arith.constant 5 : i32
        %add3A_278 = arith.addi %mul3A_276, %add3A_277 : i32
        %broadcast_in_dim3A_279 = vector.broadcast %add3A_278 : i32 to vector<16xi32>
        %gather3A_280 = tpu.vector_load_idx %arg10[%add3A_100, %broadcast_in_dim3A_279] : memref<80x128xf32, #tpu.memory_space<vmem>>[vector<16xi32>, vector<16xi32>], vector<16xf32>,
        %add3A_281 = vector.broadcast %add3A_278 : i32 to vector<16xi32>
        %add3A_282 = arith.addi %mul3A_108, %add3A_281 : vector<16xi32>
        %gather3A_283 = tpu.vector_load_idx %arg11[%add3A_100, %add3A_282] : memref<80x128xf32, #tpu.memory_space<vmem>>[vector<16xi32>, vector<16xi32>], vector<16xf32>,
        %mul3A_284 = arith.mulf %gather3A_280, %gather3A_283 : vector<16xf32>
        %add3A_285 = arith.addf %add3A_274, %mul3A_284 : vector<16xf32>
        %mul3A_286 = arith.constant 16 : i32
        %mul3A_287 = arith.muli %scan3A_219, %mul3A_286 : i32
        %add3A_288 = arith.constant 6 : i32
        %add3A_289 = arith.addi %mul3A_287, %add3A_288 : i32
        %broadcast_in_dim3A_290 = vector.broadcast %add3A_289 : i32 to vector<16xi32>
        %gather3A_291 = tpu.vector_load_idx %arg10[%add3A_100, %broadcast_in_dim3A_290] : memref<80x128xf32, #tpu.memory_space<vmem>>[vector<16xi32>, vector<16xi32>], vector<16xf32>,
        %add3A_292 = vector.broadcast %add3A_289 : i32 to vector<16xi32>
        %add3A_293 = arith.addi %mul3A_108, %add3A_292 : vector<16xi32>
        %gather3A_294 = tpu.vector_load_idx %arg11[%add3A_100, %add3A_293] : memref<80x128xf32, #tpu.memory_space<vmem>>[vector<16xi32>, vector<16xi32>], vector<16xf32>,
        %mul3A_295 = arith.mulf %gather3A_291, %gather3A_294 : vector<16xf32>
        %add3A_296 = arith.addf %add3A_285, %mul3A_295 : vector<16xf32>
        %mul3A_297 = arith.constant 16 : i32
        %mul3A_298 = arith.muli %scan3A_219, %mul3A_297 : i32
        %add3A_299 = arith.constant 7 : i32
        %add3A_300 = arith.addi %mul3A_298, %add3A_299 : i32
        %broadcast_in_dim3A_301 = vector.broadcast %add3A_300 : i32 to vector<16xi32>
        %gather3A_302 = tpu.vector_load_idx %arg10[%add3A_100, %broadcast_in_dim3A_301] : memref<80x128xf32, #tpu.memory_space<vmem>>[vector<16xi32>, vector<16xi32>], vector<16xf32>,
        %add3A_303 = vector.broadcast %add3A_300 : i32 to vector<16xi32>
        %add3A_304 = arith.addi %mul3A_108, %add3A_303 : vector<16xi32>
        %gather3A_305 = tpu.vector_load_idx %arg11[%add3A_100, %add3A_304] : memref<80x128xf32, #tpu.memory_space<vmem>>[vector<16xi32>, vector<16xi32>], vector<16xf32>,
        %mul3A_306 = arith.mulf %gather3A_302, %gather3A_305 : vector<16xf32>
        %add3A_307 = arith.addf %add3A_296, %mul3A_306 : vector<16xf32>
        %mul3A_308 = arith.constant 16 : i32
        %mul3A_309 = arith.muli %scan3A_219, %mul3A_308 : i32
        %add3A_310 = arith.constant 8 : i32
        %add3A_311 = arith.addi %mul3A_309, %add3A_310 : i32
        %broadcast_in_dim3A_312 = vector.broadcast %add3A_311 : i32 to vector<16xi32>
        %gather3A_313 = tpu.vector_load_idx %arg10[%add3A_100, %broadcast_in_dim3A_312] : memref<80x128xf32, #tpu.memory_space<vmem>>[vector<16xi32>, vector<16xi32>], vector<16xf32>,
        %add3A_314 = vector.broadcast %add3A_311 : i32 to vector<16xi32>
        %add3A_315 = arith.addi %mul3A_108, %add3A_314 : vector<16xi32>
        %gather3A_316 = tpu.vector_load_idx %arg11[%add3A_100, %add3A_315] : memref<80x128xf32, #tpu.memory_space<vmem>>[vector<16xi32>, vector<16xi32>], vector<16xf32>,
        %mul3A_317 = arith.mulf %gather3A_313, %gather3A_316 : vector<16xf32>
        %add3A_318 = arith.addf %add3A_307, %mul3A_317 : vector<16xf32>
        %mul3A_319 = arith.constant 16 : i32
        %mul3A_320 = arith.muli %scan3A_219, %mul3A_319 : i32
        %add3A_321 = arith.constant 9 : i32
        %add3A_322 = arith.addi %mul3A_320, %add3A_321 : i32
        %broadcast_in_dim3A_323 = vector.broadcast %add3A_322 : i32 to vector<16xi32>
        %gather3A_324 = tpu.vector_load_idx %arg10[%add3A_100, %broadcast_in_dim3A_323] : memref<80x128xf32, #tpu.memory_space<vmem>>[vector<16xi32>, vector<16xi32>], vector<16xf32>,
        %add3A_325 = vector.broadcast %add3A_322 : i32 to vector<16xi32>
        %add3A_326 = arith.addi %mul3A_108, %add3A_325 : vector<16xi32>
        %gather3A_327 = tpu.vector_load_idx %arg11[%add3A_100, %add3A_326] : memref<80x128xf32, #tpu.memory_space<vmem>>[vector<16xi32>, vector<16xi32>], vector<16xf32>,
        %mul3A_328 = arith.mulf %gather3A_324, %gather3A_327 : vector<16xf32>
        %add3A_329 = arith.addf %add3A_318, %mul3A_328 : vector<16xf32>
        %mul3A_330 = arith.constant 16 : i32
        %mul3A_331 = arith.muli %scan3A_219, %mul3A_330 : i32
        %add3A_332 = arith.constant 10 : i32
        %add3A_333 = arith.addi %mul3A_331, %add3A_332 : i32
        %broadcast_in_dim3A_334 = vector.broadcast %add3A_333 : i32 to vector<16xi32>
        %gather3A_335 = tpu.vector_load_idx %arg10[%add3A_100, %broadcast_in_dim3A_334] : memref<80x128xf32, #tpu.memory_space<vmem>>[vector<16xi32>, vector<16xi32>], vector<16xf32>,
        %add3A_336 = vector.broadcast %add3A_333 : i32 to vector<16xi32>
        %add3A_337 = arith.addi %mul3A_108, %add3A_336 : vector<16xi32>
        %gather3A_338 = tpu.vector_load_idx %arg11[%add3A_100, %add3A_337] : memref<80x128xf32, #tpu.memory_space<vmem>>[vector<16xi32>, vector<16xi32>], vector<16xf32>,
        %mul3A_339 = arith.mulf %gather3A_335, %gather3A_338 : vector<16xf32>
        %add3A_340 = arith.addf %add3A_329, %mul3A_339 : vector<16xf32>
        %mul3A_341 = arith.constant 16 : i32
        %mul3A_342 = arith.muli %scan3A_219, %mul3A_341 : i32
        %add3A_343 = arith.constant 11 : i32
        %add3A_344 = arith.addi %mul3A_342, %add3A_343 : i32
        %broadcast_in_dim3A_345 = vector.broadcast %add3A_344 : i32 to vector<16xi32>
        %gather3A_346 = tpu.vector_load_idx %arg10[%add3A_100, %broadcast_in_dim3A_345] : memref<80x128xf32, #tpu.memory_space<vmem>>[vector<16xi32>, vector<16xi32>], vector<16xf32>,
        %add3A_347 = vector.broadcast %add3A_344 : i32 to vector<16xi32>
        %add3A_348 = arith.addi %mul3A_108, %add3A_347 : vector<16xi32>
        %gather3A_349 = tpu.vector_load_idx %arg11[%add3A_100, %add3A_348] : memref<80x128xf32, #tpu.memory_space<vmem>>[vector<16xi32>, vector<16xi32>], vector<16xf32>,
        %mul3A_350 = arith.mulf %gather3A_346, %gather3A_349 : vector<16xf32>
        %add3A_351 = arith.addf %add3A_340, %mul3A_350 : vector<16xf32>
        %mul3A_352 = arith.constant 16 : i32
        %mul3A_353 = arith.muli %scan3A_219, %mul3A_352 : i32
        %add3A_354 = arith.constant 12 : i32
        %add3A_355 = arith.addi %mul3A_353, %add3A_354 : i32
        %broadcast_in_dim3A_356 = vector.broadcast %add3A_355 : i32 to vector<16xi32>
        %gather3A_357 = tpu.vector_load_idx %arg10[%add3A_100, %broadcast_in_dim3A_356] : memref<80x128xf32, #tpu.memory_space<vmem>>[vector<16xi32>, vector<16xi32>], vector<16xf32>,
        %add3A_358 = vector.broadcast %add3A_355 : i32 to vector<16xi32>
        %add3A_359 = arith.addi %mul3A_108, %add3A_358 : vector<16xi32>
        %gather3A_360 = tpu.vector_load_idx %arg11[%add3A_100, %add3A_359] : memref<80x128xf32, #tpu.memory_space<vmem>>[vector<16xi32>, vector<16xi32>], vector<16xf32>,
        %mul3A_361 = arith.mulf %gather3A_357, %gather3A_360 : vector<16xf32>
        %add3A_362 = arith.addf %add3A_351, %mul3A_361 : vector<16xf32>
        %mul3A_363 = arith.constant 16 : i32
        %mul3A_364 = arith.muli %scan3A_219, %mul3A_363 : i32
        %add3A_365 = arith.constant 13 : i32
        %add3A_366 = arith.addi %mul3A_364, %add3A_365 : i32
        %broadcast_in_dim3A_367 = vector.broadcast %add3A_366 : i32 to vector<16xi32>
        %gather3A_368 = tpu.vector_load_idx %arg10[%add3A_100, %broadcast_in_dim3A_367] : memref<80x128xf32, #tpu.memory_space<vmem>>[vector<16xi32>, vector<16xi32>], vector<16xf32>,
        %add3A_369 = vector.broadcast %add3A_366 : i32 to vector<16xi32>
        %add3A_370 = arith.addi %mul3A_108, %add3A_369 : vector<16xi32>
        %gather3A_371 = tpu.vector_load_idx %arg11[%add3A_100, %add3A_370] : memref<80x128xf32, #tpu.memory_space<vmem>>[vector<16xi32>, vector<16xi32>], vector<16xf32>,
        %mul3A_372 = arith.mulf %gather3A_368, %gather3A_371 : vector<16xf32>
        %add3A_373 = arith.addf %add3A_362, %mul3A_372 : vector<16xf32>
        %mul3A_374 = arith.constant 16 : i32
        %mul3A_375 = arith.muli %scan3A_219, %mul3A_374 : i32
        %add3A_376 = arith.constant 14 : i32
        %add3A_377 = arith.addi %mul3A_375, %add3A_376 : i32
        %broadcast_in_dim3A_378 = vector.broadcast %add3A_377 : i32 to vector<16xi32>
        %gather3A_379 = tpu.vector_load_idx %arg10[%add3A_100, %broadcast_in_dim3A_378] : memref<80x128xf32, #tpu.memory_space<vmem>>[vector<16xi32>, vector<16xi32>], vector<16xf32>,
        %add3A_380 = vector.broadcast %add3A_377 : i32 to vector<16xi32>
        %add3A_381 = arith.addi %mul3A_108, %add3A_380 : vector<16xi32>
        %gather3A_382 = tpu.vector_load_idx %arg11[%add3A_100, %add3A_381] : memref<80x128xf32, #tpu.memory_space<vmem>>[vector<16xi32>, vector<16xi32>], vector<16xf32>,
        %mul3A_383 = arith.mulf %gather3A_379, %gather3A_382 : vector<16xf32>
        %add3A_384 = arith.addf %add3A_373, %mul3A_383 : vector<16xf32>
        %mul3A_385 = arith.constant 16 : i32
        %mul3A_386 = arith.muli %scan3A_219, %mul3A_385 : i32
        %add3A_387 = arith.constant 15 : i32
        %add3A_388 = arith.addi %mul3A_386, %add3A_387 : i32
        %broadcast_in_dim3A_389 = vector.broadcast %add3A_388 : i32 to vector<16xi32>
        %gather3A_390 = tpu.vector_load_idx %arg10[%add3A_100, %broadcast_in_dim3A_389] : memref<80x128xf32, #tpu.memory_space<vmem>>[vector<16xi32>, vector<16xi32>], vector<16xf32>,
        %add3A_391 = vector.broadcast %add3A_388 : i32 to vector<16xi32>
        %add3A_392 = arith.addi %mul3A_108, %add3A_391 : vector<16xi32>
        %gather3A_393 = tpu.vector_load_idx %arg11[%add3A_100, %add3A_392] : memref<80x128xf32, #tpu.memory_space<vmem>>[vector<16xi32>, vector<16xi32>], vector<16xf32>,
        %mul3A_394 = arith.mulf %gather3A_390, %gather3A_393 : vector<16xf32>
        %add3A_395 = arith.addf %add3A_384, %mul3A_394 : vector<16xf32>
        scf.yield %add3A_395 : vector<16xf32>
      }
      %scan3A_114 = arith.constant 4 : i32
      %ge3A_115 = arith.constant 0.000000e+00 : f32
      %ge3A_116 = vector.broadcast %ge3A_115 : f32 to vector<16xf32>
      %ge3A_117 = arith.cmpf oge, %scan3A_113, %ge3A_116 : vector<16xf32>
      %mul3A_118 = arith.constant 0.00999999977 : f32
      %mul3A_119 = vector.broadcast %mul3A_118 : f32 to vector<16xf32>
      %mul3A_120 = arith.mulf %scan3A_113, %mul3A_119 : vector<16xf32>
      %select_n3A_121 = arith.select %ge3A_117, %scan3A_113, %mul3A_120 : vector<16xi1>, vector<16xf32>
      %mul3A_122 = vector.broadcast %scan3A_23 : f32 to vector<16xf32>
      %mul3A_123 = arith.mulf %select_n3A_121, %mul3A_122 : vector<16xf32>
      %exp3A_124 = math.exp %mul3A_123 : vector<16xf32>
      %swap3A_125 = arith.constant 16 : index
      %swap3A_126 = tpu.vector_load %arg12[%swap3A_125] {strides = array<i32>} : memref<80xf32, #tpu.memory_space<vmem>>, vector<16xf32>,
      tpu.vector_store %arg12[%swap3A_125], %exp3A_124 {strides = array<i32>} : memref<80xf32, #tpu.memory_space<vmem>>, vector<16xf32>,
      %add3A_127 = arith.constant 32 : i32
      %add3A_128 = vector.broadcast %add3A_127 : i32 to vector<16xi32>
      %add3A_129 = arith.addi %iota3A, %add3A_128 : vector<16xi32>
      %get3A_130 = arith.constant 32 : index
      %get3A_131 = tpu.vector_load %arg8[%get3A_130] {strides = array<i32>} : memref<80xi32, #tpu.memory_space<vmem>>, vector<16xi32>,
      %and3A_132 = arith.constant 1 : i32
      %and3A_133 = vector.broadcast %and3A_132 : i32 to vector<16xi32>
      %and3A_134 = arith.andi %get3A_131, %and3A_133 : vector<16xi32>
      %mul3A_135 = arith.constant 64 : i32
      %mul3A_136 = vector.broadcast %mul3A_135 : i32 to vector<16xi32>
      %mul3A_137 = arith.muli %and3A_134, %mul3A_136 : vector<16xi32>
      %scan3A_138 = arith.constant 0 : i32
      %scan3A_139 = arith.constant 4 : i32
      %scan3A_140 = arith.addi %scan3A_138, %scan3A_139 : i32
      %scan3A_141 = arith.constant 1 : i32
      %scan3A_142 = scf.for %scan3A_219 = %scan3A_138 to %scan3A_140 step %scan3A_141 iter_args(%scan3A_220 = %broadcast_in_dim3A_1) -> (vector<16xf32>)  : i32 {
        %mul3A_221 = arith.constant 16 : i32
        %mul3A_222 = arith.muli %scan3A_219, %mul3A_221 : i32
        %add3A_223 = arith.constant 0 : i32
        %add3A_224 = arith.addi %mul3A_222, %add3A_223 : i32
        %broadcast_in_dim3A_225 = vector.broadcast %add3A_224 : i32 to vector<16xi32>
        %gather3A = tpu.vector_load_idx %arg10[%add3A_129, %broadcast_in_dim3A_225] : memref<80x128xf32, #tpu.memory_space<vmem>>[vector<16xi32>, vector<16xi32>], vector<16xf32>,
        %add3A_226 = vector.broadcast %add3A_224 : i32 to vector<16xi32>
        %add3A_227 = arith.addi %mul3A_137, %add3A_226 : vector<16xi32>
        %gather3A_228 = tpu.vector_load_idx %arg11[%add3A_129, %add3A_227] : memref<80x128xf32, #tpu.memory_space<vmem>>[vector<16xi32>, vector<16xi32>], vector<16xf32>,
        %mul3A_229 = arith.mulf %gather3A, %gather3A_228 : vector<16xf32>
        %add3A_230 = arith.addf %scan3A_220, %mul3A_229 : vector<16xf32>
        %mul3A_231 = arith.constant 16 : i32
        %mul3A_232 = arith.muli %scan3A_219, %mul3A_231 : i32
        %add3A_233 = arith.constant 1 : i32
        %add3A_234 = arith.addi %mul3A_232, %add3A_233 : i32
        %broadcast_in_dim3A_235 = vector.broadcast %add3A_234 : i32 to vector<16xi32>
        %gather3A_236 = tpu.vector_load_idx %arg10[%add3A_129, %broadcast_in_dim3A_235] : memref<80x128xf32, #tpu.memory_space<vmem>>[vector<16xi32>, vector<16xi32>], vector<16xf32>,
        %add3A_237 = vector.broadcast %add3A_234 : i32 to vector<16xi32>
        %add3A_238 = arith.addi %mul3A_137, %add3A_237 : vector<16xi32>
        %gather3A_239 = tpu.vector_load_idx %arg11[%add3A_129, %add3A_238] : memref<80x128xf32, #tpu.memory_space<vmem>>[vector<16xi32>, vector<16xi32>], vector<16xf32>,
        %mul3A_240 = arith.mulf %gather3A_236, %gather3A_239 : vector<16xf32>
        %add3A_241 = arith.addf %add3A_230, %mul3A_240 : vector<16xf32>
        %mul3A_242 = arith.constant 16 : i32
        %mul3A_243 = arith.muli %scan3A_219, %mul3A_242 : i32
        %add3A_244 = arith.constant 2 : i32
        %add3A_245 = arith.addi %mul3A_243, %add3A_244 : i32
        %broadcast_in_dim3A_246 = vector.broadcast %add3A_245 : i32 to vector<16xi32>
        %gather3A_247 = tpu.vector_load_idx %arg10[%add3A_129, %broadcast_in_dim3A_246] : memref<80x128xf32, #tpu.memory_space<vmem>>[vector<16xi32>, vector<16xi32>], vector<16xf32>,
        %add3A_248 = vector.broadcast %add3A_245 : i32 to vector<16xi32>
        %add3A_249 = arith.addi %mul3A_137, %add3A_248 : vector<16xi32>
        %gather3A_250 = tpu.vector_load_idx %arg11[%add3A_129, %add3A_249] : memref<80x128xf32, #tpu.memory_space<vmem>>[vector<16xi32>, vector<16xi32>], vector<16xf32>,
        %mul3A_251 = arith.mulf %gather3A_247, %gather3A_250 : vector<16xf32>
        %add3A_252 = arith.addf %add3A_241, %mul3A_251 : vector<16xf32>
        %mul3A_253 = arith.constant 16 : i32
        %mul3A_254 = arith.muli %scan3A_219, %mul3A_253 : i32
        %add3A_255 = arith.constant 3 : i32
        %add3A_256 = arith.addi %mul3A_254, %add3A_255 : i32
        %broadcast_in_dim3A_257 = vector.broadcast %add3A_256 : i32 to vector<16xi32>
        %gather3A_258 = tpu.vector_load_idx %arg10[%add3A_129, %broadcast_in_dim3A_257] : memref<80x128xf32, #tpu.memory_space<vmem>>[vector<16xi32>, vector<16xi32>], vector<16xf32>,
        %add3A_259 = vector.broadcast %add3A_256 : i32 to vector<16xi32>
        %add3A_260 = arith.addi %mul3A_137, %add3A_259 : vector<16xi32>
        %gather3A_261 = tpu.vector_load_idx %arg11[%add3A_129, %add3A_260] : memref<80x128xf32, #tpu.memory_space<vmem>>[vector<16xi32>, vector<16xi32>], vector<16xf32>,
        %mul3A_262 = arith.mulf %gather3A_258, %gather3A_261 : vector<16xf32>
        %add3A_263 = arith.addf %add3A_252, %mul3A_262 : vector<16xf32>
        %mul3A_264 = arith.constant 16 : i32
        %mul3A_265 = arith.muli %scan3A_219, %mul3A_264 : i32
        %add3A_266 = arith.constant 4 : i32
        %add3A_267 = arith.addi %mul3A_265, %add3A_266 : i32
        %broadcast_in_dim3A_268 = vector.broadcast %add3A_267 : i32 to vector<16xi32>
        %gather3A_269 = tpu.vector_load_idx %arg10[%add3A_129, %broadcast_in_dim3A_268] : memref<80x128xf32, #tpu.memory_space<vmem>>[vector<16xi32>, vector<16xi32>], vector<16xf32>,
        %add3A_270 = vector.broadcast %add3A_267 : i32 to vector<16xi32>
        %add3A_271 = arith.addi %mul3A_137, %add3A_270 : vector<16xi32>
        %gather3A_272 = tpu.vector_load_idx %arg11[%add3A_129, %add3A_271] : memref<80x128xf32, #tpu.memory_space<vmem>>[vector<16xi32>, vector<16xi32>], vector<16xf32>,
        %mul3A_273 = arith.mulf %gather3A_269, %gather3A_272 : vector<16xf32>
        %add3A_274 = arith.addf %add3A_263, %mul3A_273 : vector<16xf32>
        %mul3A_275 = arith.constant 16 : i32
        %mul3A_276 = arith.muli %scan3A_219, %mul3A_275 : i32
        %add3A_277 = arith.constant 5 : i32
        %add3A_278 = arith.addi %mul3A_276, %add3A_277 : i32
        %broadcast_in_dim3A_279 = vector.broadcast %add3A_278 : i32 to vector<16xi32>
        %gather3A_280 = tpu.vector_load_idx %arg10[%add3A_129, %broadcast_in_dim3A_279] : memref<80x128xf32, #tpu.memory_space<vmem>>[vector<16xi32>, vector<16xi32>], vector<16xf32>,
        %add3A_281 = vector.broadcast %add3A_278 : i32 to vector<16xi32>
        %add3A_282 = arith.addi %mul3A_137, %add3A_281 : vector<16xi32>
        %gather3A_283 = tpu.vector_load_idx %arg11[%add3A_129, %add3A_282] : memref<80x128xf32, #tpu.memory_space<vmem>>[vector<16xi32>, vector<16xi32>], vector<16xf32>,
        %mul3A_284 = arith.mulf %gather3A_280, %gather3A_283 : vector<16xf32>
        %add3A_285 = arith.addf %add3A_274, %mul3A_284 : vector<16xf32>
        %mul3A_286 = arith.constant 16 : i32
        %mul3A_287 = arith.muli %scan3A_219, %mul3A_286 : i32
        %add3A_288 = arith.constant 6 : i32
        %add3A_289 = arith.addi %mul3A_287, %add3A_288 : i32
        %broadcast_in_dim3A_290 = vector.broadcast %add3A_289 : i32 to vector<16xi32>
        %gather3A_291 = tpu.vector_load_idx %arg10[%add3A_129, %broadcast_in_dim3A_290] : memref<80x128xf32, #tpu.memory_space<vmem>>[vector<16xi32>, vector<16xi32>], vector<16xf32>,
        %add3A_292 = vector.broadcast %add3A_289 : i32 to vector<16xi32>
        %add3A_293 = arith.addi %mul3A_137, %add3A_292 : vector<16xi32>
        %gather3A_294 = tpu.vector_load_idx %arg11[%add3A_129, %add3A_293] : memref<80x128xf32, #tpu.memory_space<vmem>>[vector<16xi32>, vector<16xi32>], vector<16xf32>,
        %mul3A_295 = arith.mulf %gather3A_291, %gather3A_294 : vector<16xf32>
        %add3A_296 = arith.addf %add3A_285, %mul3A_295 : vector<16xf32>
        %mul3A_297 = arith.constant 16 : i32
        %mul3A_298 = arith.muli %scan3A_219, %mul3A_297 : i32
        %add3A_299 = arith.constant 7 : i32
        %add3A_300 = arith.addi %mul3A_298, %add3A_299 : i32
        %broadcast_in_dim3A_301 = vector.broadcast %add3A_300 : i32 to vector<16xi32>
        %gather3A_302 = tpu.vector_load_idx %arg10[%add3A_129, %broadcast_in_dim3A_301] : memref<80x128xf32, #tpu.memory_space<vmem>>[vector<16xi32>, vector<16xi32>], vector<16xf32>,
        %add3A_303 = vector.broadcast %add3A_300 : i32 to vector<16xi32>
        %add3A_304 = arith.addi %mul3A_137, %add3A_303 : vector<16xi32>
        %gather3A_305 = tpu.vector_load_idx %arg11[%add3A_129, %add3A_304] : memref<80x128xf32, #tpu.memory_space<vmem>>[vector<16xi32>, vector<16xi32>], vector<16xf32>,
        %mul3A_306 = arith.mulf %gather3A_302, %gather3A_305 : vector<16xf32>
        %add3A_307 = arith.addf %add3A_296, %mul3A_306 : vector<16xf32>
        %mul3A_308 = arith.constant 16 : i32
        %mul3A_309 = arith.muli %scan3A_219, %mul3A_308 : i32
        %add3A_310 = arith.constant 8 : i32
        %add3A_311 = arith.addi %mul3A_309, %add3A_310 : i32
        %broadcast_in_dim3A_312 = vector.broadcast %add3A_311 : i32 to vector<16xi32>
        %gather3A_313 = tpu.vector_load_idx %arg10[%add3A_129, %broadcast_in_dim3A_312] : memref<80x128xf32, #tpu.memory_space<vmem>>[vector<16xi32>, vector<16xi32>], vector<16xf32>,
        %add3A_314 = vector.broadcast %add3A_311 : i32 to vector<16xi32>
        %add3A_315 = arith.addi %mul3A_137, %add3A_314 : vector<16xi32>
        %gather3A_316 = tpu.vector_load_idx %arg11[%add3A_129, %add3A_315] : memref<80x128xf32, #tpu.memory_space<vmem>>[vector<16xi32>, vector<16xi32>], vector<16xf32>,
        %mul3A_317 = arith.mulf %gather3A_313, %gather3A_316 : vector<16xf32>
        %add3A_318 = arith.addf %add3A_307, %mul3A_317 : vector<16xf32>
        %mul3A_319 = arith.constant 16 : i32
        %mul3A_320 = arith.muli %scan3A_219, %mul3A_319 : i32
        %add3A_321 = arith.constant 9 : i32
        %add3A_322 = arith.addi %mul3A_320, %add3A_321 : i32
        %broadcast_in_dim3A_323 = vector.broadcast %add3A_322 : i32 to vector<16xi32>
        %gather3A_324 = tpu.vector_load_idx %arg10[%add3A_129, %broadcast_in_dim3A_323] : memref<80x128xf32, #tpu.memory_space<vmem>>[vector<16xi32>, vector<16xi32>], vector<16xf32>,
        %add3A_325 = vector.broadcast %add3A_322 : i32 to vector<16xi32>
        %add3A_326 = arith.addi %mul3A_137, %add3A_325 : vector<16xi32>
        %gather3A_327 = tpu.vector_load_idx %arg11[%add3A_129, %add3A_326] : memref<80x128xf32, #tpu.memory_space<vmem>>[vector<16xi32>, vector<16xi32>], vector<16xf32>,
        %mul3A_328 = arith.mulf %gather3A_324, %gather3A_327 : vector<16xf32>
        %add3A_329 = arith.addf %add3A_318, %mul3A_328 : vector<16xf32>
        %mul3A_330 = arith.constant 16 : i32
        %mul3A_331 = arith.muli %scan3A_219, %mul3A_330 : i32
        %add3A_332 = arith.constant 10 : i32
        %add3A_333 = arith.addi %mul3A_331, %add3A_332 : i32
        %broadcast_in_dim3A_334 = vector.broadcast %add3A_333 : i32 to vector<16xi32>
        %gather3A_335 = tpu.vector_load_idx %arg10[%add3A_129, %broadcast_in_dim3A_334] : memref<80x128xf32, #tpu.memory_space<vmem>>[vector<16xi32>, vector<16xi32>], vector<16xf32>,
        %add3A_336 = vector.broadcast %add3A_333 : i32 to vector<16xi32>
        %add3A_337 = arith.addi %mul3A_137, %add3A_336 : vector<16xi32>
        %gather3A_338 = tpu.vector_load_idx %arg11[%add3A_129, %add3A_337] : memref<80x128xf32, #tpu.memory_space<vmem>>[vector<16xi32>, vector<16xi32>], vector<16xf32>,
        %mul3A_339 = arith.mulf %gather3A_335, %gather3A_338 : vector<16xf32>
        %add3A_340 = arith.addf %add3A_329, %mul3A_339 : vector<16xf32>
        %mul3A_341 = arith.constant 16 : i32
        %mul3A_342 = arith.muli %scan3A_219, %mul3A_341 : i32
        %add3A_343 = arith.constant 11 : i32
        %add3A_344 = arith.addi %mul3A_342, %add3A_343 : i32
        %broadcast_in_dim3A_345 = vector.broadcast %add3A_344 : i32 to vector<16xi32>
        %gather3A_346 = tpu.vector_load_idx %arg10[%add3A_129, %broadcast_in_dim3A_345] : memref<80x128xf32, #tpu.memory_space<vmem>>[vector<16xi32>, vector<16xi32>], vector<16xf32>,
        %add3A_347 = vector.broadcast %add3A_344 : i32 to vector<16xi32>
        %add3A_348 = arith.addi %mul3A_137, %add3A_347 : vector<16xi32>
        %gather3A_349 = tpu.vector_load_idx %arg11[%add3A_129, %add3A_348] : memref<80x128xf32, #tpu.memory_space<vmem>>[vector<16xi32>, vector<16xi32>], vector<16xf32>,
        %mul3A_350 = arith.mulf %gather3A_346, %gather3A_349 : vector<16xf32>
        %add3A_351 = arith.addf %add3A_340, %mul3A_350 : vector<16xf32>
        %mul3A_352 = arith.constant 16 : i32
        %mul3A_353 = arith.muli %scan3A_219, %mul3A_352 : i32
        %add3A_354 = arith.constant 12 : i32
        %add3A_355 = arith.addi %mul3A_353, %add3A_354 : i32
        %broadcast_in_dim3A_356 = vector.broadcast %add3A_355 : i32 to vector<16xi32>
        %gather3A_357 = tpu.vector_load_idx %arg10[%add3A_129, %broadcast_in_dim3A_356] : memref<80x128xf32, #tpu.memory_space<vmem>>[vector<16xi32>, vector<16xi32>], vector<16xf32>,
        %add3A_358 = vector.broadcast %add3A_355 : i32 to vector<16xi32>
        %add3A_359 = arith.addi %mul3A_137, %add3A_358 : vector<16xi32>
        %gather3A_360 = tpu.vector_load_idx %arg11[%add3A_129, %add3A_359] : memref<80x128xf32, #tpu.memory_space<vmem>>[vector<16xi32>, vector<16xi32>], vector<16xf32>,
        %mul3A_361 = arith.mulf %gather3A_357, %gather3A_360 : vector<16xf32>
        %add3A_362 = arith.addf %add3A_351, %mul3A_361 : vector<16xf32>
        %mul3A_363 = arith.constant 16 : i32
        %mul3A_364 = arith.muli %scan3A_219, %mul3A_363 : i32
        %add3A_365 = arith.constant 13 : i32
        %add3A_366 = arith.addi %mul3A_364, %add3A_365 : i32
        %broadcast_in_dim3A_367 = vector.broadcast %add3A_366 : i32 to vector<16xi32>
        %gather3A_368 = tpu.vector_load_idx %arg10[%add3A_129, %broadcast_in_dim3A_367] : memref<80x128xf32, #tpu.memory_space<vmem>>[vector<16xi32>, vector<16xi32>], vector<16xf32>,
        %add3A_369 = vector.broadcast %add3A_366 : i32 to vector<16xi32>
        %add3A_370 = arith.addi %mul3A_137, %add3A_369 : vector<16xi32>
        %gather3A_371 = tpu.vector_load_idx %arg11[%add3A_129, %add3A_370] : memref<80x128xf32, #tpu.memory_space<vmem>>[vector<16xi32>, vector<16xi32>], vector<16xf32>,
        %mul3A_372 = arith.mulf %gather3A_368, %gather3A_371 : vector<16xf32>
        %add3A_373 = arith.addf %add3A_362, %mul3A_372 : vector<16xf32>
        %mul3A_374 = arith.constant 16 : i32
        %mul3A_375 = arith.muli %scan3A_219, %mul3A_374 : i32
        %add3A_376 = arith.constant 14 : i32
        %add3A_377 = arith.addi %mul3A_375, %add3A_376 : i32
        %broadcast_in_dim3A_378 = vector.broadcast %add3A_377 : i32 to vector<16xi32>
        %gather3A_379 = tpu.vector_load_idx %arg10[%add3A_129, %broadcast_in_dim3A_378] : memref<80x128xf32, #tpu.memory_space<vmem>>[vector<16xi32>, vector<16xi32>], vector<16xf32>,
        %add3A_380 = vector.broadcast %add3A_377 : i32 to vector<16xi32>
        %add3A_381 = arith.addi %mul3A_137, %add3A_380 : vector<16xi32>
        %gather3A_382 = tpu.vector_load_idx %arg11[%add3A_129, %add3A_381] : memref<80x128xf32, #tpu.memory_space<vmem>>[vector<16xi32>, vector<16xi32>], vector<16xf32>,
        %mul3A_383 = arith.mulf %gather3A_379, %gather3A_382 : vector<16xf32>
        %add3A_384 = arith.addf %add3A_373, %mul3A_383 : vector<16xf32>
        %mul3A_385 = arith.constant 16 : i32
        %mul3A_386 = arith.muli %scan3A_219, %mul3A_385 : i32
        %add3A_387 = arith.constant 15 : i32
        %add3A_388 = arith.addi %mul3A_386, %add3A_387 : i32
        %broadcast_in_dim3A_389 = vector.broadcast %add3A_388 : i32 to vector<16xi32>
        %gather3A_390 = tpu.vector_load_idx %arg10[%add3A_129, %broadcast_in_dim3A_389] : memref<80x128xf32, #tpu.memory_space<vmem>>[vector<16xi32>, vector<16xi32>], vector<16xf32>,
        %add3A_391 = vector.broadcast %add3A_388 : i32 to vector<16xi32>
        %add3A_392 = arith.addi %mul3A_137, %add3A_391 : vector<16xi32>
        %gather3A_393 = tpu.vector_load_idx %arg11[%add3A_129, %add3A_392] : memref<80x128xf32, #tpu.memory_space<vmem>>[vector<16xi32>, vector<16xi32>], vector<16xf32>,
        %mul3A_394 = arith.mulf %gather3A_390, %gather3A_393 : vector<16xf32>
        %add3A_395 = arith.addf %add3A_384, %mul3A_394 : vector<16xf32>
        scf.yield %add3A_395 : vector<16xf32>
      }
      %scan3A_143 = arith.constant 4 : i32
      %ge3A_144 = arith.constant 0.000000e+00 : f32
      %ge3A_145 = vector.broadcast %ge3A_144 : f32 to vector<16xf32>
      %ge3A_146 = arith.cmpf oge, %scan3A_142, %ge3A_145 : vector<16xf32>
      %mul3A_147 = arith.constant 0.00999999977 : f32
      %mul3A_148 = vector.broadcast %mul3A_147 : f32 to vector<16xf32>
      %mul3A_149 = arith.mulf %scan3A_142, %mul3A_148 : vector<16xf32>
      %select_n3A_150 = arith.select %ge3A_146, %scan3A_142, %mul3A_149 : vector<16xi1>, vector<16xf32>
      %mul3A_151 = vector.broadcast %scan3A_23 : f32 to vector<16xf32>
      %mul3A_152 = arith.mulf %select_n3A_150, %mul3A_151 : vector<16xf32>
      %exp3A_153 = math.exp %mul3A_152 : vector<16xf32>
      %swap3A_154 = arith.constant 32 : index
      %swap3A_155 = tpu.vector_load %arg12[%swap3A_154] {strides = array<i32>} : memref<80xf32, #tpu.memory_space<vmem>>, vector<16xf32>,
      tpu.vector_store %arg12[%swap3A_154], %exp3A_153 {strides = array<i32>} : memref<80xf32, #tpu.memory_space<vmem>>, vector<16xf32>,
      %add3A_156 = arith.constant 48 : i32
      %add3A_157 = vector.broadcast %add3A_156 : i32 to vector<16xi32>
      %add3A_158 = arith.addi %iota3A, %add3A_157 : vector<16xi32>
      %get3A_159 = arith.constant 48 : index
      %get3A_160 = tpu.vector_load %arg8[%get3A_159] {strides = array<i32>} : memref<80xi32, #tpu.memory_space<vmem>>, vector<16xi32>,
      %and3A_161 = arith.constant 1 : i32
      %and3A_162 = vector.broadcast %and3A_161 : i32 to vector<16xi32>
      %and3A_163 = arith.andi %get3A_160, %and3A_162 : vector<16xi32>
      %mul3A_164 = arith.constant 64 : i32
      %mul3A_165 = vector.broadcast %mul3A_164 : i32 to vector<16xi32>
      %mul3A_166 = arith.muli %and3A_163, %mul3A_165 : vector<16xi32>
      %scan3A_167 = arith.constant 0 : i32
      %scan3A_168 = arith.constant 4 : i32
      %scan3A_169 = arith.addi %scan3A_167, %scan3A_168 : i32
      %scan3A_170 = arith.constant 1 : i32
      %scan3A_171 = scf.for %scan3A_219 = %scan3A_167 to %scan3A_169 step %scan3A_170 iter_args(%scan3A_220 = %broadcast_in_dim3A_1) -> (vector<16xf32>)  : i32 {
        %mul3A_221 = arith.constant 16 : i32
        %mul3A_222 = arith.muli %scan3A_219, %mul3A_221 : i32
        %add3A_223 = arith.constant 0 : i32
        %add3A_224 = arith.addi %mul3A_222, %add3A_223 : i32
        %broadcast_in_dim3A_225 = vector.broadcast %add3A_224 : i32 to vector<16xi32>
        %gather3A = tpu.vector_load_idx %arg10[%add3A_158, %broadcast_in_dim3A_225] : memref<80x128xf32, #tpu.memory_space<vmem>>[vector<16xi32>, vector<16xi32>], vector<16xf32>,
        %add3A_226 = vector.broadcast %add3A_224 : i32 to vector<16xi32>
        %add3A_227 = arith.addi %mul3A_166, %add3A_226 : vector<16xi32>
        %gather3A_228 = tpu.vector_load_idx %arg11[%add3A_158, %add3A_227] : memref<80x128xf32, #tpu.memory_space<vmem>>[vector<16xi32>, vector<16xi32>], vector<16xf32>,
        %mul3A_229 = arith.mulf %gather3A, %gather3A_228 : vector<16xf32>
        %add3A_230 = arith.addf %scan3A_220, %mul3A_229 : vector<16xf32>
        %mul3A_231 = arith.constant 16 : i32
        %mul3A_232 = arith.muli %scan3A_219, %mul3A_231 : i32
        %add3A_233 = arith.constant 1 : i32
        %add3A_234 = arith.addi %mul3A_232, %add3A_233 : i32
        %broadcast_in_dim3A_235 = vector.broadcast %add3A_234 : i32 to vector<16xi32>
        %gather3A_236 = tpu.vector_load_idx %arg10[%add3A_158, %broadcast_in_dim3A_235] : memref<80x128xf32, #tpu.memory_space<vmem>>[vector<16xi32>, vector<16xi32>], vector<16xf32>,
        %add3A_237 = vector.broadcast %add3A_234 : i32 to vector<16xi32>
        %add3A_238 = arith.addi %mul3A_166, %add3A_237 : vector<16xi32>
        %gather3A_239 = tpu.vector_load_idx %arg11[%add3A_158, %add3A_238] : memref<80x128xf32, #tpu.memory_space<vmem>>[vector<16xi32>, vector<16xi32>], vector<16xf32>,
        %mul3A_240 = arith.mulf %gather3A_236, %gather3A_239 : vector<16xf32>
        %add3A_241 = arith.addf %add3A_230, %mul3A_240 : vector<16xf32>
        %mul3A_242 = arith.constant 16 : i32
        %mul3A_243 = arith.muli %scan3A_219, %mul3A_242 : i32
        %add3A_244 = arith.constant 2 : i32
        %add3A_245 = arith.addi %mul3A_243, %add3A_244 : i32
        %broadcast_in_dim3A_246 = vector.broadcast %add3A_245 : i32 to vector<16xi32>
        %gather3A_247 = tpu.vector_load_idx %arg10[%add3A_158, %broadcast_in_dim3A_246] : memref<80x128xf32, #tpu.memory_space<vmem>>[vector<16xi32>, vector<16xi32>], vector<16xf32>,
        %add3A_248 = vector.broadcast %add3A_245 : i32 to vector<16xi32>
        %add3A_249 = arith.addi %mul3A_166, %add3A_248 : vector<16xi32>
        %gather3A_250 = tpu.vector_load_idx %arg11[%add3A_158, %add3A_249] : memref<80x128xf32, #tpu.memory_space<vmem>>[vector<16xi32>, vector<16xi32>], vector<16xf32>,
        %mul3A_251 = arith.mulf %gather3A_247, %gather3A_250 : vector<16xf32>
        %add3A_252 = arith.addf %add3A_241, %mul3A_251 : vector<16xf32>
        %mul3A_253 = arith.constant 16 : i32
        %mul3A_254 = arith.muli %scan3A_219, %mul3A_253 : i32
        %add3A_255 = arith.constant 3 : i32
        %add3A_256 = arith.addi %mul3A_254, %add3A_255 : i32
        %broadcast_in_dim3A_257 = vector.broadcast %add3A_256 : i32 to vector<16xi32>
        %gather3A_258 = tpu.vector_load_idx %arg10[%add3A_158, %broadcast_in_dim3A_257] : memref<80x128xf32, #tpu.memory_space<vmem>>[vector<16xi32>, vector<16xi32>], vector<16xf32>,
        %add3A_259 = vector.broadcast %add3A_256 : i32 to vector<16xi32>
        %add3A_260 = arith.addi %mul3A_166, %add3A_259 : vector<16xi32>
        %gather3A_261 = tpu.vector_load_idx %arg11[%add3A_158, %add3A_260] : memref<80x128xf32, #tpu.memory_space<vmem>>[vector<16xi32>, vector<16xi32>], vector<16xf32>,
        %mul3A_262 = arith.mulf %gather3A_258, %gather3A_261 : vector<16xf32>
        %add3A_263 = arith.addf %add3A_252, %mul3A_262 : vector<16xf32>
        %mul3A_264 = arith.constant 16 : i32
        %mul3A_265 = arith.muli %scan3A_219, %mul3A_264 : i32
        %add3A_266 = arith.constant 4 : i32
        %add3A_267 = arith.addi %mul3A_265, %add3A_266 : i32
        %broadcast_in_dim3A_268 = vector.broadcast %add3A_267 : i32 to vector<16xi32>
        %gather3A_269 = tpu.vector_load_idx %arg10[%add3A_158, %broadcast_in_dim3A_268] : memref<80x128xf32, #tpu.memory_space<vmem>>[vector<16xi32>, vector<16xi32>], vector<16xf32>,
        %add3A_270 = vector.broadcast %add3A_267 : i32 to vector<16xi32>
        %add3A_271 = arith.addi %mul3A_166, %add3A_270 : vector<16xi32>
        %gather3A_272 = tpu.vector_load_idx %arg11[%add3A_158, %add3A_271] : memref<80x128xf32, #tpu.memory_space<vmem>>[vector<16xi32>, vector<16xi32>], vector<16xf32>,
        %mul3A_273 = arith.mulf %gather3A_269, %gather3A_272 : vector<16xf32>
        %add3A_274 = arith.addf %add3A_263, %mul3A_273 : vector<16xf32>
        %mul3A_275 = arith.constant 16 : i32
        %mul3A_276 = arith.muli %scan3A_219, %mul3A_275 : i32
        %add3A_277 = arith.constant 5 : i32
        %add3A_278 = arith.addi %mul3A_276, %add3A_277 : i32
        %broadcast_in_dim3A_279 = vector.broadcast %add3A_278 : i32 to vector<16xi32>
        %gather3A_280 = tpu.vector_load_idx %arg10[%add3A_158, %broadcast_in_dim3A_279] : memref<80x128xf32, #tpu.memory_space<vmem>>[vector<16xi32>, vector<16xi32>], vector<16xf32>,
        %add3A_281 = vector.broadcast %add3A_278 : i32 to vector<16xi32>
        %add3A_282 = arith.addi %mul3A_166, %add3A_281 : vector<16xi32>
        %gather3A_283 = tpu.vector_load_idx %arg11[%add3A_158, %add3A_282] : memref<80x128xf32, #tpu.memory_space<vmem>>[vector<16xi32>, vector<16xi32>], vector<16xf32>,
        %mul3A_284 = arith.mulf %gather3A_280, %gather3A_283 : vector<16xf32>
        %add3A_285 = arith.addf %add3A_274, %mul3A_284 : vector<16xf32>
        %mul3A_286 = arith.constant 16 : i32
        %mul3A_287 = arith.muli %scan3A_219, %mul3A_286 : i32
        %add3A_288 = arith.constant 6 : i32
        %add3A_289 = arith.addi %mul3A_287, %add3A_288 : i32
        %broadcast_in_dim3A_290 = vector.broadcast %add3A_289 : i32 to vector<16xi32>
        %gather3A_291 = tpu.vector_load_idx %arg10[%add3A_158, %broadcast_in_dim3A_290] : memref<80x128xf32, #tpu.memory_space<vmem>>[vector<16xi32>, vector<16xi32>], vector<16xf32>,
        %add3A_292 = vector.broadcast %add3A_289 : i32 to vector<16xi32>
        %add3A_293 = arith.addi %mul3A_166, %add3A_292 : vector<16xi32>
        %gather3A_294 = tpu.vector_load_idx %arg11[%add3A_158, %add3A_293] : memref<80x128xf32, #tpu.memory_space<vmem>>[vector<16xi32>, vector<16xi32>], vector<16xf32>,
        %mul3A_295 = arith.mulf %gather3A_291, %gather3A_294 : vector<16xf32>
        %add3A_296 = arith.addf %add3A_285, %mul3A_295 : vector<16xf32>
        %mul3A_297 = arith.constant 16 : i32
        %mul3A_298 = arith.muli %scan3A_219, %mul3A_297 : i32
        %add3A_299 = arith.constant 7 : i32
        %add3A_300 = arith.addi %mul3A_298, %add3A_299 : i32
        %broadcast_in_dim3A_301 = vector.broadcast %add3A_300 : i32 to vector<16xi32>
        %gather3A_302 = tpu.vector_load_idx %arg10[%add3A_158, %broadcast_in_dim3A_301] : memref<80x128xf32, #tpu.memory_space<vmem>>[vector<16xi32>, vector<16xi32>], vector<16xf32>,
        %add3A_303 = vector.broadcast %add3A_300 : i32 to vector<16xi32>
        %add3A_304 = arith.addi %mul3A_166, %add3A_303 : vector<16xi32>
        %gather3A_305 = tpu.vector_load_idx %arg11[%add3A_158, %add3A_304] : memref<80x128xf32, #tpu.memory_space<vmem>>[vector<16xi32>, vector<16xi32>], vector<16xf32>,
        %mul3A_306 = arith.mulf %gather3A_302, %gather3A_305 : vector<16xf32>
        %add3A_307 = arith.addf %add3A_296, %mul3A_306 : vector<16xf32>
        %mul3A_308 = arith.constant 16 : i32
        %mul3A_309 = arith.muli %scan3A_219, %mul3A_308 : i32
        %add3A_310 = arith.constant 8 : i32
        %add3A_311 = arith.addi %mul3A_309, %add3A_310 : i32
        %broadcast_in_dim3A_312 = vector.broadcast %add3A_311 : i32 to vector<16xi32>
        %gather3A_313 = tpu.vector_load_idx %arg10[%add3A_158, %broadcast_in_dim3A_312] : memref<80x128xf32, #tpu.memory_space<vmem>>[vector<16xi32>, vector<16xi32>], vector<16xf32>,
        %add3A_314 = vector.broadcast %add3A_311 : i32 to vector<16xi32>
        %add3A_315 = arith.addi %mul3A_166, %add3A_314 : vector<16xi32>
        %gather3A_316 = tpu.vector_load_idx %arg11[%add3A_158, %add3A_315] : memref<80x128xf32, #tpu.memory_space<vmem>>[vector<16xi32>, vector<16xi32>], vector<16xf32>,
        %mul3A_317 = arith.mulf %gather3A_313, %gather3A_316 : vector<16xf32>
        %add3A_318 = arith.addf %add3A_307, %mul3A_317 : vector<16xf32>
        %mul3A_319 = arith.constant 16 : i32
        %mul3A_320 = arith.muli %scan3A_219, %mul3A_319 : i32
        %add3A_321 = arith.constant 9 : i32
        %add3A_322 = arith.addi %mul3A_320, %add3A_321 : i32
        %broadcast_in_dim3A_323 = vector.broadcast %add3A_322 : i32 to vector<16xi32>
        %gather3A_324 = tpu.vector_load_idx %arg10[%add3A_158, %broadcast_in_dim3A_323] : memref<80x128xf32, #tpu.memory_space<vmem>>[vector<16xi32>, vector<16xi32>], vector<16xf32>,
        %add3A_325 = vector.broadcast %add3A_322 : i32 to vector<16xi32>
        %add3A_326 = arith.addi %mul3A_166, %add3A_325 : vector<16xi32>
        %gather3A_327 = tpu.vector_load_idx %arg11[%add3A_158, %add3A_326] : memref<80x128xf32, #tpu.memory_space<vmem>>[vector<16xi32>, vector<16xi32>], vector<16xf32>,
        %mul3A_328 = arith.mulf %gather3A_324, %gather3A_327 : vector<16xf32>
        %add3A_329 = arith.addf %add3A_318, %mul3A_328 : vector<16xf32>
        %mul3A_330 = arith.constant 16 : i32
        %mul3A_331 = arith.muli %scan3A_219, %mul3A_330 : i32
        %add3A_332 = arith.constant 10 : i32
        %add3A_333 = arith.addi %mul3A_331, %add3A_332 : i32
        %broadcast_in_dim3A_334 = vector.broadcast %add3A_333 : i32 to vector<16xi32>
        %gather3A_335 = tpu.vector_load_idx %arg10[%add3A_158, %broadcast_in_dim3A_334] : memref<80x128xf32, #tpu.memory_space<vmem>>[vector<16xi32>, vector<16xi32>], vector<16xf32>,
        %add3A_336 = vector.broadcast %add3A_333 : i32 to vector<16xi32>
        %add3A_337 = arith.addi %mul3A_166, %add3A_336 : vector<16xi32>
        %gather3A_338 = tpu.vector_load_idx %arg11[%add3A_158, %add3A_337] : memref<80x128xf32, #tpu.memory_space<vmem>>[vector<16xi32>, vector<16xi32>], vector<16xf32>,
        %mul3A_339 = arith.mulf %gather3A_335, %gather3A_338 : vector<16xf32>
        %add3A_340 = arith.addf %add3A_329, %mul3A_339 : vector<16xf32>
        %mul3A_341 = arith.constant 16 : i32
        %mul3A_342 = arith.muli %scan3A_219, %mul3A_341 : i32
        %add3A_343 = arith.constant 11 : i32
        %add3A_344 = arith.addi %mul3A_342, %add3A_343 : i32
        %broadcast_in_dim3A_345 = vector.broadcast %add3A_344 : i32 to vector<16xi32>
        %gather3A_346 = tpu.vector_load_idx %arg10[%add3A_158, %broadcast_in_dim3A_345] : memref<80x128xf32, #tpu.memory_space<vmem>>[vector<16xi32>, vector<16xi32>], vector<16xf32>,
        %add3A_347 = vector.broadcast %add3A_344 : i32 to vector<16xi32>
        %add3A_348 = arith.addi %mul3A_166, %add3A_347 : vector<16xi32>
        %gather3A_349 = tpu.vector_load_idx %arg11[%add3A_158, %add3A_348] : memref<80x128xf32, #tpu.memory_space<vmem>>[vector<16xi32>, vector<16xi32>], vector<16xf32>,
        %mul3A_350 = arith.mulf %gather3A_346, %gather3A_349 : vector<16xf32>
        %add3A_351 = arith.addf %add3A_340, %mul3A_350 : vector<16xf32>
        %mul3A_352 = arith.constant 16 : i32
        %mul3A_353 = arith.muli %scan3A_219, %mul3A_352 : i32
        %add3A_354 = arith.constant 12 : i32
        %add3A_355 = arith.addi %mul3A_353, %add3A_354 : i32
        %broadcast_in_dim3A_356 = vector.broadcast %add3A_355 : i32 to vector<16xi32>
        %gather3A_357 = tpu.vector_load_idx %arg10[%add3A_158, %broadcast_in_dim3A_356] : memref<80x128xf32, #tpu.memory_space<vmem>>[vector<16xi32>, vector<16xi32>], vector<16xf32>,
        %add3A_358 = vector.broadcast %add3A_355 : i32 to vector<16xi32>
        %add3A_359 = arith.addi %mul3A_166, %add3A_358 : vector<16xi32>
        %gather3A_360 = tpu.vector_load_idx %arg11[%add3A_158, %add3A_359] : memref<80x128xf32, #tpu.memory_space<vmem>>[vector<16xi32>, vector<16xi32>], vector<16xf32>,
        %mul3A_361 = arith.mulf %gather3A_357, %gather3A_360 : vector<16xf32>
        %add3A_362 = arith.addf %add3A_351, %mul3A_361 : vector<16xf32>
        %mul3A_363 = arith.constant 16 : i32
        %mul3A_364 = arith.muli %scan3A_219, %mul3A_363 : i32
        %add3A_365 = arith.constant 13 : i32
        %add3A_366 = arith.addi %mul3A_364, %add3A_365 : i32
        %broadcast_in_dim3A_367 = vector.broadcast %add3A_366 : i32 to vector<16xi32>
        %gather3A_368 = tpu.vector_load_idx %arg10[%add3A_158, %broadcast_in_dim3A_367] : memref<80x128xf32, #tpu.memory_space<vmem>>[vector<16xi32>, vector<16xi32>], vector<16xf32>,
        %add3A_369 = vector.broadcast %add3A_366 : i32 to vector<16xi32>
        %add3A_370 = arith.addi %mul3A_166, %add3A_369 : vector<16xi32>
        %gather3A_371 = tpu.vector_load_idx %arg11[%add3A_158, %add3A_370] : memref<80x128xf32, #tpu.memory_space<vmem>>[vector<16xi32>, vector<16xi32>], vector<16xf32>,
        %mul3A_372 = arith.mulf %gather3A_368, %gather3A_371 : vector<16xf32>
        %add3A_373 = arith.addf %add3A_362, %mul3A_372 : vector<16xf32>
        %mul3A_374 = arith.constant 16 : i32
        %mul3A_375 = arith.muli %scan3A_219, %mul3A_374 : i32
        %add3A_376 = arith.constant 14 : i32
        %add3A_377 = arith.addi %mul3A_375, %add3A_376 : i32
        %broadcast_in_dim3A_378 = vector.broadcast %add3A_377 : i32 to vector<16xi32>
        %gather3A_379 = tpu.vector_load_idx %arg10[%add3A_158, %broadcast_in_dim3A_378] : memref<80x128xf32, #tpu.memory_space<vmem>>[vector<16xi32>, vector<16xi32>], vector<16xf32>,
        %add3A_380 = vector.broadcast %add3A_377 : i32 to vector<16xi32>
        %add3A_381 = arith.addi %mul3A_166, %add3A_380 : vector<16xi32>
        %gather3A_382 = tpu.vector_load_idx %arg11[%add3A_158, %add3A_381] : memref<80x128xf32, #tpu.memory_space<vmem>>[vector<16xi32>, vector<16xi32>], vector<16xf32>,
        %mul3A_383 = arith.mulf %gather3A_379, %gather3A_382 : vector<16xf32>
        %add3A_384 = arith.addf %add3A_373, %mul3A_383 : vector<16xf32>
        %mul3A_385 = arith.constant 16 : i32
        %mul3A_386 = arith.muli %scan3A_219, %mul3A_385 : i32
        %add3A_387 = arith.constant 15 : i32
        %add3A_388 = arith.addi %mul3A_386, %add3A_387 : i32
        %broadcast_in_dim3A_389 = vector.broadcast %add3A_388 : i32 to vector<16xi32>
        %gather3A_390 = tpu.vector_load_idx %arg10[%add3A_158, %broadcast_in_dim3A_389] : memref<80x128xf32, #tpu.memory_space<vmem>>[vector<16xi32>, vector<16xi32>], vector<16xf32>,
        %add3A_391 = vector.broadcast %add3A_388 : i32 to vector<16xi32>
        %add3A_392 = arith.addi %mul3A_166, %add3A_391 : vector<16xi32>
        %gather3A_393 = tpu.vector_load_idx %arg11[%add3A_158, %add3A_392] : memref<80x128xf32, #tpu.memory_space<vmem>>[vector<16xi32>, vector<16xi32>], vector<16xf32>,
        %mul3A_394 = arith.mulf %gather3A_390, %gather3A_393 : vector<16xf32>
        %add3A_395 = arith.addf %add3A_384, %mul3A_394 : vector<16xf32>
        scf.yield %add3A_395 : vector<16xf32>
      }
      %scan3A_172 = arith.constant 4 : i32
      %ge3A_173 = arith.constant 0.000000e+00 : f32
      %ge3A_174 = vector.broadcast %ge3A_173 : f32 to vector<16xf32>
      %ge3A_175 = arith.cmpf oge, %scan3A_171, %ge3A_174 : vector<16xf32>
      %mul3A_176 = arith.constant 0.00999999977 : f32
      %mul3A_177 = vector.broadcast %mul3A_176 : f32 to vector<16xf32>
      %mul3A_178 = arith.mulf %scan3A_171, %mul3A_177 : vector<16xf32>
      %select_n3A_179 = arith.select %ge3A_175, %scan3A_171, %mul3A_178 : vector<16xi1>, vector<16xf32>
      %mul3A_180 = vector.broadcast %scan3A_23 : f32 to vector<16xf32>
      %mul3A_181 = arith.mulf %select_n3A_179, %mul3A_180 : vector<16xf32>
      %exp3A_182 = math.exp %mul3A_181 : vector<16xf32>
      %swap3A_183 = arith.constant 48 : index
      %swap3A_184 = tpu.vector_load %arg12[%swap3A_183] {strides = array<i32>} : memref<80xf32, #tpu.memory_space<vmem>>, vector<16xf32>,
      tpu.vector_store %arg12[%swap3A_183], %exp3A_182 {strides = array<i32>} : memref<80xf32, #tpu.memory_space<vmem>>, vector<16xf32>,
      %add3A_185 = arith.constant 64 : i32
      %add3A_186 = vector.broadcast %add3A_185 : i32 to vector<16xi32>
      %add3A_187 = arith.addi %iota3A, %add3A_186 : vector<16xi32>
      %get3A_188 = arith.constant 64 : index
      %get3A_189 = tpu.vector_load %arg8[%get3A_188] {strides = array<i32>} : memref<80xi32, #tpu.memory_space<vmem>>, vector<16xi32>,
      %and3A_190 = arith.constant 1 : i32
      %and3A_191 = vector.broadcast %and3A_190 : i32 to vector<16xi32>
      %and3A_192 = arith.andi %get3A_189, %and3A_191 : vector<16xi32>
      %mul3A_193 = arith.constant 64 : i32
      %mul3A_194 = vector.broadcast %mul3A_193 : i32 to vector<16xi32>
      %mul3A_195 = arith.muli %and3A_192, %mul3A_194 : vector<16xi32>
      %scan3A_196 = arith.constant 0 : i32
      %scan3A_197 = arith.constant 4 : i32
      %scan3A_198 = arith.addi %scan3A_196, %scan3A_197 : i32
      %scan3A_199 = arith.constant 1 : i32
      %scan3A_200 = scf.for %scan3A_219 = %scan3A_196 to %scan3A_198 step %scan3A_199 iter_args(%scan3A_220 = %broadcast_in_dim3A_1) -> (vector<16xf32>)  : i32 {
        %mul3A_221 = arith.constant 16 : i32
        %mul3A_222 = arith.muli %scan3A_219, %mul3A_221 : i32
        %add3A_223 = arith.constant 0 : i32
        %add3A_224 = arith.addi %mul3A_222, %add3A_223 : i32
        %broadcast_in_dim3A_225 = vector.broadcast %add3A_224 : i32 to vector<16xi32>
        %gather3A = tpu.vector_load_idx %arg10[%add3A_187, %broadcast_in_dim3A_225] : memref<80x128xf32, #tpu.memory_space<vmem>>[vector<16xi32>, vector<16xi32>], vector<16xf32>,
        %add3A_226 = vector.broadcast %add3A_224 : i32 to vector<16xi32>
        %add3A_227 = arith.addi %mul3A_195, %add3A_226 : vector<16xi32>
        %gather3A_228 = tpu.vector_load_idx %arg11[%add3A_187, %add3A_227] : memref<80x128xf32, #tpu.memory_space<vmem>>[vector<16xi32>, vector<16xi32>], vector<16xf32>,
        %mul3A_229 = arith.mulf %gather3A, %gather3A_228 : vector<16xf32>
        %add3A_230 = arith.addf %scan3A_220, %mul3A_229 : vector<16xf32>
        %mul3A_231 = arith.constant 16 : i32
        %mul3A_232 = arith.muli %scan3A_219, %mul3A_231 : i32
        %add3A_233 = arith.constant 1 : i32
        %add3A_234 = arith.addi %mul3A_232, %add3A_233 : i32
        %broadcast_in_dim3A_235 = vector.broadcast %add3A_234 : i32 to vector<16xi32>
        %gather3A_236 = tpu.vector_load_idx %arg10[%add3A_187, %broadcast_in_dim3A_235] : memref<80x128xf32, #tpu.memory_space<vmem>>[vector<16xi32>, vector<16xi32>], vector<16xf32>,
        %add3A_237 = vector.broadcast %add3A_234 : i32 to vector<16xi32>
        %add3A_238 = arith.addi %mul3A_195, %add3A_237 : vector<16xi32>
        %gather3A_239 = tpu.vector_load_idx %arg11[%add3A_187, %add3A_238] : memref<80x128xf32, #tpu.memory_space<vmem>>[vector<16xi32>, vector<16xi32>], vector<16xf32>,
        %mul3A_240 = arith.mulf %gather3A_236, %gather3A_239 : vector<16xf32>
        %add3A_241 = arith.addf %add3A_230, %mul3A_240 : vector<16xf32>
        %mul3A_242 = arith.constant 16 : i32
        %mul3A_243 = arith.muli %scan3A_219, %mul3A_242 : i32
        %add3A_244 = arith.constant 2 : i32
        %add3A_245 = arith.addi %mul3A_243, %add3A_244 : i32
        %broadcast_in_dim3A_246 = vector.broadcast %add3A_245 : i32 to vector<16xi32>
        %gather3A_247 = tpu.vector_load_idx %arg10[%add3A_187, %broadcast_in_dim3A_246] : memref<80x128xf32, #tpu.memory_space<vmem>>[vector<16xi32>, vector<16xi32>], vector<16xf32>,
        %add3A_248 = vector.broadcast %add3A_245 : i32 to vector<16xi32>
        %add3A_249 = arith.addi %mul3A_195, %add3A_248 : vector<16xi32>
        %gather3A_250 = tpu.vector_load_idx %arg11[%add3A_187, %add3A_249] : memref<80x128xf32, #tpu.memory_space<vmem>>[vector<16xi32>, vector<16xi32>], vector<16xf32>,
        %mul3A_251 = arith.mulf %gather3A_247, %gather3A_250 : vector<16xf32>
        %add3A_252 = arith.addf %add3A_241, %mul3A_251 : vector<16xf32>
        %mul3A_253 = arith.constant 16 : i32
        %mul3A_254 = arith.muli %scan3A_219, %mul3A_253 : i32
        %add3A_255 = arith.constant 3 : i32
        %add3A_256 = arith.addi %mul3A_254, %add3A_255 : i32
        %broadcast_in_dim3A_257 = vector.broadcast %add3A_256 : i32 to vector<16xi32>
        %gather3A_258 = tpu.vector_load_idx %arg10[%add3A_187, %broadcast_in_dim3A_257] : memref<80x128xf32, #tpu.memory_space<vmem>>[vector<16xi32>, vector<16xi32>], vector<16xf32>,
        %add3A_259 = vector.broadcast %add3A_256 : i32 to vector<16xi32>
        %add3A_260 = arith.addi %mul3A_195, %add3A_259 : vector<16xi32>
        %gather3A_261 = tpu.vector_load_idx %arg11[%add3A_187, %add3A_260] : memref<80x128xf32, #tpu.memory_space<vmem>>[vector<16xi32>, vector<16xi32>], vector<16xf32>,
        %mul3A_262 = arith.mulf %gather3A_258, %gather3A_261 : vector<16xf32>
        %add3A_263 = arith.addf %add3A_252, %mul3A_262 : vector<16xf32>
        %mul3A_264 = arith.constant 16 : i32
        %mul3A_265 = arith.muli %scan3A_219, %mul3A_264 : i32
        %add3A_266 = arith.constant 4 : i32
        %add3A_267 = arith.addi %mul3A_265, %add3A_266 : i32
        %broadcast_in_dim3A_268 = vector.broadcast %add3A_267 : i32 to vector<16xi32>
        %gather3A_269 = tpu.vector_load_idx %arg10[%add3A_187, %broadcast_in_dim3A_268] : memref<80x128xf32, #tpu.memory_space<vmem>>[vector<16xi32>, vector<16xi32>], vector<16xf32>,
        %add3A_270 = vector.broadcast %add3A_267 : i32 to vector<16xi32>
        %add3A_271 = arith.addi %mul3A_195, %add3A_270 : vector<16xi32>
        %gather3A_272 = tpu.vector_load_idx %arg11[%add3A_187, %add3A_271] : memref<80x128xf32, #tpu.memory_space<vmem>>[vector<16xi32>, vector<16xi32>], vector<16xf32>,
        %mul3A_273 = arith.mulf %gather3A_269, %gather3A_272 : vector<16xf32>
        %add3A_274 = arith.addf %add3A_263, %mul3A_273 : vector<16xf32>
        %mul3A_275 = arith.constant 16 : i32
        %mul3A_276 = arith.muli %scan3A_219, %mul3A_275 : i32
        %add3A_277 = arith.constant 5 : i32
        %add3A_278 = arith.addi %mul3A_276, %add3A_277 : i32
        %broadcast_in_dim3A_279 = vector.broadcast %add3A_278 : i32 to vector<16xi32>
        %gather3A_280 = tpu.vector_load_idx %arg10[%add3A_187, %broadcast_in_dim3A_279] : memref<80x128xf32, #tpu.memory_space<vmem>>[vector<16xi32>, vector<16xi32>], vector<16xf32>,
        %add3A_281 = vector.broadcast %add3A_278 : i32 to vector<16xi32>
        %add3A_282 = arith.addi %mul3A_195, %add3A_281 : vector<16xi32>
        %gather3A_283 = tpu.vector_load_idx %arg11[%add3A_187, %add3A_282] : memref<80x128xf32, #tpu.memory_space<vmem>>[vector<16xi32>, vector<16xi32>], vector<16xf32>,
        %mul3A_284 = arith.mulf %gather3A_280, %gather3A_283 : vector<16xf32>
        %add3A_285 = arith.addf %add3A_274, %mul3A_284 : vector<16xf32>
        %mul3A_286 = arith.constant 16 : i32
        %mul3A_287 = arith.muli %scan3A_219, %mul3A_286 : i32
        %add3A_288 = arith.constant 6 : i32
        %add3A_289 = arith.addi %mul3A_287, %add3A_288 : i32
        %broadcast_in_dim3A_290 = vector.broadcast %add3A_289 : i32 to vector<16xi32>
        %gather3A_291 = tpu.vector_load_idx %arg10[%add3A_187, %broadcast_in_dim3A_290] : memref<80x128xf32, #tpu.memory_space<vmem>>[vector<16xi32>, vector<16xi32>], vector<16xf32>,
        %add3A_292 = vector.broadcast %add3A_289 : i32 to vector<16xi32>
        %add3A_293 = arith.addi %mul3A_195, %add3A_292 : vector<16xi32>
        %gather3A_294 = tpu.vector_load_idx %arg11[%add3A_187, %add3A_293] : memref<80x128xf32, #tpu.memory_space<vmem>>[vector<16xi32>, vector<16xi32>], vector<16xf32>,
        %mul3A_295 = arith.mulf %gather3A_291, %gather3A_294 : vector<16xf32>
        %add3A_296 = arith.addf %add3A_285, %mul3A_295 : vector<16xf32>
        %mul3A_297 = arith.constant 16 : i32
        %mul3A_298 = arith.muli %scan3A_219, %mul3A_297 : i32
        %add3A_299 = arith.constant 7 : i32
        %add3A_300 = arith.addi %mul3A_298, %add3A_299 : i32
        %broadcast_in_dim3A_301 = vector.broadcast %add3A_300 : i32 to vector<16xi32>
        %gather3A_302 = tpu.vector_load_idx %arg10[%add3A_187, %broadcast_in_dim3A_301] : memref<80x128xf32, #tpu.memory_space<vmem>>[vector<16xi32>, vector<16xi32>], vector<16xf32>,
        %add3A_303 = vector.broadcast %add3A_300 : i32 to vector<16xi32>
        %add3A_304 = arith.addi %mul3A_195, %add3A_303 : vector<16xi32>
        %gather3A_305 = tpu.vector_load_idx %arg11[%add3A_187, %add3A_304] : memref<80x128xf32, #tpu.memory_space<vmem>>[vector<16xi32>, vector<16xi32>], vector<16xf32>,
        %mul3A_306 = arith.mulf %gather3A_302, %gather3A_305 : vector<16xf32>
        %add3A_307 = arith.addf %add3A_296, %mul3A_306 : vector<16xf32>
        %mul3A_308 = arith.constant 16 : i32
        %mul3A_309 = arith.muli %scan3A_219, %mul3A_308 : i32
        %add3A_310 = arith.constant 8 : i32
        %add3A_311 = arith.addi %mul3A_309, %add3A_310 : i32
        %broadcast_in_dim3A_312 = vector.broadcast %add3A_311 : i32 to vector<16xi32>
        %gather3A_313 = tpu.vector_load_idx %arg10[%add3A_187, %broadcast_in_dim3A_312] : memref<80x128xf32, #tpu.memory_space<vmem>>[vector<16xi32>, vector<16xi32>], vector<16xf32>,
        %add3A_314 = vector.broadcast %add3A_311 : i32 to vector<16xi32>
        %add3A_315 = arith.addi %mul3A_195, %add3A_314 : vector<16xi32>
        %gather3A_316 = tpu.vector_load_idx %arg11[%add3A_187, %add3A_315] : memref<80x128xf32, #tpu.memory_space<vmem>>[vector<16xi32>, vector<16xi32>], vector<16xf32>,
        %mul3A_317 = arith.mulf %gather3A_313, %gather3A_316 : vector<16xf32>
        %add3A_318 = arith.addf %add3A_307, %mul3A_317 : vector<16xf32>
        %mul3A_319 = arith.constant 16 : i32
        %mul3A_320 = arith.muli %scan3A_219, %mul3A_319 : i32
        %add3A_321 = arith.constant 9 : i32
        %add3A_322 = arith.addi %mul3A_320, %add3A_321 : i32
        %broadcast_in_dim3A_323 = vector.broadcast %add3A_322 : i32 to vector<16xi32>
        %gather3A_324 = tpu.vector_load_idx %arg10[%add3A_187, %broadcast_in_dim3A_323] : memref<80x128xf32, #tpu.memory_space<vmem>>[vector<16xi32>, vector<16xi32>], vector<16xf32>,
        %add3A_325 = vector.broadcast %add3A_322 : i32 to vector<16xi32>
        %add3A_326 = arith.addi %mul3A_195, %add3A_325 : vector<16xi32>
        %gather3A_327 = tpu.vector_load_idx %arg11[%add3A_187, %add3A_326] : memref<80x128xf32, #tpu.memory_space<vmem>>[vector<16xi32>, vector<16xi32>], vector<16xf32>,
        %mul3A_328 = arith.mulf %gather3A_324, %gather3A_327 : vector<16xf32>
        %add3A_329 = arith.addf %add3A_318, %mul3A_328 : vector<16xf32>
        %mul3A_330 = arith.constant 16 : i32
        %mul3A_331 = arith.muli %scan3A_219, %mul3A_330 : i32
        %add3A_332 = arith.constant 10 : i32
        %add3A_333 = arith.addi %mul3A_331, %add3A_332 : i32
        %broadcast_in_dim3A_334 = vector.broadcast %add3A_333 : i32 to vector<16xi32>
        %gather3A_335 = tpu.vector_load_idx %arg10[%add3A_187, %broadcast_in_dim3A_334] : memref<80x128xf32, #tpu.memory_space<vmem>>[vector<16xi32>, vector<16xi32>], vector<16xf32>,
        %add3A_336 = vector.broadcast %add3A_333 : i32 to vector<16xi32>
        %add3A_337 = arith.addi %mul3A_195, %add3A_336 : vector<16xi32>
        %gather3A_338 = tpu.vector_load_idx %arg11[%add3A_187, %add3A_337] : memref<80x128xf32, #tpu.memory_space<vmem>>[vector<16xi32>, vector<16xi32>], vector<16xf32>,
        %mul3A_339 = arith.mulf %gather3A_335, %gather3A_338 : vector<16xf32>
        %add3A_340 = arith.addf %add3A_329, %mul3A_339 : vector<16xf32>
        %mul3A_341 = arith.constant 16 : i32
        %mul3A_342 = arith.muli %scan3A_219, %mul3A_341 : i32
        %add3A_343 = arith.constant 11 : i32
        %add3A_344 = arith.addi %mul3A_342, %add3A_343 : i32
        %broadcast_in_dim3A_345 = vector.broadcast %add3A_344 : i32 to vector<16xi32>
        %gather3A_346 = tpu.vector_load_idx %arg10[%add3A_187, %broadcast_in_dim3A_345] : memref<80x128xf32, #tpu.memory_space<vmem>>[vector<16xi32>, vector<16xi32>], vector<16xf32>,
        %add3A_347 = vector.broadcast %add3A_344 : i32 to vector<16xi32>
        %add3A_348 = arith.addi %mul3A_195, %add3A_347 : vector<16xi32>
        %gather3A_349 = tpu.vector_load_idx %arg11[%add3A_187, %add3A_348] : memref<80x128xf32, #tpu.memory_space<vmem>>[vector<16xi32>, vector<16xi32>], vector<16xf32>,
        %mul3A_350 = arith.mulf %gather3A_346, %gather3A_349 : vector<16xf32>
        %add3A_351 = arith.addf %add3A_340, %mul3A_350 : vector<16xf32>
        %mul3A_352 = arith.constant 16 : i32
        %mul3A_353 = arith.muli %scan3A_219, %mul3A_352 : i32
        %add3A_354 = arith.constant 12 : i32
        %add3A_355 = arith.addi %mul3A_353, %add3A_354 : i32
        %broadcast_in_dim3A_356 = vector.broadcast %add3A_355 : i32 to vector<16xi32>
        %gather3A_357 = tpu.vector_load_idx %arg10[%add3A_187, %broadcast_in_dim3A_356] : memref<80x128xf32, #tpu.memory_space<vmem>>[vector<16xi32>, vector<16xi32>], vector<16xf32>,
        %add3A_358 = vector.broadcast %add3A_355 : i32 to vector<16xi32>
        %add3A_359 = arith.addi %mul3A_195, %add3A_358 : vector<16xi32>
        %gather3A_360 = tpu.vector_load_idx %arg11[%add3A_187, %add3A_359] : memref<80x128xf32, #tpu.memory_space<vmem>>[vector<16xi32>, vector<16xi32>], vector<16xf32>,
        %mul3A_361 = arith.mulf %gather3A_357, %gather3A_360 : vector<16xf32>
        %add3A_362 = arith.addf %add3A_351, %mul3A_361 : vector<16xf32>
        %mul3A_363 = arith.constant 16 : i32
        %mul3A_364 = arith.muli %scan3A_219, %mul3A_363 : i32
        %add3A_365 = arith.constant 13 : i32
        %add3A_366 = arith.addi %mul3A_364, %add3A_365 : i32
        %broadcast_in_dim3A_367 = vector.broadcast %add3A_366 : i32 to vector<16xi32>
        %gather3A_368 = tpu.vector_load_idx %arg10[%add3A_187, %broadcast_in_dim3A_367] : memref<80x128xf32, #tpu.memory_space<vmem>>[vector<16xi32>, vector<16xi32>], vector<16xf32>,
        %add3A_369 = vector.broadcast %add3A_366 : i32 to vector<16xi32>
        %add3A_370 = arith.addi %mul3A_195, %add3A_369 : vector<16xi32>
        %gather3A_371 = tpu.vector_load_idx %arg11[%add3A_187, %add3A_370] : memref<80x128xf32, #tpu.memory_space<vmem>>[vector<16xi32>, vector<16xi32>], vector<16xf32>,
        %mul3A_372 = arith.mulf %gather3A_368, %gather3A_371 : vector<16xf32>
        %add3A_373 = arith.addf %add3A_362, %mul3A_372 : vector<16xf32>
        %mul3A_374 = arith.constant 16 : i32
        %mul3A_375 = arith.muli %scan3A_219, %mul3A_374 : i32
        %add3A_376 = arith.constant 14 : i32
        %add3A_377 = arith.addi %mul3A_375, %add3A_376 : i32
        %broadcast_in_dim3A_378 = vector.broadcast %add3A_377 : i32 to vector<16xi32>
        %gather3A_379 = tpu.vector_load_idx %arg10[%add3A_187, %broadcast_in_dim3A_378] : memref<80x128xf32, #tpu.memory_space<vmem>>[vector<16xi32>, vector<16xi32>], vector<16xf32>,
        %add3A_380 = vector.broadcast %add3A_377 : i32 to vector<16xi32>
        %add3A_381 = arith.addi %mul3A_195, %add3A_380 : vector<16xi32>
        %gather3A_382 = tpu.vector_load_idx %arg11[%add3A_187, %add3A_381] : memref<80x128xf32, #tpu.memory_space<vmem>>[vector<16xi32>, vector<16xi32>], vector<16xf32>,
        %mul3A_383 = arith.mulf %gather3A_379, %gather3A_382 : vector<16xf32>
        %add3A_384 = arith.addf %add3A_373, %mul3A_383 : vector<16xf32>
        %mul3A_385 = arith.constant 16 : i32
        %mul3A_386 = arith.muli %scan3A_219, %mul3A_385 : i32
        %add3A_387 = arith.constant 15 : i32
        %add3A_388 = arith.addi %mul3A_386, %add3A_387 : i32
        %broadcast_in_dim3A_389 = vector.broadcast %add3A_388 : i32 to vector<16xi32>
        %gather3A_390 = tpu.vector_load_idx %arg10[%add3A_187, %broadcast_in_dim3A_389] : memref<80x128xf32, #tpu.memory_space<vmem>>[vector<16xi32>, vector<16xi32>], vector<16xf32>,
        %add3A_391 = vector.broadcast %add3A_388 : i32 to vector<16xi32>
        %add3A_392 = arith.addi %mul3A_195, %add3A_391 : vector<16xi32>
        %gather3A_393 = tpu.vector_load_idx %arg11[%add3A_187, %add3A_392] : memref<80x128xf32, #tpu.memory_space<vmem>>[vector<16xi32>, vector<16xi32>], vector<16xf32>,
        %mul3A_394 = arith.mulf %gather3A_390, %gather3A_393 : vector<16xf32>
        %add3A_395 = arith.addf %add3A_384, %mul3A_394 : vector<16xf32>
        scf.yield %add3A_395 : vector<16xf32>
      }
      %scan3A_201 = arith.constant 4 : i32
      %ge3A_202 = arith.constant 0.000000e+00 : f32
      %ge3A_203 = vector.broadcast %ge3A_202 : f32 to vector<16xf32>
      %ge3A_204 = arith.cmpf oge, %scan3A_200, %ge3A_203 : vector<16xf32>
      %mul3A_205 = arith.constant 0.00999999977 : f32
      %mul3A_206 = vector.broadcast %mul3A_205 : f32 to vector<16xf32>
      %mul3A_207 = arith.mulf %scan3A_200, %mul3A_206 : vector<16xf32>
      %select_n3A_208 = arith.select %ge3A_204, %scan3A_200, %mul3A_207 : vector<16xi1>, vector<16xf32>
      %mul3A_209 = vector.broadcast %scan3A_23 : f32 to vector<16xf32>
      %mul3A_210 = arith.mulf %select_n3A_208, %mul3A_209 : vector<16xf32>
      %exp3A_211 = math.exp %mul3A_210 : vector<16xf32>
      %swap3A_212 = arith.constant 64 : index
      %swap3A_213 = tpu.vector_load %arg12[%swap3A_212] {strides = array<i32>} : memref<80xf32, #tpu.memory_space<vmem>>, vector<16xf32>,
      tpu.vector_store %arg12[%swap3A_212], %exp3A_211 {strides = array<i32>} : memref<80xf32, #tpu.memory_space<vmem>>, vector<16xf32>,
      %scan3A_214 = arith.constant 0 : i32
      %scan3A_215 = arith.constant 80 : i32
      %scan3A_216 = arith.addi %scan3A_214, %scan3A_215 : i32
      %scan3A_217 = arith.constant 1 : i32
      scf.for %scan3A_219 = %scan3A_214 to %scan3A_216 step %scan3A_217  : i32 {
        %mul3A_220 = arith.constant 1 : i32
        %mul3A_221 = arith.muli %scan3A_219, %mul3A_220 : i32
        %add3A_222 = arith.constant 0 : i32
        %add3A_223 = arith.addi %add3A_222, %mul3A_221 : i32
        %broadcast_in_dim3A_224 = vector.broadcast %add3A_223 : i32 to vector<16xi32>
        %gather3A = tpu.vector_load_idx %arg12[%broadcast_in_dim3A_224] : memref<80xf32, #tpu.memory_space<vmem>>[vector<16xi32>], vector<16xf32>,
        %get3A_225 = arith.index_cast %add3A_223 : i32 to index
        %get3A_226 = arith.constant 64 : index
        %get3A_227 = tpu.vector_load %arg10[%get3A_225, %get3A_226] {strides = array<i32>} : memref<80x128xf32, #tpu.memory_space<vmem>>, vector<16xf32>,
        %mul3A_228 = arith.mulf %gather3A, %get3A_227 : vector<16xf32>
        %swap3A_229 = arith.index_cast %add3A_223 : i32 to index
        %swap3A_230 = arith.constant 0 : index
        %swap3A_231 = tpu.vector_load %arg13[%swap3A_229, %swap3A_230] {strides = array<i32>} : memref<80x128xf32, #tpu.memory_space<vmem>>, vector<16xf32>,
        tpu.vector_store %arg13[%swap3A_229, %swap3A_230], %mul3A_228 {strides = array<i32>} : memref<80x128xf32, #tpu.memory_space<vmem>>, vector<16xf32>,
        %get3A_232 = arith.index_cast %add3A_223 : i32 to index
        %get3A_233 = arith.constant 80 : index
        %get3A_234 = tpu.vector_load %arg10[%get3A_232, %get3A_233] {strides = array<i32>} : memref<80x128xf32, #tpu.memory_space<vmem>>, vector<16xf32>,
        %mul3A_235 = arith.mulf %gather3A, %get3A_234 : vector<16xf32>
        %swap3A_236 = arith.index_cast %add3A_223 : i32 to index
        %swap3A_237 = arith.constant 16 : index
        %swap3A_238 = tpu.vector_load %arg13[%swap3A_236, %swap3A_237] {strides = array<i32>} : memref<80x128xf32, #tpu.memory_space<vmem>>, vector<16xf32>,
        tpu.vector_store %arg13[%swap3A_236, %swap3A_237], %mul3A_235 {strides = array<i32>} : memref<80x128xf32, #tpu.memory_space<vmem>>, vector<16xf32>,
        %get3A_239 = arith.index_cast %add3A_223 : i32 to index
        %get3A_240 = arith.constant 96 : index
        %get3A_241 = tpu.vector_load %arg10[%get3A_239, %get3A_240] {strides = array<i32>} : memref<80x128xf32, #tpu.memory_space<vmem>>, vector<16xf32>,
        %mul3A_242 = arith.mulf %gather3A, %get3A_241 : vector<16xf32>
        %swap3A_243 = arith.index_cast %add3A_223 : i32 to index
        %swap3A_244 = arith.constant 32 : index
        %swap3A_245 = tpu.vector_load %arg13[%swap3A_243, %swap3A_244] {strides = array<i32>} : memref<80x128xf32, #tpu.memory_space<vmem>>, vector<16xf32>,
        tpu.vector_store %arg13[%swap3A_243, %swap3A_244], %mul3A_242 {strides = array<i32>} : memref<80x128xf32, #tpu.memory_space<vmem>>, vector<16xf32>,
        %get3A_246 = arith.index_cast %add3A_223 : i32 to index
        %get3A_247 = arith.constant 112 : index
        %get3A_248 = tpu.vector_load %arg10[%get3A_246, %get3A_247] {strides = array<i32>} : memref<80x128xf32, #tpu.memory_space<vmem>>, vector<16xf32>,
        %mul3A_249 = arith.mulf %gather3A, %get3A_248 : vector<16xf32>
        %swap3A_250 = arith.index_cast %add3A_223 : i32 to index
        %swap3A_251 = arith.constant 48 : index
        %swap3A_252 = tpu.vector_load %arg13[%swap3A_250, %swap3A_251] {strides = array<i32>} : memref<80x128xf32, #tpu.memory_space<vmem>>, vector<16xf32>,
        tpu.vector_store %arg13[%swap3A_250, %swap3A_251], %mul3A_249 {strides = array<i32>} : memref<80x128xf32, #tpu.memory_space<vmem>>, vector<16xf32>,
        %mul3A_253 = arith.mulf %gather3A, %select_n3A : vector<16xf32>
        %swap3A_254 = arith.index_cast %add3A_223 : i32 to index
        %swap3A_255 = arith.constant 64 : index
        %swap3A_256 = tpu.vector_load %arg13[%swap3A_254, %swap3A_255] {strides = array<i32>} : memref<80x128xf32, #tpu.memory_space<vmem>>, vector<16xf32>,
        tpu.vector_store %arg13[%swap3A_254, %swap3A_255], %mul3A_253 {strides = array<i32>} : memref<80x128xf32, #tpu.memory_space<vmem>>, vector<16xf32>,
      }
      %scan3A_218 = arith.constant 80 : i32
      "tpu.region"() ({
        %run_scoped3A = tpu.sem_alloc : memref<!tpu.dma_semaphore, #tpu.memory_space<semaphore_mem>>
        %dma_start3A = arith.constant 0 : i32
        %dma_start3A_219 = arith.constant 0 : i32
        %dma_start3A_220 = tpu.memref_slice %arg15[%dma_start3A, %dma_start3A_219] : memref<5120x128xf32, #tpu.memory_space<vmem_shared>> -> memref<5120x128xf32, #tpu.memory_space<vmem_shared>>
        tpu.enqueue_indirect_dma source(%arg13 : memref<80x128xf32, #tpu.memory_space<vmem>>) target(%dma_start3A_220 : memref<5120x128xf32, #tpu.memory_space<vmem_shared>>) offsets(%arg8 : memref<80xi32, #tpu.memory_space<vmem>>) semaphore(%run_scoped3A : memref<!tpu.dma_semaphore, #tpu.memory_space<semaphore_mem>>) {add = true}
        %dma_wait3A = arith.constant 0 : i32
        %dma_wait3A_221 = arith.constant 0 : i32
        %dma_wait3A_222 = tpu.memref_slice %arg15[%dma_wait3A, %dma_wait3A_221] : memref<5120x128xf32, #tpu.memory_space<vmem_shared>> -> memref<5120x128xf32, #tpu.memory_space<vmem_shared>>
        tpu.wait_indirect_dma semaphore(%run_scoped3A : memref<!tpu.dma_semaphore, #tpu.memory_space<semaphore_mem>>) src(%arg13 : memref<80x128xf32, #tpu.memory_space<vmem>>) dst(%dma_wait3A_222 : memref<5120x128xf32, #tpu.memory_space<vmem_shared>>)
        tpu.yield
      }) : () -> ()
    }
    %scan3A_28 = arith.constant 125 : i32
    %barrier3A_29 = arith.constant 0 : index
    tpu.barrier barrier_id(%barrier3A_29)
    %mul3A_30 = arith.constant 320 : i32
    %mul3A_31 = arith.muli %arg1, %mul3A_30 : i32
    "tpu.region"() ({
      %run_scoped3A = tpu.sem_alloc : memref<!tpu.dma_semaphore, #tpu.memory_space<semaphore_mem>>
      %dma_start3A = arith.constant 0 : i32
      %dma_start3A_32 = tpu.memref_slice %arg6[%arg0, %mul3A_31, %dma_start3A] : memref<2x5120x128xf32, #tpu.memory_space<hbm>> -> memref<1x320x128xf32, #tpu.memory_space<hbm>>
      %dma_start3A_33 = tpu.memref_squeeze %dma_start3A_32 : memref<1x320x128xf32, #tpu.memory_space<hbm>> -> memref<320x128xf32, #tpu.memory_space<hbm>>
      %dma_start3A_34 = arith.constant 0 : i32
      %dma_start3A_35 = tpu.memref_slice %arg15[%mul3A_31, %dma_start3A_34] : memref<5120x128xf32, #tpu.memory_space<vmem_shared>> -> memref<320x128xf32, #tpu.memory_space<vmem_shared>>
      tpu.enqueue_dma source(%dma_start3A_35 : memref<320x128xf32, #tpu.memory_space<vmem_shared>>) target(%dma_start3A_33 : memref<320x128xf32, #tpu.memory_space<hbm>>) target_semaphore(%run_scoped3A : memref<!tpu.dma_semaphore, #tpu.memory_space<semaphore_mem>>)
      %dma_wait3A = arith.constant 0 : i32
      %dma_wait3A_36 = tpu.memref_slice %arg6[%arg0, %mul3A_31, %dma_wait3A] : memref<2x5120x128xf32, #tpu.memory_space<hbm>> -> memref<1x320x128xf32, #tpu.memory_space<hbm>>
      %dma_wait3A_37 = tpu.memref_squeeze %dma_wait3A_36 : memref<1x320x128xf32, #tpu.memory_space<hbm>> -> memref<320x128xf32, #tpu.memory_space<hbm>>
      %dma_wait3A_38 = arith.constant 0 : i32
      %dma_wait3A_39 = tpu.memref_slice %arg15[%mul3A_31, %dma_wait3A_38] : memref<5120x128xf32, #tpu.memory_space<vmem_shared>> -> memref<320x128xf32, #tpu.memory_space<vmem_shared>>
      tpu.wait_dma2 semaphore(%run_scoped3A : memref<!tpu.dma_semaphore, #tpu.memory_space<semaphore_mem>>) src(%dma_wait3A_39 : memref<320x128xf32, #tpu.memory_space<vmem_shared>>) dst(%dma_wait3A_37 : memref<320x128xf32, #tpu.memory_space<hbm>>)
      tpu.yield
    }) : () -> ()
    return
  }
}

#map = affine_map<(d0, d1) -> (0, 0)>
#map1 = affine_map<(d0, d1) -> (0)>
#map2 = affine_map<(d0, d1) -> (0, 0, 0)>
module attributes {stable_mosaic.version = 14 : i64} {
  func.func @sc_pass(%arg0: i32, %arg1: i32, %arg2: memref<5000x128xf32, #tpu.memory_space<hbm>>, %arg3: memref<5000x128xf32, #tpu.memory_space<hbm>>, %arg4: memref<320000xi32, #tpu.memory_space<hbm>>, %arg5: memref<320000xi32, #tpu.memory_space<hbm>>, %arg6: memref<2x10112x128xf32, #tpu.memory_space<hbm>>, %arg7: memref<80xi32, #tpu.memory_space<vmem>>, %arg8: memref<80xi32, #tpu.memory_space<vmem>>, %arg9: memref<80xi32, #tpu.memory_space<vmem>>, %arg10: memref<80x128xf32, #tpu.memory_space<vmem>>, %arg11: memref<80x128xf32, #tpu.memory_space<vmem>>, %arg12: memref<80xf32, #tpu.memory_space<vmem>>, %arg13: memref<80x128xf32, #tpu.memory_space<vmem>>, %arg14: memref<8x128xf32, #tpu.memory_space<vmem>>, %arg15: memref<10112x128xf32, #tpu.memory_space<vmem_shared>>) attributes {dimension_semantics = [#tpu.dimension_semantics<core_parallel>, #tpu.dimension_semantics<subcore_parallel>], iteration_bounds = array<i64: 2, 16>, scalar_prefetch = 0 : i64, scratch_operands = 9 : i64, tpu.core_type = #tpu.core_type<sc_vector_subcore>, window_params = [{transform_indices = #map}, {transform_indices = #map}, {transform_indices = #map1}, {transform_indices = #map1}, {transform_indices = #map2}]} {
    %mul3A = arith.constant 16 : i32
    %mul3A_0 = arith.muli %arg0, %mul3A : i32
    %add3A = arith.addi %mul3A_0, %arg1 : i32
    %broadcast_in_dim3A = arith.constant 0.000000e+00 : f32
    %broadcast_in_dim3A_1 = vector.broadcast %broadcast_in_dim3A : f32 to vector<16xf32>
    %scan3A = arith.constant 0 : i32
    %scan3A_2 = arith.constant 8 : i32
    %scan3A_3 = arith.addi %scan3A, %scan3A_2 : i32
    %scan3A_4 = arith.constant 1 : i32
    scf.for %scan3A_32 = %scan3A to %scan3A_3 step %scan3A_4  : i32 {
      %mul3A_33 = arith.constant 1 : i32
      %mul3A_34 = arith.muli %scan3A_32, %mul3A_33 : i32
      %add3A_35 = arith.constant 0 : i32
      %add3A_36 = arith.addi %add3A_35, %mul3A_34 : i32
      %swap3A = arith.index_cast %add3A_36 : i32 to index
      %swap3A_37 = arith.constant 0 : index
      %swap3A_38 = tpu.vector_load %arg14[%swap3A, %swap3A_37] {strides = array<i32>} : memref<8x128xf32, #tpu.memory_space<vmem>>, vector<16xf32>,
      tpu.vector_store %arg14[%swap3A, %swap3A_37], %broadcast_in_dim3A_1 {strides = array<i32>} : memref<8x128xf32, #tpu.memory_space<vmem>>, vector<16xf32>,
      %swap3A_39 = arith.index_cast %add3A_36 : i32 to index
      %swap3A_40 = arith.constant 16 : index
      %swap3A_41 = tpu.vector_load %arg14[%swap3A_39, %swap3A_40] {strides = array<i32>} : memref<8x128xf32, #tpu.memory_space<vmem>>, vector<16xf32>,
      tpu.vector_store %arg14[%swap3A_39, %swap3A_40], %broadcast_in_dim3A_1 {strides = array<i32>} : memref<8x128xf32, #tpu.memory_space<vmem>>, vector<16xf32>,
      %swap3A_42 = arith.index_cast %add3A_36 : i32 to index
      %swap3A_43 = arith.constant 32 : index
      %swap3A_44 = tpu.vector_load %arg14[%swap3A_42, %swap3A_43] {strides = array<i32>} : memref<8x128xf32, #tpu.memory_space<vmem>>, vector<16xf32>,
      tpu.vector_store %arg14[%swap3A_42, %swap3A_43], %broadcast_in_dim3A_1 {strides = array<i32>} : memref<8x128xf32, #tpu.memory_space<vmem>>, vector<16xf32>,
      %swap3A_45 = arith.index_cast %add3A_36 : i32 to index
      %swap3A_46 = arith.constant 48 : index
      %swap3A_47 = tpu.vector_load %arg14[%swap3A_45, %swap3A_46] {strides = array<i32>} : memref<8x128xf32, #tpu.memory_space<vmem>>, vector<16xf32>,
      tpu.vector_store %arg14[%swap3A_45, %swap3A_46], %broadcast_in_dim3A_1 {strides = array<i32>} : memref<8x128xf32, #tpu.memory_space<vmem>>, vector<16xf32>,
      %swap3A_48 = arith.index_cast %add3A_36 : i32 to index
      %swap3A_49 = arith.constant 64 : index
      %swap3A_50 = tpu.vector_load %arg14[%swap3A_48, %swap3A_49] {strides = array<i32>} : memref<8x128xf32, #tpu.memory_space<vmem>>, vector<16xf32>,
      tpu.vector_store %arg14[%swap3A_48, %swap3A_49], %broadcast_in_dim3A_1 {strides = array<i32>} : memref<8x128xf32, #tpu.memory_space<vmem>>, vector<16xf32>,
      %swap3A_51 = arith.index_cast %add3A_36 : i32 to index
      %swap3A_52 = arith.constant 80 : index
      %swap3A_53 = tpu.vector_load %arg14[%swap3A_51, %swap3A_52] {strides = array<i32>} : memref<8x128xf32, #tpu.memory_space<vmem>>, vector<16xf32>,
      tpu.vector_store %arg14[%swap3A_51, %swap3A_52], %broadcast_in_dim3A_1 {strides = array<i32>} : memref<8x128xf32, #tpu.memory_space<vmem>>, vector<16xf32>,
      %swap3A_54 = arith.index_cast %add3A_36 : i32 to index
      %swap3A_55 = arith.constant 96 : index
      %swap3A_56 = tpu.vector_load %arg14[%swap3A_54, %swap3A_55] {strides = array<i32>} : memref<8x128xf32, #tpu.memory_space<vmem>>, vector<16xf32>,
      tpu.vector_store %arg14[%swap3A_54, %swap3A_55], %broadcast_in_dim3A_1 {strides = array<i32>} : memref<8x128xf32, #tpu.memory_space<vmem>>, vector<16xf32>,
      %swap3A_57 = arith.index_cast %add3A_36 : i32 to index
      %swap3A_58 = arith.constant 112 : index
      %swap3A_59 = tpu.vector_load %arg14[%swap3A_57, %swap3A_58] {strides = array<i32>} : memref<8x128xf32, #tpu.memory_space<vmem>>, vector<16xf32>,
      tpu.vector_store %arg14[%swap3A_57, %swap3A_58], %broadcast_in_dim3A_1 {strides = array<i32>} : memref<8x128xf32, #tpu.memory_space<vmem>>, vector<16xf32>,
    }
    %scan3A_5 = arith.constant 8 : i32
    %scan3A_6 = arith.constant 0 : i32
    %scan3A_7 = arith.constant 79 : i32
    %scan3A_8 = arith.addi %scan3A_6, %scan3A_7 : i32
    %scan3A_9 = arith.constant 1 : i32
    scf.for %scan3A_32 = %scan3A_6 to %scan3A_8 step %scan3A_9  : i32 {
      %mul3A_33 = arith.constant 1 : i32
      %mul3A_34 = arith.muli %scan3A_32, %mul3A_33 : i32
      %add3A_35 = arith.constant 0 : i32
      %add3A_36 = arith.addi %add3A_35, %mul3A_34 : i32
      %mul3A_37 = arith.constant 632 : i32
      %mul3A_38 = arith.muli %arg1, %mul3A_37 : i32
      %mul3A_39 = arith.constant 8 : i32
      %mul3A_40 = arith.muli %add3A_36, %mul3A_39 : i32
      %add3A_41 = arith.addi %mul3A_38, %mul3A_40 : i32
      "tpu.region"() ({
        %run_scoped3A = tpu.sem_alloc : memref<!tpu.dma_semaphore, #tpu.memory_space<semaphore_mem>>
        %dma_start3A = arith.constant 0 : i32
        %dma_start3A_42 = tpu.memref_slice %arg15[%add3A_41, %dma_start3A] : memref<10112x128xf32, #tpu.memory_space<vmem_shared>> -> memref<8x128xf32, #tpu.memory_space<vmem_shared>>
        %dma_start3A_43 = arith.constant 0 : i32
        %dma_start3A_44 = tpu.memref_slice %arg15[%add3A_41, %dma_start3A_43] : memref<10112x128xf32, #tpu.memory_space<vmem_shared>> -> memref<8x128xf32, #tpu.memory_space<vmem_shared>>
        tpu.enqueue_dma source(%arg14 : memref<8x128xf32, #tpu.memory_space<vmem>>) target(%dma_start3A_44 : memref<8x128xf32, #tpu.memory_space<vmem_shared>>) target_semaphore(%run_scoped3A : memref<!tpu.dma_semaphore, #tpu.memory_space<semaphore_mem>>)
        %dma_wait3A = arith.constant 0 : i32
        %dma_wait3A_45 = tpu.memref_slice %arg15[%add3A_41, %dma_wait3A] : memref<10112x128xf32, #tpu.memory_space<vmem_shared>> -> memref<8x128xf32, #tpu.memory_space<vmem_shared>>
        %dma_wait3A_46 = arith.constant 0 : i32
        %dma_wait3A_47 = tpu.memref_slice %arg15[%add3A_41, %dma_wait3A_46] : memref<10112x128xf32, #tpu.memory_space<vmem_shared>> -> memref<8x128xf32, #tpu.memory_space<vmem_shared>>
        tpu.wait_dma2 semaphore(%run_scoped3A : memref<!tpu.dma_semaphore, #tpu.memory_space<semaphore_mem>>) src(%arg14 : memref<8x128xf32, #tpu.memory_space<vmem>>) dst(%dma_wait3A_47 : memref<8x128xf32, #tpu.memory_space<vmem_shared>>)
        tpu.yield
      }) : () -> ()
    }
    %scan3A_10 = arith.constant 79 : i32
    %scan3A_11 = arith.constant 0 : i32
    %scan3A_12 = arith.constant 80 : i32
    %scan3A_13 = arith.addi %scan3A_11, %scan3A_12 : i32
    %scan3A_14 = arith.constant 1 : i32
    scf.for %scan3A_32 = %scan3A_11 to %scan3A_13 step %scan3A_14  : i32 {
      %mul3A_33 = arith.constant 1 : i32
      %mul3A_34 = arith.muli %scan3A_32, %mul3A_33 : i32
      %add3A_35 = arith.constant 0 : i32
      %add3A_36 = arith.addi %add3A_35, %mul3A_34 : i32
      %swap3A = arith.index_cast %add3A_36 : i32 to index
      %swap3A_37 = arith.constant 80 : index
      %swap3A_38 = tpu.vector_load %arg13[%swap3A, %swap3A_37] {strides = array<i32>} : memref<80x128xf32, #tpu.memory_space<vmem>>, vector<16xf32>,
      tpu.vector_store %arg13[%swap3A, %swap3A_37], %broadcast_in_dim3A_1 {strides = array<i32>} : memref<80x128xf32, #tpu.memory_space<vmem>>, vector<16xf32>,
      %swap3A_39 = arith.index_cast %add3A_36 : i32 to index
      %swap3A_40 = arith.constant 96 : index
      %swap3A_41 = tpu.vector_load %arg13[%swap3A_39, %swap3A_40] {strides = array<i32>} : memref<80x128xf32, #tpu.memory_space<vmem>>, vector<16xf32>,
      tpu.vector_store %arg13[%swap3A_39, %swap3A_40], %broadcast_in_dim3A_1 {strides = array<i32>} : memref<80x128xf32, #tpu.memory_space<vmem>>, vector<16xf32>,
      %swap3A_42 = arith.index_cast %add3A_36 : i32 to index
      %swap3A_43 = arith.constant 112 : index
      %swap3A_44 = tpu.vector_load %arg13[%swap3A_42, %swap3A_43] {strides = array<i32>} : memref<80x128xf32, #tpu.memory_space<vmem>>, vector<16xf32>,
      tpu.vector_store %arg13[%swap3A_42, %swap3A_43], %broadcast_in_dim3A_1 {strides = array<i32>} : memref<80x128xf32, #tpu.memory_space<vmem>>, vector<16xf32>,
    }
    %scan3A_15 = arith.constant 80 : i32
    %barrier3A = arith.constant 0 : index
    tpu.barrier barrier_id(%barrier3A)
    %iota3A = tpu.iota {dimensions = array<i32: 0>} : vector<16xi32>
    %eq3A = arith.constant 0 : i32
    %eq3A_16 = vector.broadcast %eq3A : i32 to vector<16xi32>
    %eq3A_17 = arith.cmpi eq, %iota3A, %eq3A_16 : vector<16xi32>
    %jit3A = arith.constant 1.000000e+00 : f32
    %jit3A_18 = arith.constant 0.000000e+00 : f32
    %broadcast_in_dim3A_19 = vector.broadcast %jit3A : f32 to vector<16xf32>
    %broadcast_in_dim3A_20 = vector.broadcast %jit3A_18 : f32 to vector<16xf32>
    %select_n3A = arith.select %eq3A_17, %broadcast_in_dim3A_19, %broadcast_in_dim3A_20 : vector<16xi1>, vector<16xf32>
    %mul3A_21 = arith.constant 10000 : i32
    %mul3A_22 = arith.muli %add3A, %mul3A_21 : i32
    %scan3A_23 = arith.constant 1.250000e-01 : f32
    %scan3A_24 = arith.constant 0 : i32
    %scan3A_25 = arith.constant 125 : i32
    %scan3A_26 = arith.addi %scan3A_24, %scan3A_25 : i32
    %scan3A_27 = arith.constant 1 : i32
    scf.for %scan3A_32 = %scan3A_24 to %scan3A_26 step %scan3A_27  : i32 {
      %mul3A_33 = arith.constant 1 : i32
      %mul3A_34 = arith.muli %scan3A_32, %mul3A_33 : i32
      %add3A_35 = arith.constant 0 : i32
      %add3A_36 = arith.addi %add3A_35, %mul3A_34 : i32
      %mul3A_37 = arith.constant 80 : i32
      %mul3A_38 = arith.muli %add3A_36, %mul3A_37 : i32
      %add3A_39 = arith.addi %mul3A_22, %mul3A_38 : i32
      "tpu.region"() ({
        %run_scoped3A = tpu.sem_alloc : memref<!tpu.dma_semaphore, #tpu.memory_space<semaphore_mem>>
        %dma_start3A = tpu.memref_slice %arg4[%add3A_39] : memref<320000xi32, #tpu.memory_space<hbm>> -> memref<80xi32, #tpu.memory_space<hbm>>
        %dma_start3A_219 = tpu.memref_slice %arg4[%add3A_39] : memref<320000xi32, #tpu.memory_space<hbm>> -> memref<80xi32, #tpu.memory_space<hbm>>
        tpu.enqueue_dma source(%dma_start3A_219 : memref<80xi32, #tpu.memory_space<hbm>>) target(%arg7 : memref<80xi32, #tpu.memory_space<vmem>>) target_semaphore(%run_scoped3A : memref<!tpu.dma_semaphore, #tpu.memory_space<semaphore_mem>>)
        %dma_wait3A = tpu.memref_slice %arg4[%add3A_39] : memref<320000xi32, #tpu.memory_space<hbm>> -> memref<80xi32, #tpu.memory_space<hbm>>
        %dma_wait3A_220 = tpu.memref_slice %arg4[%add3A_39] : memref<320000xi32, #tpu.memory_space<hbm>> -> memref<80xi32, #tpu.memory_space<hbm>>
        tpu.wait_dma2 semaphore(%run_scoped3A : memref<!tpu.dma_semaphore, #tpu.memory_space<semaphore_mem>>) src(%dma_wait3A_220 : memref<80xi32, #tpu.memory_space<hbm>>) dst(%arg7 : memref<80xi32, #tpu.memory_space<vmem>>)
        tpu.yield
      }) : () -> ()
      "tpu.region"() ({
        %run_scoped3A = tpu.sem_alloc : memref<!tpu.dma_semaphore, #tpu.memory_space<semaphore_mem>>
        %dma_start3A = tpu.memref_slice %arg5[%add3A_39] : memref<320000xi32, #tpu.memory_space<hbm>> -> memref<80xi32, #tpu.memory_space<hbm>>
        %dma_start3A_219 = tpu.memref_slice %arg5[%add3A_39] : memref<320000xi32, #tpu.memory_space<hbm>> -> memref<80xi32, #tpu.memory_space<hbm>>
        tpu.enqueue_dma source(%dma_start3A_219 : memref<80xi32, #tpu.memory_space<hbm>>) target(%arg8 : memref<80xi32, #tpu.memory_space<vmem>>) target_semaphore(%run_scoped3A : memref<!tpu.dma_semaphore, #tpu.memory_space<semaphore_mem>>)
        %dma_wait3A = tpu.memref_slice %arg5[%add3A_39] : memref<320000xi32, #tpu.memory_space<hbm>> -> memref<80xi32, #tpu.memory_space<hbm>>
        %dma_wait3A_220 = tpu.memref_slice %arg5[%add3A_39] : memref<320000xi32, #tpu.memory_space<hbm>> -> memref<80xi32, #tpu.memory_space<hbm>>
        tpu.wait_dma2 semaphore(%run_scoped3A : memref<!tpu.dma_semaphore, #tpu.memory_space<semaphore_mem>>) src(%dma_wait3A_220 : memref<80xi32, #tpu.memory_space<hbm>>) dst(%arg8 : memref<80xi32, #tpu.memory_space<vmem>>)
        tpu.yield
      }) : () -> ()
      %get3A = arith.constant 0 : index
      %get3A_40 = tpu.vector_load %arg8[%get3A] {strides = array<i32>} : memref<80xi32, #tpu.memory_space<vmem>>, vector<16xi32>,
      %shift_right_logical3A = arith.constant 1 : i32
      %shift_right_logical3A_41 = vector.broadcast %shift_right_logical3A : i32 to vector<16xi32>
      %shift_right_logical3A_42 = arith.shrui %get3A_40, %shift_right_logical3A_41 : vector<16xi32>
      %swap3A = arith.constant 0 : index
      %swap3A_43 = tpu.vector_load %arg9[%swap3A] {strides = array<i32>} : memref<80xi32, #tpu.memory_space<vmem>>, vector<16xi32>,
      tpu.vector_store %arg9[%swap3A], %shift_right_logical3A_42 {strides = array<i32>} : memref<80xi32, #tpu.memory_space<vmem>>, vector<16xi32>,
      %get3A_44 = arith.constant 16 : index
      %get3A_45 = tpu.vector_load %arg8[%get3A_44] {strides = array<i32>} : memref<80xi32, #tpu.memory_space<vmem>>, vector<16xi32>,
      %shift_right_logical3A_46 = arith.constant 1 : i32
      %shift_right_logical3A_47 = vector.broadcast %shift_right_logical3A_46 : i32 to vector<16xi32>
      %shift_right_logical3A_48 = arith.shrui %get3A_45, %shift_right_logical3A_47 : vector<16xi32>
      %swap3A_49 = arith.constant 16 : index
      %swap3A_50 = tpu.vector_load %arg9[%swap3A_49] {strides = array<i32>} : memref<80xi32, #tpu.memory_space<vmem>>, vector<16xi32>,
      tpu.vector_store %arg9[%swap3A_49], %shift_right_logical3A_48 {strides = array<i32>} : memref<80xi32, #tpu.memory_space<vmem>>, vector<16xi32>,
      %get3A_51 = arith.constant 32 : index
      %get3A_52 = tpu.vector_load %arg8[%get3A_51] {strides = array<i32>} : memref<80xi32, #tpu.memory_space<vmem>>, vector<16xi32>,
      %shift_right_logical3A_53 = arith.constant 1 : i32
      %shift_right_logical3A_54 = vector.broadcast %shift_right_logical3A_53 : i32 to vector<16xi32>
      %shift_right_logical3A_55 = arith.shrui %get3A_52, %shift_right_logical3A_54 : vector<16xi32>
      %swap3A_56 = arith.constant 32 : index
      %swap3A_57 = tpu.vector_load %arg9[%swap3A_56] {strides = array<i32>} : memref<80xi32, #tpu.memory_space<vmem>>, vector<16xi32>,
      tpu.vector_store %arg9[%swap3A_56], %shift_right_logical3A_55 {strides = array<i32>} : memref<80xi32, #tpu.memory_space<vmem>>, vector<16xi32>,
      %get3A_58 = arith.constant 48 : index
      %get3A_59 = tpu.vector_load %arg8[%get3A_58] {strides = array<i32>} : memref<80xi32, #tpu.memory_space<vmem>>, vector<16xi32>,
      %shift_right_logical3A_60 = arith.constant 1 : i32
      %shift_right_logical3A_61 = vector.broadcast %shift_right_logical3A_60 : i32 to vector<16xi32>
      %shift_right_logical3A_62 = arith.shrui %get3A_59, %shift_right_logical3A_61 : vector<16xi32>
      %swap3A_63 = arith.constant 48 : index
      %swap3A_64 = tpu.vector_load %arg9[%swap3A_63] {strides = array<i32>} : memref<80xi32, #tpu.memory_space<vmem>>, vector<16xi32>,
      tpu.vector_store %arg9[%swap3A_63], %shift_right_logical3A_62 {strides = array<i32>} : memref<80xi32, #tpu.memory_space<vmem>>, vector<16xi32>,
      %get3A_65 = arith.constant 64 : index
      %get3A_66 = tpu.vector_load %arg8[%get3A_65] {strides = array<i32>} : memref<80xi32, #tpu.memory_space<vmem>>, vector<16xi32>,
      %shift_right_logical3A_67 = arith.constant 1 : i32
      %shift_right_logical3A_68 = vector.broadcast %shift_right_logical3A_67 : i32 to vector<16xi32>
      %shift_right_logical3A_69 = arith.shrui %get3A_66, %shift_right_logical3A_68 : vector<16xi32>
      %swap3A_70 = arith.constant 64 : index
      %swap3A_71 = tpu.vector_load %arg9[%swap3A_70] {strides = array<i32>} : memref<80xi32, #tpu.memory_space<vmem>>, vector<16xi32>,
      tpu.vector_store %arg9[%swap3A_70], %shift_right_logical3A_69 {strides = array<i32>} : memref<80xi32, #tpu.memory_space<vmem>>, vector<16xi32>,
      "tpu.region"() ({
        %run_scoped3A = tpu.sem_alloc : memref<!tpu.dma_semaphore, #tpu.memory_space<semaphore_mem>>
        %dma_start3A = arith.constant 0 : i32
        %dma_start3A_219 = arith.constant 0 : i32
        %dma_start3A_220 = tpu.memref_slice %arg2[%dma_start3A, %dma_start3A_219] : memref<5000x128xf32, #tpu.memory_space<hbm>> -> memref<5000x128xf32, #tpu.memory_space<hbm>>
        tpu.enqueue_indirect_dma source(%dma_start3A_220 : memref<5000x128xf32, #tpu.memory_space<hbm>>) target(%arg10 : memref<80x128xf32, #tpu.memory_space<vmem>>) offsets(%arg7 : memref<80xi32, #tpu.memory_space<vmem>>) semaphore(%run_scoped3A : memref<!tpu.dma_semaphore, #tpu.memory_space<semaphore_mem>>)
        %dma_wait3A = arith.constant 0 : i32
        %dma_wait3A_221 = arith.constant 0 : i32
        %dma_wait3A_222 = tpu.memref_slice %arg2[%dma_wait3A, %dma_wait3A_221] : memref<5000x128xf32, #tpu.memory_space<hbm>> -> memref<5000x128xf32, #tpu.memory_space<hbm>>
        tpu.wait_indirect_dma semaphore(%run_scoped3A : memref<!tpu.dma_semaphore, #tpu.memory_space<semaphore_mem>>) src(%dma_wait3A_222 : memref<5000x128xf32, #tpu.memory_space<hbm>>) dst(%arg10 : memref<80x128xf32, #tpu.memory_space<vmem>>)
        tpu.yield
      }) : () -> ()
      "tpu.region"() ({
        %run_scoped3A = tpu.sem_alloc : memref<!tpu.dma_semaphore, #tpu.memory_space<semaphore_mem>>
        %dma_start3A = arith.constant 0 : i32
        %dma_start3A_219 = arith.constant 0 : i32
        %dma_start3A_220 = tpu.memref_slice %arg3[%dma_start3A, %dma_start3A_219] : memref<5000x128xf32, #tpu.memory_space<hbm>> -> memref<5000x128xf32, #tpu.memory_space<hbm>>
        tpu.enqueue_indirect_dma source(%dma_start3A_220 : memref<5000x128xf32, #tpu.memory_space<hbm>>) target(%arg11 : memref<80x128xf32, #tpu.memory_space<vmem>>) offsets(%arg9 : memref<80xi32, #tpu.memory_space<vmem>>) semaphore(%run_scoped3A : memref<!tpu.dma_semaphore, #tpu.memory_space<semaphore_mem>>)
        %dma_wait3A = arith.constant 0 : i32
        %dma_wait3A_221 = arith.constant 0 : i32
        %dma_wait3A_222 = tpu.memref_slice %arg3[%dma_wait3A, %dma_wait3A_221] : memref<5000x128xf32, #tpu.memory_space<hbm>> -> memref<5000x128xf32, #tpu.memory_space<hbm>>
        tpu.wait_indirect_dma semaphore(%run_scoped3A : memref<!tpu.dma_semaphore, #tpu.memory_space<semaphore_mem>>) src(%dma_wait3A_222 : memref<5000x128xf32, #tpu.memory_space<hbm>>) dst(%arg11 : memref<80x128xf32, #tpu.memory_space<vmem>>)
        tpu.yield
      }) : () -> ()
      %add3A_72 = arith.constant 0 : i32
      %add3A_73 = vector.broadcast %add3A_72 : i32 to vector<16xi32>
      %add3A_74 = arith.addi %iota3A, %add3A_73 : vector<16xi32>
      %get3A_75 = arith.constant 0 : index
      %get3A_76 = tpu.vector_load %arg8[%get3A_75] {strides = array<i32>} : memref<80xi32, #tpu.memory_space<vmem>>, vector<16xi32>,
      %and3A = arith.constant 1 : i32
      %and3A_77 = vector.broadcast %and3A : i32 to vector<16xi32>
      %and3A_78 = arith.andi %get3A_76, %and3A_77 : vector<16xi32>
      %mul3A_79 = arith.constant 64 : i32
      %mul3A_80 = vector.broadcast %mul3A_79 : i32 to vector<16xi32>
      %mul3A_81 = arith.muli %and3A_78, %mul3A_80 : vector<16xi32>
      %scan3A_82 = arith.constant 0 : i32
      %scan3A_83 = arith.constant 4 : i32
      %scan3A_84 = arith.addi %scan3A_82, %scan3A_83 : i32
      %scan3A_85 = arith.constant 1 : i32
      %scan3A_86 = scf.for %scan3A_219 = %scan3A_82 to %scan3A_84 step %scan3A_85 iter_args(%scan3A_220 = %broadcast_in_dim3A_1) -> (vector<16xf32>)  : i32 {
        %mul3A_221 = arith.constant 16 : i32
        %mul3A_222 = arith.muli %scan3A_219, %mul3A_221 : i32
        %add3A_223 = arith.constant 0 : i32
        %add3A_224 = arith.addi %mul3A_222, %add3A_223 : i32
        %broadcast_in_dim3A_225 = vector.broadcast %add3A_224 : i32 to vector<16xi32>
        %gather3A = tpu.vector_load_idx %arg10[%add3A_74, %broadcast_in_dim3A_225] : memref<80x128xf32, #tpu.memory_space<vmem>>[vector<16xi32>, vector<16xi32>], vector<16xf32>,
        %add3A_226 = vector.broadcast %add3A_224 : i32 to vector<16xi32>
        %add3A_227 = arith.addi %mul3A_81, %add3A_226 : vector<16xi32>
        %gather3A_228 = tpu.vector_load_idx %arg11[%add3A_74, %add3A_227] : memref<80x128xf32, #tpu.memory_space<vmem>>[vector<16xi32>, vector<16xi32>], vector<16xf32>,
        %mul3A_229 = arith.mulf %gather3A, %gather3A_228 : vector<16xf32>
        %add3A_230 = arith.addf %scan3A_220, %mul3A_229 : vector<16xf32>
        %mul3A_231 = arith.constant 16 : i32
        %mul3A_232 = arith.muli %scan3A_219, %mul3A_231 : i32
        %add3A_233 = arith.constant 1 : i32
        %add3A_234 = arith.addi %mul3A_232, %add3A_233 : i32
        %broadcast_in_dim3A_235 = vector.broadcast %add3A_234 : i32 to vector<16xi32>
        %gather3A_236 = tpu.vector_load_idx %arg10[%add3A_74, %broadcast_in_dim3A_235] : memref<80x128xf32, #tpu.memory_space<vmem>>[vector<16xi32>, vector<16xi32>], vector<16xf32>,
        %add3A_237 = vector.broadcast %add3A_234 : i32 to vector<16xi32>
        %add3A_238 = arith.addi %mul3A_81, %add3A_237 : vector<16xi32>
        %gather3A_239 = tpu.vector_load_idx %arg11[%add3A_74, %add3A_238] : memref<80x128xf32, #tpu.memory_space<vmem>>[vector<16xi32>, vector<16xi32>], vector<16xf32>,
        %mul3A_240 = arith.mulf %gather3A_236, %gather3A_239 : vector<16xf32>
        %add3A_241 = arith.addf %add3A_230, %mul3A_240 : vector<16xf32>
        %mul3A_242 = arith.constant 16 : i32
        %mul3A_243 = arith.muli %scan3A_219, %mul3A_242 : i32
        %add3A_244 = arith.constant 2 : i32
        %add3A_245 = arith.addi %mul3A_243, %add3A_244 : i32
        %broadcast_in_dim3A_246 = vector.broadcast %add3A_245 : i32 to vector<16xi32>
        %gather3A_247 = tpu.vector_load_idx %arg10[%add3A_74, %broadcast_in_dim3A_246] : memref<80x128xf32, #tpu.memory_space<vmem>>[vector<16xi32>, vector<16xi32>], vector<16xf32>,
        %add3A_248 = vector.broadcast %add3A_245 : i32 to vector<16xi32>
        %add3A_249 = arith.addi %mul3A_81, %add3A_248 : vector<16xi32>
        %gather3A_250 = tpu.vector_load_idx %arg11[%add3A_74, %add3A_249] : memref<80x128xf32, #tpu.memory_space<vmem>>[vector<16xi32>, vector<16xi32>], vector<16xf32>,
        %mul3A_251 = arith.mulf %gather3A_247, %gather3A_250 : vector<16xf32>
        %add3A_252 = arith.addf %add3A_241, %mul3A_251 : vector<16xf32>
        %mul3A_253 = arith.constant 16 : i32
        %mul3A_254 = arith.muli %scan3A_219, %mul3A_253 : i32
        %add3A_255 = arith.constant 3 : i32
        %add3A_256 = arith.addi %mul3A_254, %add3A_255 : i32
        %broadcast_in_dim3A_257 = vector.broadcast %add3A_256 : i32 to vector<16xi32>
        %gather3A_258 = tpu.vector_load_idx %arg10[%add3A_74, %broadcast_in_dim3A_257] : memref<80x128xf32, #tpu.memory_space<vmem>>[vector<16xi32>, vector<16xi32>], vector<16xf32>,
        %add3A_259 = vector.broadcast %add3A_256 : i32 to vector<16xi32>
        %add3A_260 = arith.addi %mul3A_81, %add3A_259 : vector<16xi32>
        %gather3A_261 = tpu.vector_load_idx %arg11[%add3A_74, %add3A_260] : memref<80x128xf32, #tpu.memory_space<vmem>>[vector<16xi32>, vector<16xi32>], vector<16xf32>,
        %mul3A_262 = arith.mulf %gather3A_258, %gather3A_261 : vector<16xf32>
        %add3A_263 = arith.addf %add3A_252, %mul3A_262 : vector<16xf32>
        %mul3A_264 = arith.constant 16 : i32
        %mul3A_265 = arith.muli %scan3A_219, %mul3A_264 : i32
        %add3A_266 = arith.constant 4 : i32
        %add3A_267 = arith.addi %mul3A_265, %add3A_266 : i32
        %broadcast_in_dim3A_268 = vector.broadcast %add3A_267 : i32 to vector<16xi32>
        %gather3A_269 = tpu.vector_load_idx %arg10[%add3A_74, %broadcast_in_dim3A_268] : memref<80x128xf32, #tpu.memory_space<vmem>>[vector<16xi32>, vector<16xi32>], vector<16xf32>,
        %add3A_270 = vector.broadcast %add3A_267 : i32 to vector<16xi32>
        %add3A_271 = arith.addi %mul3A_81, %add3A_270 : vector<16xi32>
        %gather3A_272 = tpu.vector_load_idx %arg11[%add3A_74, %add3A_271] : memref<80x128xf32, #tpu.memory_space<vmem>>[vector<16xi32>, vector<16xi32>], vector<16xf32>,
        %mul3A_273 = arith.mulf %gather3A_269, %gather3A_272 : vector<16xf32>
        %add3A_274 = arith.addf %add3A_263, %mul3A_273 : vector<16xf32>
        %mul3A_275 = arith.constant 16 : i32
        %mul3A_276 = arith.muli %scan3A_219, %mul3A_275 : i32
        %add3A_277 = arith.constant 5 : i32
        %add3A_278 = arith.addi %mul3A_276, %add3A_277 : i32
        %broadcast_in_dim3A_279 = vector.broadcast %add3A_278 : i32 to vector<16xi32>
        %gather3A_280 = tpu.vector_load_idx %arg10[%add3A_74, %broadcast_in_dim3A_279] : memref<80x128xf32, #tpu.memory_space<vmem>>[vector<16xi32>, vector<16xi32>], vector<16xf32>,
        %add3A_281 = vector.broadcast %add3A_278 : i32 to vector<16xi32>
        %add3A_282 = arith.addi %mul3A_81, %add3A_281 : vector<16xi32>
        %gather3A_283 = tpu.vector_load_idx %arg11[%add3A_74, %add3A_282] : memref<80x128xf32, #tpu.memory_space<vmem>>[vector<16xi32>, vector<16xi32>], vector<16xf32>,
        %mul3A_284 = arith.mulf %gather3A_280, %gather3A_283 : vector<16xf32>
        %add3A_285 = arith.addf %add3A_274, %mul3A_284 : vector<16xf32>
        %mul3A_286 = arith.constant 16 : i32
        %mul3A_287 = arith.muli %scan3A_219, %mul3A_286 : i32
        %add3A_288 = arith.constant 6 : i32
        %add3A_289 = arith.addi %mul3A_287, %add3A_288 : i32
        %broadcast_in_dim3A_290 = vector.broadcast %add3A_289 : i32 to vector<16xi32>
        %gather3A_291 = tpu.vector_load_idx %arg10[%add3A_74, %broadcast_in_dim3A_290] : memref<80x128xf32, #tpu.memory_space<vmem>>[vector<16xi32>, vector<16xi32>], vector<16xf32>,
        %add3A_292 = vector.broadcast %add3A_289 : i32 to vector<16xi32>
        %add3A_293 = arith.addi %mul3A_81, %add3A_292 : vector<16xi32>
        %gather3A_294 = tpu.vector_load_idx %arg11[%add3A_74, %add3A_293] : memref<80x128xf32, #tpu.memory_space<vmem>>[vector<16xi32>, vector<16xi32>], vector<16xf32>,
        %mul3A_295 = arith.mulf %gather3A_291, %gather3A_294 : vector<16xf32>
        %add3A_296 = arith.addf %add3A_285, %mul3A_295 : vector<16xf32>
        %mul3A_297 = arith.constant 16 : i32
        %mul3A_298 = arith.muli %scan3A_219, %mul3A_297 : i32
        %add3A_299 = arith.constant 7 : i32
        %add3A_300 = arith.addi %mul3A_298, %add3A_299 : i32
        %broadcast_in_dim3A_301 = vector.broadcast %add3A_300 : i32 to vector<16xi32>
        %gather3A_302 = tpu.vector_load_idx %arg10[%add3A_74, %broadcast_in_dim3A_301] : memref<80x128xf32, #tpu.memory_space<vmem>>[vector<16xi32>, vector<16xi32>], vector<16xf32>,
        %add3A_303 = vector.broadcast %add3A_300 : i32 to vector<16xi32>
        %add3A_304 = arith.addi %mul3A_81, %add3A_303 : vector<16xi32>
        %gather3A_305 = tpu.vector_load_idx %arg11[%add3A_74, %add3A_304] : memref<80x128xf32, #tpu.memory_space<vmem>>[vector<16xi32>, vector<16xi32>], vector<16xf32>,
        %mul3A_306 = arith.mulf %gather3A_302, %gather3A_305 : vector<16xf32>
        %add3A_307 = arith.addf %add3A_296, %mul3A_306 : vector<16xf32>
        %mul3A_308 = arith.constant 16 : i32
        %mul3A_309 = arith.muli %scan3A_219, %mul3A_308 : i32
        %add3A_310 = arith.constant 8 : i32
        %add3A_311 = arith.addi %mul3A_309, %add3A_310 : i32
        %broadcast_in_dim3A_312 = vector.broadcast %add3A_311 : i32 to vector<16xi32>
        %gather3A_313 = tpu.vector_load_idx %arg10[%add3A_74, %broadcast_in_dim3A_312] : memref<80x128xf32, #tpu.memory_space<vmem>>[vector<16xi32>, vector<16xi32>], vector<16xf32>,
        %add3A_314 = vector.broadcast %add3A_311 : i32 to vector<16xi32>
        %add3A_315 = arith.addi %mul3A_81, %add3A_314 : vector<16xi32>
        %gather3A_316 = tpu.vector_load_idx %arg11[%add3A_74, %add3A_315] : memref<80x128xf32, #tpu.memory_space<vmem>>[vector<16xi32>, vector<16xi32>], vector<16xf32>,
        %mul3A_317 = arith.mulf %gather3A_313, %gather3A_316 : vector<16xf32>
        %add3A_318 = arith.addf %add3A_307, %mul3A_317 : vector<16xf32>
        %mul3A_319 = arith.constant 16 : i32
        %mul3A_320 = arith.muli %scan3A_219, %mul3A_319 : i32
        %add3A_321 = arith.constant 9 : i32
        %add3A_322 = arith.addi %mul3A_320, %add3A_321 : i32
        %broadcast_in_dim3A_323 = vector.broadcast %add3A_322 : i32 to vector<16xi32>
        %gather3A_324 = tpu.vector_load_idx %arg10[%add3A_74, %broadcast_in_dim3A_323] : memref<80x128xf32, #tpu.memory_space<vmem>>[vector<16xi32>, vector<16xi32>], vector<16xf32>,
        %add3A_325 = vector.broadcast %add3A_322 : i32 to vector<16xi32>
        %add3A_326 = arith.addi %mul3A_81, %add3A_325 : vector<16xi32>
        %gather3A_327 = tpu.vector_load_idx %arg11[%add3A_74, %add3A_326] : memref<80x128xf32, #tpu.memory_space<vmem>>[vector<16xi32>, vector<16xi32>], vector<16xf32>,
        %mul3A_328 = arith.mulf %gather3A_324, %gather3A_327 : vector<16xf32>
        %add3A_329 = arith.addf %add3A_318, %mul3A_328 : vector<16xf32>
        %mul3A_330 = arith.constant 16 : i32
        %mul3A_331 = arith.muli %scan3A_219, %mul3A_330 : i32
        %add3A_332 = arith.constant 10 : i32
        %add3A_333 = arith.addi %mul3A_331, %add3A_332 : i32
        %broadcast_in_dim3A_334 = vector.broadcast %add3A_333 : i32 to vector<16xi32>
        %gather3A_335 = tpu.vector_load_idx %arg10[%add3A_74, %broadcast_in_dim3A_334] : memref<80x128xf32, #tpu.memory_space<vmem>>[vector<16xi32>, vector<16xi32>], vector<16xf32>,
        %add3A_336 = vector.broadcast %add3A_333 : i32 to vector<16xi32>
        %add3A_337 = arith.addi %mul3A_81, %add3A_336 : vector<16xi32>
        %gather3A_338 = tpu.vector_load_idx %arg11[%add3A_74, %add3A_337] : memref<80x128xf32, #tpu.memory_space<vmem>>[vector<16xi32>, vector<16xi32>], vector<16xf32>,
        %mul3A_339 = arith.mulf %gather3A_335, %gather3A_338 : vector<16xf32>
        %add3A_340 = arith.addf %add3A_329, %mul3A_339 : vector<16xf32>
        %mul3A_341 = arith.constant 16 : i32
        %mul3A_342 = arith.muli %scan3A_219, %mul3A_341 : i32
        %add3A_343 = arith.constant 11 : i32
        %add3A_344 = arith.addi %mul3A_342, %add3A_343 : i32
        %broadcast_in_dim3A_345 = vector.broadcast %add3A_344 : i32 to vector<16xi32>
        %gather3A_346 = tpu.vector_load_idx %arg10[%add3A_74, %broadcast_in_dim3A_345] : memref<80x128xf32, #tpu.memory_space<vmem>>[vector<16xi32>, vector<16xi32>], vector<16xf32>,
        %add3A_347 = vector.broadcast %add3A_344 : i32 to vector<16xi32>
        %add3A_348 = arith.addi %mul3A_81, %add3A_347 : vector<16xi32>
        %gather3A_349 = tpu.vector_load_idx %arg11[%add3A_74, %add3A_348] : memref<80x128xf32, #tpu.memory_space<vmem>>[vector<16xi32>, vector<16xi32>], vector<16xf32>,
        %mul3A_350 = arith.mulf %gather3A_346, %gather3A_349 : vector<16xf32>
        %add3A_351 = arith.addf %add3A_340, %mul3A_350 : vector<16xf32>
        %mul3A_352 = arith.constant 16 : i32
        %mul3A_353 = arith.muli %scan3A_219, %mul3A_352 : i32
        %add3A_354 = arith.constant 12 : i32
        %add3A_355 = arith.addi %mul3A_353, %add3A_354 : i32
        %broadcast_in_dim3A_356 = vector.broadcast %add3A_355 : i32 to vector<16xi32>
        %gather3A_357 = tpu.vector_load_idx %arg10[%add3A_74, %broadcast_in_dim3A_356] : memref<80x128xf32, #tpu.memory_space<vmem>>[vector<16xi32>, vector<16xi32>], vector<16xf32>,
        %add3A_358 = vector.broadcast %add3A_355 : i32 to vector<16xi32>
        %add3A_359 = arith.addi %mul3A_81, %add3A_358 : vector<16xi32>
        %gather3A_360 = tpu.vector_load_idx %arg11[%add3A_74, %add3A_359] : memref<80x128xf32, #tpu.memory_space<vmem>>[vector<16xi32>, vector<16xi32>], vector<16xf32>,
        %mul3A_361 = arith.mulf %gather3A_357, %gather3A_360 : vector<16xf32>
        %add3A_362 = arith.addf %add3A_351, %mul3A_361 : vector<16xf32>
        %mul3A_363 = arith.constant 16 : i32
        %mul3A_364 = arith.muli %scan3A_219, %mul3A_363 : i32
        %add3A_365 = arith.constant 13 : i32
        %add3A_366 = arith.addi %mul3A_364, %add3A_365 : i32
        %broadcast_in_dim3A_367 = vector.broadcast %add3A_366 : i32 to vector<16xi32>
        %gather3A_368 = tpu.vector_load_idx %arg10[%add3A_74, %broadcast_in_dim3A_367] : memref<80x128xf32, #tpu.memory_space<vmem>>[vector<16xi32>, vector<16xi32>], vector<16xf32>,
        %add3A_369 = vector.broadcast %add3A_366 : i32 to vector<16xi32>
        %add3A_370 = arith.addi %mul3A_81, %add3A_369 : vector<16xi32>
        %gather3A_371 = tpu.vector_load_idx %arg11[%add3A_74, %add3A_370] : memref<80x128xf32, #tpu.memory_space<vmem>>[vector<16xi32>, vector<16xi32>], vector<16xf32>,
        %mul3A_372 = arith.mulf %gather3A_368, %gather3A_371 : vector<16xf32>
        %add3A_373 = arith.addf %add3A_362, %mul3A_372 : vector<16xf32>
        %mul3A_374 = arith.constant 16 : i32
        %mul3A_375 = arith.muli %scan3A_219, %mul3A_374 : i32
        %add3A_376 = arith.constant 14 : i32
        %add3A_377 = arith.addi %mul3A_375, %add3A_376 : i32
        %broadcast_in_dim3A_378 = vector.broadcast %add3A_377 : i32 to vector<16xi32>
        %gather3A_379 = tpu.vector_load_idx %arg10[%add3A_74, %broadcast_in_dim3A_378] : memref<80x128xf32, #tpu.memory_space<vmem>>[vector<16xi32>, vector<16xi32>], vector<16xf32>,
        %add3A_380 = vector.broadcast %add3A_377 : i32 to vector<16xi32>
        %add3A_381 = arith.addi %mul3A_81, %add3A_380 : vector<16xi32>
        %gather3A_382 = tpu.vector_load_idx %arg11[%add3A_74, %add3A_381] : memref<80x128xf32, #tpu.memory_space<vmem>>[vector<16xi32>, vector<16xi32>], vector<16xf32>,
        %mul3A_383 = arith.mulf %gather3A_379, %gather3A_382 : vector<16xf32>
        %add3A_384 = arith.addf %add3A_373, %mul3A_383 : vector<16xf32>
        %mul3A_385 = arith.constant 16 : i32
        %mul3A_386 = arith.muli %scan3A_219, %mul3A_385 : i32
        %add3A_387 = arith.constant 15 : i32
        %add3A_388 = arith.addi %mul3A_386, %add3A_387 : i32
        %broadcast_in_dim3A_389 = vector.broadcast %add3A_388 : i32 to vector<16xi32>
        %gather3A_390 = tpu.vector_load_idx %arg10[%add3A_74, %broadcast_in_dim3A_389] : memref<80x128xf32, #tpu.memory_space<vmem>>[vector<16xi32>, vector<16xi32>], vector<16xf32>,
        %add3A_391 = vector.broadcast %add3A_388 : i32 to vector<16xi32>
        %add3A_392 = arith.addi %mul3A_81, %add3A_391 : vector<16xi32>
        %gather3A_393 = tpu.vector_load_idx %arg11[%add3A_74, %add3A_392] : memref<80x128xf32, #tpu.memory_space<vmem>>[vector<16xi32>, vector<16xi32>], vector<16xf32>,
        %mul3A_394 = arith.mulf %gather3A_390, %gather3A_393 : vector<16xf32>
        %add3A_395 = arith.addf %add3A_384, %mul3A_394 : vector<16xf32>
        scf.yield %add3A_395 : vector<16xf32>
      }
      %scan3A_87 = arith.constant 4 : i32
      %ge3A = arith.constant 0.000000e+00 : f32
      %ge3A_88 = vector.broadcast %ge3A : f32 to vector<16xf32>
      %ge3A_89 = arith.cmpf oge, %scan3A_86, %ge3A_88 : vector<16xf32>
      %mul3A_90 = arith.constant 0.00999999977 : f32
      %mul3A_91 = vector.broadcast %mul3A_90 : f32 to vector<16xf32>
      %mul3A_92 = arith.mulf %scan3A_86, %mul3A_91 : vector<16xf32>
      %select_n3A_93 = arith.select %ge3A_89, %scan3A_86, %mul3A_92 : vector<16xi1>, vector<16xf32>
      %mul3A_94 = vector.broadcast %scan3A_23 : f32 to vector<16xf32>
      %mul3A_95 = arith.mulf %select_n3A_93, %mul3A_94 : vector<16xf32>
      %exp3A = math.exp %mul3A_95 : vector<16xf32>
      %swap3A_96 = arith.constant 0 : index
      %swap3A_97 = tpu.vector_load %arg12[%swap3A_96] {strides = array<i32>} : memref<80xf32, #tpu.memory_space<vmem>>, vector<16xf32>,
      tpu.vector_store %arg12[%swap3A_96], %exp3A {strides = array<i32>} : memref<80xf32, #tpu.memory_space<vmem>>, vector<16xf32>,
      %add3A_98 = arith.constant 16 : i32
      %add3A_99 = vector.broadcast %add3A_98 : i32 to vector<16xi32>
      %add3A_100 = arith.addi %iota3A, %add3A_99 : vector<16xi32>
      %get3A_101 = arith.constant 16 : index
      %get3A_102 = tpu.vector_load %arg8[%get3A_101] {strides = array<i32>} : memref<80xi32, #tpu.memory_space<vmem>>, vector<16xi32>,
      %and3A_103 = arith.constant 1 : i32
      %and3A_104 = vector.broadcast %and3A_103 : i32 to vector<16xi32>
      %and3A_105 = arith.andi %get3A_102, %and3A_104 : vector<16xi32>
      %mul3A_106 = arith.constant 64 : i32
      %mul3A_107 = vector.broadcast %mul3A_106 : i32 to vector<16xi32>
      %mul3A_108 = arith.muli %and3A_105, %mul3A_107 : vector<16xi32>
      %scan3A_109 = arith.constant 0 : i32
      %scan3A_110 = arith.constant 4 : i32
      %scan3A_111 = arith.addi %scan3A_109, %scan3A_110 : i32
      %scan3A_112 = arith.constant 1 : i32
      %scan3A_113 = scf.for %scan3A_219 = %scan3A_109 to %scan3A_111 step %scan3A_112 iter_args(%scan3A_220 = %broadcast_in_dim3A_1) -> (vector<16xf32>)  : i32 {
        %mul3A_221 = arith.constant 16 : i32
        %mul3A_222 = arith.muli %scan3A_219, %mul3A_221 : i32
        %add3A_223 = arith.constant 0 : i32
        %add3A_224 = arith.addi %mul3A_222, %add3A_223 : i32
        %broadcast_in_dim3A_225 = vector.broadcast %add3A_224 : i32 to vector<16xi32>
        %gather3A = tpu.vector_load_idx %arg10[%add3A_100, %broadcast_in_dim3A_225] : memref<80x128xf32, #tpu.memory_space<vmem>>[vector<16xi32>, vector<16xi32>], vector<16xf32>,
        %add3A_226 = vector.broadcast %add3A_224 : i32 to vector<16xi32>
        %add3A_227 = arith.addi %mul3A_108, %add3A_226 : vector<16xi32>
        %gather3A_228 = tpu.vector_load_idx %arg11[%add3A_100, %add3A_227] : memref<80x128xf32, #tpu.memory_space<vmem>>[vector<16xi32>, vector<16xi32>], vector<16xf32>,
        %mul3A_229 = arith.mulf %gather3A, %gather3A_228 : vector<16xf32>
        %add3A_230 = arith.addf %scan3A_220, %mul3A_229 : vector<16xf32>
        %mul3A_231 = arith.constant 16 : i32
        %mul3A_232 = arith.muli %scan3A_219, %mul3A_231 : i32
        %add3A_233 = arith.constant 1 : i32
        %add3A_234 = arith.addi %mul3A_232, %add3A_233 : i32
        %broadcast_in_dim3A_235 = vector.broadcast %add3A_234 : i32 to vector<16xi32>
        %gather3A_236 = tpu.vector_load_idx %arg10[%add3A_100, %broadcast_in_dim3A_235] : memref<80x128xf32, #tpu.memory_space<vmem>>[vector<16xi32>, vector<16xi32>], vector<16xf32>,
        %add3A_237 = vector.broadcast %add3A_234 : i32 to vector<16xi32>
        %add3A_238 = arith.addi %mul3A_108, %add3A_237 : vector<16xi32>
        %gather3A_239 = tpu.vector_load_idx %arg11[%add3A_100, %add3A_238] : memref<80x128xf32, #tpu.memory_space<vmem>>[vector<16xi32>, vector<16xi32>], vector<16xf32>,
        %mul3A_240 = arith.mulf %gather3A_236, %gather3A_239 : vector<16xf32>
        %add3A_241 = arith.addf %add3A_230, %mul3A_240 : vector<16xf32>
        %mul3A_242 = arith.constant 16 : i32
        %mul3A_243 = arith.muli %scan3A_219, %mul3A_242 : i32
        %add3A_244 = arith.constant 2 : i32
        %add3A_245 = arith.addi %mul3A_243, %add3A_244 : i32
        %broadcast_in_dim3A_246 = vector.broadcast %add3A_245 : i32 to vector<16xi32>
        %gather3A_247 = tpu.vector_load_idx %arg10[%add3A_100, %broadcast_in_dim3A_246] : memref<80x128xf32, #tpu.memory_space<vmem>>[vector<16xi32>, vector<16xi32>], vector<16xf32>,
        %add3A_248 = vector.broadcast %add3A_245 : i32 to vector<16xi32>
        %add3A_249 = arith.addi %mul3A_108, %add3A_248 : vector<16xi32>
        %gather3A_250 = tpu.vector_load_idx %arg11[%add3A_100, %add3A_249] : memref<80x128xf32, #tpu.memory_space<vmem>>[vector<16xi32>, vector<16xi32>], vector<16xf32>,
        %mul3A_251 = arith.mulf %gather3A_247, %gather3A_250 : vector<16xf32>
        %add3A_252 = arith.addf %add3A_241, %mul3A_251 : vector<16xf32>
        %mul3A_253 = arith.constant 16 : i32
        %mul3A_254 = arith.muli %scan3A_219, %mul3A_253 : i32
        %add3A_255 = arith.constant 3 : i32
        %add3A_256 = arith.addi %mul3A_254, %add3A_255 : i32
        %broadcast_in_dim3A_257 = vector.broadcast %add3A_256 : i32 to vector<16xi32>
        %gather3A_258 = tpu.vector_load_idx %arg10[%add3A_100, %broadcast_in_dim3A_257] : memref<80x128xf32, #tpu.memory_space<vmem>>[vector<16xi32>, vector<16xi32>], vector<16xf32>,
        %add3A_259 = vector.broadcast %add3A_256 : i32 to vector<16xi32>
        %add3A_260 = arith.addi %mul3A_108, %add3A_259 : vector<16xi32>
        %gather3A_261 = tpu.vector_load_idx %arg11[%add3A_100, %add3A_260] : memref<80x128xf32, #tpu.memory_space<vmem>>[vector<16xi32>, vector<16xi32>], vector<16xf32>,
        %mul3A_262 = arith.mulf %gather3A_258, %gather3A_261 : vector<16xf32>
        %add3A_263 = arith.addf %add3A_252, %mul3A_262 : vector<16xf32>
        %mul3A_264 = arith.constant 16 : i32
        %mul3A_265 = arith.muli %scan3A_219, %mul3A_264 : i32
        %add3A_266 = arith.constant 4 : i32
        %add3A_267 = arith.addi %mul3A_265, %add3A_266 : i32
        %broadcast_in_dim3A_268 = vector.broadcast %add3A_267 : i32 to vector<16xi32>
        %gather3A_269 = tpu.vector_load_idx %arg10[%add3A_100, %broadcast_in_dim3A_268] : memref<80x128xf32, #tpu.memory_space<vmem>>[vector<16xi32>, vector<16xi32>], vector<16xf32>,
        %add3A_270 = vector.broadcast %add3A_267 : i32 to vector<16xi32>
        %add3A_271 = arith.addi %mul3A_108, %add3A_270 : vector<16xi32>
        %gather3A_272 = tpu.vector_load_idx %arg11[%add3A_100, %add3A_271] : memref<80x128xf32, #tpu.memory_space<vmem>>[vector<16xi32>, vector<16xi32>], vector<16xf32>,
        %mul3A_273 = arith.mulf %gather3A_269, %gather3A_272 : vector<16xf32>
        %add3A_274 = arith.addf %add3A_263, %mul3A_273 : vector<16xf32>
        %mul3A_275 = arith.constant 16 : i32
        %mul3A_276 = arith.muli %scan3A_219, %mul3A_275 : i32
        %add3A_277 = arith.constant 5 : i32
        %add3A_278 = arith.addi %mul3A_276, %add3A_277 : i32
        %broadcast_in_dim3A_279 = vector.broadcast %add3A_278 : i32 to vector<16xi32>
        %gather3A_280 = tpu.vector_load_idx %arg10[%add3A_100, %broadcast_in_dim3A_279] : memref<80x128xf32, #tpu.memory_space<vmem>>[vector<16xi32>, vector<16xi32>], vector<16xf32>,
        %add3A_281 = vector.broadcast %add3A_278 : i32 to vector<16xi32>
        %add3A_282 = arith.addi %mul3A_108, %add3A_281 : vector<16xi32>
        %gather3A_283 = tpu.vector_load_idx %arg11[%add3A_100, %add3A_282] : memref<80x128xf32, #tpu.memory_space<vmem>>[vector<16xi32>, vector<16xi32>], vector<16xf32>,
        %mul3A_284 = arith.mulf %gather3A_280, %gather3A_283 : vector<16xf32>
        %add3A_285 = arith.addf %add3A_274, %mul3A_284 : vector<16xf32>
        %mul3A_286 = arith.constant 16 : i32
        %mul3A_287 = arith.muli %scan3A_219, %mul3A_286 : i32
        %add3A_288 = arith.constant 6 : i32
        %add3A_289 = arith.addi %mul3A_287, %add3A_288 : i32
        %broadcast_in_dim3A_290 = vector.broadcast %add3A_289 : i32 to vector<16xi32>
        %gather3A_291 = tpu.vector_load_idx %arg10[%add3A_100, %broadcast_in_dim3A_290] : memref<80x128xf32, #tpu.memory_space<vmem>>[vector<16xi32>, vector<16xi32>], vector<16xf32>,
        %add3A_292 = vector.broadcast %add3A_289 : i32 to vector<16xi32>
        %add3A_293 = arith.addi %mul3A_108, %add3A_292 : vector<16xi32>
        %gather3A_294 = tpu.vector_load_idx %arg11[%add3A_100, %add3A_293] : memref<80x128xf32, #tpu.memory_space<vmem>>[vector<16xi32>, vector<16xi32>], vector<16xf32>,
        %mul3A_295 = arith.mulf %gather3A_291, %gather3A_294 : vector<16xf32>
        %add3A_296 = arith.addf %add3A_285, %mul3A_295 : vector<16xf32>
        %mul3A_297 = arith.constant 16 : i32
        %mul3A_298 = arith.muli %scan3A_219, %mul3A_297 : i32
        %add3A_299 = arith.constant 7 : i32
        %add3A_300 = arith.addi %mul3A_298, %add3A_299 : i32
        %broadcast_in_dim3A_301 = vector.broadcast %add3A_300 : i32 to vector<16xi32>
        %gather3A_302 = tpu.vector_load_idx %arg10[%add3A_100, %broadcast_in_dim3A_301] : memref<80x128xf32, #tpu.memory_space<vmem>>[vector<16xi32>, vector<16xi32>], vector<16xf32>,
        %add3A_303 = vector.broadcast %add3A_300 : i32 to vector<16xi32>
        %add3A_304 = arith.addi %mul3A_108, %add3A_303 : vector<16xi32>
        %gather3A_305 = tpu.vector_load_idx %arg11[%add3A_100, %add3A_304] : memref<80x128xf32, #tpu.memory_space<vmem>>[vector<16xi32>, vector<16xi32>], vector<16xf32>,
        %mul3A_306 = arith.mulf %gather3A_302, %gather3A_305 : vector<16xf32>
        %add3A_307 = arith.addf %add3A_296, %mul3A_306 : vector<16xf32>
        %mul3A_308 = arith.constant 16 : i32
        %mul3A_309 = arith.muli %scan3A_219, %mul3A_308 : i32
        %add3A_310 = arith.constant 8 : i32
        %add3A_311 = arith.addi %mul3A_309, %add3A_310 : i32
        %broadcast_in_dim3A_312 = vector.broadcast %add3A_311 : i32 to vector<16xi32>
        %gather3A_313 = tpu.vector_load_idx %arg10[%add3A_100, %broadcast_in_dim3A_312] : memref<80x128xf32, #tpu.memory_space<vmem>>[vector<16xi32>, vector<16xi32>], vector<16xf32>,
        %add3A_314 = vector.broadcast %add3A_311 : i32 to vector<16xi32>
        %add3A_315 = arith.addi %mul3A_108, %add3A_314 : vector<16xi32>
        %gather3A_316 = tpu.vector_load_idx %arg11[%add3A_100, %add3A_315] : memref<80x128xf32, #tpu.memory_space<vmem>>[vector<16xi32>, vector<16xi32>], vector<16xf32>,
        %mul3A_317 = arith.mulf %gather3A_313, %gather3A_316 : vector<16xf32>
        %add3A_318 = arith.addf %add3A_307, %mul3A_317 : vector<16xf32>
        %mul3A_319 = arith.constant 16 : i32
        %mul3A_320 = arith.muli %scan3A_219, %mul3A_319 : i32
        %add3A_321 = arith.constant 9 : i32
        %add3A_322 = arith.addi %mul3A_320, %add3A_321 : i32
        %broadcast_in_dim3A_323 = vector.broadcast %add3A_322 : i32 to vector<16xi32>
        %gather3A_324 = tpu.vector_load_idx %arg10[%add3A_100, %broadcast_in_dim3A_323] : memref<80x128xf32, #tpu.memory_space<vmem>>[vector<16xi32>, vector<16xi32>], vector<16xf32>,
        %add3A_325 = vector.broadcast %add3A_322 : i32 to vector<16xi32>
        %add3A_326 = arith.addi %mul3A_108, %add3A_325 : vector<16xi32>
        %gather3A_327 = tpu.vector_load_idx %arg11[%add3A_100, %add3A_326] : memref<80x128xf32, #tpu.memory_space<vmem>>[vector<16xi32>, vector<16xi32>], vector<16xf32>,
        %mul3A_328 = arith.mulf %gather3A_324, %gather3A_327 : vector<16xf32>
        %add3A_329 = arith.addf %add3A_318, %mul3A_328 : vector<16xf32>
        %mul3A_330 = arith.constant 16 : i32
        %mul3A_331 = arith.muli %scan3A_219, %mul3A_330 : i32
        %add3A_332 = arith.constant 10 : i32
        %add3A_333 = arith.addi %mul3A_331, %add3A_332 : i32
        %broadcast_in_dim3A_334 = vector.broadcast %add3A_333 : i32 to vector<16xi32>
        %gather3A_335 = tpu.vector_load_idx %arg10[%add3A_100, %broadcast_in_dim3A_334] : memref<80x128xf32, #tpu.memory_space<vmem>>[vector<16xi32>, vector<16xi32>], vector<16xf32>,
        %add3A_336 = vector.broadcast %add3A_333 : i32 to vector<16xi32>
        %add3A_337 = arith.addi %mul3A_108, %add3A_336 : vector<16xi32>
        %gather3A_338 = tpu.vector_load_idx %arg11[%add3A_100, %add3A_337] : memref<80x128xf32, #tpu.memory_space<vmem>>[vector<16xi32>, vector<16xi32>], vector<16xf32>,
        %mul3A_339 = arith.mulf %gather3A_335, %gather3A_338 : vector<16xf32>
        %add3A_340 = arith.addf %add3A_329, %mul3A_339 : vector<16xf32>
        %mul3A_341 = arith.constant 16 : i32
        %mul3A_342 = arith.muli %scan3A_219, %mul3A_341 : i32
        %add3A_343 = arith.constant 11 : i32
        %add3A_344 = arith.addi %mul3A_342, %add3A_343 : i32
        %broadcast_in_dim3A_345 = vector.broadcast %add3A_344 : i32 to vector<16xi32>
        %gather3A_346 = tpu.vector_load_idx %arg10[%add3A_100, %broadcast_in_dim3A_345] : memref<80x128xf32, #tpu.memory_space<vmem>>[vector<16xi32>, vector<16xi32>], vector<16xf32>,
        %add3A_347 = vector.broadcast %add3A_344 : i32 to vector<16xi32>
        %add3A_348 = arith.addi %mul3A_108, %add3A_347 : vector<16xi32>
        %gather3A_349 = tpu.vector_load_idx %arg11[%add3A_100, %add3A_348] : memref<80x128xf32, #tpu.memory_space<vmem>>[vector<16xi32>, vector<16xi32>], vector<16xf32>,
        %mul3A_350 = arith.mulf %gather3A_346, %gather3A_349 : vector<16xf32>
        %add3A_351 = arith.addf %add3A_340, %mul3A_350 : vector<16xf32>
        %mul3A_352 = arith.constant 16 : i32
        %mul3A_353 = arith.muli %scan3A_219, %mul3A_352 : i32
        %add3A_354 = arith.constant 12 : i32
        %add3A_355 = arith.addi %mul3A_353, %add3A_354 : i32
        %broadcast_in_dim3A_356 = vector.broadcast %add3A_355 : i32 to vector<16xi32>
        %gather3A_357 = tpu.vector_load_idx %arg10[%add3A_100, %broadcast_in_dim3A_356] : memref<80x128xf32, #tpu.memory_space<vmem>>[vector<16xi32>, vector<16xi32>], vector<16xf32>,
        %add3A_358 = vector.broadcast %add3A_355 : i32 to vector<16xi32>
        %add3A_359 = arith.addi %mul3A_108, %add3A_358 : vector<16xi32>
        %gather3A_360 = tpu.vector_load_idx %arg11[%add3A_100, %add3A_359] : memref<80x128xf32, #tpu.memory_space<vmem>>[vector<16xi32>, vector<16xi32>], vector<16xf32>,
        %mul3A_361 = arith.mulf %gather3A_357, %gather3A_360 : vector<16xf32>
        %add3A_362 = arith.addf %add3A_351, %mul3A_361 : vector<16xf32>
        %mul3A_363 = arith.constant 16 : i32
        %mul3A_364 = arith.muli %scan3A_219, %mul3A_363 : i32
        %add3A_365 = arith.constant 13 : i32
        %add3A_366 = arith.addi %mul3A_364, %add3A_365 : i32
        %broadcast_in_dim3A_367 = vector.broadcast %add3A_366 : i32 to vector<16xi32>
        %gather3A_368 = tpu.vector_load_idx %arg10[%add3A_100, %broadcast_in_dim3A_367] : memref<80x128xf32, #tpu.memory_space<vmem>>[vector<16xi32>, vector<16xi32>], vector<16xf32>,
        %add3A_369 = vector.broadcast %add3A_366 : i32 to vector<16xi32>
        %add3A_370 = arith.addi %mul3A_108, %add3A_369 : vector<16xi32>
        %gather3A_371 = tpu.vector_load_idx %arg11[%add3A_100, %add3A_370] : memref<80x128xf32, #tpu.memory_space<vmem>>[vector<16xi32>, vector<16xi32>], vector<16xf32>,
        %mul3A_372 = arith.mulf %gather3A_368, %gather3A_371 : vector<16xf32>
        %add3A_373 = arith.addf %add3A_362, %mul3A_372 : vector<16xf32>
        %mul3A_374 = arith.constant 16 : i32
        %mul3A_375 = arith.muli %scan3A_219, %mul3A_374 : i32
        %add3A_376 = arith.constant 14 : i32
        %add3A_377 = arith.addi %mul3A_375, %add3A_376 : i32
        %broadcast_in_dim3A_378 = vector.broadcast %add3A_377 : i32 to vector<16xi32>
        %gather3A_379 = tpu.vector_load_idx %arg10[%add3A_100, %broadcast_in_dim3A_378] : memref<80x128xf32, #tpu.memory_space<vmem>>[vector<16xi32>, vector<16xi32>], vector<16xf32>,
        %add3A_380 = vector.broadcast %add3A_377 : i32 to vector<16xi32>
        %add3A_381 = arith.addi %mul3A_108, %add3A_380 : vector<16xi32>
        %gather3A_382 = tpu.vector_load_idx %arg11[%add3A_100, %add3A_381] : memref<80x128xf32, #tpu.memory_space<vmem>>[vector<16xi32>, vector<16xi32>], vector<16xf32>,
        %mul3A_383 = arith.mulf %gather3A_379, %gather3A_382 : vector<16xf32>
        %add3A_384 = arith.addf %add3A_373, %mul3A_383 : vector<16xf32>
        %mul3A_385 = arith.constant 16 : i32
        %mul3A_386 = arith.muli %scan3A_219, %mul3A_385 : i32
        %add3A_387 = arith.constant 15 : i32
        %add3A_388 = arith.addi %mul3A_386, %add3A_387 : i32
        %broadcast_in_dim3A_389 = vector.broadcast %add3A_388 : i32 to vector<16xi32>
        %gather3A_390 = tpu.vector_load_idx %arg10[%add3A_100, %broadcast_in_dim3A_389] : memref<80x128xf32, #tpu.memory_space<vmem>>[vector<16xi32>, vector<16xi32>], vector<16xf32>,
        %add3A_391 = vector.broadcast %add3A_388 : i32 to vector<16xi32>
        %add3A_392 = arith.addi %mul3A_108, %add3A_391 : vector<16xi32>
        %gather3A_393 = tpu.vector_load_idx %arg11[%add3A_100, %add3A_392] : memref<80x128xf32, #tpu.memory_space<vmem>>[vector<16xi32>, vector<16xi32>], vector<16xf32>,
        %mul3A_394 = arith.mulf %gather3A_390, %gather3A_393 : vector<16xf32>
        %add3A_395 = arith.addf %add3A_384, %mul3A_394 : vector<16xf32>
        scf.yield %add3A_395 : vector<16xf32>
      }
      %scan3A_114 = arith.constant 4 : i32
      %ge3A_115 = arith.constant 0.000000e+00 : f32
      %ge3A_116 = vector.broadcast %ge3A_115 : f32 to vector<16xf32>
      %ge3A_117 = arith.cmpf oge, %scan3A_113, %ge3A_116 : vector<16xf32>
      %mul3A_118 = arith.constant 0.00999999977 : f32
      %mul3A_119 = vector.broadcast %mul3A_118 : f32 to vector<16xf32>
      %mul3A_120 = arith.mulf %scan3A_113, %mul3A_119 : vector<16xf32>
      %select_n3A_121 = arith.select %ge3A_117, %scan3A_113, %mul3A_120 : vector<16xi1>, vector<16xf32>
      %mul3A_122 = vector.broadcast %scan3A_23 : f32 to vector<16xf32>
      %mul3A_123 = arith.mulf %select_n3A_121, %mul3A_122 : vector<16xf32>
      %exp3A_124 = math.exp %mul3A_123 : vector<16xf32>
      %swap3A_125 = arith.constant 16 : index
      %swap3A_126 = tpu.vector_load %arg12[%swap3A_125] {strides = array<i32>} : memref<80xf32, #tpu.memory_space<vmem>>, vector<16xf32>,
      tpu.vector_store %arg12[%swap3A_125], %exp3A_124 {strides = array<i32>} : memref<80xf32, #tpu.memory_space<vmem>>, vector<16xf32>,
      %add3A_127 = arith.constant 32 : i32
      %add3A_128 = vector.broadcast %add3A_127 : i32 to vector<16xi32>
      %add3A_129 = arith.addi %iota3A, %add3A_128 : vector<16xi32>
      %get3A_130 = arith.constant 32 : index
      %get3A_131 = tpu.vector_load %arg8[%get3A_130] {strides = array<i32>} : memref<80xi32, #tpu.memory_space<vmem>>, vector<16xi32>,
      %and3A_132 = arith.constant 1 : i32
      %and3A_133 = vector.broadcast %and3A_132 : i32 to vector<16xi32>
      %and3A_134 = arith.andi %get3A_131, %and3A_133 : vector<16xi32>
      %mul3A_135 = arith.constant 64 : i32
      %mul3A_136 = vector.broadcast %mul3A_135 : i32 to vector<16xi32>
      %mul3A_137 = arith.muli %and3A_134, %mul3A_136 : vector<16xi32>
      %scan3A_138 = arith.constant 0 : i32
      %scan3A_139 = arith.constant 4 : i32
      %scan3A_140 = arith.addi %scan3A_138, %scan3A_139 : i32
      %scan3A_141 = arith.constant 1 : i32
      %scan3A_142 = scf.for %scan3A_219 = %scan3A_138 to %scan3A_140 step %scan3A_141 iter_args(%scan3A_220 = %broadcast_in_dim3A_1) -> (vector<16xf32>)  : i32 {
        %mul3A_221 = arith.constant 16 : i32
        %mul3A_222 = arith.muli %scan3A_219, %mul3A_221 : i32
        %add3A_223 = arith.constant 0 : i32
        %add3A_224 = arith.addi %mul3A_222, %add3A_223 : i32
        %broadcast_in_dim3A_225 = vector.broadcast %add3A_224 : i32 to vector<16xi32>
        %gather3A = tpu.vector_load_idx %arg10[%add3A_129, %broadcast_in_dim3A_225] : memref<80x128xf32, #tpu.memory_space<vmem>>[vector<16xi32>, vector<16xi32>], vector<16xf32>,
        %add3A_226 = vector.broadcast %add3A_224 : i32 to vector<16xi32>
        %add3A_227 = arith.addi %mul3A_137, %add3A_226 : vector<16xi32>
        %gather3A_228 = tpu.vector_load_idx %arg11[%add3A_129, %add3A_227] : memref<80x128xf32, #tpu.memory_space<vmem>>[vector<16xi32>, vector<16xi32>], vector<16xf32>,
        %mul3A_229 = arith.mulf %gather3A, %gather3A_228 : vector<16xf32>
        %add3A_230 = arith.addf %scan3A_220, %mul3A_229 : vector<16xf32>
        %mul3A_231 = arith.constant 16 : i32
        %mul3A_232 = arith.muli %scan3A_219, %mul3A_231 : i32
        %add3A_233 = arith.constant 1 : i32
        %add3A_234 = arith.addi %mul3A_232, %add3A_233 : i32
        %broadcast_in_dim3A_235 = vector.broadcast %add3A_234 : i32 to vector<16xi32>
        %gather3A_236 = tpu.vector_load_idx %arg10[%add3A_129, %broadcast_in_dim3A_235] : memref<80x128xf32, #tpu.memory_space<vmem>>[vector<16xi32>, vector<16xi32>], vector<16xf32>,
        %add3A_237 = vector.broadcast %add3A_234 : i32 to vector<16xi32>
        %add3A_238 = arith.addi %mul3A_137, %add3A_237 : vector<16xi32>
        %gather3A_239 = tpu.vector_load_idx %arg11[%add3A_129, %add3A_238] : memref<80x128xf32, #tpu.memory_space<vmem>>[vector<16xi32>, vector<16xi32>], vector<16xf32>,
        %mul3A_240 = arith.mulf %gather3A_236, %gather3A_239 : vector<16xf32>
        %add3A_241 = arith.addf %add3A_230, %mul3A_240 : vector<16xf32>
        %mul3A_242 = arith.constant 16 : i32
        %mul3A_243 = arith.muli %scan3A_219, %mul3A_242 : i32
        %add3A_244 = arith.constant 2 : i32
        %add3A_245 = arith.addi %mul3A_243, %add3A_244 : i32
        %broadcast_in_dim3A_246 = vector.broadcast %add3A_245 : i32 to vector<16xi32>
        %gather3A_247 = tpu.vector_load_idx %arg10[%add3A_129, %broadcast_in_dim3A_246] : memref<80x128xf32, #tpu.memory_space<vmem>>[vector<16xi32>, vector<16xi32>], vector<16xf32>,
        %add3A_248 = vector.broadcast %add3A_245 : i32 to vector<16xi32>
        %add3A_249 = arith.addi %mul3A_137, %add3A_248 : vector<16xi32>
        %gather3A_250 = tpu.vector_load_idx %arg11[%add3A_129, %add3A_249] : memref<80x128xf32, #tpu.memory_space<vmem>>[vector<16xi32>, vector<16xi32>], vector<16xf32>,
        %mul3A_251 = arith.mulf %gather3A_247, %gather3A_250 : vector<16xf32>
        %add3A_252 = arith.addf %add3A_241, %mul3A_251 : vector<16xf32>
        %mul3A_253 = arith.constant 16 : i32
        %mul3A_254 = arith.muli %scan3A_219, %mul3A_253 : i32
        %add3A_255 = arith.constant 3 : i32
        %add3A_256 = arith.addi %mul3A_254, %add3A_255 : i32
        %broadcast_in_dim3A_257 = vector.broadcast %add3A_256 : i32 to vector<16xi32>
        %gather3A_258 = tpu.vector_load_idx %arg10[%add3A_129, %broadcast_in_dim3A_257] : memref<80x128xf32, #tpu.memory_space<vmem>>[vector<16xi32>, vector<16xi32>], vector<16xf32>,
        %add3A_259 = vector.broadcast %add3A_256 : i32 to vector<16xi32>
        %add3A_260 = arith.addi %mul3A_137, %add3A_259 : vector<16xi32>
        %gather3A_261 = tpu.vector_load_idx %arg11[%add3A_129, %add3A_260] : memref<80x128xf32, #tpu.memory_space<vmem>>[vector<16xi32>, vector<16xi32>], vector<16xf32>,
        %mul3A_262 = arith.mulf %gather3A_258, %gather3A_261 : vector<16xf32>
        %add3A_263 = arith.addf %add3A_252, %mul3A_262 : vector<16xf32>
        %mul3A_264 = arith.constant 16 : i32
        %mul3A_265 = arith.muli %scan3A_219, %mul3A_264 : i32
        %add3A_266 = arith.constant 4 : i32
        %add3A_267 = arith.addi %mul3A_265, %add3A_266 : i32
        %broadcast_in_dim3A_268 = vector.broadcast %add3A_267 : i32 to vector<16xi32>
        %gather3A_269 = tpu.vector_load_idx %arg10[%add3A_129, %broadcast_in_dim3A_268] : memref<80x128xf32, #tpu.memory_space<vmem>>[vector<16xi32>, vector<16xi32>], vector<16xf32>,
        %add3A_270 = vector.broadcast %add3A_267 : i32 to vector<16xi32>
        %add3A_271 = arith.addi %mul3A_137, %add3A_270 : vector<16xi32>
        %gather3A_272 = tpu.vector_load_idx %arg11[%add3A_129, %add3A_271] : memref<80x128xf32, #tpu.memory_space<vmem>>[vector<16xi32>, vector<16xi32>], vector<16xf32>,
        %mul3A_273 = arith.mulf %gather3A_269, %gather3A_272 : vector<16xf32>
        %add3A_274 = arith.addf %add3A_263, %mul3A_273 : vector<16xf32>
        %mul3A_275 = arith.constant 16 : i32
        %mul3A_276 = arith.muli %scan3A_219, %mul3A_275 : i32
        %add3A_277 = arith.constant 5 : i32
        %add3A_278 = arith.addi %mul3A_276, %add3A_277 : i32
        %broadcast_in_dim3A_279 = vector.broadcast %add3A_278 : i32 to vector<16xi32>
        %gather3A_280 = tpu.vector_load_idx %arg10[%add3A_129, %broadcast_in_dim3A_279] : memref<80x128xf32, #tpu.memory_space<vmem>>[vector<16xi32>, vector<16xi32>], vector<16xf32>,
        %add3A_281 = vector.broadcast %add3A_278 : i32 to vector<16xi32>
        %add3A_282 = arith.addi %mul3A_137, %add3A_281 : vector<16xi32>
        %gather3A_283 = tpu.vector_load_idx %arg11[%add3A_129, %add3A_282] : memref<80x128xf32, #tpu.memory_space<vmem>>[vector<16xi32>, vector<16xi32>], vector<16xf32>,
        %mul3A_284 = arith.mulf %gather3A_280, %gather3A_283 : vector<16xf32>
        %add3A_285 = arith.addf %add3A_274, %mul3A_284 : vector<16xf32>
        %mul3A_286 = arith.constant 16 : i32
        %mul3A_287 = arith.muli %scan3A_219, %mul3A_286 : i32
        %add3A_288 = arith.constant 6 : i32
        %add3A_289 = arith.addi %mul3A_287, %add3A_288 : i32
        %broadcast_in_dim3A_290 = vector.broadcast %add3A_289 : i32 to vector<16xi32>
        %gather3A_291 = tpu.vector_load_idx %arg10[%add3A_129, %broadcast_in_dim3A_290] : memref<80x128xf32, #tpu.memory_space<vmem>>[vector<16xi32>, vector<16xi32>], vector<16xf32>,
        %add3A_292 = vector.broadcast %add3A_289 : i32 to vector<16xi32>
        %add3A_293 = arith.addi %mul3A_137, %add3A_292 : vector<16xi32>
        %gather3A_294 = tpu.vector_load_idx %arg11[%add3A_129, %add3A_293] : memref<80x128xf32, #tpu.memory_space<vmem>>[vector<16xi32>, vector<16xi32>], vector<16xf32>,
        %mul3A_295 = arith.mulf %gather3A_291, %gather3A_294 : vector<16xf32>
        %add3A_296 = arith.addf %add3A_285, %mul3A_295 : vector<16xf32>
        %mul3A_297 = arith.constant 16 : i32
        %mul3A_298 = arith.muli %scan3A_219, %mul3A_297 : i32
        %add3A_299 = arith.constant 7 : i32
        %add3A_300 = arith.addi %mul3A_298, %add3A_299 : i32
        %broadcast_in_dim3A_301 = vector.broadcast %add3A_300 : i32 to vector<16xi32>
        %gather3A_302 = tpu.vector_load_idx %arg10[%add3A_129, %broadcast_in_dim3A_301] : memref<80x128xf32, #tpu.memory_space<vmem>>[vector<16xi32>, vector<16xi32>], vector<16xf32>,
        %add3A_303 = vector.broadcast %add3A_300 : i32 to vector<16xi32>
        %add3A_304 = arith.addi %mul3A_137, %add3A_303 : vector<16xi32>
        %gather3A_305 = tpu.vector_load_idx %arg11[%add3A_129, %add3A_304] : memref<80x128xf32, #tpu.memory_space<vmem>>[vector<16xi32>, vector<16xi32>], vector<16xf32>,
        %mul3A_306 = arith.mulf %gather3A_302, %gather3A_305 : vector<16xf32>
        %add3A_307 = arith.addf %add3A_296, %mul3A_306 : vector<16xf32>
        %mul3A_308 = arith.constant 16 : i32
        %mul3A_309 = arith.muli %scan3A_219, %mul3A_308 : i32
        %add3A_310 = arith.constant 8 : i32
        %add3A_311 = arith.addi %mul3A_309, %add3A_310 : i32
        %broadcast_in_dim3A_312 = vector.broadcast %add3A_311 : i32 to vector<16xi32>
        %gather3A_313 = tpu.vector_load_idx %arg10[%add3A_129, %broadcast_in_dim3A_312] : memref<80x128xf32, #tpu.memory_space<vmem>>[vector<16xi32>, vector<16xi32>], vector<16xf32>,
        %add3A_314 = vector.broadcast %add3A_311 : i32 to vector<16xi32>
        %add3A_315 = arith.addi %mul3A_137, %add3A_314 : vector<16xi32>
        %gather3A_316 = tpu.vector_load_idx %arg11[%add3A_129, %add3A_315] : memref<80x128xf32, #tpu.memory_space<vmem>>[vector<16xi32>, vector<16xi32>], vector<16xf32>,
        %mul3A_317 = arith.mulf %gather3A_313, %gather3A_316 : vector<16xf32>
        %add3A_318 = arith.addf %add3A_307, %mul3A_317 : vector<16xf32>
        %mul3A_319 = arith.constant 16 : i32
        %mul3A_320 = arith.muli %scan3A_219, %mul3A_319 : i32
        %add3A_321 = arith.constant 9 : i32
        %add3A_322 = arith.addi %mul3A_320, %add3A_321 : i32
        %broadcast_in_dim3A_323 = vector.broadcast %add3A_322 : i32 to vector<16xi32>
        %gather3A_324 = tpu.vector_load_idx %arg10[%add3A_129, %broadcast_in_dim3A_323] : memref<80x128xf32, #tpu.memory_space<vmem>>[vector<16xi32>, vector<16xi32>], vector<16xf32>,
        %add3A_325 = vector.broadcast %add3A_322 : i32 to vector<16xi32>
        %add3A_326 = arith.addi %mul3A_137, %add3A_325 : vector<16xi32>
        %gather3A_327 = tpu.vector_load_idx %arg11[%add3A_129, %add3A_326] : memref<80x128xf32, #tpu.memory_space<vmem>>[vector<16xi32>, vector<16xi32>], vector<16xf32>,
        %mul3A_328 = arith.mulf %gather3A_324, %gather3A_327 : vector<16xf32>
        %add3A_329 = arith.addf %add3A_318, %mul3A_328 : vector<16xf32>
        %mul3A_330 = arith.constant 16 : i32
        %mul3A_331 = arith.muli %scan3A_219, %mul3A_330 : i32
        %add3A_332 = arith.constant 10 : i32
        %add3A_333 = arith.addi %mul3A_331, %add3A_332 : i32
        %broadcast_in_dim3A_334 = vector.broadcast %add3A_333 : i32 to vector<16xi32>
        %gather3A_335 = tpu.vector_load_idx %arg10[%add3A_129, %broadcast_in_dim3A_334] : memref<80x128xf32, #tpu.memory_space<vmem>>[vector<16xi32>, vector<16xi32>], vector<16xf32>,
        %add3A_336 = vector.broadcast %add3A_333 : i32 to vector<16xi32>
        %add3A_337 = arith.addi %mul3A_137, %add3A_336 : vector<16xi32>
        %gather3A_338 = tpu.vector_load_idx %arg11[%add3A_129, %add3A_337] : memref<80x128xf32, #tpu.memory_space<vmem>>[vector<16xi32>, vector<16xi32>], vector<16xf32>,
        %mul3A_339 = arith.mulf %gather3A_335, %gather3A_338 : vector<16xf32>
        %add3A_340 = arith.addf %add3A_329, %mul3A_339 : vector<16xf32>
        %mul3A_341 = arith.constant 16 : i32
        %mul3A_342 = arith.muli %scan3A_219, %mul3A_341 : i32
        %add3A_343 = arith.constant 11 : i32
        %add3A_344 = arith.addi %mul3A_342, %add3A_343 : i32
        %broadcast_in_dim3A_345 = vector.broadcast %add3A_344 : i32 to vector<16xi32>
        %gather3A_346 = tpu.vector_load_idx %arg10[%add3A_129, %broadcast_in_dim3A_345] : memref<80x128xf32, #tpu.memory_space<vmem>>[vector<16xi32>, vector<16xi32>], vector<16xf32>,
        %add3A_347 = vector.broadcast %add3A_344 : i32 to vector<16xi32>
        %add3A_348 = arith.addi %mul3A_137, %add3A_347 : vector<16xi32>
        %gather3A_349 = tpu.vector_load_idx %arg11[%add3A_129, %add3A_348] : memref<80x128xf32, #tpu.memory_space<vmem>>[vector<16xi32>, vector<16xi32>], vector<16xf32>,
        %mul3A_350 = arith.mulf %gather3A_346, %gather3A_349 : vector<16xf32>
        %add3A_351 = arith.addf %add3A_340, %mul3A_350 : vector<16xf32>
        %mul3A_352 = arith.constant 16 : i32
        %mul3A_353 = arith.muli %scan3A_219, %mul3A_352 : i32
        %add3A_354 = arith.constant 12 : i32
        %add3A_355 = arith.addi %mul3A_353, %add3A_354 : i32
        %broadcast_in_dim3A_356 = vector.broadcast %add3A_355 : i32 to vector<16xi32>
        %gather3A_357 = tpu.vector_load_idx %arg10[%add3A_129, %broadcast_in_dim3A_356] : memref<80x128xf32, #tpu.memory_space<vmem>>[vector<16xi32>, vector<16xi32>], vector<16xf32>,
        %add3A_358 = vector.broadcast %add3A_355 : i32 to vector<16xi32>
        %add3A_359 = arith.addi %mul3A_137, %add3A_358 : vector<16xi32>
        %gather3A_360 = tpu.vector_load_idx %arg11[%add3A_129, %add3A_359] : memref<80x128xf32, #tpu.memory_space<vmem>>[vector<16xi32>, vector<16xi32>], vector<16xf32>,
        %mul3A_361 = arith.mulf %gather3A_357, %gather3A_360 : vector<16xf32>
        %add3A_362 = arith.addf %add3A_351, %mul3A_361 : vector<16xf32>
        %mul3A_363 = arith.constant 16 : i32
        %mul3A_364 = arith.muli %scan3A_219, %mul3A_363 : i32
        %add3A_365 = arith.constant 13 : i32
        %add3A_366 = arith.addi %mul3A_364, %add3A_365 : i32
        %broadcast_in_dim3A_367 = vector.broadcast %add3A_366 : i32 to vector<16xi32>
        %gather3A_368 = tpu.vector_load_idx %arg10[%add3A_129, %broadcast_in_dim3A_367] : memref<80x128xf32, #tpu.memory_space<vmem>>[vector<16xi32>, vector<16xi32>], vector<16xf32>,
        %add3A_369 = vector.broadcast %add3A_366 : i32 to vector<16xi32>
        %add3A_370 = arith.addi %mul3A_137, %add3A_369 : vector<16xi32>
        %gather3A_371 = tpu.vector_load_idx %arg11[%add3A_129, %add3A_370] : memref<80x128xf32, #tpu.memory_space<vmem>>[vector<16xi32>, vector<16xi32>], vector<16xf32>,
        %mul3A_372 = arith.mulf %gather3A_368, %gather3A_371 : vector<16xf32>
        %add3A_373 = arith.addf %add3A_362, %mul3A_372 : vector<16xf32>
        %mul3A_374 = arith.constant 16 : i32
        %mul3A_375 = arith.muli %scan3A_219, %mul3A_374 : i32
        %add3A_376 = arith.constant 14 : i32
        %add3A_377 = arith.addi %mul3A_375, %add3A_376 : i32
        %broadcast_in_dim3A_378 = vector.broadcast %add3A_377 : i32 to vector<16xi32>
        %gather3A_379 = tpu.vector_load_idx %arg10[%add3A_129, %broadcast_in_dim3A_378] : memref<80x128xf32, #tpu.memory_space<vmem>>[vector<16xi32>, vector<16xi32>], vector<16xf32>,
        %add3A_380 = vector.broadcast %add3A_377 : i32 to vector<16xi32>
        %add3A_381 = arith.addi %mul3A_137, %add3A_380 : vector<16xi32>
        %gather3A_382 = tpu.vector_load_idx %arg11[%add3A_129, %add3A_381] : memref<80x128xf32, #tpu.memory_space<vmem>>[vector<16xi32>, vector<16xi32>], vector<16xf32>,
        %mul3A_383 = arith.mulf %gather3A_379, %gather3A_382 : vector<16xf32>
        %add3A_384 = arith.addf %add3A_373, %mul3A_383 : vector<16xf32>
        %mul3A_385 = arith.constant 16 : i32
        %mul3A_386 = arith.muli %scan3A_219, %mul3A_385 : i32
        %add3A_387 = arith.constant 15 : i32
        %add3A_388 = arith.addi %mul3A_386, %add3A_387 : i32
        %broadcast_in_dim3A_389 = vector.broadcast %add3A_388 : i32 to vector<16xi32>
        %gather3A_390 = tpu.vector_load_idx %arg10[%add3A_129, %broadcast_in_dim3A_389] : memref<80x128xf32, #tpu.memory_space<vmem>>[vector<16xi32>, vector<16xi32>], vector<16xf32>,
        %add3A_391 = vector.broadcast %add3A_388 : i32 to vector<16xi32>
        %add3A_392 = arith.addi %mul3A_137, %add3A_391 : vector<16xi32>
        %gather3A_393 = tpu.vector_load_idx %arg11[%add3A_129, %add3A_392] : memref<80x128xf32, #tpu.memory_space<vmem>>[vector<16xi32>, vector<16xi32>], vector<16xf32>,
        %mul3A_394 = arith.mulf %gather3A_390, %gather3A_393 : vector<16xf32>
        %add3A_395 = arith.addf %add3A_384, %mul3A_394 : vector<16xf32>
        scf.yield %add3A_395 : vector<16xf32>
      }
      %scan3A_143 = arith.constant 4 : i32
      %ge3A_144 = arith.constant 0.000000e+00 : f32
      %ge3A_145 = vector.broadcast %ge3A_144 : f32 to vector<16xf32>
      %ge3A_146 = arith.cmpf oge, %scan3A_142, %ge3A_145 : vector<16xf32>
      %mul3A_147 = arith.constant 0.00999999977 : f32
      %mul3A_148 = vector.broadcast %mul3A_147 : f32 to vector<16xf32>
      %mul3A_149 = arith.mulf %scan3A_142, %mul3A_148 : vector<16xf32>
      %select_n3A_150 = arith.select %ge3A_146, %scan3A_142, %mul3A_149 : vector<16xi1>, vector<16xf32>
      %mul3A_151 = vector.broadcast %scan3A_23 : f32 to vector<16xf32>
      %mul3A_152 = arith.mulf %select_n3A_150, %mul3A_151 : vector<16xf32>
      %exp3A_153 = math.exp %mul3A_152 : vector<16xf32>
      %swap3A_154 = arith.constant 32 : index
      %swap3A_155 = tpu.vector_load %arg12[%swap3A_154] {strides = array<i32>} : memref<80xf32, #tpu.memory_space<vmem>>, vector<16xf32>,
      tpu.vector_store %arg12[%swap3A_154], %exp3A_153 {strides = array<i32>} : memref<80xf32, #tpu.memory_space<vmem>>, vector<16xf32>,
      %add3A_156 = arith.constant 48 : i32
      %add3A_157 = vector.broadcast %add3A_156 : i32 to vector<16xi32>
      %add3A_158 = arith.addi %iota3A, %add3A_157 : vector<16xi32>
      %get3A_159 = arith.constant 48 : index
      %get3A_160 = tpu.vector_load %arg8[%get3A_159] {strides = array<i32>} : memref<80xi32, #tpu.memory_space<vmem>>, vector<16xi32>,
      %and3A_161 = arith.constant 1 : i32
      %and3A_162 = vector.broadcast %and3A_161 : i32 to vector<16xi32>
      %and3A_163 = arith.andi %get3A_160, %and3A_162 : vector<16xi32>
      %mul3A_164 = arith.constant 64 : i32
      %mul3A_165 = vector.broadcast %mul3A_164 : i32 to vector<16xi32>
      %mul3A_166 = arith.muli %and3A_163, %mul3A_165 : vector<16xi32>
      %scan3A_167 = arith.constant 0 : i32
      %scan3A_168 = arith.constant 4 : i32
      %scan3A_169 = arith.addi %scan3A_167, %scan3A_168 : i32
      %scan3A_170 = arith.constant 1 : i32
      %scan3A_171 = scf.for %scan3A_219 = %scan3A_167 to %scan3A_169 step %scan3A_170 iter_args(%scan3A_220 = %broadcast_in_dim3A_1) -> (vector<16xf32>)  : i32 {
        %mul3A_221 = arith.constant 16 : i32
        %mul3A_222 = arith.muli %scan3A_219, %mul3A_221 : i32
        %add3A_223 = arith.constant 0 : i32
        %add3A_224 = arith.addi %mul3A_222, %add3A_223 : i32
        %broadcast_in_dim3A_225 = vector.broadcast %add3A_224 : i32 to vector<16xi32>
        %gather3A = tpu.vector_load_idx %arg10[%add3A_158, %broadcast_in_dim3A_225] : memref<80x128xf32, #tpu.memory_space<vmem>>[vector<16xi32>, vector<16xi32>], vector<16xf32>,
        %add3A_226 = vector.broadcast %add3A_224 : i32 to vector<16xi32>
        %add3A_227 = arith.addi %mul3A_166, %add3A_226 : vector<16xi32>
        %gather3A_228 = tpu.vector_load_idx %arg11[%add3A_158, %add3A_227] : memref<80x128xf32, #tpu.memory_space<vmem>>[vector<16xi32>, vector<16xi32>], vector<16xf32>,
        %mul3A_229 = arith.mulf %gather3A, %gather3A_228 : vector<16xf32>
        %add3A_230 = arith.addf %scan3A_220, %mul3A_229 : vector<16xf32>
        %mul3A_231 = arith.constant 16 : i32
        %mul3A_232 = arith.muli %scan3A_219, %mul3A_231 : i32
        %add3A_233 = arith.constant 1 : i32
        %add3A_234 = arith.addi %mul3A_232, %add3A_233 : i32
        %broadcast_in_dim3A_235 = vector.broadcast %add3A_234 : i32 to vector<16xi32>
        %gather3A_236 = tpu.vector_load_idx %arg10[%add3A_158, %broadcast_in_dim3A_235] : memref<80x128xf32, #tpu.memory_space<vmem>>[vector<16xi32>, vector<16xi32>], vector<16xf32>,
        %add3A_237 = vector.broadcast %add3A_234 : i32 to vector<16xi32>
        %add3A_238 = arith.addi %mul3A_166, %add3A_237 : vector<16xi32>
        %gather3A_239 = tpu.vector_load_idx %arg11[%add3A_158, %add3A_238] : memref<80x128xf32, #tpu.memory_space<vmem>>[vector<16xi32>, vector<16xi32>], vector<16xf32>,
        %mul3A_240 = arith.mulf %gather3A_236, %gather3A_239 : vector<16xf32>
        %add3A_241 = arith.addf %add3A_230, %mul3A_240 : vector<16xf32>
        %mul3A_242 = arith.constant 16 : i32
        %mul3A_243 = arith.muli %scan3A_219, %mul3A_242 : i32
        %add3A_244 = arith.constant 2 : i32
        %add3A_245 = arith.addi %mul3A_243, %add3A_244 : i32
        %broadcast_in_dim3A_246 = vector.broadcast %add3A_245 : i32 to vector<16xi32>
        %gather3A_247 = tpu.vector_load_idx %arg10[%add3A_158, %broadcast_in_dim3A_246] : memref<80x128xf32, #tpu.memory_space<vmem>>[vector<16xi32>, vector<16xi32>], vector<16xf32>,
        %add3A_248 = vector.broadcast %add3A_245 : i32 to vector<16xi32>
        %add3A_249 = arith.addi %mul3A_166, %add3A_248 : vector<16xi32>
        %gather3A_250 = tpu.vector_load_idx %arg11[%add3A_158, %add3A_249] : memref<80x128xf32, #tpu.memory_space<vmem>>[vector<16xi32>, vector<16xi32>], vector<16xf32>,
        %mul3A_251 = arith.mulf %gather3A_247, %gather3A_250 : vector<16xf32>
        %add3A_252 = arith.addf %add3A_241, %mul3A_251 : vector<16xf32>
        %mul3A_253 = arith.constant 16 : i32
        %mul3A_254 = arith.muli %scan3A_219, %mul3A_253 : i32
        %add3A_255 = arith.constant 3 : i32
        %add3A_256 = arith.addi %mul3A_254, %add3A_255 : i32
        %broadcast_in_dim3A_257 = vector.broadcast %add3A_256 : i32 to vector<16xi32>
        %gather3A_258 = tpu.vector_load_idx %arg10[%add3A_158, %broadcast_in_dim3A_257] : memref<80x128xf32, #tpu.memory_space<vmem>>[vector<16xi32>, vector<16xi32>], vector<16xf32>,
        %add3A_259 = vector.broadcast %add3A_256 : i32 to vector<16xi32>
        %add3A_260 = arith.addi %mul3A_166, %add3A_259 : vector<16xi32>
        %gather3A_261 = tpu.vector_load_idx %arg11[%add3A_158, %add3A_260] : memref<80x128xf32, #tpu.memory_space<vmem>>[vector<16xi32>, vector<16xi32>], vector<16xf32>,
        %mul3A_262 = arith.mulf %gather3A_258, %gather3A_261 : vector<16xf32>
        %add3A_263 = arith.addf %add3A_252, %mul3A_262 : vector<16xf32>
        %mul3A_264 = arith.constant 16 : i32
        %mul3A_265 = arith.muli %scan3A_219, %mul3A_264 : i32
        %add3A_266 = arith.constant 4 : i32
        %add3A_267 = arith.addi %mul3A_265, %add3A_266 : i32
        %broadcast_in_dim3A_268 = vector.broadcast %add3A_267 : i32 to vector<16xi32>
        %gather3A_269 = tpu.vector_load_idx %arg10[%add3A_158, %broadcast_in_dim3A_268] : memref<80x128xf32, #tpu.memory_space<vmem>>[vector<16xi32>, vector<16xi32>], vector<16xf32>,
        %add3A_270 = vector.broadcast %add3A_267 : i32 to vector<16xi32>
        %add3A_271 = arith.addi %mul3A_166, %add3A_270 : vector<16xi32>
        %gather3A_272 = tpu.vector_load_idx %arg11[%add3A_158, %add3A_271] : memref<80x128xf32, #tpu.memory_space<vmem>>[vector<16xi32>, vector<16xi32>], vector<16xf32>,
        %mul3A_273 = arith.mulf %gather3A_269, %gather3A_272 : vector<16xf32>
        %add3A_274 = arith.addf %add3A_263, %mul3A_273 : vector<16xf32>
        %mul3A_275 = arith.constant 16 : i32
        %mul3A_276 = arith.muli %scan3A_219, %mul3A_275 : i32
        %add3A_277 = arith.constant 5 : i32
        %add3A_278 = arith.addi %mul3A_276, %add3A_277 : i32
        %broadcast_in_dim3A_279 = vector.broadcast %add3A_278 : i32 to vector<16xi32>
        %gather3A_280 = tpu.vector_load_idx %arg10[%add3A_158, %broadcast_in_dim3A_279] : memref<80x128xf32, #tpu.memory_space<vmem>>[vector<16xi32>, vector<16xi32>], vector<16xf32>,
        %add3A_281 = vector.broadcast %add3A_278 : i32 to vector<16xi32>
        %add3A_282 = arith.addi %mul3A_166, %add3A_281 : vector<16xi32>
        %gather3A_283 = tpu.vector_load_idx %arg11[%add3A_158, %add3A_282] : memref<80x128xf32, #tpu.memory_space<vmem>>[vector<16xi32>, vector<16xi32>], vector<16xf32>,
        %mul3A_284 = arith.mulf %gather3A_280, %gather3A_283 : vector<16xf32>
        %add3A_285 = arith.addf %add3A_274, %mul3A_284 : vector<16xf32>
        %mul3A_286 = arith.constant 16 : i32
        %mul3A_287 = arith.muli %scan3A_219, %mul3A_286 : i32
        %add3A_288 = arith.constant 6 : i32
        %add3A_289 = arith.addi %mul3A_287, %add3A_288 : i32
        %broadcast_in_dim3A_290 = vector.broadcast %add3A_289 : i32 to vector<16xi32>
        %gather3A_291 = tpu.vector_load_idx %arg10[%add3A_158, %broadcast_in_dim3A_290] : memref<80x128xf32, #tpu.memory_space<vmem>>[vector<16xi32>, vector<16xi32>], vector<16xf32>,
        %add3A_292 = vector.broadcast %add3A_289 : i32 to vector<16xi32>
        %add3A_293 = arith.addi %mul3A_166, %add3A_292 : vector<16xi32>
        %gather3A_294 = tpu.vector_load_idx %arg11[%add3A_158, %add3A_293] : memref<80x128xf32, #tpu.memory_space<vmem>>[vector<16xi32>, vector<16xi32>], vector<16xf32>,
        %mul3A_295 = arith.mulf %gather3A_291, %gather3A_294 : vector<16xf32>
        %add3A_296 = arith.addf %add3A_285, %mul3A_295 : vector<16xf32>
        %mul3A_297 = arith.constant 16 : i32
        %mul3A_298 = arith.muli %scan3A_219, %mul3A_297 : i32
        %add3A_299 = arith.constant 7 : i32
        %add3A_300 = arith.addi %mul3A_298, %add3A_299 : i32
        %broadcast_in_dim3A_301 = vector.broadcast %add3A_300 : i32 to vector<16xi32>
        %gather3A_302 = tpu.vector_load_idx %arg10[%add3A_158, %broadcast_in_dim3A_301] : memref<80x128xf32, #tpu.memory_space<vmem>>[vector<16xi32>, vector<16xi32>], vector<16xf32>,
        %add3A_303 = vector.broadcast %add3A_300 : i32 to vector<16xi32>
        %add3A_304 = arith.addi %mul3A_166, %add3A_303 : vector<16xi32>
        %gather3A_305 = tpu.vector_load_idx %arg11[%add3A_158, %add3A_304] : memref<80x128xf32, #tpu.memory_space<vmem>>[vector<16xi32>, vector<16xi32>], vector<16xf32>,
        %mul3A_306 = arith.mulf %gather3A_302, %gather3A_305 : vector<16xf32>
        %add3A_307 = arith.addf %add3A_296, %mul3A_306 : vector<16xf32>
        %mul3A_308 = arith.constant 16 : i32
        %mul3A_309 = arith.muli %scan3A_219, %mul3A_308 : i32
        %add3A_310 = arith.constant 8 : i32
        %add3A_311 = arith.addi %mul3A_309, %add3A_310 : i32
        %broadcast_in_dim3A_312 = vector.broadcast %add3A_311 : i32 to vector<16xi32>
        %gather3A_313 = tpu.vector_load_idx %arg10[%add3A_158, %broadcast_in_dim3A_312] : memref<80x128xf32, #tpu.memory_space<vmem>>[vector<16xi32>, vector<16xi32>], vector<16xf32>,
        %add3A_314 = vector.broadcast %add3A_311 : i32 to vector<16xi32>
        %add3A_315 = arith.addi %mul3A_166, %add3A_314 : vector<16xi32>
        %gather3A_316 = tpu.vector_load_idx %arg11[%add3A_158, %add3A_315] : memref<80x128xf32, #tpu.memory_space<vmem>>[vector<16xi32>, vector<16xi32>], vector<16xf32>,
        %mul3A_317 = arith.mulf %gather3A_313, %gather3A_316 : vector<16xf32>
        %add3A_318 = arith.addf %add3A_307, %mul3A_317 : vector<16xf32>
        %mul3A_319 = arith.constant 16 : i32
        %mul3A_320 = arith.muli %scan3A_219, %mul3A_319 : i32
        %add3A_321 = arith.constant 9 : i32
        %add3A_322 = arith.addi %mul3A_320, %add3A_321 : i32
        %broadcast_in_dim3A_323 = vector.broadcast %add3A_322 : i32 to vector<16xi32>
        %gather3A_324 = tpu.vector_load_idx %arg10[%add3A_158, %broadcast_in_dim3A_323] : memref<80x128xf32, #tpu.memory_space<vmem>>[vector<16xi32>, vector<16xi32>], vector<16xf32>,
        %add3A_325 = vector.broadcast %add3A_322 : i32 to vector<16xi32>
        %add3A_326 = arith.addi %mul3A_166, %add3A_325 : vector<16xi32>
        %gather3A_327 = tpu.vector_load_idx %arg11[%add3A_158, %add3A_326] : memref<80x128xf32, #tpu.memory_space<vmem>>[vector<16xi32>, vector<16xi32>], vector<16xf32>,
        %mul3A_328 = arith.mulf %gather3A_324, %gather3A_327 : vector<16xf32>
        %add3A_329 = arith.addf %add3A_318, %mul3A_328 : vector<16xf32>
        %mul3A_330 = arith.constant 16 : i32
        %mul3A_331 = arith.muli %scan3A_219, %mul3A_330 : i32
        %add3A_332 = arith.constant 10 : i32
        %add3A_333 = arith.addi %mul3A_331, %add3A_332 : i32
        %broadcast_in_dim3A_334 = vector.broadcast %add3A_333 : i32 to vector<16xi32>
        %gather3A_335 = tpu.vector_load_idx %arg10[%add3A_158, %broadcast_in_dim3A_334] : memref<80x128xf32, #tpu.memory_space<vmem>>[vector<16xi32>, vector<16xi32>], vector<16xf32>,
        %add3A_336 = vector.broadcast %add3A_333 : i32 to vector<16xi32>
        %add3A_337 = arith.addi %mul3A_166, %add3A_336 : vector<16xi32>
        %gather3A_338 = tpu.vector_load_idx %arg11[%add3A_158, %add3A_337] : memref<80x128xf32, #tpu.memory_space<vmem>>[vector<16xi32>, vector<16xi32>], vector<16xf32>,
        %mul3A_339 = arith.mulf %gather3A_335, %gather3A_338 : vector<16xf32>
        %add3A_340 = arith.addf %add3A_329, %mul3A_339 : vector<16xf32>
        %mul3A_341 = arith.constant 16 : i32
        %mul3A_342 = arith.muli %scan3A_219, %mul3A_341 : i32
        %add3A_343 = arith.constant 11 : i32
        %add3A_344 = arith.addi %mul3A_342, %add3A_343 : i32
        %broadcast_in_dim3A_345 = vector.broadcast %add3A_344 : i32 to vector<16xi32>
        %gather3A_346 = tpu.vector_load_idx %arg10[%add3A_158, %broadcast_in_dim3A_345] : memref<80x128xf32, #tpu.memory_space<vmem>>[vector<16xi32>, vector<16xi32>], vector<16xf32>,
        %add3A_347 = vector.broadcast %add3A_344 : i32 to vector<16xi32>
        %add3A_348 = arith.addi %mul3A_166, %add3A_347 : vector<16xi32>
        %gather3A_349 = tpu.vector_load_idx %arg11[%add3A_158, %add3A_348] : memref<80x128xf32, #tpu.memory_space<vmem>>[vector<16xi32>, vector<16xi32>], vector<16xf32>,
        %mul3A_350 = arith.mulf %gather3A_346, %gather3A_349 : vector<16xf32>
        %add3A_351 = arith.addf %add3A_340, %mul3A_350 : vector<16xf32>
        %mul3A_352 = arith.constant 16 : i32
        %mul3A_353 = arith.muli %scan3A_219, %mul3A_352 : i32
        %add3A_354 = arith.constant 12 : i32
        %add3A_355 = arith.addi %mul3A_353, %add3A_354 : i32
        %broadcast_in_dim3A_356 = vector.broadcast %add3A_355 : i32 to vector<16xi32>
        %gather3A_357 = tpu.vector_load_idx %arg10[%add3A_158, %broadcast_in_dim3A_356] : memref<80x128xf32, #tpu.memory_space<vmem>>[vector<16xi32>, vector<16xi32>], vector<16xf32>,
        %add3A_358 = vector.broadcast %add3A_355 : i32 to vector<16xi32>
        %add3A_359 = arith.addi %mul3A_166, %add3A_358 : vector<16xi32>
        %gather3A_360 = tpu.vector_load_idx %arg11[%add3A_158, %add3A_359] : memref<80x128xf32, #tpu.memory_space<vmem>>[vector<16xi32>, vector<16xi32>], vector<16xf32>,
        %mul3A_361 = arith.mulf %gather3A_357, %gather3A_360 : vector<16xf32>
        %add3A_362 = arith.addf %add3A_351, %mul3A_361 : vector<16xf32>
        %mul3A_363 = arith.constant 16 : i32
        %mul3A_364 = arith.muli %scan3A_219, %mul3A_363 : i32
        %add3A_365 = arith.constant 13 : i32
        %add3A_366 = arith.addi %mul3A_364, %add3A_365 : i32
        %broadcast_in_dim3A_367 = vector.broadcast %add3A_366 : i32 to vector<16xi32>
        %gather3A_368 = tpu.vector_load_idx %arg10[%add3A_158, %broadcast_in_dim3A_367] : memref<80x128xf32, #tpu.memory_space<vmem>>[vector<16xi32>, vector<16xi32>], vector<16xf32>,
        %add3A_369 = vector.broadcast %add3A_366 : i32 to vector<16xi32>
        %add3A_370 = arith.addi %mul3A_166, %add3A_369 : vector<16xi32>
        %gather3A_371 = tpu.vector_load_idx %arg11[%add3A_158, %add3A_370] : memref<80x128xf32, #tpu.memory_space<vmem>>[vector<16xi32>, vector<16xi32>], vector<16xf32>,
        %mul3A_372 = arith.mulf %gather3A_368, %gather3A_371 : vector<16xf32>
        %add3A_373 = arith.addf %add3A_362, %mul3A_372 : vector<16xf32>
        %mul3A_374 = arith.constant 16 : i32
        %mul3A_375 = arith.muli %scan3A_219, %mul3A_374 : i32
        %add3A_376 = arith.constant 14 : i32
        %add3A_377 = arith.addi %mul3A_375, %add3A_376 : i32
        %broadcast_in_dim3A_378 = vector.broadcast %add3A_377 : i32 to vector<16xi32>
        %gather3A_379 = tpu.vector_load_idx %arg10[%add3A_158, %broadcast_in_dim3A_378] : memref<80x128xf32, #tpu.memory_space<vmem>>[vector<16xi32>, vector<16xi32>], vector<16xf32>,
        %add3A_380 = vector.broadcast %add3A_377 : i32 to vector<16xi32>
        %add3A_381 = arith.addi %mul3A_166, %add3A_380 : vector<16xi32>
        %gather3A_382 = tpu.vector_load_idx %arg11[%add3A_158, %add3A_381] : memref<80x128xf32, #tpu.memory_space<vmem>>[vector<16xi32>, vector<16xi32>], vector<16xf32>,
        %mul3A_383 = arith.mulf %gather3A_379, %gather3A_382 : vector<16xf32>
        %add3A_384 = arith.addf %add3A_373, %mul3A_383 : vector<16xf32>
        %mul3A_385 = arith.constant 16 : i32
        %mul3A_386 = arith.muli %scan3A_219, %mul3A_385 : i32
        %add3A_387 = arith.constant 15 : i32
        %add3A_388 = arith.addi %mul3A_386, %add3A_387 : i32
        %broadcast_in_dim3A_389 = vector.broadcast %add3A_388 : i32 to vector<16xi32>
        %gather3A_390 = tpu.vector_load_idx %arg10[%add3A_158, %broadcast_in_dim3A_389] : memref<80x128xf32, #tpu.memory_space<vmem>>[vector<16xi32>, vector<16xi32>], vector<16xf32>,
        %add3A_391 = vector.broadcast %add3A_388 : i32 to vector<16xi32>
        %add3A_392 = arith.addi %mul3A_166, %add3A_391 : vector<16xi32>
        %gather3A_393 = tpu.vector_load_idx %arg11[%add3A_158, %add3A_392] : memref<80x128xf32, #tpu.memory_space<vmem>>[vector<16xi32>, vector<16xi32>], vector<16xf32>,
        %mul3A_394 = arith.mulf %gather3A_390, %gather3A_393 : vector<16xf32>
        %add3A_395 = arith.addf %add3A_384, %mul3A_394 : vector<16xf32>
        scf.yield %add3A_395 : vector<16xf32>
      }
      %scan3A_172 = arith.constant 4 : i32
      %ge3A_173 = arith.constant 0.000000e+00 : f32
      %ge3A_174 = vector.broadcast %ge3A_173 : f32 to vector<16xf32>
      %ge3A_175 = arith.cmpf oge, %scan3A_171, %ge3A_174 : vector<16xf32>
      %mul3A_176 = arith.constant 0.00999999977 : f32
      %mul3A_177 = vector.broadcast %mul3A_176 : f32 to vector<16xf32>
      %mul3A_178 = arith.mulf %scan3A_171, %mul3A_177 : vector<16xf32>
      %select_n3A_179 = arith.select %ge3A_175, %scan3A_171, %mul3A_178 : vector<16xi1>, vector<16xf32>
      %mul3A_180 = vector.broadcast %scan3A_23 : f32 to vector<16xf32>
      %mul3A_181 = arith.mulf %select_n3A_179, %mul3A_180 : vector<16xf32>
      %exp3A_182 = math.exp %mul3A_181 : vector<16xf32>
      %swap3A_183 = arith.constant 48 : index
      %swap3A_184 = tpu.vector_load %arg12[%swap3A_183] {strides = array<i32>} : memref<80xf32, #tpu.memory_space<vmem>>, vector<16xf32>,
      tpu.vector_store %arg12[%swap3A_183], %exp3A_182 {strides = array<i32>} : memref<80xf32, #tpu.memory_space<vmem>>, vector<16xf32>,
      %add3A_185 = arith.constant 64 : i32
      %add3A_186 = vector.broadcast %add3A_185 : i32 to vector<16xi32>
      %add3A_187 = arith.addi %iota3A, %add3A_186 : vector<16xi32>
      %get3A_188 = arith.constant 64 : index
      %get3A_189 = tpu.vector_load %arg8[%get3A_188] {strides = array<i32>} : memref<80xi32, #tpu.memory_space<vmem>>, vector<16xi32>,
      %and3A_190 = arith.constant 1 : i32
      %and3A_191 = vector.broadcast %and3A_190 : i32 to vector<16xi32>
      %and3A_192 = arith.andi %get3A_189, %and3A_191 : vector<16xi32>
      %mul3A_193 = arith.constant 64 : i32
      %mul3A_194 = vector.broadcast %mul3A_193 : i32 to vector<16xi32>
      %mul3A_195 = arith.muli %and3A_192, %mul3A_194 : vector<16xi32>
      %scan3A_196 = arith.constant 0 : i32
      %scan3A_197 = arith.constant 4 : i32
      %scan3A_198 = arith.addi %scan3A_196, %scan3A_197 : i32
      %scan3A_199 = arith.constant 1 : i32
      %scan3A_200 = scf.for %scan3A_219 = %scan3A_196 to %scan3A_198 step %scan3A_199 iter_args(%scan3A_220 = %broadcast_in_dim3A_1) -> (vector<16xf32>)  : i32 {
        %mul3A_221 = arith.constant 16 : i32
        %mul3A_222 = arith.muli %scan3A_219, %mul3A_221 : i32
        %add3A_223 = arith.constant 0 : i32
        %add3A_224 = arith.addi %mul3A_222, %add3A_223 : i32
        %broadcast_in_dim3A_225 = vector.broadcast %add3A_224 : i32 to vector<16xi32>
        %gather3A = tpu.vector_load_idx %arg10[%add3A_187, %broadcast_in_dim3A_225] : memref<80x128xf32, #tpu.memory_space<vmem>>[vector<16xi32>, vector<16xi32>], vector<16xf32>,
        %add3A_226 = vector.broadcast %add3A_224 : i32 to vector<16xi32>
        %add3A_227 = arith.addi %mul3A_195, %add3A_226 : vector<16xi32>
        %gather3A_228 = tpu.vector_load_idx %arg11[%add3A_187, %add3A_227] : memref<80x128xf32, #tpu.memory_space<vmem>>[vector<16xi32>, vector<16xi32>], vector<16xf32>,
        %mul3A_229 = arith.mulf %gather3A, %gather3A_228 : vector<16xf32>
        %add3A_230 = arith.addf %scan3A_220, %mul3A_229 : vector<16xf32>
        %mul3A_231 = arith.constant 16 : i32
        %mul3A_232 = arith.muli %scan3A_219, %mul3A_231 : i32
        %add3A_233 = arith.constant 1 : i32
        %add3A_234 = arith.addi %mul3A_232, %add3A_233 : i32
        %broadcast_in_dim3A_235 = vector.broadcast %add3A_234 : i32 to vector<16xi32>
        %gather3A_236 = tpu.vector_load_idx %arg10[%add3A_187, %broadcast_in_dim3A_235] : memref<80x128xf32, #tpu.memory_space<vmem>>[vector<16xi32>, vector<16xi32>], vector<16xf32>,
        %add3A_237 = vector.broadcast %add3A_234 : i32 to vector<16xi32>
        %add3A_238 = arith.addi %mul3A_195, %add3A_237 : vector<16xi32>
        %gather3A_239 = tpu.vector_load_idx %arg11[%add3A_187, %add3A_238] : memref<80x128xf32, #tpu.memory_space<vmem>>[vector<16xi32>, vector<16xi32>], vector<16xf32>,
        %mul3A_240 = arith.mulf %gather3A_236, %gather3A_239 : vector<16xf32>
        %add3A_241 = arith.addf %add3A_230, %mul3A_240 : vector<16xf32>
        %mul3A_242 = arith.constant 16 : i32
        %mul3A_243 = arith.muli %scan3A_219, %mul3A_242 : i32
        %add3A_244 = arith.constant 2 : i32
        %add3A_245 = arith.addi %mul3A_243, %add3A_244 : i32
        %broadcast_in_dim3A_246 = vector.broadcast %add3A_245 : i32 to vector<16xi32>
        %gather3A_247 = tpu.vector_load_idx %arg10[%add3A_187, %broadcast_in_dim3A_246] : memref<80x128xf32, #tpu.memory_space<vmem>>[vector<16xi32>, vector<16xi32>], vector<16xf32>,
        %add3A_248 = vector.broadcast %add3A_245 : i32 to vector<16xi32>
        %add3A_249 = arith.addi %mul3A_195, %add3A_248 : vector<16xi32>
        %gather3A_250 = tpu.vector_load_idx %arg11[%add3A_187, %add3A_249] : memref<80x128xf32, #tpu.memory_space<vmem>>[vector<16xi32>, vector<16xi32>], vector<16xf32>,
        %mul3A_251 = arith.mulf %gather3A_247, %gather3A_250 : vector<16xf32>
        %add3A_252 = arith.addf %add3A_241, %mul3A_251 : vector<16xf32>
        %mul3A_253 = arith.constant 16 : i32
        %mul3A_254 = arith.muli %scan3A_219, %mul3A_253 : i32
        %add3A_255 = arith.constant 3 : i32
        %add3A_256 = arith.addi %mul3A_254, %add3A_255 : i32
        %broadcast_in_dim3A_257 = vector.broadcast %add3A_256 : i32 to vector<16xi32>
        %gather3A_258 = tpu.vector_load_idx %arg10[%add3A_187, %broadcast_in_dim3A_257] : memref<80x128xf32, #tpu.memory_space<vmem>>[vector<16xi32>, vector<16xi32>], vector<16xf32>,
        %add3A_259 = vector.broadcast %add3A_256 : i32 to vector<16xi32>
        %add3A_260 = arith.addi %mul3A_195, %add3A_259 : vector<16xi32>
        %gather3A_261 = tpu.vector_load_idx %arg11[%add3A_187, %add3A_260] : memref<80x128xf32, #tpu.memory_space<vmem>>[vector<16xi32>, vector<16xi32>], vector<16xf32>,
        %mul3A_262 = arith.mulf %gather3A_258, %gather3A_261 : vector<16xf32>
        %add3A_263 = arith.addf %add3A_252, %mul3A_262 : vector<16xf32>
        %mul3A_264 = arith.constant 16 : i32
        %mul3A_265 = arith.muli %scan3A_219, %mul3A_264 : i32
        %add3A_266 = arith.constant 4 : i32
        %add3A_267 = arith.addi %mul3A_265, %add3A_266 : i32
        %broadcast_in_dim3A_268 = vector.broadcast %add3A_267 : i32 to vector<16xi32>
        %gather3A_269 = tpu.vector_load_idx %arg10[%add3A_187, %broadcast_in_dim3A_268] : memref<80x128xf32, #tpu.memory_space<vmem>>[vector<16xi32>, vector<16xi32>], vector<16xf32>,
        %add3A_270 = vector.broadcast %add3A_267 : i32 to vector<16xi32>
        %add3A_271 = arith.addi %mul3A_195, %add3A_270 : vector<16xi32>
        %gather3A_272 = tpu.vector_load_idx %arg11[%add3A_187, %add3A_271] : memref<80x128xf32, #tpu.memory_space<vmem>>[vector<16xi32>, vector<16xi32>], vector<16xf32>,
        %mul3A_273 = arith.mulf %gather3A_269, %gather3A_272 : vector<16xf32>
        %add3A_274 = arith.addf %add3A_263, %mul3A_273 : vector<16xf32>
        %mul3A_275 = arith.constant 16 : i32
        %mul3A_276 = arith.muli %scan3A_219, %mul3A_275 : i32
        %add3A_277 = arith.constant 5 : i32
        %add3A_278 = arith.addi %mul3A_276, %add3A_277 : i32
        %broadcast_in_dim3A_279 = vector.broadcast %add3A_278 : i32 to vector<16xi32>
        %gather3A_280 = tpu.vector_load_idx %arg10[%add3A_187, %broadcast_in_dim3A_279] : memref<80x128xf32, #tpu.memory_space<vmem>>[vector<16xi32>, vector<16xi32>], vector<16xf32>,
        %add3A_281 = vector.broadcast %add3A_278 : i32 to vector<16xi32>
        %add3A_282 = arith.addi %mul3A_195, %add3A_281 : vector<16xi32>
        %gather3A_283 = tpu.vector_load_idx %arg11[%add3A_187, %add3A_282] : memref<80x128xf32, #tpu.memory_space<vmem>>[vector<16xi32>, vector<16xi32>], vector<16xf32>,
        %mul3A_284 = arith.mulf %gather3A_280, %gather3A_283 : vector<16xf32>
        %add3A_285 = arith.addf %add3A_274, %mul3A_284 : vector<16xf32>
        %mul3A_286 = arith.constant 16 : i32
        %mul3A_287 = arith.muli %scan3A_219, %mul3A_286 : i32
        %add3A_288 = arith.constant 6 : i32
        %add3A_289 = arith.addi %mul3A_287, %add3A_288 : i32
        %broadcast_in_dim3A_290 = vector.broadcast %add3A_289 : i32 to vector<16xi32>
        %gather3A_291 = tpu.vector_load_idx %arg10[%add3A_187, %broadcast_in_dim3A_290] : memref<80x128xf32, #tpu.memory_space<vmem>>[vector<16xi32>, vector<16xi32>], vector<16xf32>,
        %add3A_292 = vector.broadcast %add3A_289 : i32 to vector<16xi32>
        %add3A_293 = arith.addi %mul3A_195, %add3A_292 : vector<16xi32>
        %gather3A_294 = tpu.vector_load_idx %arg11[%add3A_187, %add3A_293] : memref<80x128xf32, #tpu.memory_space<vmem>>[vector<16xi32>, vector<16xi32>], vector<16xf32>,
        %mul3A_295 = arith.mulf %gather3A_291, %gather3A_294 : vector<16xf32>
        %add3A_296 = arith.addf %add3A_285, %mul3A_295 : vector<16xf32>
        %mul3A_297 = arith.constant 16 : i32
        %mul3A_298 = arith.muli %scan3A_219, %mul3A_297 : i32
        %add3A_299 = arith.constant 7 : i32
        %add3A_300 = arith.addi %mul3A_298, %add3A_299 : i32
        %broadcast_in_dim3A_301 = vector.broadcast %add3A_300 : i32 to vector<16xi32>
        %gather3A_302 = tpu.vector_load_idx %arg10[%add3A_187, %broadcast_in_dim3A_301] : memref<80x128xf32, #tpu.memory_space<vmem>>[vector<16xi32>, vector<16xi32>], vector<16xf32>,
        %add3A_303 = vector.broadcast %add3A_300 : i32 to vector<16xi32>
        %add3A_304 = arith.addi %mul3A_195, %add3A_303 : vector<16xi32>
        %gather3A_305 = tpu.vector_load_idx %arg11[%add3A_187, %add3A_304] : memref<80x128xf32, #tpu.memory_space<vmem>>[vector<16xi32>, vector<16xi32>], vector<16xf32>,
        %mul3A_306 = arith.mulf %gather3A_302, %gather3A_305 : vector<16xf32>
        %add3A_307 = arith.addf %add3A_296, %mul3A_306 : vector<16xf32>
        %mul3A_308 = arith.constant 16 : i32
        %mul3A_309 = arith.muli %scan3A_219, %mul3A_308 : i32
        %add3A_310 = arith.constant 8 : i32
        %add3A_311 = arith.addi %mul3A_309, %add3A_310 : i32
        %broadcast_in_dim3A_312 = vector.broadcast %add3A_311 : i32 to vector<16xi32>
        %gather3A_313 = tpu.vector_load_idx %arg10[%add3A_187, %broadcast_in_dim3A_312] : memref<80x128xf32, #tpu.memory_space<vmem>>[vector<16xi32>, vector<16xi32>], vector<16xf32>,
        %add3A_314 = vector.broadcast %add3A_311 : i32 to vector<16xi32>
        %add3A_315 = arith.addi %mul3A_195, %add3A_314 : vector<16xi32>
        %gather3A_316 = tpu.vector_load_idx %arg11[%add3A_187, %add3A_315] : memref<80x128xf32, #tpu.memory_space<vmem>>[vector<16xi32>, vector<16xi32>], vector<16xf32>,
        %mul3A_317 = arith.mulf %gather3A_313, %gather3A_316 : vector<16xf32>
        %add3A_318 = arith.addf %add3A_307, %mul3A_317 : vector<16xf32>
        %mul3A_319 = arith.constant 16 : i32
        %mul3A_320 = arith.muli %scan3A_219, %mul3A_319 : i32
        %add3A_321 = arith.constant 9 : i32
        %add3A_322 = arith.addi %mul3A_320, %add3A_321 : i32
        %broadcast_in_dim3A_323 = vector.broadcast %add3A_322 : i32 to vector<16xi32>
        %gather3A_324 = tpu.vector_load_idx %arg10[%add3A_187, %broadcast_in_dim3A_323] : memref<80x128xf32, #tpu.memory_space<vmem>>[vector<16xi32>, vector<16xi32>], vector<16xf32>,
        %add3A_325 = vector.broadcast %add3A_322 : i32 to vector<16xi32>
        %add3A_326 = arith.addi %mul3A_195, %add3A_325 : vector<16xi32>
        %gather3A_327 = tpu.vector_load_idx %arg11[%add3A_187, %add3A_326] : memref<80x128xf32, #tpu.memory_space<vmem>>[vector<16xi32>, vector<16xi32>], vector<16xf32>,
        %mul3A_328 = arith.mulf %gather3A_324, %gather3A_327 : vector<16xf32>
        %add3A_329 = arith.addf %add3A_318, %mul3A_328 : vector<16xf32>
        %mul3A_330 = arith.constant 16 : i32
        %mul3A_331 = arith.muli %scan3A_219, %mul3A_330 : i32
        %add3A_332 = arith.constant 10 : i32
        %add3A_333 = arith.addi %mul3A_331, %add3A_332 : i32
        %broadcast_in_dim3A_334 = vector.broadcast %add3A_333 : i32 to vector<16xi32>
        %gather3A_335 = tpu.vector_load_idx %arg10[%add3A_187, %broadcast_in_dim3A_334] : memref<80x128xf32, #tpu.memory_space<vmem>>[vector<16xi32>, vector<16xi32>], vector<16xf32>,
        %add3A_336 = vector.broadcast %add3A_333 : i32 to vector<16xi32>
        %add3A_337 = arith.addi %mul3A_195, %add3A_336 : vector<16xi32>
        %gather3A_338 = tpu.vector_load_idx %arg11[%add3A_187, %add3A_337] : memref<80x128xf32, #tpu.memory_space<vmem>>[vector<16xi32>, vector<16xi32>], vector<16xf32>,
        %mul3A_339 = arith.mulf %gather3A_335, %gather3A_338 : vector<16xf32>
        %add3A_340 = arith.addf %add3A_329, %mul3A_339 : vector<16xf32>
        %mul3A_341 = arith.constant 16 : i32
        %mul3A_342 = arith.muli %scan3A_219, %mul3A_341 : i32
        %add3A_343 = arith.constant 11 : i32
        %add3A_344 = arith.addi %mul3A_342, %add3A_343 : i32
        %broadcast_in_dim3A_345 = vector.broadcast %add3A_344 : i32 to vector<16xi32>
        %gather3A_346 = tpu.vector_load_idx %arg10[%add3A_187, %broadcast_in_dim3A_345] : memref<80x128xf32, #tpu.memory_space<vmem>>[vector<16xi32>, vector<16xi32>], vector<16xf32>,
        %add3A_347 = vector.broadcast %add3A_344 : i32 to vector<16xi32>
        %add3A_348 = arith.addi %mul3A_195, %add3A_347 : vector<16xi32>
        %gather3A_349 = tpu.vector_load_idx %arg11[%add3A_187, %add3A_348] : memref<80x128xf32, #tpu.memory_space<vmem>>[vector<16xi32>, vector<16xi32>], vector<16xf32>,
        %mul3A_350 = arith.mulf %gather3A_346, %gather3A_349 : vector<16xf32>
        %add3A_351 = arith.addf %add3A_340, %mul3A_350 : vector<16xf32>
        %mul3A_352 = arith.constant 16 : i32
        %mul3A_353 = arith.muli %scan3A_219, %mul3A_352 : i32
        %add3A_354 = arith.constant 12 : i32
        %add3A_355 = arith.addi %mul3A_353, %add3A_354 : i32
        %broadcast_in_dim3A_356 = vector.broadcast %add3A_355 : i32 to vector<16xi32>
        %gather3A_357 = tpu.vector_load_idx %arg10[%add3A_187, %broadcast_in_dim3A_356] : memref<80x128xf32, #tpu.memory_space<vmem>>[vector<16xi32>, vector<16xi32>], vector<16xf32>,
        %add3A_358 = vector.broadcast %add3A_355 : i32 to vector<16xi32>
        %add3A_359 = arith.addi %mul3A_195, %add3A_358 : vector<16xi32>
        %gather3A_360 = tpu.vector_load_idx %arg11[%add3A_187, %add3A_359] : memref<80x128xf32, #tpu.memory_space<vmem>>[vector<16xi32>, vector<16xi32>], vector<16xf32>,
        %mul3A_361 = arith.mulf %gather3A_357, %gather3A_360 : vector<16xf32>
        %add3A_362 = arith.addf %add3A_351, %mul3A_361 : vector<16xf32>
        %mul3A_363 = arith.constant 16 : i32
        %mul3A_364 = arith.muli %scan3A_219, %mul3A_363 : i32
        %add3A_365 = arith.constant 13 : i32
        %add3A_366 = arith.addi %mul3A_364, %add3A_365 : i32
        %broadcast_in_dim3A_367 = vector.broadcast %add3A_366 : i32 to vector<16xi32>
        %gather3A_368 = tpu.vector_load_idx %arg10[%add3A_187, %broadcast_in_dim3A_367] : memref<80x128xf32, #tpu.memory_space<vmem>>[vector<16xi32>, vector<16xi32>], vector<16xf32>,
        %add3A_369 = vector.broadcast %add3A_366 : i32 to vector<16xi32>
        %add3A_370 = arith.addi %mul3A_195, %add3A_369 : vector<16xi32>
        %gather3A_371 = tpu.vector_load_idx %arg11[%add3A_187, %add3A_370] : memref<80x128xf32, #tpu.memory_space<vmem>>[vector<16xi32>, vector<16xi32>], vector<16xf32>,
        %mul3A_372 = arith.mulf %gather3A_368, %gather3A_371 : vector<16xf32>
        %add3A_373 = arith.addf %add3A_362, %mul3A_372 : vector<16xf32>
        %mul3A_374 = arith.constant 16 : i32
        %mul3A_375 = arith.muli %scan3A_219, %mul3A_374 : i32
        %add3A_376 = arith.constant 14 : i32
        %add3A_377 = arith.addi %mul3A_375, %add3A_376 : i32
        %broadcast_in_dim3A_378 = vector.broadcast %add3A_377 : i32 to vector<16xi32>
        %gather3A_379 = tpu.vector_load_idx %arg10[%add3A_187, %broadcast_in_dim3A_378] : memref<80x128xf32, #tpu.memory_space<vmem>>[vector<16xi32>, vector<16xi32>], vector<16xf32>,
        %add3A_380 = vector.broadcast %add3A_377 : i32 to vector<16xi32>
        %add3A_381 = arith.addi %mul3A_195, %add3A_380 : vector<16xi32>
        %gather3A_382 = tpu.vector_load_idx %arg11[%add3A_187, %add3A_381] : memref<80x128xf32, #tpu.memory_space<vmem>>[vector<16xi32>, vector<16xi32>], vector<16xf32>,
        %mul3A_383 = arith.mulf %gather3A_379, %gather3A_382 : vector<16xf32>
        %add3A_384 = arith.addf %add3A_373, %mul3A_383 : vector<16xf32>
        %mul3A_385 = arith.constant 16 : i32
        %mul3A_386 = arith.muli %scan3A_219, %mul3A_385 : i32
        %add3A_387 = arith.constant 15 : i32
        %add3A_388 = arith.addi %mul3A_386, %add3A_387 : i32
        %broadcast_in_dim3A_389 = vector.broadcast %add3A_388 : i32 to vector<16xi32>
        %gather3A_390 = tpu.vector_load_idx %arg10[%add3A_187, %broadcast_in_dim3A_389] : memref<80x128xf32, #tpu.memory_space<vmem>>[vector<16xi32>, vector<16xi32>], vector<16xf32>,
        %add3A_391 = vector.broadcast %add3A_388 : i32 to vector<16xi32>
        %add3A_392 = arith.addi %mul3A_195, %add3A_391 : vector<16xi32>
        %gather3A_393 = tpu.vector_load_idx %arg11[%add3A_187, %add3A_392] : memref<80x128xf32, #tpu.memory_space<vmem>>[vector<16xi32>, vector<16xi32>], vector<16xf32>,
        %mul3A_394 = arith.mulf %gather3A_390, %gather3A_393 : vector<16xf32>
        %add3A_395 = arith.addf %add3A_384, %mul3A_394 : vector<16xf32>
        scf.yield %add3A_395 : vector<16xf32>
      }
      %scan3A_201 = arith.constant 4 : i32
      %ge3A_202 = arith.constant 0.000000e+00 : f32
      %ge3A_203 = vector.broadcast %ge3A_202 : f32 to vector<16xf32>
      %ge3A_204 = arith.cmpf oge, %scan3A_200, %ge3A_203 : vector<16xf32>
      %mul3A_205 = arith.constant 0.00999999977 : f32
      %mul3A_206 = vector.broadcast %mul3A_205 : f32 to vector<16xf32>
      %mul3A_207 = arith.mulf %scan3A_200, %mul3A_206 : vector<16xf32>
      %select_n3A_208 = arith.select %ge3A_204, %scan3A_200, %mul3A_207 : vector<16xi1>, vector<16xf32>
      %mul3A_209 = vector.broadcast %scan3A_23 : f32 to vector<16xf32>
      %mul3A_210 = arith.mulf %select_n3A_208, %mul3A_209 : vector<16xf32>
      %exp3A_211 = math.exp %mul3A_210 : vector<16xf32>
      %swap3A_212 = arith.constant 64 : index
      %swap3A_213 = tpu.vector_load %arg12[%swap3A_212] {strides = array<i32>} : memref<80xf32, #tpu.memory_space<vmem>>, vector<16xf32>,
      tpu.vector_store %arg12[%swap3A_212], %exp3A_211 {strides = array<i32>} : memref<80xf32, #tpu.memory_space<vmem>>, vector<16xf32>,
      %scan3A_214 = arith.constant 0 : i32
      %scan3A_215 = arith.constant 80 : i32
      %scan3A_216 = arith.addi %scan3A_214, %scan3A_215 : i32
      %scan3A_217 = arith.constant 1 : i32
      scf.for %scan3A_219 = %scan3A_214 to %scan3A_216 step %scan3A_217  : i32 {
        %mul3A_220 = arith.constant 1 : i32
        %mul3A_221 = arith.muli %scan3A_219, %mul3A_220 : i32
        %add3A_222 = arith.constant 0 : i32
        %add3A_223 = arith.addi %add3A_222, %mul3A_221 : i32
        %broadcast_in_dim3A_224 = vector.broadcast %add3A_223 : i32 to vector<16xi32>
        %gather3A = tpu.vector_load_idx %arg12[%broadcast_in_dim3A_224] : memref<80xf32, #tpu.memory_space<vmem>>[vector<16xi32>], vector<16xf32>,
        %get3A_225 = arith.index_cast %add3A_223 : i32 to index
        %get3A_226 = arith.constant 64 : index
        %get3A_227 = tpu.vector_load %arg10[%get3A_225, %get3A_226] {strides = array<i32>} : memref<80x128xf32, #tpu.memory_space<vmem>>, vector<16xf32>,
        %mul3A_228 = arith.mulf %gather3A, %get3A_227 : vector<16xf32>
        %swap3A_229 = arith.index_cast %add3A_223 : i32 to index
        %swap3A_230 = arith.constant 0 : index
        %swap3A_231 = tpu.vector_load %arg13[%swap3A_229, %swap3A_230] {strides = array<i32>} : memref<80x128xf32, #tpu.memory_space<vmem>>, vector<16xf32>,
        tpu.vector_store %arg13[%swap3A_229, %swap3A_230], %mul3A_228 {strides = array<i32>} : memref<80x128xf32, #tpu.memory_space<vmem>>, vector<16xf32>,
        %get3A_232 = arith.index_cast %add3A_223 : i32 to index
        %get3A_233 = arith.constant 80 : index
        %get3A_234 = tpu.vector_load %arg10[%get3A_232, %get3A_233] {strides = array<i32>} : memref<80x128xf32, #tpu.memory_space<vmem>>, vector<16xf32>,
        %mul3A_235 = arith.mulf %gather3A, %get3A_234 : vector<16xf32>
        %swap3A_236 = arith.index_cast %add3A_223 : i32 to index
        %swap3A_237 = arith.constant 16 : index
        %swap3A_238 = tpu.vector_load %arg13[%swap3A_236, %swap3A_237] {strides = array<i32>} : memref<80x128xf32, #tpu.memory_space<vmem>>, vector<16xf32>,
        tpu.vector_store %arg13[%swap3A_236, %swap3A_237], %mul3A_235 {strides = array<i32>} : memref<80x128xf32, #tpu.memory_space<vmem>>, vector<16xf32>,
        %get3A_239 = arith.index_cast %add3A_223 : i32 to index
        %get3A_240 = arith.constant 96 : index
        %get3A_241 = tpu.vector_load %arg10[%get3A_239, %get3A_240] {strides = array<i32>} : memref<80x128xf32, #tpu.memory_space<vmem>>, vector<16xf32>,
        %mul3A_242 = arith.mulf %gather3A, %get3A_241 : vector<16xf32>
        %swap3A_243 = arith.index_cast %add3A_223 : i32 to index
        %swap3A_244 = arith.constant 32 : index
        %swap3A_245 = tpu.vector_load %arg13[%swap3A_243, %swap3A_244] {strides = array<i32>} : memref<80x128xf32, #tpu.memory_space<vmem>>, vector<16xf32>,
        tpu.vector_store %arg13[%swap3A_243, %swap3A_244], %mul3A_242 {strides = array<i32>} : memref<80x128xf32, #tpu.memory_space<vmem>>, vector<16xf32>,
        %get3A_246 = arith.index_cast %add3A_223 : i32 to index
        %get3A_247 = arith.constant 112 : index
        %get3A_248 = tpu.vector_load %arg10[%get3A_246, %get3A_247] {strides = array<i32>} : memref<80x128xf32, #tpu.memory_space<vmem>>, vector<16xf32>,
        %mul3A_249 = arith.mulf %gather3A, %get3A_248 : vector<16xf32>
        %swap3A_250 = arith.index_cast %add3A_223 : i32 to index
        %swap3A_251 = arith.constant 48 : index
        %swap3A_252 = tpu.vector_load %arg13[%swap3A_250, %swap3A_251] {strides = array<i32>} : memref<80x128xf32, #tpu.memory_space<vmem>>, vector<16xf32>,
        tpu.vector_store %arg13[%swap3A_250, %swap3A_251], %mul3A_249 {strides = array<i32>} : memref<80x128xf32, #tpu.memory_space<vmem>>, vector<16xf32>,
        %mul3A_253 = arith.mulf %gather3A, %select_n3A : vector<16xf32>
        %swap3A_254 = arith.index_cast %add3A_223 : i32 to index
        %swap3A_255 = arith.constant 64 : index
        %swap3A_256 = tpu.vector_load %arg13[%swap3A_254, %swap3A_255] {strides = array<i32>} : memref<80x128xf32, #tpu.memory_space<vmem>>, vector<16xf32>,
        tpu.vector_store %arg13[%swap3A_254, %swap3A_255], %mul3A_253 {strides = array<i32>} : memref<80x128xf32, #tpu.memory_space<vmem>>, vector<16xf32>,
      }
      %scan3A_218 = arith.constant 80 : i32
      "tpu.region"() ({
        %run_scoped3A = tpu.sem_alloc : memref<!tpu.dma_semaphore, #tpu.memory_space<semaphore_mem>>
        %dma_start3A = arith.constant 0 : i32
        %dma_start3A_219 = arith.constant 0 : i32
        %dma_start3A_220 = tpu.memref_slice %arg15[%dma_start3A, %dma_start3A_219] : memref<10112x128xf32, #tpu.memory_space<vmem_shared>> -> memref<10112x128xf32, #tpu.memory_space<vmem_shared>>
        tpu.enqueue_indirect_dma source(%arg13 : memref<80x128xf32, #tpu.memory_space<vmem>>) target(%dma_start3A_220 : memref<10112x128xf32, #tpu.memory_space<vmem_shared>>) offsets(%arg8 : memref<80xi32, #tpu.memory_space<vmem>>) semaphore(%run_scoped3A : memref<!tpu.dma_semaphore, #tpu.memory_space<semaphore_mem>>) {add = true}
        %dma_wait3A = arith.constant 0 : i32
        %dma_wait3A_221 = arith.constant 0 : i32
        %dma_wait3A_222 = tpu.memref_slice %arg15[%dma_wait3A, %dma_wait3A_221] : memref<10112x128xf32, #tpu.memory_space<vmem_shared>> -> memref<10112x128xf32, #tpu.memory_space<vmem_shared>>
        tpu.wait_indirect_dma semaphore(%run_scoped3A : memref<!tpu.dma_semaphore, #tpu.memory_space<semaphore_mem>>) src(%arg13 : memref<80x128xf32, #tpu.memory_space<vmem>>) dst(%dma_wait3A_222 : memref<10112x128xf32, #tpu.memory_space<vmem_shared>>)
        tpu.yield
      }) : () -> ()
    }
    %scan3A_28 = arith.constant 125 : i32
    %barrier3A_29 = arith.constant 0 : index
    tpu.barrier barrier_id(%barrier3A_29)
    %mul3A_30 = arith.constant 632 : i32
    %mul3A_31 = arith.muli %arg1, %mul3A_30 : i32
    "tpu.region"() ({
      %run_scoped3A = tpu.sem_alloc : memref<!tpu.dma_semaphore, #tpu.memory_space<semaphore_mem>>
      %dma_start3A = arith.constant 0 : i32
      %dma_start3A_32 = tpu.memref_slice %arg6[%arg0, %mul3A_31, %dma_start3A] : memref<2x10112x128xf32, #tpu.memory_space<hbm>> -> memref<1x632x128xf32, #tpu.memory_space<hbm>>
      %dma_start3A_33 = tpu.memref_squeeze %dma_start3A_32 : memref<1x632x128xf32, #tpu.memory_space<hbm>> -> memref<632x128xf32, #tpu.memory_space<hbm>>
      %dma_start3A_34 = arith.constant 0 : i32
      %dma_start3A_35 = tpu.memref_slice %arg15[%mul3A_31, %dma_start3A_34] : memref<10112x128xf32, #tpu.memory_space<vmem_shared>> -> memref<632x128xf32, #tpu.memory_space<vmem_shared>>
      tpu.enqueue_dma source(%dma_start3A_35 : memref<632x128xf32, #tpu.memory_space<vmem_shared>>) target(%dma_start3A_33 : memref<632x128xf32, #tpu.memory_space<hbm>>) target_semaphore(%run_scoped3A : memref<!tpu.dma_semaphore, #tpu.memory_space<semaphore_mem>>)
      %dma_wait3A = arith.constant 0 : i32
      %dma_wait3A_36 = tpu.memref_slice %arg6[%arg0, %mul3A_31, %dma_wait3A] : memref<2x10112x128xf32, #tpu.memory_space<hbm>> -> memref<1x632x128xf32, #tpu.memory_space<hbm>>
      %dma_wait3A_37 = tpu.memref_squeeze %dma_wait3A_36 : memref<1x632x128xf32, #tpu.memory_space<hbm>> -> memref<632x128xf32, #tpu.memory_space<hbm>>
      %dma_wait3A_38 = arith.constant 0 : i32
      %dma_wait3A_39 = tpu.memref_slice %arg15[%mul3A_31, %dma_wait3A_38] : memref<10112x128xf32, #tpu.memory_space<vmem_shared>> -> memref<632x128xf32, #tpu.memory_space<vmem_shared>>
      tpu.wait_dma2 semaphore(%run_scoped3A : memref<!tpu.dma_semaphore, #tpu.memory_space<semaphore_mem>>) src(%dma_wait3A_39 : memref<632x128xf32, #tpu.memory_space<vmem_shared>>) dst(%dma_wait3A_37 : memref<632x128xf32, #tpu.memory_space<hbm>>)
      tpu.yield
    }) : () -> ()
    return
  }
}

module attributes {stable_mosaic.version = 14 : i64} {
  func.func @body(%arg0: memref<10000x128xf32, #tpu.memory_space<vmem>>, %arg1: memref<5000x128xf32, #tpu.memory_space<vmem>>, %arg2: memref<128x64xf32, #tpu.memory_space<vmem>>, %arg3: memref<1x64xf32, #tpu.memory_space<vmem>>, %arg4: memref<64x128xf32, #tpu.memory_space<vmem>>, %arg5: memref<1x128xf32, #tpu.memory_space<vmem>>, %arg6: memref<128x64xf32, #tpu.memory_space<vmem>>, %arg7: memref<1x64xf32, #tpu.memory_space<vmem>>, %arg8: memref<64x64xf32, #tpu.memory_space<vmem>>, %arg9: memref<1x64xf32, #tpu.memory_space<vmem>>, %arg10: memref<10000x64xf32, #tpu.memory_space<vmem>>, %arg11: memref<10000x128xf32, #tpu.memory_space<vmem>>, %arg12: memref<5000x64xf32, #tpu.memory_space<vmem>>, %arg13: memref<10000x64xf32, #tpu.memory_space<vmem>>) attributes {dimension_semantics = [], scalar_prefetch = 0 : i64, scratch_operands = 0 : i64, tpu.core_type = #tpu.core_type<tc>} {
    %get3A = arith.constant 0 : index
    %get3A_0 = arith.constant 0 : index
    %get3A_1 = vector.load %arg0[%get3A, %get3A_0] : memref<10000x128xf32, #tpu.memory_space<vmem>>, vector<10000x128xf32>
    %get3A_2 = arith.constant 0 : index
    %get3A_3 = arith.constant 0 : index
    %get3A_4 = vector.load %arg2[%get3A_2, %get3A_3] : memref<128x64xf32, #tpu.memory_space<vmem>>, vector<128x64xf32>
    %dot_general3A = arith.constant dense<0.000000e+00> : vector<10000x64xf32>
    %dot_general3A_5 = tpu.matmul %get3A_1, %get3A_4, %dot_general3A {dimension_numbers = #tpu.dot_dimension_numbers<[1], [0], [0], [1], [0, 0, 1, 1], [], []>, transpose_lhs_hint = false} : vector<10000x128xf32>, vector<128x64xf32>, vector<10000x64xf32> -> vector<10000x64xf32>
    %get3A_6 = arith.constant 0 : index
    %get3A_7 = arith.constant 0 : index
    %get3A_8 = vector.load %arg3[%get3A_6, %get3A_7] : memref<1x64xf32, #tpu.memory_space<vmem>>, vector<1x64xf32>
    %add3A = vector.broadcast %get3A_8 : vector<1x64xf32> to vector<10000x64xf32>
    %add3A_9 = arith.addf %dot_general3A_5, %add3A : vector<10000x64xf32>
    %swap3A = arith.constant 0 : index
    %swap3A_10 = arith.constant 0 : index
    %swap3A_11 = vector.load %arg10[%swap3A, %swap3A_10] : memref<10000x64xf32, #tpu.memory_space<vmem>>, vector<10000x64xf32>
    tpu.vector_store %arg10[%swap3A, %swap3A_10], %add3A_9 {strides = array<i32>} : memref<10000x64xf32, #tpu.memory_space<vmem>>, vector<10000x64xf32>,
    %get3A_12 = arith.constant 0 : index
    %get3A_13 = arith.constant 0 : index
    %get3A_14 = vector.load %arg4[%get3A_12, %get3A_13] : memref<64x128xf32, #tpu.memory_space<vmem>>, vector<64x128xf32>
    %dot_general3A_15 = arith.constant dense<0.000000e+00> : vector<10000x128xf32>
    %dot_general3A_16 = tpu.matmul %add3A_9, %get3A_14, %dot_general3A_15 {dimension_numbers = #tpu.dot_dimension_numbers<[1], [0], [0], [1], [0, 0, 1, 1], [], []>, transpose_lhs_hint = false} : vector<10000x64xf32>, vector<64x128xf32>, vector<10000x128xf32> -> vector<10000x128xf32>
    %get3A_17 = arith.constant 0 : index
    %get3A_18 = arith.constant 0 : index
    %get3A_19 = vector.load %arg5[%get3A_17, %get3A_18] : memref<1x128xf32, #tpu.memory_space<vmem>>, vector<1x128xf32>
    %add3A_20 = vector.broadcast %get3A_19 : vector<1x128xf32> to vector<10000x128xf32>
    %add3A_21 = arith.addf %dot_general3A_16, %add3A_20 : vector<10000x128xf32>
    %swap3A_22 = arith.constant 0 : index
    %swap3A_23 = arith.constant 0 : index
    %swap3A_24 = vector.load %arg11[%swap3A_22, %swap3A_23] : memref<10000x128xf32, #tpu.memory_space<vmem>>, vector<10000x128xf32>
    tpu.vector_store %arg11[%swap3A_22, %swap3A_23], %add3A_21 {strides = array<i32>} : memref<10000x128xf32, #tpu.memory_space<vmem>>, vector<10000x128xf32>,
    %get3A_25 = arith.constant 0 : index
    %get3A_26 = arith.constant 0 : index
    %get3A_27 = vector.load %arg1[%get3A_25, %get3A_26] : memref<5000x128xf32, #tpu.memory_space<vmem>>, vector<5000x128xf32>
    %get3A_28 = arith.constant 0 : index
    %get3A_29 = arith.constant 0 : index
    %get3A_30 = vector.load %arg6[%get3A_28, %get3A_29] : memref<128x64xf32, #tpu.memory_space<vmem>>, vector<128x64xf32>
    %dot_general3A_31 = arith.constant dense<0.000000e+00> : vector<5000x64xf32>
    %dot_general3A_32 = tpu.matmul %get3A_27, %get3A_30, %dot_general3A_31 {dimension_numbers = #tpu.dot_dimension_numbers<[1], [0], [0], [1], [0, 0, 1, 1], [], []>, transpose_lhs_hint = false} : vector<5000x128xf32>, vector<128x64xf32>, vector<5000x64xf32> -> vector<5000x64xf32>
    %get3A_33 = arith.constant 0 : index
    %get3A_34 = arith.constant 0 : index
    %get3A_35 = vector.load %arg7[%get3A_33, %get3A_34] : memref<1x64xf32, #tpu.memory_space<vmem>>, vector<1x64xf32>
    %add3A_36 = vector.broadcast %get3A_35 : vector<1x64xf32> to vector<5000x64xf32>
    %add3A_37 = arith.addf %dot_general3A_32, %add3A_36 : vector<5000x64xf32>
    %swap3A_38 = arith.constant 0 : index
    %swap3A_39 = arith.constant 0 : index
    %swap3A_40 = vector.load %arg12[%swap3A_38, %swap3A_39] : memref<5000x64xf32, #tpu.memory_space<vmem>>, vector<5000x64xf32>
    tpu.vector_store %arg12[%swap3A_38, %swap3A_39], %add3A_37 {strides = array<i32>} : memref<5000x64xf32, #tpu.memory_space<vmem>>, vector<5000x64xf32>,
    %get3A_41 = arith.constant 0 : index
    %get3A_42 = arith.constant 0 : index
    %get3A_43 = vector.load %arg8[%get3A_41, %get3A_42] : memref<64x64xf32, #tpu.memory_space<vmem>>, vector<64x64xf32>
    %dot_general3A_44 = arith.constant dense<0.000000e+00> : vector<10000x64xf32>
    %dot_general3A_45 = tpu.matmul %add3A_9, %get3A_43, %dot_general3A_44 {dimension_numbers = #tpu.dot_dimension_numbers<[1], [0], [0], [1], [0, 0, 1, 1], [], []>, transpose_lhs_hint = false} : vector<10000x64xf32>, vector<64x64xf32>, vector<10000x64xf32> -> vector<10000x64xf32>
    %get3A_46 = arith.constant 0 : index
    %get3A_47 = arith.constant 0 : index
    %get3A_48 = vector.load %arg9[%get3A_46, %get3A_47] : memref<1x64xf32, #tpu.memory_space<vmem>>, vector<1x64xf32>
    %add3A_49 = vector.broadcast %get3A_48 : vector<1x64xf32> to vector<10000x64xf32>
    %add3A_50 = arith.addf %dot_general3A_45, %add3A_49 : vector<10000x64xf32>
    %swap3A_51 = arith.constant 0 : index
    %swap3A_52 = arith.constant 0 : index
    %swap3A_53 = vector.load %arg13[%swap3A_51, %swap3A_52] : memref<10000x64xf32, #tpu.memory_space<vmem>>, vector<10000x64xf32>
    tpu.vector_store %arg13[%swap3A_51, %swap3A_52], %add3A_50 {strides = array<i32>} : memref<10000x64xf32, #tpu.memory_space<vmem>>, vector<10000x64xf32>,
    return
  }
}

module attributes {stable_mosaic.version = 14 : i64} {
  func.func @body(%arg0: memref<2x5120x128xf32, #tpu.memory_space<vmem>>, %arg1: memref<64x128xf32, #tpu.memory_space<vmem>>, %arg2: memref<1x128xf32, #tpu.memory_space<vmem>>, %arg3: memref<5000x64xf32, #tpu.memory_space<vmem>>, %arg4: memref<5000x128xf32, #tpu.memory_space<vmem>>) attributes {dimension_semantics = [], scalar_prefetch = 0 : i64, scratch_operands = 0 : i64, tpu.core_type = #tpu.core_type<tc>} {
    %get3A = arith.constant 0 : index
    %get3A_0 = arith.constant 0 : index
    %get3A_1 = arith.constant 0 : index
    %get3A_2 = vector.load %arg0[%get3A, %get3A_0, %get3A_1] : memref<2x5120x128xf32, #tpu.memory_space<vmem>>, vector<1x5120x128xf32>
    %get3A_3 = vector.shape_cast %get3A_2 : vector<1x5120x128xf32> to vector<5120x128xf32>
    %get3A_4 = arith.constant 1 : index
    %get3A_5 = arith.constant 0 : index
    %get3A_6 = arith.constant 0 : index
    %get3A_7 = vector.load %arg0[%get3A_4, %get3A_5, %get3A_6] : memref<2x5120x128xf32, #tpu.memory_space<vmem>>, vector<1x5120x128xf32>
    %get3A_8 = vector.shape_cast %get3A_7 : vector<1x5120x128xf32> to vector<5120x128xf32>
    %add3A = arith.addf %get3A_3, %get3A_8 : vector<5120x128xf32>
    %slice3A = vector.extract_strided_slice %add3A {offsets = [0, 0], sizes = [5000, 64], strides = [1, 1]} : vector<5120x128xf32> to vector<5000x64xf32>
    %slice3A_9 = vector.extract_strided_slice %add3A {offsets = [0, 64], sizes = [5000, 1], strides = [1, 1]} : vector<5120x128xf32> to vector<5000x1xf32>
    %eq3A = arith.constant 0.000000e+00 : f32
    %eq3A_10 = vector.broadcast %eq3A : f32 to vector<5000x1xf32>
    %eq3A_11 = arith.cmpf oeq, %slice3A_9, %eq3A_10 : vector<5000x1xf32>
    %jit3A = arith.constant 1.000000e+00 : f32
    %broadcast_in_dim3A = vector.broadcast %jit3A : f32 to vector<5000x1xf32>
    %select_n3A = arith.select %eq3A_11, %broadcast_in_dim3A, %slice3A_9 : vector<5000x1xi1>, vector<5000x1xf32>
    %div3A = vector.broadcast %select_n3A : vector<5000x1xf32> to vector<5000x64xf32>
    %div3A_12 = arith.divf %slice3A, %div3A : vector<5000x64xf32>
    %max3A = arith.constant 0.000000e+00 : f32
    %max3A_13 = vector.broadcast %max3A : f32 to vector<5000x64xf32>
    %max3A_14 = arith.maximumf %div3A_12, %max3A_13 : vector<5000x64xf32>
    %swap3A = arith.constant 0 : index
    %swap3A_15 = arith.constant 0 : index
    %swap3A_16 = vector.load %arg3[%swap3A, %swap3A_15] : memref<5000x64xf32, #tpu.memory_space<vmem>>, vector<5000x64xf32>
    tpu.vector_store %arg3[%swap3A, %swap3A_15], %max3A_14 {strides = array<i32>} : memref<5000x64xf32, #tpu.memory_space<vmem>>, vector<5000x64xf32>,
    %get3A_17 = arith.constant 0 : index
    %get3A_18 = arith.constant 0 : index
    %get3A_19 = vector.load %arg1[%get3A_17, %get3A_18] : memref<64x128xf32, #tpu.memory_space<vmem>>, vector<64x128xf32>
    %dot_general3A = arith.constant dense<0.000000e+00> : vector<5000x128xf32>
    %dot_general3A_20 = tpu.matmul %max3A_14, %get3A_19, %dot_general3A {dimension_numbers = #tpu.dot_dimension_numbers<[1], [0], [0], [1], [0, 0, 1, 1], [], []>, transpose_lhs_hint = false} : vector<5000x64xf32>, vector<64x128xf32>, vector<5000x128xf32> -> vector<5000x128xf32>
    %get3A_21 = arith.constant 0 : index
    %get3A_22 = arith.constant 0 : index
    %get3A_23 = vector.load %arg2[%get3A_21, %get3A_22] : memref<1x128xf32, #tpu.memory_space<vmem>>, vector<1x128xf32>
    %add3A_24 = vector.broadcast %get3A_23 : vector<1x128xf32> to vector<5000x128xf32>
    %add3A_25 = arith.addf %dot_general3A_20, %add3A_24 : vector<5000x128xf32>
    %swap3A_26 = arith.constant 0 : index
    %swap3A_27 = arith.constant 0 : index
    %swap3A_28 = vector.load %arg4[%swap3A_26, %swap3A_27] : memref<5000x128xf32, #tpu.memory_space<vmem>>, vector<5000x128xf32>
    tpu.vector_store %arg4[%swap3A_26, %swap3A_27], %add3A_25 {strides = array<i32>} : memref<5000x128xf32, #tpu.memory_space<vmem>>, vector<5000x128xf32>,
    return
  }
}

module attributes {stable_mosaic.version = 14 : i64} {
  func.func @body(%arg0: memref<2x10112x128xf32, #tpu.memory_space<vmem>>, %arg1: memref<10000x64xf32, #tpu.memory_space<vmem>>) attributes {dimension_semantics = [], scalar_prefetch = 0 : i64, scratch_operands = 0 : i64, tpu.core_type = #tpu.core_type<tc>} {
    %get3A = arith.constant 0 : index
    %get3A_0 = arith.constant 0 : index
    %get3A_1 = arith.constant 0 : index
    %get3A_2 = vector.load %arg0[%get3A, %get3A_0, %get3A_1] : memref<2x10112x128xf32, #tpu.memory_space<vmem>>, vector<1x10112x128xf32>
    %get3A_3 = vector.shape_cast %get3A_2 : vector<1x10112x128xf32> to vector<10112x128xf32>
    %get3A_4 = arith.constant 1 : index
    %get3A_5 = arith.constant 0 : index
    %get3A_6 = arith.constant 0 : index
    %get3A_7 = vector.load %arg0[%get3A_4, %get3A_5, %get3A_6] : memref<2x10112x128xf32, #tpu.memory_space<vmem>>, vector<1x10112x128xf32>
    %get3A_8 = vector.shape_cast %get3A_7 : vector<1x10112x128xf32> to vector<10112x128xf32>
    %add3A = arith.addf %get3A_3, %get3A_8 : vector<10112x128xf32>
    %slice3A = vector.extract_strided_slice %add3A {offsets = [0, 0], sizes = [10000, 64], strides = [1, 1]} : vector<10112x128xf32> to vector<10000x64xf32>
    %slice3A_9 = vector.extract_strided_slice %add3A {offsets = [0, 64], sizes = [10000, 1], strides = [1, 1]} : vector<10112x128xf32> to vector<10000x1xf32>
    %eq3A = arith.constant 0.000000e+00 : f32
    %eq3A_10 = vector.broadcast %eq3A : f32 to vector<10000x1xf32>
    %eq3A_11 = arith.cmpf oeq, %slice3A_9, %eq3A_10 : vector<10000x1xf32>
    %jit3A = arith.constant 1.000000e+00 : f32
    %broadcast_in_dim3A = vector.broadcast %jit3A : f32 to vector<10000x1xf32>
    %select_n3A = arith.select %eq3A_11, %broadcast_in_dim3A, %slice3A_9 : vector<10000x1xi1>, vector<10000x1xf32>
    %div3A = vector.broadcast %select_n3A : vector<10000x1xf32> to vector<10000x64xf32>
    %div3A_12 = arith.divf %slice3A, %div3A : vector<10000x64xf32>
    %max3A = arith.constant 0.000000e+00 : f32
    %max3A_13 = vector.broadcast %max3A : f32 to vector<10000x64xf32>
    %max3A_14 = arith.maximumf %div3A_12, %max3A_13 : vector<10000x64xf32>
    %swap3A = arith.constant 0 : index
    %swap3A_15 = arith.constant 0 : index
    %swap3A_16 = vector.load %arg1[%swap3A, %swap3A_15] : memref<10000x64xf32, #tpu.memory_space<vmem>>, vector<10000x64xf32>
    tpu.vector_store %arg1[%swap3A, %swap3A_15], %max3A_14 {strides = array<i32>} : memref<10000x64xf32, #tpu.memory_space<vmem>>, vector<10000x64xf32>,
    return
  }
}

</mosaic_0001>

<sc_bundles>
// kernel: kernel.10.cloned.1.call-start
scs
__scs_entry_jumppad:
0x0: {  	(pc) =	sbr.rel $0x88, $3  }
0x1: {  	(tag) =	ssettag $0x0;
	lr =	simm.s32 $0x1  }
0x2: {  	[smem:$0x3F8D] =	sst lr;
	_ =	strace $0xD0000000  }
0x3: {  	_ = 	snop  }
0x4: {  	_ = 	snop  }
0x5: {  	_ = 	snop  }
0x6: {  	_ = 	snop  }
0x7: {  	_ = 	snop  }
__scs_overlays_trampoline_lowered:
0x8: {  	[smem:$0x3F9C] =	sst s0  }
0x9: {  	[smem:$0x3F9D] =	sst s1  }
0xa: {  	[smem:$0x3F9E] =	sst s2  }
0xb: {  	[smem:$0x3F9F] =	sst s3  }
0xc: {  	[smem:$0x3FA0] =	sst s4  }
0xd: {  	[smem:$0x3FA1] =	sst s5  }
0xe: {  	[smem:$0x3FA2] =	sst s6  }
0xf: {  	[smem:$0x3FA3] =	sst s7  }
0x10: {  	[smem:$0x3FA4] =	sst s8  }
0x11: {  	[smem:$0x3FA5] =	sst s9;
	s0 =	simm.s32 @!p0 $0x0  }
0x12: {  	s1 =	sld [smem:$0x3F8B];
	s0 =	simm.s32 @p0 $0x1  }
0x13: {  	[smem:$0x3FA6] =	sst s0;
	s0 =	simm.s32 @!p1 $0x0  }
0x14: {  	s2 =	sld [smem:$0x3F8A];
	s0 =	simm.s32 @p1 $0x1  }
0x15: {  	[smem:$0x3FA7] =	sst s0;
	s0 =	simm.s32 @!p2 $0x0  }
0x16: {  	s3 =	sld [smem:$0x3FDB];
	s0 =	simm.s32 @p2 $0x1  }
0x17: {  	s4 =	simm.s32 $0x1BF5;
	[smem:$0x3FA9] =	sst s0  }
0x18: {  	s0 =	sld [smem:$0x3F8C];
	_ =	swait.ge [sflag:s4], $0x0  }
0x19: {  	s7 =	sld [smem:$0x3F8D]  }
0x1a: {  	s8 =	sadd.s32 $0xFFFFE003, lr  }
0x1b: {  	s9 =	sadd.s32 $0xFFFFFEF7, lr;
	s5 =	simm.s32 $0xFFFFFFFF;
	p2 =	slt.u32 s8, $0xFFFFF086  }
0x1c: {  	p1 =	slt.u32 s9, $0xF7A;
	s5 =	simm.s32 @!p2 $0x0  }
0x1d: {  	s5 =	simm.s32 @p1 $0x1;
	p0 =	seq.s32 s7, s2  }
0x1e: {  	s7 =	smul.u32 @!p0 $0xF7A, s2;
	p2 =	seq.s32 @!p0 s5, $0x0  }
0x1f: {  	s9 =	smul.u32 $0xF7A, s1;
	s8 =	simm.s32 @!p0 $0x1BF5;
	p2 =	por !p2, p0  }
0x20: {  	[sflag:s8] =	ssyncset.s32 @!p0 $0xFFFFF086;
	s6 =	sadd.s32 @!p0 s3, s7;
	s7 =	simm.s32 @!p0 $0x108  }
0x21: {  	s3 =	sadd.s32 s3, s9;
	s6 =	sadd.s32 @!p0 $0x88, s6;
	s7 =	simm.s32 @p2 $0x1082  }
0x22: {  	[simem:s7], [sflag:s8] =	dma.local @!p0 [hbm:s6], $0xF7A  }
0x23: {  	s9 =	sor.u32 $0xD0000000, s2;
	s6 =	simm.s32 $0x108;
	_ =	swait.ge @!p0 [sflag:s8], $0x0  }
0x24: {  	s3 =	sadd.s32 $0x88, s3;
	s6 =	simm.s32 @!p1 $0x1082;
	[sflag:s4] =	ssyncset.s32 $0xFFFFF086  }
0x25: {  	[simem:s6], [sflag:s4] =	dma.local [hbm:s3], $0xF7A  }
0x26: {  	[smem:$0x3F8D] =	sst s1;
	(tag) =	ssettag s2;
	_ =	strace s9  }
0x27: {  	s1 =	sld [smem:$0x3F9D]  }
0x28: {  	s2 =	sld [smem:$0x3F9E]  }
0x29: {  	s4 =	sld [smem:$0x3FA0]  }
0x2a: {  	p0 =	seq.s32 s5, $0x0;
	s5 =	sld [smem:$0x3FA1]  }
0x2b: {  	s6 =	sld [smem:$0x3FA2]  }
0x2c: {  	s7 =	sld [smem:$0x3FA3]  }
0x2d: {  	s3 =	simm.s32 $0x108;
	s8 =	sld [smem:$0x3FA4]  }
0x2e: {  	s3 =	simm.s32 @!p0 $0x1082;
	s9 =	sld [smem:$0x3FA5]  }
0x2f: {  	lr =	sadd.s32 s0, s3;
	s0 =	sld [smem:$0x3F9C]  }
0x30: {  	s3 =	sld [smem:$0x3F9F]  }
0x31: {  	[smem:$0x3FA8] =	sst s10  }
0x32: {  	s10 =	sld [smem:$0x3FA6];
	_ =	sdelay $0x3  }
0x33: {  	p0 =	seq.s32 s10, $0x1;
	s10 =	sld [smem:$0x3FA8];
	_ =	sdelay $0x3  }
0x34: {  	[smem:$0x3FA8] =	sst s10  }
0x35: {  	s10 =	sld [smem:$0x3FA7];
	_ =	sdelay $0x3  }
0x36: {  	p1 =	seq.s32 s10, $0x1;
	s10 =	sld [smem:$0x3FA8];
	_ =	sdelay $0x3  }
0x37: {  	[smem:$0x3FA8] =	sst s10  }
0x38: {  	s10 =	sld [smem:$0x3FA9]  }
0x39: {  	_ = 	snop;
	(pc) =	sbr.ind lr, $3  }
0x3a: {  	_ = 	snop  }
0x3b: {  	_ = 	snop  }
0x3c: {  	p2 =	seq.s32 s10, $0x1;
	s10 =	sld [smem:$0x3FA8]  }
0x3d: {  	_ =	shalt  }
0x3e: {  	_ =	shalt  }
0x3f: {  	_ =	shalt  }
0x40: {  	_ =	shalt  }
0x41: {  	_ =	shalt  }
0x42: {  	_ =	shalt  }
0x43: {  	_ =	shalt  }
0x44: {  	_ =	shalt  }
0x45: {  	_ =	shalt  }
0x46: {  	_ =	shalt  }
0x47: {  	_ =	shalt  }
0x48: {  	_ =	shalt  }
0x49: {  	_ =	shalt  }
0x4a: {  	_ =	shalt  }
0x4b: {  	_ =	shalt  }
0x4c: {  	_ =	shalt  }
0x4d: {  	_ =	shalt  }
0x4e: {  	_ =	shalt  }
0x4f: {  	_ =	shalt  }
0x50: {  	_ =	shalt  }
0x51: {  	_ =	shalt  }
0x52: {  	_ =	shalt  }
0x53: {  	_ =	shalt  }
0x54: {  	_ =	shalt  }
0x55: {  	_ =	shalt  }
0x56: {  	_ =	shalt  }
0x57: {  	_ =	shalt  }
0x58: {  	_ =	shalt  }
0x59: {  	_ =	shalt  }
0x5a: {  	_ =	shalt  }
0x5b: {  	_ =	shalt  }
0x5c: {  	_ =	shalt  }
0x5d: {  	_ =	shalt  }
0x5e: {  	_ =	shalt  }
0x5f: {  	_ =	shalt  }
0x60: {  	_ =	shalt  }
0x61: {  	_ =	shalt  }
0x62: {  	_ =	shalt  }
0x63: {  	_ =	shalt  }
0x64: {  	_ =	shalt  }
0x65: {  	_ =	shalt  }
0x66: {  	_ =	shalt  }
0x67: {  	_ =	shalt  }
0x68: {  	_ =	shalt  }
0x69: {  	_ =	shalt  }
0x6a: {  	_ =	shalt  }
0x6b: {  	_ =	shalt  }
0x6c: {  	_ =	shalt  }
0x6d: {  	_ =	shalt  }
0x6e: {  	_ =	shalt  }
0x6f: {  	_ =	shalt  }
0x70: {  	_ =	shalt  }
0x71: {  	_ =	shalt  }
0x72: {  	_ =	shalt  }
0x73: {  	_ =	shalt  }
0x74: {  	_ =	shalt  }
0x75: {  	_ =	shalt  }
0x76: {  	_ =	shalt  }
0x77: {  	_ =	shalt  }
0x78: {  	_ =	shalt  }
0x79: {  	_ =	shalt  }
0x7a: {  	_ =	shalt  }
0x7b: {  	_ =	shalt  }
0x7c: {  	_ =	shalt  }
0x7d: {  	_ =	shalt  }
0x7e: {  	_ =	shalt  }
0x7f: {  	_ =	shalt  }
0x80: {  	_ =	shalt  }
0x81: {  	_ =	shalt  }
0x82: {  	_ =	shalt  }
0x83: {  	_ =	shalt  }
0x84: {  	_ =	shalt  }
0x85: {  	_ =	shalt  }
0x86: {  	_ =	shalt  }
0x87: {  	_ =	shalt  }
.Lfunc_end0:
.L_simem_size_0:
called_computation.1_lowered:
.L_overlay_start_0:
0x88: {  	s2 =	sld [smem:$0x3FD9]  }
0x89: {  	s3 =	sld [smem:$0x3FFE];
	_ =	sdelay $0x1  }
0x8a: {  	s1 =	srdreg.scid  }
0x8b: {  	s0 =	sand.u32 $0x1, s1  }
0x8c: {  	s14 =	sshll.u32 s0, $0xA;
	s2 =	sadd.s32 s3, s2  }
0x8d: {  	s2 =	sadd.s32 s2, s14  }
0x8e: {  	[smem:$0x3FB4] =	sst s2  }
0x8f: {  	_ = 	snop  }
0x90: {  	s2 =	sld [smem:$0x3FD0];
	_ =	sdelay $0x1  }
0x91: {  	s15 =	sld [smem:$0x3FC5]  }
0x92: {  	s5 =	simm.s32 $0xA;
	s6 =	simm.s32 $0x10;
	s4 =	sld [smem:$0x3FC4]  }
0x93: {  	[smem:s6], [sflag:s5] =	dma.local [hbm:s2], $0x1  }
0x94: {  	_ =	swait.eq [sflag:s5], $0x1  }
0x95: {  	[sflag:s5] =	ssyncset.done $0x0  }
0x96: {  	[sflag:s5] =	ssyncadd.s32 $0xFFFFFFFF  }
0x97: {  	s16 =	sld [smem:$0x10];
	(tm) =	ssettm $0x1  }
0x98: {  	s17 =	sld [smem:$0x3FFB];
	_ =	sdelay $0x3  }
0x99: {  	_ =	strace s17  }
0x9a: {  	s5 =	sld [smem:$0x3FFC];
	_ =	sdelay $0x3  }
0x9b: {  	_ =	strace s5  }
0x9c: {  	s5 =	sld [smem:$0x3FFD];
	_ =	sdelay $0x3  }
0x9d: {  	_ =	strace s5  }
0x9e: {  	_ =	strace $0x8FFFFFFF  }
0x9f: {  	s18 =	sld [smem:$0x3FDB];
	_ =	sdelay $0x1  }
0xa0: {  	s19 =	simm.s32 $_scs_section_size  }
0xa1: {  	s7 =	simm.s32 $_size__tile_overlayer_lowered;
	s8 =	simm.s32 $_tile_overlayer_lowered  }
0xa2: {  	s22 =	simm.s32 $0x1BFF;
	s21 =	sshll.u32 s8, $0x1;
	s5 =	sadd.s32 s19, s18  }
0xa3: {  	s9 =	simm.s32 $0x0;
	s20 =	sshll.u32 s7, $0x1;
	s7 =	sadd.s32 s21, s5  }
0xa4: {  	[timem:s9], [sflag:s22] =	dma.local [hbm:s7], s20  }
0xa5: {  	_ =	swait.ge [sflag:s22], s20  }
0xa6: {  	s6 =	ssub.s32 $0x0, s20;
	[sflag:s22] =	ssyncset.done $0x0  }
0xa7: {  	[sflag:s22] =	ssyncadd.s32 s6;
	_ =	sdelay $0x1  }
0xa8: {  	s23 =	simm.s32 $0x1B8B  }
0xa9: {  	_ =	swait.ge [sflag:s23], $0x1  }
0xaa: {  	[sflag:s23] =	ssyncset.done $0x0  }
0xab: {  	s25 =	simm.s32 $0x1B8E;
	s24 =	sld [smem:$0x3FFE];
	[sflag:s23] =	ssyncadd.s32 $0xFFFFFFFF  }
0xac: {  	s26 =	simm.s32 $execute0_lowered;
	[smem:$0x3FD2] =	sst s25  }
0xad: {  	s7 =	sshll.u32 s26, $0x1;
	_ =	strace $0x80000049;
	[dreg:$0x1] =	wrdreg $0xFFFFFFFF  }
0xae: {  	s28 =	simm.s32 $_size_execute0_lowered;
	s5 =	sadd.s32 s5, s7;
	[dreg:$0x0] =	wrdreg $0x0  }
0xaf: {  	s7 =	sshll.u32 s28, $0x1;
	[dreg:$0x2] =	wrdreg s5  }
0xb0: {  	[dreg:$0x3] =	wrdreg s7  }
0xb1: {  	[dreg:$0x4] =	wrdreg $0xC0  }
0xb2: {  	_ =	task [dreg:s9], $0x5FFFF  }
0xb3: {  	[dreg:$0x1] =	wrdreg $0xFFFFFFFF  }
0xb4: {  	[dreg:$0x0] =	wrdreg $0x60  }
0xb5: {  	[dreg:$0x2] =	wrdreg s16  }
0xb6: {  	[dreg:$0x3] =	wrdreg s24  }
0xb7: {  	[dreg:$0x4] =	wrdreg s15  }
0xb8: {  	[dreg:$0x5] =	wrdreg s4  }
0xb9: {  	[dreg:$0x6] =	wrdreg $0x7E000  }
0xba: {  	[dreg:$0x7] =	wrdreg $0x9  }
0xbb: {  	_ =	task.clear_ibuf [dreg:s9], $0x8FFFF;
	_ =	strace $0x90000049  }
0xbc: {  	s29 =	simm.s32 $0x9;
	_ =	strace $0x8000004B  }
0xbd: {  	_ =	swait.ge [sflag:s29], $0x1  }
0xbe: {  	[sflag:s29] =	ssyncadd.s32 $0xFFFFFFFF  }
0xbf: {  	_ =	strace $0x9000004B  }
0xc0: {  	_ =	sfence  }
0xc1: {  	s30 =	sld [smem:$0x0];
	_ =	sdelay $0x2  }
0xc2: {  	s31 =	sshll.u32 s1, $0xD;
	s1 =	sshrl.u32 s1, $0x2  }
0xc3: {  	s3 =	sand.u32 $0x4000, s31;
	s1 =	sadd.s32 s1, s30  }
0xc4: {  	s0 =	sor.u32 s3, s0;
	s1 =	sshll.u32 s1, $0x11  }
0xc5: {  	s0 =	sor.u32 s1, s0  }
0xc6: {  	s0 =	sadd.s32 $0x8F2B, s0  }
0xc7: {  	[sflag:s0] =	ssyncadd.remote.s32 $0x1  }
0xc8: {  	_ =	sfence.sel $0xFFFF  }
0xc9: {  	[dreg:$0x0] =	wrdreg $0xFFFFFFFF;
	(pc) =	sbr.abs _section_cstart, $3  }
0xca: {  	[dreg:$0x1] =	wrdreg $0xFFFFFFFF  }
0xcb: {  	_ =	task.clear_ibuf [dreg:s9], $0x2FFFF;
	_ =	strace $0x9FFFFFFF  }
0xcc: {  	(tm) =	ssettm $0x7FFFFFFF  }
0xcd: {  	_ =	shalt  }
tec
execute0_lowered:
.L_overlay_start_1:
0x0: {  	(tag) =	ssettag $0x1  }
0x1: {  	s0 =	rddreg [dreg:$0x0]  }
0x2: {  	s8 =	rddreg [dreg:$0x1]  }
0x3: {  	s1 =	rddreg [dreg:$0x2]  }
0x4: {  	s4 =	rddreg [dreg:$0x3]  }
0x5: {  	s2 =	srdreg.scid;
	s5 =	rddreg [dreg:$0x4]  }
0x6: {  	s3 =	stileid.u32;
	s6 =	simm.s32 $0x0;
	s13 =	simm.s32 $0x1  }
0x7: {  	s14 =	simm.s32 $0x80;
	s15 =	simm.s32 $0x50;
	s16 =	simm.s32 $0x180  }
0x8: {  	s17 =	simm.s32 $0x100;
	s18 =	simm.s32 $0x2980;
	s19 =	simm.s32 $0x5180  }
0x9: {  	s20 =	simm.s32 $0x5200;
	s21 =	simm.s32 $0x0;
	s10 =	smul.u32 $0x13C00, s3  }
0xa: {  	s9 =	sand.u32 $0x1, s2;
	s2 =	rddreg [dreg:$0x5];
	s11 =	smul.u32 $0x4F000, s3  }
0xb: {  	[smem:$0x7FF] =	sst s6;
	s7 =	smul.u32 $0x13C000, s9;
	s31 =	ssub.s32 $0x2, s9  }
0xc: {  	v0 =	vlaneseq.u32;
	_ =	strace $0x8000004A;
	s9 =	sshll.u32 s9, $0x4;
	s12 =	sshrl.u32 s31, $0x1  }
0xd: {  	v0 =	vmul.u32 $0x80, v0;
	s9 =	sor.u32 s3, s9;
	s11 =	sshrl.u32 s11, $0x2;
	s10 =	sadd.s32 s10, s7  }
0xe: {  	v1 =	vimm.f32 $0.0e+00;
	vm0 =	vcmask $0x300;
	s7 =	sadd.s32 $0x51800, s8;
	s12 =	ssub.s32 s31, s12;
	s10 =	sshrl.u32 s10, $0x3  }
0xf: {  	v6 =	vsel vm0, $0x3F800000, v1;
	v2 =	vor.u32 $0x800, v0;
	s9 =	smul.u32 $0x2710, s9;
	s10 =	sadd.s32 s10, s8;
	s8 =	sadd.s32 s11, s5  }
0x10: {  	v3 =	vor.u32 $0x1000, v0;
	v4 =	vor.u32 $0x1800, v0;
	v5 =	vor.u32 $0x2000, v0;
	s11 =	smax.u32 s12, $0x1;
	s12 =	simm.s32 $0x7A00;
	s10 =	sadd.s32 $0x2600, s10  }
.LBB2_1:
0x11: {  	[tilespmem:$0x7A00] =	vst v1  }
0x12: {  	[tilespmem:$0x7A10] =	vst v1  }
0x13: {  	[tilespmem:$0x7A20] =	vst v1  }
0x14: {  	[tilespmem:$0x7A30] =	vst v1  }
0x15: {  	[tilespmem:$0x7A40] =	vst v1  }
0x16: {  	[tilespmem:$0x7A50] =	vst v1  }
0x17: {  	[tilespmem:$0x7A60] =	vst v1  }
0x18: {  	[tilespmem:$0x7A70] =	vst v1  }
0x19: {  	[tilespmem:$0x7A80] =	vst v1  }
0x1a: {  	[tilespmem:$0x7A90] =	vst v1  }
0x1b: {  	[tilespmem:$0x7AA0] =	vst v1  }
0x1c: {  	[tilespmem:$0x7AB0] =	vst v1  }
0x1d: {  	[tilespmem:$0x7AC0] =	vst v1  }
0x1e: {  	[tilespmem:$0x7AD0] =	vst v1  }
0x1f: {  	[tilespmem:$0x7AE0] =	vst v1  }
0x20: {  	[tilespmem:$0x7AF0] =	vst v1  }
0x21: {  	[tilespmem:$0x7B00] =	vst v1  }
0x22: {  	[tilespmem:$0x7B10] =	vst v1  }
0x23: {  	[tilespmem:$0x7B20] =	vst v1  }
0x24: {  	[tilespmem:$0x7B30] =	vst v1  }
0x25: {  	[tilespmem:$0x7B40] =	vst v1  }
0x26: {  	[tilespmem:$0x7B50] =	vst v1  }
0x27: {  	[tilespmem:$0x7B60] =	vst v1  }
0x28: {  	[tilespmem:$0x7B70] =	vst v1  }
0x29: {  	[tilespmem:$0x7B80] =	vst v1  }
0x2a: {  	[tilespmem:$0x7B90] =	vst v1  }
0x2b: {  	[tilespmem:$0x7BA0] =	vst v1  }
0x2c: {  	[tilespmem:$0x7BB0] =	vst v1  }
0x2d: {  	[tilespmem:$0x7BC0] =	vst v1  }
0x2e: {  	[tilespmem:$0x7BD0] =	vst v1  }
0x2f: {  	[tilespmem:$0x7BE0] =	vst v1  }
0x30: {  	[tilespmem:$0x7BF0] =	vst v1  }
0x31: {  	[tilespmem:$0x7C00] =	vst v1  }
0x32: {  	[tilespmem:$0x7C10] =	vst v1  }
0x33: {  	[tilespmem:$0x7C20] =	vst v1  }
0x34: {  	[tilespmem:$0x7C30] =	vst v1  }
0x35: {  	[tilespmem:$0x7C40] =	vst v1  }
0x36: {  	[tilespmem:$0x7C50] =	vst v1  }
0x37: {  	[tilespmem:$0x7C60] =	vst v1  }
0x38: {  	[tilespmem:$0x7C70] =	vst v1  }
0x39: {  	[tilespmem:$0x7C80] =	vst v1  }
0x3a: {  	[tilespmem:$0x7C90] =	vst v1  }
0x3b: {  	[tilespmem:$0x7CA0] =	vst v1  }
0x3c: {  	[tilespmem:$0x7CB0] =	vst v1  }
0x3d: {  	[tilespmem:$0x7CC0] =	vst v1  }
0x3e: {  	[tilespmem:$0x7CD0] =	vst v1  }
0x3f: {  	[tilespmem:$0x7CE0] =	vst v1  }
0x40: {  	[tilespmem:$0x7CF0] =	vst v1  }
0x41: {  	[tilespmem:$0x7D00] =	vst v1  }
0x42: {  	[tilespmem:$0x7D10] =	vst v1  }
0x43: {  	[tilespmem:$0x7D20] =	vst v1  }
0x44: {  	[tilespmem:$0x7D30] =	vst v1  }
0x45: {  	[tilespmem:$0x7D40] =	vst v1  }
0x46: {  	[tilespmem:$0x7D50] =	vst v1  }
0x47: {  	[tilespmem:$0x7D60] =	vst v1  }
0x48: {  	[tilespmem:$0x7D70] =	vst v1  }
0x49: {  	[tilespmem:$0x7D80] =	vst v1  }
0x4a: {  	[tilespmem:$0x7D90] =	vst v1  }
0x4b: {  	[tilespmem:$0x7DA0] =	vst v1  }
0x4c: {  	[tilespmem:$0x7DB0] =	vst v1  }
0x4d: {  	[tilespmem:$0x7DC0] =	vst v1  }
0x4e: {  	[tilespmem:$0x7DD0] =	vst v1  }
0x4f: {  	[tilespmem:$0x7DE0] =	vst v1  }
0x50: {  	[tilespmem:$0x7DF0] =	vst v1;
	s22 =	sadd.s32 $0x0, s8  }
0x51: {  	[spmem:s22] =	stream.linear.scatter [tilespmem:s12], [sflag:$0x1], $0x400, $0x38;
	[tilespmem:$0x1BA00] =	vst v63  }
0x52: {  	s22 =	simm.s32 $0x1000;
	_ =	swait.ge [sflag:s13], $0x400  }
.LBB2_2:
0x53: {  	s23 =	sshra.s32 s22, $0x2;
	[sflag:s13] =	ssyncset.done $0x0;
	p0 =	sne.s32 s22, $0x4E000  }
.Ltmp0:
0x54: {  	s23 =	sadd.s32 s23, s8;
	[sflag:s13] =	ssyncadd.s32 $0xFFFFFC00;
	(pc) =	sbr.rel @p0 .LBB2_2-.Ltmp0, $3  }
0x55: {  	[spmem:s23] =	stream.linear.scatter [tilespmem:s12], [sflag:$0x1], $0x400, $0x38;
	[tilespmem:$0x1BA00] =	vst v63  }
0x56: {  	s22 =	sadd.s32 $0x1000, s22;
	_ =	sdelay $0x1  }
0x57: {  	_ =	swait.ge [sflag:s13], $0x400  }
0x58: {  	[sflag:s13] =	ssyncset.done $0x0  }
0x59: {  	s22 =	simm.s32 $0x200;
	s23 =	simm.s32 $0x0;
	[sflag:s13] =	ssyncadd.s32 $0xFFFFFC00  }
.LBB2_4:
0x5a: {  	p0 =	sne.s32 s22, $0x9E00;
	[tilespmem:s23+$0x5270] =	vst v1;
	s24 =	smov.u32 s22;
	s22 =	sadd.s32 $0x200, s22  }
.Ltmp1:
0x5b: {  	[tilespmem:s23+$0x5250] =	vst v1;
	(pc) =	sbr.rel @p0 .LBB2_4-.Ltmp1, $2  }
0x5c: {  	[tilespmem:s23+$0x5260] =	vst v1;
	_ =	sdelay $0x2  }
0x5d: {  	s23 =	sshra.s32 s24, $0x2  }
0x5e: {  	[tilespmem:s23+$0x5270] =	vst v1  }
0x5f: {  	[tilespmem:s23+$0x5250] =	vst v1  }
0x60: {  	[tilespmem:s23+$0x5260] =	vst v1  }
0x61: {  	s22 =	simm.s32 $0x0;
	[bflag:$0x0] =	sbarrier.arrive $0xFFFF  }
.LBB2_6:
0x62: {  	s23 =	smul.u32 $0x50, s22;
	_ =	sdelay $0x1  }
0x63: {  	s23 =	sadd.s32 s9, s23  }
0x64: {  	s23 =	sshrl.u32 s23, $0x3  }
0x65: {  	s24 =	sadd.s32 s1, s23  }
0x66: {  	[tilespmem:s6], [sflag:$0x1] =	stream.linear.gather [hbm4b:s24+s6], $0x50, $0x38;
	[tilespmem:$0x1BA00] =	vst v63  }
0x67: {  	_ =	swait.ge [sflag:s13], $0x50  }
0x68: {  	[sflag:s13] =	ssyncset.done $0x0  }
0x69: {  	s23 =	sadd.s32 s4, s23;
	[sflag:s13] =	ssyncadd.s32 $0xFFFFFFB0  }
0x6a: {  	[tilespmem:s14], [sflag:$0x1] =	stream.linear.gather [hbm4b:s23+s6], $0x50, $0x38;
	[tilespmem:$0x1BA00] =	vst v63  }
0x6b: {  	_ =	swait.ge [sflag:s13], $0x50  }
0x6c: {  	[sflag:s13] =	ssyncset.done $0x0  }
0x6d: {  	[sflag:s13] =	ssyncadd.s32 $0xFFFFFFB0  }
0x6e: {  	v7 =	vld [tilespmem:$0x80]  }
0x6f: {  	v8 =	vld [tilespmem:$0x90]  }
0x70: {  	v9 =	vld [tilespmem:$0xA0]  }
0x71: {  	v10 =	vld [tilespmem:$0xB0]  }
0x72: {  	v11 =	vld [tilespmem:$0xC0]  }
0x73: {  	v7 =	vshrl.u32 v7, $0x1  }
0x74: {  	[tilespmem:$0x100] =	vst v7;
	v7 =	vshrl.u32 v8, $0x1  }
0x75: {  	[tilespmem:$0x110] =	vst v7;
	v7 =	vshrl.u32 v9, $0x1  }
0x76: {  	[tilespmem:$0x120] =	vst v7;
	v7 =	vshrl.u32 v10, $0x1  }
0x77: {  	[tilespmem:$0x130] =	vst v7;
	v7 =	vshrl.u32 v11, $0x1  }
0x78: {  	[tilespmem:$0x140] =	vst v7  }
0x79: {  	[tilespmem:s16], [sflag:$0x1] =	stream.indirect.gather [hbm4b:s0+s15], $0x80, s6, s15, $0xb8;
	[tilespmem:$0x1BA00] =	vst v63  }
0x7a: {  	_ =	swait.ge [sflag:s13], $0x2800  }
0x7b: {  	[sflag:s13] =	ssyncset.done $0x0  }
0x7c: {  	[sflag:s13] =	ssyncadd.s32 $0xFFFFD800  }
0x7d: {  	[tilespmem:s18], [sflag:$0x1] =	stream.indirect.gather [hbm4b:s7+s15], $0x80, s17, s15, $0xb8;
	[tilespmem:$0x1BA00] =	vst v63  }
0x7e: {  	_ =	swait.ge [sflag:s13], $0x2800  }
0x7f: {  	[sflag:s13] =	ssyncset.done $0x0  }
0x80: {  	[sflag:s13] =	ssyncadd.s32 $0xFFFFD800  }
0x81: {  	v7 =	vld [tilespmem:$0x80];
	_ =	sdelay $0x4  }
0x82: {  	s30 =	simm.s32 $0x0;
	v7 =	vshll.u32 v7, $0x6  }
0x83: {  	s31 =	simm.s32 $0x1;
	v8 =	vor.u32 s30, v0;
	v7 =	vand.u32 $0x40, v7  }
0x84: {  	v10 =	vor.u32 s31, v0;
	v7 =	vor.u32 v0, v7  }
0x85: {  	v9 =	vor.u32 s30, v7  }
0x86: {  	s24 =	simm.s32 $0x2;
	v11 =	vor.u32 s31, v7  }
0x87: {  	s25 =	simm.s32 $0x3;
	v12 =	vor.u32 s24, v0  }
0x88: {  	v14 =	vor.u32 s25, v0;
	v8 =	vld.idx.msk [tilespmem:v8+s16+$0x0], $0xffff  }
0x89: {  	v10 =	vld.idx.msk [tilespmem:v10+s16+$0x0], $0xffff;
	v13 =	vor.u32 s24, v7  }
0x8a: {  	s26 =	simm.s32 $0x4;
	v15 =	vor.u32 s25, v7;
	v9 =	vld.idx.msk [tilespmem:v9+s18+$0x0], $0xffff  }
0x8b: {  	v17 =	vor.u32 s26, v7;
	v11 =	vld.idx.msk [tilespmem:v11+s18+$0x0], $0xffff  }
0x8c: {  	s28 =	simm.s32 $0x5;
	v16 =	vor.u32 s26, v0;
	v12 =	vld.idx.msk [tilespmem:v12+s16+$0x0], $0xffff  }
0x8d: {  	v18 =	vor.u32 s28, v0;
	v14 =	vld.idx.msk [tilespmem:v14+s16+$0x0], $0xffff  }
0x8e: {  	s29 =	simm.s32 $0x6;
	v19 =	vor.u32 s28, v7;
	v13 =	vld.idx.msk [tilespmem:v13+s18+$0x0], $0xffff  }
0x8f: {  	s30 =	simm.s32 $0x7;
	v8 =	vmul.f32 v9, v8;
	v9 =	vld.idx.msk [tilespmem:v15+s18+$0x0], $0xffff;
	v15 =	vor.u32 s29, v0  }
0x90: {  	v20 =	vimm.f32 $0.0e+00;
	v10 =	vmul.f32 v11, v10;
	v11 =	vld.idx.msk [tilespmem:v17+s18+$0x0], $0xffff;
	v17 =	vor.u32 s30, v0  }
0x91: {  	v16 =	vld.idx.msk [tilespmem:v16+s16+$0x0], $0xffff;
	v21 =	vor.u32 s29, v7;
	v8 =	vadd.f32 v8, v20  }
0x92: {  	v18 =	vld.idx.msk [tilespmem:v18+s16+$0x0], $0xffff;
	s31 =	simm.s32 $0x8;
	v20 =	vor.u32 s30, v7  }
0x93: {  	v8 =	vadd.f32 v10, v8;
	v10 =	vmul.f32 v13, v12;
	v12 =	vld.idx.msk [tilespmem:v19+s18+$0x0], $0xffff;
	v13 =	vor.u32 s31, v0  }
0x94: {  	s24 =	simm.s32 $0x9;
	v19 =	vor.u32 s31, v7;
	v15 =	vld.idx.msk [tilespmem:v15+s16+$0x0], $0xffff  }
0x95: {  	v9 =	vmul.f32 v9, v14;
	v14 =	vor.u32 s24, v0;
	v17 =	vld.idx.msk [tilespmem:v17+s16+$0x0], $0xffff;
	v8 =	vadd.f32 v10, v8  }
0x96: {  	s25 =	simm.s32 $0xA;
	v10 =	vld.idx.msk [tilespmem:v21+s18+$0x0], $0xffff;
	v21 =	vor.u32 s24, v7  }
0x97: {  	v8 =	vadd.f32 v9, v8;
	v9 =	vmul.f32 v11, v16;
	v11 =	vld.idx.msk [tilespmem:v20+s18+$0x0], $0xffff;
	v16 =	vor.u32 s25, v0  }
0x98: {  	s26 =	simm.s32 $0xB;
	v20 =	vor.u32 s25, v7;
	v13 =	vld.idx.msk [tilespmem:v13+s16+$0x0], $0xffff  }
0x99: {  	v8 =	vadd.f32 v9, v8;
	v9 =	vmul.f32 v12, v18;
	v12 =	vld.idx.msk [tilespmem:v19+s18+$0x0], $0xffff;
	v18 =	vor.u32 s26, v0  }
0x9a: {  	s28 =	simm.s32 $0xC;
	v14 =	vld.idx.msk [tilespmem:v14+s16+$0x0], $0xffff;
	v19 =	vor.u32 s26, v7  }
0x9b: {  	s29 =	simm.s32 $0xD;
	v8 =	vadd.f32 v9, v8;
	v9 =	vmul.f32 v10, v15;
	v10 =	vld.idx.msk [tilespmem:v21+s18+$0x0], $0xffff;
	v15 =	vor.u32 s28, v0  }
0x9c: {  	v22 =	vor.u32 s29, v0;
	v21 =	vld.idx.msk [tilespmem:v16+s16+$0x0], $0xffff  }
0x9d: {  	v16 =	vor.u32 s28, v7;
	v11 =	vmul.f32 v11, v17;
	v20 =	vld.idx.msk [tilespmem:v20+s18+$0x0], $0xffff;
	v8 =	vadd.f32 v9, v8  }
0x9e: {  	v23 =	vor.u32 s29, v7;
	s30 =	simm.s32 $0xE;
	v9 =	vld.idx.msk [tilespmem:v18+s16+$0x0], $0xffff  }
0x9f: {  	v13 =	vmul.f32 v12, v13;
	v12 =	vld.idx.msk [tilespmem:v19+s18+$0x0], $0xffff;
	v18 =	vor.u32 s30, v0;
	v11 =	vadd.f32 v11, v8  }
0xa0: {  	s31 =	simm.s32 $0xF;
	v17 =	vor.u32 s30, v7;
	v8 =	vld.idx.msk [tilespmem:v15+s16+$0x0], $0xffff  }
0xa1: {  	v19 =	vmul.f32 v10, v14;
	v15 =	vor.u32 s31, v0;
	v10 =	vld.idx.msk [tilespmem:v22+s16+$0x0], $0xffff;
	v13 =	vadd.f32 v13, v11  }
0xa2: {  	s25 =	simm.s32 $0x10;
	v14 =	vor.u32 s31, v7;
	v11 =	vld.idx.msk [tilespmem:v16+s18+$0x0], $0xffff  }
0xa3: {  	s23 =	simm.s32 $0x1F;
	s24 =	simm.s32 $0x2F;
	v16 =	vor.u32 s25, v0;
	v20 =	vmul.f32 v20, v21;
	v19 =	vadd.f32 v19, v13;
	v13 =	vld.idx.msk [tilespmem:v23+s18+$0x0], $0xffff  }
.LBB2_7:
0xa4: {  	p0 =	sne.s32 s24, $0x3F;
	v21 =	vor.u32 s25, v7;
	s25 =	sadd.s32 $0xFFFFFFF2, s23;
	v18 =	vld.idx.msk [tilespmem:v18+s16+$0x0], $0xffff  }
0xa5: {  	v9 =	vmul.f32 v12, v9;
	v22 =	vor.u32 s25, v0;
	v19 =	vadd.f32 v20, v19;
	v12 =	vld.idx.msk [tilespmem:v17+s18+$0x0], $0xffff  }
0xa6: {  	v17 =	vor.u32 s25, v7;
	s25 =	sadd.s32 $0xFFFFFFF3, s23;
	v15 =	vld.idx.msk [tilespmem:v15+s16+$0x0], $0xffff  }
0xa7: {  	v20 =	vor.u32 s25, v0;
	v8 =	vmul.f32 v11, v8;
	v9 =	vadd.f32 v9, v19;
	v11 =	vld.idx.msk [tilespmem:v14+s18+$0x0], $0xffff  }
0xa8: {  	v14 =	vld.idx.msk [tilespmem:v16+s16+$0x0], $0xffff;
	v16 =	vor.u32 s25, v7;
	s25 =	sadd.s32 $0xFFFFFFF4, s23  }
0xa9: {  	v19 =	vld.idx.msk [tilespmem:v21+s18+$0x0], $0xffff;
	v21 =	vor.u32 s25, v0;
	v8 =	vadd.f32 v8, v9;
	v9 =	vmul.f32 v13, v10  }
0xaa: {  	v13 =	vor.u32 s25, v7;
	s25 =	sadd.s32 $0xFFFFFFF5, s23;
	v10 =	vld.idx.msk [tilespmem:v22+s16+$0x0], $0xffff  }
0xab: {  	v22 =	vor.u32 s25, v0;
	v17 =	vld.idx.msk [tilespmem:v17+s18+$0x0], $0xffff;
	v8 =	vadd.f32 v9, v8;
	v9 =	vmul.f32 v12, v18  }
0xac: {  	v18 =	vor.u32 s25, v7;
	s25 =	sadd.s32 $0xFFFFFFF6, s23;
	v12 =	vld.idx.msk [tilespmem:v20+s16+$0x0], $0xffff  }
0xad: {  	v20 =	vor.u32 s25, v0;
	v16 =	vld.idx.msk [tilespmem:v16+s18+$0x0], $0xffff;
	v8 =	vadd.f32 v9, v8;
	v9 =	vmul.f32 v11, v15  }
0xae: {  	v15 =	vor.u32 s25, v7;
	s25 =	sadd.s32 $0xFFFFFFF7, s23;
	v11 =	vld.idx.msk [tilespmem:v21+s16+$0x0], $0xffff  }
0xaf: {  	v14 =	vmul.f32 v19, v14;
	v19 =	vor.u32 s25, v0;
	v13 =	vld.idx.msk [tilespmem:v13+s18+$0x0], $0xffff;
	v8 =	vadd.f32 v9, v8  }
0xb0: {  	v21 =	vor.u32 s25, v7;
	s25 =	sadd.s32 $0xFFFFFFF8, s23;
	v9 =	vld.idx.msk [tilespmem:v22+s16+$0x0], $0xffff  }
0xb1: {  	v10 =	vmul.f32 v17, v10;
	v17 =	vor.u32 s25, v0;
	v8 =	vadd.f32 v14, v8;
	v14 =	vld.idx.msk [tilespmem:v18+s18+$0x0], $0xffff  }
0xb2: {  	v18 =	vld.idx.msk [tilespmem:v20+s16+$0x0], $0xffff;
	v20 =	vor.u32 s25, v7;
	s25 =	sadd.s32 $0xFFFFFFF9, s23  }
0xb3: {  	v8 =	vadd.f32 v10, v8;
	v10 =	vmul.f32 v16, v12;
	v12 =	vld.idx.msk [tilespmem:v15+s18+$0x0], $0xffff;
	v15 =	vor.u32 s25, v0  }
0xb4: {  	v16 =	vld.idx.msk [tilespmem:v19+s16+$0x0], $0xffff;
	v19 =	vor.u32 s25, v7;
	s25 =	sadd.s32 $0xFFFFFFFA, s23  }
0xb5: {  	v8 =	vadd.f32 v10, v8;
	v10 =	vmul.f32 v13, v11;
	v11 =	vld.idx.msk [tilespmem:v21+s18+$0x0], $0xffff;
	v13 =	vor.u32 s25, v0  }
0xb6: {  	v21 =	vor.u32 s25, v7;
	s25 =	sadd.s32 $0xFFFFFFFB, s23;
	v17 =	vld.idx.msk [tilespmem:v17+s16+$0x0], $0xffff  }
0xb7: {  	v9 =	vmul.f32 v14, v9;
	v14 =	vor.u32 s25, v0;
	v8 =	vadd.f32 v10, v8;
	v10 =	vld.idx.msk [tilespmem:v20+s18+$0x0], $0xffff  }
0xb8: {  	v20 =	vor.u32 s25, v7;
	s25 =	sadd.s32 $0xFFFFFFFC, s23;
	v15 =	vld.idx.msk [tilespmem:v15+s16+$0x0], $0xffff  }
0xb9: {  	v8 =	vadd.f32 v9, v8;
	v9 =	vmul.f32 v12, v18;
	v12 =	vld.idx.msk [tilespmem:v19+s18+$0x0], $0xffff;
	v18 =	vor.u32 s25, v0  }
0xba: {  	v19 =	vor.u32 s25, v7;
	s25 =	sadd.s32 $0xFFFFFFFD, s23;
	v13 =	vld.idx.msk [tilespmem:v13+s16+$0x0], $0xffff  }
0xbb: {  	v8 =	vadd.f32 v9, v8;
	v9 =	vmul.f32 v11, v16;
	v11 =	vld.idx.msk [tilespmem:v21+s18+$0x0], $0xffff;
	v16 =	vor.u32 s25, v0  }
0xbc: {  	v21 =	vld.idx.msk [tilespmem:v14+s16+$0x0], $0xffff;
	v14 =	vor.u32 s25, v7;
	s25 =	sadd.s32 $0xFFFFFFFE, s23  }
0xbd: {  	v10 =	vmul.f32 v10, v17;
	v8 =	vadd.f32 v9, v8;
	v20 =	vld.idx.msk [tilespmem:v20+s18+$0x0], $0xffff;
	v22 =	vor.u32 s25, v0  }
0xbe: {  	v23 =	vor.u32 s25, v7;
	s25 =	sadd.s32 $0xFFFFFFFF, s23;
	v9 =	vld.idx.msk [tilespmem:v18+s16+$0x0], $0xffff  }
.Ltmp2:
0xbf: {  	v15 =	vmul.f32 v12, v15;
	v18 =	vor.u32 s25, v0;
	v10 =	vadd.f32 v10, v8;
	v12 =	vld.idx.msk [tilespmem:v19+s18+$0x0], $0xffff;
	(pc) =	sbr.rel @p0 .LBB2_7-.Ltmp2, $4  }
0xc0: {  	v17 =	vor.u32 s25, v7;
	v8 =	vld.idx.msk [tilespmem:v16+s16+$0x0], $0xffff  }
0xc1: {  	v13 =	vmul.f32 v11, v13;
	v19 =	vadd.f32 v15, v10;
	v11 =	vld.idx.msk [tilespmem:v14+s18+$0x0], $0xffff;
	v15 =	vor.u32 s23, v0  }
0xc2: {  	s25 =	sadd.s32 $0xFFFFFFF1, s24;
	v14 =	vor.u32 s23, v7;
	s23 =	smov.u32 s24;
	v10 =	vld.idx.msk [tilespmem:v22+s16+$0x0], $0xffff  }
0xc3: {  	v16 =	vor.u32 s25, v0;
	s24 =	sadd.s32 $0x10, s24;
	v20 =	vmul.f32 v20, v21;
	v19 =	vadd.f32 v13, v19;
	v13 =	vld.idx.msk [tilespmem:v23+s18+$0x0], $0xffff  }
0xc4: {  	_ =	sdelay $0x3  }
0xc5: {  	v21 =	vor.u32 s25, v7;
	s24 =	sadd.s32 $0xFFFFFFF2, s23;
	v18 =	vld.idx.msk [tilespmem:v18+s16+$0x0], $0xffff;
	v9 =	vmul.f32 v12, v9;
	v19 =	vadd.f32 v20, v19  }
0xc6: {  	v17 =	vld.idx.msk [tilespmem:v17+s18+$0x0], $0xffff;
	v12 =	vor.u32 s24, v0  }
0xc7: {  	s29 =	sadd.s32 $0xFFFFFFF3, s23;
	v15 =	vld.idx.msk [tilespmem:v15+s16+$0x0], $0xffff;
	v20 =	vor.u32 s24, v7;
	v8 =	vmul.f32 v11, v8;
	v9 =	vadd.f32 v9, v19  }
0xc8: {  	v14 =	vld.idx.msk [tilespmem:v14+s18+$0x0], $0xffff;
	v11 =	vor.u32 s29, v0  }
0xc9: {  	v16 =	vld.idx.msk [tilespmem:v16+s16+$0x0], $0xffff;
	s30 =	sadd.s32 $0xFFFFFFF4, s23;
	v19 =	vor.u32 s29, v7;
	v8 =	vadd.f32 v8, v9;
	v9 =	vmul.f32 v13, v10  }
0xca: {  	v10 =	vld.idx.msk [tilespmem:v21+s18+$0x0], $0xffff;
	v13 =	vor.u32 s30, v0  }
0xcb: {  	s31 =	sadd.s32 $0xFFFFFFF5, s23;
	v21 =	vor.u32 s30, v7;
	v12 =	vld.idx.msk [tilespmem:v12+s16+$0x0], $0xffff;
	v8 =	vadd.f32 v9, v8;
	v9 =	vmul.f32 v17, v18  }
0xcc: {  	v17 =	vld.idx.msk [tilespmem:v20+s18+$0x0], $0xffff;
	v18 =	vor.u32 s31, v0  }
0xcd: {  	s25 =	sadd.s32 $0xFFFFFFF6, s23;
	v11 =	vld.idx.msk [tilespmem:v11+s16+$0x0], $0xffff;
	v20 =	vor.u32 s31, v7;
	v8 =	vadd.f32 v9, v8;
	v9 =	vmul.f32 v14, v15  }
0xce: {  	v14 =	vld.idx.msk [tilespmem:v19+s18+$0x0], $0xffff;
	v15 =	vor.u32 s25, v0  }
0xcf: {  	s26 =	sadd.s32 $0xFFFFFFF7, s23;
	v19 =	vor.u32 s25, v7;
	v13 =	vld.idx.msk [tilespmem:v13+s16+$0x0], $0xffff;
	v10 =	vmul.f32 v10, v16;
	v8 =	vadd.f32 v9, v8  }
0xd0: {  	v16 =	vor.u32 s26, v0;
	v9 =	vld.idx.msk [tilespmem:v21+s18+$0x0], $0xffff  }
0xd1: {  	s28 =	sadd.s32 $0xFFFFFFF8, s23;
	v21 =	vor.u32 s26, v7;
	v18 =	vld.idx.msk [tilespmem:v18+s16+$0x0], $0xffff;
	v8 =	vadd.f32 v10, v8;
	v10 =	vmul.f32 v17, v12  }
0xd2: {  	v12 =	vld.idx.msk [tilespmem:v20+s18+$0x0], $0xffff;
	v17 =	vor.u32 s28, v0  }
0xd3: {  	s29 =	sadd.s32 $0xFFFFFFF9, s23;
	v20 =	vor.u32 s28, v7;
	v15 =	vld.idx.msk [tilespmem:v15+s16+$0x0], $0xffff;
	v8 =	vadd.f32 v10, v8;
	v10 =	vmul.f32 v14, v11  }
0xd4: {  	v11 =	vld.idx.msk [tilespmem:v19+s18+$0x0], $0xffff;
	v14 =	vor.u32 s29, v0  }
0xd5: {  	s30 =	sadd.s32 $0xFFFFFFFA, s23;
	v16 =	vld.idx.msk [tilespmem:v16+s16+$0x0], $0xffff;
	v19 =	vor.u32 s29, v7;
	v9 =	vmul.f32 v9, v13;
	v8 =	vadd.f32 v10, v8  }
0xd6: {  	v13 =	vor.u32 s30, v0;
	v10 =	vld.idx.msk [tilespmem:v21+s18+$0x0], $0xffff  }
0xd7: {  	s31 =	sadd.s32 $0xFFFFFFFB, s23;
	v21 =	vor.u32 s30, v7;
	v17 =	vld.idx.msk [tilespmem:v17+s16+$0x0], $0xffff;
	v8 =	vadd.f32 v9, v8;
	v9 =	vmul.f32 v12, v18  }
0xd8: {  	v12 =	vld.idx.msk [tilespmem:v20+s18+$0x0], $0xffff;
	v18 =	vor.u32 s31, v0  }
0xd9: {  	s25 =	sadd.s32 $0xFFFFFFFC, s23;
	v20 =	vor.u32 s31, v7;
	v14 =	vld.idx.msk [tilespmem:v14+s16+$0x0], $0xffff;
	v8 =	vadd.f32 v9, v8;
	v9 =	vmul.f32 v11, v15  }
0xda: {  	v11 =	vld.idx.msk [tilespmem:v19+s18+$0x0], $0xffff;
	v15 =	vor.u32 s25, v0  }
0xdb: {  	s26 =	sadd.s32 $0xFFFFFFFD, s23;
	v13 =	vld.idx.msk [tilespmem:v13+s16+$0x0], $0xffff;
	v19 =	vor.u32 s25, v7;
	v8 =	vadd.f32 v9, v8;
	v9 =	vmul.f32 v10, v16  }
0xdc: {  	v10 =	vld.idx.msk [tilespmem:v21+s18+$0x0], $0xffff;
	v16 =	vor.u32 s26, v0  }
0xdd: {  	s28 =	sadd.s32 $0xFFFFFFFE, s23;
	v21 =	vor.u32 s26, v7;
	v18 =	vld.idx.msk [tilespmem:v18+s16+$0x0], $0xffff;
	v8 =	vadd.f32 v9, v8;
	v9 =	vmul.f32 v12, v17  }
0xde: {  	v12 =	vld.idx.msk [tilespmem:v20+s18+$0x0], $0xffff;
	v17 =	vor.u32 s28, v0  }
0xdf: {  	s29 =	sadd.s32 $0xFFFFFFFF, s23;
	v20 =	vor.u32 s28, v7;
	v15 =	vld.idx.msk [tilespmem:v15+s16+$0x0], $0xffff;
	v8 =	vadd.f32 v9, v8;
	v9 =	vmul.f32 v11, v14  }
0xe0: {  	v11 =	vld.idx.msk [tilespmem:v19+s18+$0x0], $0xffff;
	v14 =	vor.u32 s29, v0  }
0xe1: {  	v19 =	vor.u32 s29, v7;
	v16 =	vld.idx.msk [tilespmem:v16+s16+$0x0], $0xffff;
	v8 =	vadd.f32 v9, v8;
	v9 =	vmul.f32 v10, v13  }
0xe2: {  	v7 =	vor.u32 s23, v7;
	v10 =	vld.idx.msk [tilespmem:v21+s18+$0x0], $0xffff  }
0xe3: {  	v13 =	vor.u32 s23, v0;
	v17 =	vld.idx.msk [tilespmem:v17+s16+$0x0], $0xffff;
	v8 =	vadd.f32 v9, v8;
	v9 =	vmul.f32 v12, v18  }
0xe4: {  	v12 =	vld.idx.msk [tilespmem:v20+s18+$0x0], $0xffff  }
0xe5: {  	v14 =	vld.idx.msk [tilespmem:v14+s16+$0x0], $0xffff;
	v8 =	vadd.f32 v9, v8;
	v9 =	vmul.f32 v11, v15  }
0xe6: {  	v11 =	vld.idx.msk [tilespmem:v19+s18+$0x0], $0xffff  }
0xe7: {  	v7 =	vld.idx.msk [tilespmem:v7+s18+$0x0], $0xffff;
	v8 =	vadd.f32 v9, v8;
	v9 =	vmul.f32 v10, v16  }
0xe8: {  	v13 =	vld.idx.msk [tilespmem:v13+s16+$0x0], $0xffff  }
0xe9: {  	v8 =	vadd.f32 v9, v8;
	v9 =	vmul.f32 v12, v17;
	_ =	sdelay $0x1  }
0xea: {  	v8 =	vadd.f32 v9, v8;
	v9 =	vmul.f32 v11, v14;
	_ =	sdelay $0x1  }
0xeb: {  	v7 =	vmul.f32 v7, v13;
	v8 =	vadd.f32 v9, v8;
	_ =	sdelay $0x1  }
0xec: {  	v7 =	vadd.f32 v7, v8;
	_ =	sdelay $0x1  }
0xed: {  	v8 =	vmul.f32 $9.999999770e-03, v7  }
0xee: {  	vm0 =	vge.f32 v7, $0.0e+00  }
0xef: {  	v7 =	vsel vm0, v7, v8  }
0xf0: {  	v7 =	vmul.f32 $1.250000000e-01, v7;
	_ =	sdelay $0x1  }
0xf1: {  	v7 =	vmul.f32 $1.442695020e+00, v7  }
0xf2: {  	v8 =	vld [tilespmem:$0x90]  }
0xf3: {  	(erf) = vpow2.f32 v7;
	_ =	sdelay $0x3  }
0xf4: {  	v7 =	vshll.u32 v8, $0x6  }
0xf5: {  	s30 =	simm.s32 $0x0;
	v7 =	vand.u32 $0x40, v7  }
0xf6: {  	v8 =	vor.u32 s30, v2;
	v7 =	vor.u32 v2, v7  }
0xf7: {  	s31 =	simm.s32 $0x1;
	v9 =	vor.u32 s30, v7  }
0xf8: {  	v10 =	vor.u32 s31, v2  }
0xf9: {  	s24 =	simm.s32 $0x2;
	v12 =	vor.u32 s31, v7;
	v11 =	vpop (erf)  }
0xfa: {  	v13 =	vor.u32 s24, v7;
	[tilespmem:$0x5180] =	vst v11  }
0xfb: {  	s25 =	simm.s32 $0x3;
	v11 =	vor.u32 s24, v2;
	v8 =	vld.idx.msk [tilespmem:v8+s16+$0x0], $0xffff  }
0xfc: {  	v14 =	vor.u32 s25, v2;
	v9 =	vld.idx.msk [tilespmem:v9+s18+$0x0], $0xffff  }
0xfd: {  	s26 =	simm.s32 $0x4;
	v15 =	vor.u32 s25, v7;
	v10 =	vld.idx.msk [tilespmem:v10+s16+$0x0], $0xffff  }
0xfe: {  	v16 =	vor.u32 s26, v2;
	v12 =	vld.idx.msk [tilespmem:v12+s18+$0x0], $0xffff  }
0xff: {  	s28 =	simm.s32 $0x5;
	v17 =	vor.u32 s26, v7;
	v13 =	vld.idx.msk [tilespmem:v13+s18+$0x0], $0xffff  }
0x100: {  	v18 =	vor.u32 s28, v2;
	v11 =	vld.idx.msk [tilespmem:v11+s16+$0x0], $0xffff  }
0x101: {  	s29 =	simm.s32 $0x6;
	v19 =	vor.u32 s28, v7;
	v14 =	vld.idx.msk [tilespmem:v14+s16+$0x0], $0xffff;
	v8 =	vmul.f32 v9, v8  }
0x102: {  	v20 =	vimm.f32 $0.0e+00;
	v9 =	vld.idx.msk [tilespmem:v15+s18+$0x0], $0xffff;
	v15 =	vor.u32 s29, v2  }
0x103: {  	v21 =	vor.u32 s29, v7;
	s30 =	simm.s32 $0x7;
	v16 =	vld.idx.msk [tilespmem:v16+s16+$0x0], $0xffff;
	v10 =	vmul.f32 v12, v10;
	v8 =	vadd.f32 v8, v20  }
0x104: {  	v12 =	vld.idx.msk [tilespmem:v17+s18+$0x0], $0xffff;
	v17 =	vor.u32 s30, v2  }
0x105: {  	s31 =	simm.s32 $0x8;
	v18 =	vld.idx.msk [tilespmem:v18+s16+$0x0], $0xffff;
	v20 =	vor.u32 s30, v7;
	v8 =	vadd.f32 v10, v8;
	v10 =	vmul.f32 v13, v11  }
0x106: {  	v11 =	vld.idx.msk [tilespmem:v19+s18+$0x0], $0xffff;
	v13 =	vor.u32 s31, v2  }
0x107: {  	s24 =	simm.s32 $0x9;
	v19 =	vor.u32 s31, v7;
	v15 =	vld.idx.msk [tilespmem:v15+s16+$0x0], $0xffff;
	v9 =	vmul.f32 v9, v14;
	v8 =	vadd.f32 v10, v8  }
0x108: {  	v14 =	vor.u32 s24, v2;
	v10 =	vld.idx.msk [tilespmem:v21+s18+$0x0], $0xffff  }
0x109: {  	s25 =	simm.s32 $0xA;
	v17 =	vld.idx.msk [tilespmem:v17+s16+$0x0], $0xffff;
	v21 =	vor.u32 s24, v7;
	v8 =	vadd.f32 v9, v8;
	v9 =	vmul.f32 v12, v16  }
0x10a: {  	v12 =	vld.idx.msk [tilespmem:v20+s18+$0x0], $0xffff;
	v16 =	vor.u32 s25, v2  }
0x10b: {  	s26 =	simm.s32 $0xB;
	v20 =	vor.u32 s25, v7;
	v13 =	vld.idx.msk [tilespmem:v13+s16+$0x0], $0xffff;
	v8 =	vadd.f32 v9, v8;
	v9 =	vmul.f32 v11, v18  }
0x10c: {  	v11 =	vld.idx.msk [tilespmem:v19+s18+$0x0], $0xffff;
	v18 =	vor.u32 s26, v2  }
0x10d: {  	s28 =	simm.s32 $0xC;
	v14 =	vld.idx.msk [tilespmem:v14+s16+$0x0], $0xffff;
	v19 =	vor.u32 s26, v7;
	v8 =	vadd.f32 v9, v8;
	v9 =	vmul.f32 v10, v15  }
0x10e: {  	s29 =	simm.s32 $0xD;
	v10 =	vld.idx.msk [tilespmem:v21+s18+$0x0], $0xffff;
	v15 =	vor.u32 s28, v2  }
0x10f: {  	v22 =	vor.u32 s29, v2;
	v21 =	vld.idx.msk [tilespmem:v16+s16+$0x0], $0xffff;
	v12 =	vmul.f32 v12, v17;
	v8 =	vadd.f32 v9, v8  }
0x110: {  	v16 =	vor.u32 s28, v7;
	v20 =	vld.idx.msk [tilespmem:v20+s18+$0x0], $0xffff  }
0x111: {  	v23 =	vor.u32 s29, v7;
	s30 =	simm.s32 $0xE;
	v9 =	vld.idx.msk [tilespmem:v18+s16+$0x0], $0xffff;
	v11 =	vmul.f32 v11, v13;
	v17 =	vadd.f32 v12, v8  }
0x112: {  	v18 =	vor.u32 s30, v2;
	v12 =	vld.idx.msk [tilespmem:v19+s18+$0x0], $0xffff  }
0x113: {  	s31 =	simm.s32 $0xF;
	v8 =	vld.idx.msk [tilespmem:v15+s16+$0x0], $0xffff;
	v13 =	vadd.f32 v11, v17;
	v17 =	vor.u32 s30, v7  }
0x114: {  	v19 =	vmul.f32 v10, v14;
	v15 =	vor.u32 s31, v2;
	v10 =	vld.idx.msk [tilespmem:v22+s16+$0x0], $0xffff  }
0x115: {  	s25 =	simm.s32 $0x10;
	v14 =	vor.u32 s31, v7;
	v11 =	vld.idx.msk [tilespmem:v16+s18+$0x0], $0xffff  }
0x116: {  	s23 =	simm.s32 $0x1F;
	s24 =	simm.s32 $0x2F;
	v16 =	vor.u32 s25, v2;
	v20 =	vmul.f32 v20, v21;
	v19 =	vadd.f32 v19, v13;
	v13 =	vld.idx.msk [tilespmem:v23+s18+$0x0], $0xffff  }
.LBB2_9:
0x117: {  	p0 =	sne.s32 s24, $0x3F;
	v21 =	vor.u32 s25, v7;
	s25 =	sadd.s32 $0xFFFFFFF2, s23;
	v18 =	vld.idx.msk [tilespmem:v18+s16+$0x0], $0xffff  }
0x118: {  	v9 =	vmul.f32 v12, v9;
	v22 =	vor.u32 s25, v2;
	v19 =	vadd.f32 v20, v19;
	v12 =	vld.idx.msk [tilespmem:v17+s18+$0x0], $0xffff  }
0x119: {  	v17 =	vor.u32 s25, v7;
	s25 =	sadd.s32 $0xFFFFFFF3, s23;
	v15 =	vld.idx.msk [tilespmem:v15+s16+$0x0], $0xffff  }
0x11a: {  	v20 =	vor.u32 s25, v2;
	v8 =	vmul.f32 v11, v8;
	v9 =	vadd.f32 v9, v19;
	v11 =	vld.idx.msk [tilespmem:v14+s18+$0x0], $0xffff  }
0x11b: {  	v14 =	vld.idx.msk [tilespmem:v16+s16+$0x0], $0xffff;
	v16 =	vor.u32 s25, v7;
	s25 =	sadd.s32 $0xFFFFFFF4, s23  }
0x11c: {  	v19 =	vld.idx.msk [tilespmem:v21+s18+$0x0], $0xffff;
	v21 =	vor.u32 s25, v2;
	v8 =	vadd.f32 v8, v9;
	v9 =	vmul.f32 v13, v10  }
0x11d: {  	v13 =	vor.u32 s25, v7;
	s25 =	sadd.s32 $0xFFFFFFF5, s23;
	v10 =	vld.idx.msk [tilespmem:v22+s16+$0x0], $0xffff  }
0x11e: {  	v22 =	vor.u32 s25, v2;
	v17 =	vld.idx.msk [tilespmem:v17+s18+$0x0], $0xffff;
	v8 =	vadd.f32 v9, v8;
	v9 =	vmul.f32 v12, v18  }
0x11f: {  	v18 =	vor.u32 s25, v7;
	s25 =	sadd.s32 $0xFFFFFFF6, s23;
	v12 =	vld.idx.msk [tilespmem:v20+s16+$0x0], $0xffff  }
0x120: {  	v20 =	vor.u32 s25, v2;
	v16 =	vld.idx.msk [tilespmem:v16+s18+$0x0], $0xffff;
	v8 =	vadd.f32 v9, v8;
	v9 =	vmul.f32 v11, v15  }
0x121: {  	v15 =	vor.u32 s25, v7;
	s25 =	sadd.s32 $0xFFFFFFF7, s23;
	v11 =	vld.idx.msk [tilespmem:v21+s16+$0x0], $0xffff  }
0x122: {  	v14 =	vmul.f32 v19, v14;
	v19 =	vor.u32 s25, v2;
	v13 =	vld.idx.msk [tilespmem:v13+s18+$0x0], $0xffff;
	v8 =	vadd.f32 v9, v8  }
0x123: {  	v21 =	vor.u32 s25, v7;
	s25 =	sadd.s32 $0xFFFFFFF8, s23;
	v9 =	vld.idx.msk [tilespmem:v22+s16+$0x0], $0xffff  }
0x124: {  	v10 =	vmul.f32 v17, v10;
	v17 =	vor.u32 s25, v2;
	v8 =	vadd.f32 v14, v8;
	v14 =	vld.idx.msk [tilespmem:v18+s18+$0x0], $0xffff  }
0x125: {  	v18 =	vld.idx.msk [tilespmem:v20+s16+$0x0], $0xffff;
	v20 =	vor.u32 s25, v7;
	s25 =	sadd.s32 $0xFFFFFFF9, s23  }
0x126: {  	v8 =	vadd.f32 v10, v8;
	v10 =	vmul.f32 v16, v12;
	v12 =	vld.idx.msk [tilespmem:v15+s18+$0x0], $0xffff;
	v15 =	vor.u32 s25, v2  }
0x127: {  	v16 =	vld.idx.msk [tilespmem:v19+s16+$0x0], $0xffff;
	v19 =	vor.u32 s25, v7;
	s25 =	sadd.s32 $0xFFFFFFFA, s23  }
0x128: {  	v8 =	vadd.f32 v10, v8;
	v10 =	vmul.f32 v13, v11;
	v11 =	vld.idx.msk [tilespmem:v21+s18+$0x0], $0xffff;
	v13 =	vor.u32 s25, v2  }
0x129: {  	v21 =	vor.u32 s25, v7;
	s25 =	sadd.s32 $0xFFFFFFFB, s23;
	v17 =	vld.idx.msk [tilespmem:v17+s16+$0x0], $0xffff  }
0x12a: {  	v9 =	vmul.f32 v14, v9;
	v14 =	vor.u32 s25, v2;
	v8 =	vadd.f32 v10, v8;
	v10 =	vld.idx.msk [tilespmem:v20+s18+$0x0], $0xffff  }
0x12b: {  	v20 =	vor.u32 s25, v7;
	s25 =	sadd.s32 $0xFFFFFFFC, s23;
	v15 =	vld.idx.msk [tilespmem:v15+s16+$0x0], $0xffff  }
0x12c: {  	v8 =	vadd.f32 v9, v8;
	v9 =	vmul.f32 v12, v18;
	v12 =	vld.idx.msk [tilespmem:v19+s18+$0x0], $0xffff;
	v18 =	vor.u32 s25, v2  }
0x12d: {  	v19 =	vor.u32 s25, v7;
	s25 =	sadd.s32 $0xFFFFFFFD, s23;
	v13 =	vld.idx.msk [tilespmem:v13+s16+$0x0], $0xffff  }
0x12e: {  	v8 =	vadd.f32 v9, v8;
	v9 =	vmul.f32 v11, v16;
	v11 =	vld.idx.msk [tilespmem:v21+s18+$0x0], $0xffff;
	v16 =	vor.u32 s25, v2  }
0x12f: {  	v21 =	vld.idx.msk [tilespmem:v14+s16+$0x0], $0xffff;
	v14 =	vor.u32 s25, v7;
	s25 =	sadd.s32 $0xFFFFFFFE, s23  }
0x130: {  	v10 =	vmul.f32 v10, v17;
	v8 =	vadd.f32 v9, v8;
	v20 =	vld.idx.msk [tilespmem:v20+s18+$0x0], $0xffff;
	v22 =	vor.u32 s25, v2  }
0x131: {  	v23 =	vor.u32 s25, v7;
	s25 =	sadd.s32 $0xFFFFFFFF, s23;
	v9 =	vld.idx.msk [tilespmem:v18+s16+$0x0], $0xffff  }
.Ltmp3:
0x132: {  	v15 =	vmul.f32 v12, v15;
	v18 =	vor.u32 s25, v2;
	v10 =	vadd.f32 v10, v8;
	v12 =	vld.idx.msk [tilespmem:v19+s18+$0x0], $0xffff;
	(pc) =	sbr.rel @p0 .LBB2_9-.Ltmp3, $4  }
0x133: {  	v17 =	vor.u32 s25, v7;
	v8 =	vld.idx.msk [tilespmem:v16+s16+$0x0], $0xffff  }
0x134: {  	v13 =	vmul.f32 v11, v13;
	v19 =	vadd.f32 v15, v10;
	v11 =	vld.idx.msk [tilespmem:v14+s18+$0x0], $0xffff;
	v15 =	vor.u32 s23, v2  }
0x135: {  	s25 =	sadd.s32 $0xFFFFFFF1, s24;
	v14 =	vor.u32 s23, v7;
	s23 =	smov.u32 s24;
	v10 =	vld.idx.msk [tilespmem:v22+s16+$0x0], $0xffff  }
0x136: {  	v16 =	vor.u32 s25, v2;
	s24 =	sadd.s32 $0x10, s24;
	v20 =	vmul.f32 v20, v21;
	v19 =	vadd.f32 v13, v19;
	v13 =	vld.idx.msk [tilespmem:v23+s18+$0x0], $0xffff  }
0x137: {  	_ =	sdelay $0x3  }
0x138: {  	v21 =	vor.u32 s25, v7;
	s24 =	sadd.s32 $0xFFFFFFF2, s23;
	v18 =	vld.idx.msk [tilespmem:v18+s16+$0x0], $0xffff;
	v9 =	vmul.f32 v12, v9;
	v19 =	vadd.f32 v20, v19  }
0x139: {  	v17 =	vld.idx.msk [tilespmem:v17+s18+$0x0], $0xffff;
	v12 =	vor.u32 s24, v2  }
0x13a: {  	s29 =	sadd.s32 $0xFFFFFFF3, s23;
	v15 =	vld.idx.msk [tilespmem:v15+s16+$0x0], $0xffff;
	v20 =	vor.u32 s24, v7;
	v8 =	vmul.f32 v11, v8;
	v9 =	vadd.f32 v9, v19  }
0x13b: {  	v14 =	vld.idx.msk [tilespmem:v14+s18+$0x0], $0xffff;
	v11 =	vor.u32 s29, v2  }
0x13c: {  	v16 =	vld.idx.msk [tilespmem:v16+s16+$0x0], $0xffff;
	s30 =	sadd.s32 $0xFFFFFFF4, s23;
	v19 =	vor.u32 s29, v7;
	v8 =	vadd.f32 v8, v9;
	v9 =	vmul.f32 v13, v10  }
0x13d: {  	v10 =	vld.idx.msk [tilespmem:v21+s18+$0x0], $0xffff;
	v13 =	vor.u32 s30, v2  }
0x13e: {  	s31 =	sadd.s32 $0xFFFFFFF5, s23;
	v21 =	vor.u32 s30, v7;
	v12 =	vld.idx.msk [tilespmem:v12+s16+$0x0], $0xffff;
	v8 =	vadd.f32 v9, v8;
	v9 =	vmul.f32 v17, v18  }
0x13f: {  	v17 =	vld.idx.msk [tilespmem:v20+s18+$0x0], $0xffff;
	v18 =	vor.u32 s31, v2  }
0x140: {  	s25 =	sadd.s32 $0xFFFFFFF6, s23;
	v11 =	vld.idx.msk [tilespmem:v11+s16+$0x0], $0xffff;
	v20 =	vor.u32 s31, v7;
	v8 =	vadd.f32 v9, v8;
	v9 =	vmul.f32 v14, v15  }
0x141: {  	v14 =	vld.idx.msk [tilespmem:v19+s18+$0x0], $0xffff;
	v15 =	vor.u32 s25, v2  }
0x142: {  	s26 =	sadd.s32 $0xFFFFFFF7, s23;
	v19 =	vor.u32 s25, v7;
	v13 =	vld.idx.msk [tilespmem:v13+s16+$0x0], $0xffff;
	v10 =	vmul.f32 v10, v16;
	v8 =	vadd.f32 v9, v8  }
0x143: {  	v16 =	vor.u32 s26, v2;
	v9 =	vld.idx.msk [tilespmem:v21+s18+$0x0], $0xffff  }
0x144: {  	s28 =	sadd.s32 $0xFFFFFFF8, s23;
	v21 =	vor.u32 s26, v7;
	v18 =	vld.idx.msk [tilespmem:v18+s16+$0x0], $0xffff;
	v8 =	vadd.f32 v10, v8;
	v10 =	vmul.f32 v17, v12  }
0x145: {  	v12 =	vld.idx.msk [tilespmem:v20+s18+$0x0], $0xffff;
	v17 =	vor.u32 s28, v2  }
0x146: {  	s29 =	sadd.s32 $0xFFFFFFF9, s23;
	v20 =	vor.u32 s28, v7;
	v15 =	vld.idx.msk [tilespmem:v15+s16+$0x0], $0xffff;
	v8 =	vadd.f32 v10, v8;
	v10 =	vmul.f32 v14, v11  }
0x147: {  	v11 =	vld.idx.msk [tilespmem:v19+s18+$0x0], $0xffff;
	v14 =	vor.u32 s29, v2  }
0x148: {  	s30 =	sadd.s32 $0xFFFFFFFA, s23;
	v16 =	vld.idx.msk [tilespmem:v16+s16+$0x0], $0xffff;
	v19 =	vor.u32 s29, v7;
	v9 =	vmul.f32 v9, v13;
	v8 =	vadd.f32 v10, v8  }
0x149: {  	v13 =	vor.u32 s30, v2;
	v10 =	vld.idx.msk [tilespmem:v21+s18+$0x0], $0xffff  }
0x14a: {  	s31 =	sadd.s32 $0xFFFFFFFB, s23;
	v21 =	vor.u32 s30, v7;
	v17 =	vld.idx.msk [tilespmem:v17+s16+$0x0], $0xffff;
	v8 =	vadd.f32 v9, v8;
	v9 =	vmul.f32 v12, v18  }
0x14b: {  	v12 =	vld.idx.msk [tilespmem:v20+s18+$0x0], $0xffff;
	v18 =	vor.u32 s31, v2  }
0x14c: {  	s25 =	sadd.s32 $0xFFFFFFFC, s23;
	v20 =	vor.u32 s31, v7;
	v14 =	vld.idx.msk [tilespmem:v14+s16+$0x0], $0xffff;
	v8 =	vadd.f32 v9, v8;
	v9 =	vmul.f32 v11, v15  }
0x14d: {  	v11 =	vld.idx.msk [tilespmem:v19+s18+$0x0], $0xffff;
	v15 =	vor.u32 s25, v2  }
0x14e: {  	s26 =	sadd.s32 $0xFFFFFFFD, s23;
	v13 =	vld.idx.msk [tilespmem:v13+s16+$0x0], $0xffff;
	v19 =	vor.u32 s25, v7;
	v8 =	vadd.f32 v9, v8;
	v9 =	vmul.f32 v10, v16  }
0x14f: {  	v10 =	vld.idx.msk [tilespmem:v21+s18+$0x0], $0xffff;
	v16 =	vor.u32 s26, v2  }
0x150: {  	s28 =	sadd.s32 $0xFFFFFFFE, s23;
	v21 =	vor.u32 s26, v7;
	v18 =	vld.idx.msk [tilespmem:v18+s16+$0x0], $0xffff;
	v8 =	vadd.f32 v9, v8;
	v9 =	vmul.f32 v12, v17  }
0x151: {  	v12 =	vld.idx.msk [tilespmem:v20+s18+$0x0], $0xffff;
	v17 =	vor.u32 s28, v2  }
0x152: {  	s29 =	sadd.s32 $0xFFFFFFFF, s23;
	v20 =	vor.u32 s28, v7;
	v15 =	vld.idx.msk [tilespmem:v15+s16+$0x0], $0xffff;
	v8 =	vadd.f32 v9, v8;
	v9 =	vmul.f32 v11, v14  }
0x153: {  	v11 =	vld.idx.msk [tilespmem:v19+s18+$0x0], $0xffff;
	v14 =	vor.u32 s29, v2  }
0x154: {  	v19 =	vor.u32 s29, v7;
	v16 =	vld.idx.msk [tilespmem:v16+s16+$0x0], $0xffff;
	v8 =	vadd.f32 v9, v8;
	v9 =	vmul.f32 v10, v13  }
0x155: {  	v7 =	vor.u32 s23, v7;
	v10 =	vld.idx.msk [tilespmem:v21+s18+$0x0], $0xffff  }
0x156: {  	v13 =	vor.u32 s23, v2;
	v17 =	vld.idx.msk [tilespmem:v17+s16+$0x0], $0xffff;
	v8 =	vadd.f32 v9, v8;
	v9 =	vmul.f32 v12, v18  }
0x157: {  	v12 =	vld.idx.msk [tilespmem:v20+s18+$0x0], $0xffff  }
0x158: {  	v14 =	vld.idx.msk [tilespmem:v14+s16+$0x0], $0xffff;
	v8 =	vadd.f32 v9, v8;
	v9 =	vmul.f32 v11, v15  }
0x159: {  	v11 =	vld.idx.msk [tilespmem:v19+s18+$0x0], $0xffff  }
0x15a: {  	v7 =	vld.idx.msk [tilespmem:v7+s18+$0x0], $0xffff;
	v8 =	vadd.f32 v9, v8;
	v9 =	vmul.f32 v10, v16  }
0x15b: {  	v13 =	vld.idx.msk [tilespmem:v13+s16+$0x0], $0xffff  }
0x15c: {  	v8 =	vadd.f32 v9, v8;
	v9 =	vmul.f32 v12, v17;
	_ =	sdelay $0x1  }
0x15d: {  	v8 =	vadd.f32 v9, v8;
	v9 =	vmul.f32 v11, v14;
	_ =	sdelay $0x1  }
0x15e: {  	v7 =	vmul.f32 v7, v13;
	v8 =	vadd.f32 v9, v8;
	_ =	sdelay $0x1  }
0x15f: {  	v7 =	vadd.f32 v7, v8;
	_ =	sdelay $0x1  }
0x160: {  	v8 =	vmul.f32 $9.999999770e-03, v7  }
0x161: {  	vm0 =	vge.f32 v7, $0.0e+00  }
0x162: {  	v7 =	vsel vm0, v7, v8  }
0x163: {  	v7 =	vmul.f32 $1.250000000e-01, v7;
	_ =	sdelay $0x1  }
0x164: {  	v7 =	vmul.f32 $1.442695020e+00, v7  }
0x165: {  	v8 =	vld [tilespmem:$0xA0]  }
0x166: {  	(erf) = vpow2.f32 v7;
	_ =	sdelay $0x3  }
0x167: {  	v7 =	vshll.u32 v8, $0x6  }
0x168: {  	s30 =	simm.s32 $0x0;
	v7 =	vand.u32 $0x40, v7  }
0x169: {  	v8 =	vor.u32 s30, v3;
	v7 =	vor.u32 v3, v7  }
0x16a: {  	s31 =	simm.s32 $0x1;
	v9 =	vor.u32 s30, v7  }
0x16b: {  	v10 =	vor.u32 s31, v3  }
0x16c: {  	s24 =	simm.s32 $0x2;
	v12 =	vor.u32 s31, v7;
	v11 =	vpop (erf)  }
0x16d: {  	v13 =	vor.u32 s24, v7;
	[tilespmem:$0x5190] =	vst v11  }
0x16e: {  	s25 =	simm.s32 $0x3;
	v11 =	vor.u32 s24, v3;
	v8 =	vld.idx.msk [tilespmem:v8+s16+$0x0], $0xffff  }
0x16f: {  	v14 =	vor.u32 s25, v3;
	v9 =	vld.idx.msk [tilespmem:v9+s18+$0x0], $0xffff  }
0x170: {  	s26 =	simm.s32 $0x4;
	v15 =	vor.u32 s25, v7;
	v10 =	vld.idx.msk [tilespmem:v10+s16+$0x0], $0xffff  }
0x171: {  	v16 =	vor.u32 s26, v3;
	v12 =	vld.idx.msk [tilespmem:v12+s18+$0x0], $0xffff  }
0x172: {  	s28 =	simm.s32 $0x5;
	v17 =	vor.u32 s26, v7;
	v13 =	vld.idx.msk [tilespmem:v13+s18+$0x0], $0xffff  }
0x173: {  	v18 =	vor.u32 s28, v3;
	v11 =	vld.idx.msk [tilespmem:v11+s16+$0x0], $0xffff  }
0x174: {  	s29 =	simm.s32 $0x6;
	v19 =	vor.u32 s28, v7;
	v14 =	vld.idx.msk [tilespmem:v14+s16+$0x0], $0xffff;
	v8 =	vmul.f32 v9, v8  }
0x175: {  	v20 =	vimm.f32 $0.0e+00;
	v9 =	vld.idx.msk [tilespmem:v15+s18+$0x0], $0xffff;
	v15 =	vor.u32 s29, v3  }
0x176: {  	v21 =	vor.u32 s29, v7;
	s30 =	simm.s32 $0x7;
	v16 =	vld.idx.msk [tilespmem:v16+s16+$0x0], $0xffff;
	v10 =	vmul.f32 v12, v10;
	v8 =	vadd.f32 v8, v20  }
0x177: {  	v12 =	vld.idx.msk [tilespmem:v17+s18+$0x0], $0xffff;
	v17 =	vor.u32 s30, v3  }
0x178: {  	s31 =	simm.s32 $0x8;
	v18 =	vld.idx.msk [tilespmem:v18+s16+$0x0], $0xffff;
	v20 =	vor.u32 s30, v7;
	v8 =	vadd.f32 v10, v8;
	v10 =	vmul.f32 v13, v11  }
0x179: {  	v11 =	vld.idx.msk [tilespmem:v19+s18+$0x0], $0xffff;
	v13 =	vor.u32 s31, v3  }
0x17a: {  	s24 =	simm.s32 $0x9;
	v19 =	vor.u32 s31, v7;
	v15 =	vld.idx.msk [tilespmem:v15+s16+$0x0], $0xffff;
	v9 =	vmul.f32 v9, v14;
	v8 =	vadd.f32 v10, v8  }
0x17b: {  	v14 =	vor.u32 s24, v3;
	v10 =	vld.idx.msk [tilespmem:v21+s18+$0x0], $0xffff  }
0x17c: {  	s25 =	simm.s32 $0xA;
	v17 =	vld.idx.msk [tilespmem:v17+s16+$0x0], $0xffff;
	v21 =	vor.u32 s24, v7;
	v8 =	vadd.f32 v9, v8;
	v9 =	vmul.f32 v12, v16  }
0x17d: {  	v12 =	vld.idx.msk [tilespmem:v20+s18+$0x0], $0xffff;
	v16 =	vor.u32 s25, v3  }
0x17e: {  	s26 =	simm.s32 $0xB;
	v20 =	vor.u32 s25, v7;
	v13 =	vld.idx.msk [tilespmem:v13+s16+$0x0], $0xffff;
	v8 =	vadd.f32 v9, v8;
	v9 =	vmul.f32 v11, v18  }
0x17f: {  	v11 =	vld.idx.msk [tilespmem:v19+s18+$0x0], $0xffff;
	v18 =	vor.u32 s26, v3  }
0x180: {  	s28 =	simm.s32 $0xC;
	v14 =	vld.idx.msk [tilespmem:v14+s16+$0x0], $0xffff;
	v19 =	vor.u32 s26, v7;
	v8 =	vadd.f32 v9, v8;
	v9 =	vmul.f32 v10, v15  }
0x181: {  	s29 =	simm.s32 $0xD;
	v10 =	vld.idx.msk [tilespmem:v21+s18+$0x0], $0xffff;
	v15 =	vor.u32 s28, v3  }
0x182: {  	v22 =	vor.u32 s29, v3;
	v21 =	vld.idx.msk [tilespmem:v16+s16+$0x0], $0xffff;
	v12 =	vmul.f32 v12, v17;
	v8 =	vadd.f32 v9, v8  }
0x183: {  	v16 =	vor.u32 s28, v7;
	v20 =	vld.idx.msk [tilespmem:v20+s18+$0x0], $0xffff  }
0x184: {  	v23 =	vor.u32 s29, v7;
	s30 =	simm.s32 $0xE;
	v9 =	vld.idx.msk [tilespmem:v18+s16+$0x0], $0xffff;
	v11 =	vmul.f32 v11, v13;
	v17 =	vadd.f32 v12, v8  }
0x185: {  	v18 =	vor.u32 s30, v3;
	v12 =	vld.idx.msk [tilespmem:v19+s18+$0x0], $0xffff  }
0x186: {  	s31 =	simm.s32 $0xF;
	v8 =	vld.idx.msk [tilespmem:v15+s16+$0x0], $0xffff;
	v13 =	vadd.f32 v11, v17;
	v17 =	vor.u32 s30, v7  }
0x187: {  	v19 =	vmul.f32 v10, v14;
	v15 =	vor.u32 s31, v3;
	v10 =	vld.idx.msk [tilespmem:v22+s16+$0x0], $0xffff  }
0x188: {  	s25 =	simm.s32 $0x10;
	v14 =	vor.u32 s31, v7;
	v11 =	vld.idx.msk [tilespmem:v16+s18+$0x0], $0xffff  }
0x189: {  	s23 =	simm.s32 $0x1F;
	s24 =	simm.s32 $0x2F;
	v16 =	vor.u32 s25, v3;
	v20 =	vmul.f32 v20, v21;
	v19 =	vadd.f32 v19, v13;
	v13 =	vld.idx.msk [tilespmem:v23+s18+$0x0], $0xffff  }
.LBB2_11:
0x18a: {  	p0 =	sne.s32 s24, $0x3F;
	v21 =	vor.u32 s25, v7;
	s25 =	sadd.s32 $0xFFFFFFF2, s23;
	v18 =	vld.idx.msk [tilespmem:v18+s16+$0x0], $0xffff  }
0x18b: {  	v9 =	vmul.f32 v12, v9;
	v22 =	vor.u32 s25, v3;
	v19 =	vadd.f32 v20, v19;
	v12 =	vld.idx.msk [tilespmem:v17+s18+$0x0], $0xffff  }
0x18c: {  	v17 =	vor.u32 s25, v7;
	s25 =	sadd.s32 $0xFFFFFFF3, s23;
	v15 =	vld.idx.msk [tilespmem:v15+s16+$0x0], $0xffff  }
0x18d: {  	v20 =	vor.u32 s25, v3;
	v8 =	vmul.f32 v11, v8;
	v9 =	vadd.f32 v9, v19;
	v11 =	vld.idx.msk [tilespmem:v14+s18+$0x0], $0xffff  }
0x18e: {  	v14 =	vld.idx.msk [tilespmem:v16+s16+$0x0], $0xffff;
	v16 =	vor.u32 s25, v7;
	s25 =	sadd.s32 $0xFFFFFFF4, s23  }
0x18f: {  	v19 =	vld.idx.msk [tilespmem:v21+s18+$0x0], $0xffff;
	v21 =	vor.u32 s25, v3;
	v8 =	vadd.f32 v8, v9;
	v9 =	vmul.f32 v13, v10  }
0x190: {  	v13 =	vor.u32 s25, v7;
	s25 =	sadd.s32 $0xFFFFFFF5, s23;
	v10 =	vld.idx.msk [tilespmem:v22+s16+$0x0], $0xffff  }
0x191: {  	v22 =	vor.u32 s25, v3;
	v17 =	vld.idx.msk [tilespmem:v17+s18+$0x0], $0xffff;
	v8 =	vadd.f32 v9, v8;
	v9 =	vmul.f32 v12, v18  }
0x192: {  	v18 =	vor.u32 s25, v7;
	s25 =	sadd.s32 $0xFFFFFFF6, s23;
	v12 =	vld.idx.msk [tilespmem:v20+s16+$0x0], $0xffff  }
0x193: {  	v20 =	vor.u32 s25, v3;
	v16 =	vld.idx.msk [tilespmem:v16+s18+$0x0], $0xffff;
	v8 =	vadd.f32 v9, v8;
	v9 =	vmul.f32 v11, v15  }
0x194: {  	v15 =	vor.u32 s25, v7;
	s25 =	sadd.s32 $0xFFFFFFF7, s23;
	v11 =	vld.idx.msk [tilespmem:v21+s16+$0x0], $0xffff  }
0x195: {  	v14 =	vmul.f32 v19, v14;
	v19 =	vor.u32 s25, v3;
	v13 =	vld.idx.msk [tilespmem:v13+s18+$0x0], $0xffff;
	v8 =	vadd.f32 v9, v8  }
0x196: {  	v21 =	vor.u32 s25, v7;
	s25 =	sadd.s32 $0xFFFFFFF8, s23;
	v9 =	vld.idx.msk [tilespmem:v22+s16+$0x0], $0xffff  }
0x197: {  	v10 =	vmul.f32 v17, v10;
	v17 =	vor.u32 s25, v3;
	v8 =	vadd.f32 v14, v8;
	v14 =	vld.idx.msk [tilespmem:v18+s18+$0x0], $0xffff  }
0x198: {  	v18 =	vld.idx.msk [tilespmem:v20+s16+$0x0], $0xffff;
	v20 =	vor.u32 s25, v7;
	s25 =	sadd.s32 $0xFFFFFFF9, s23  }
0x199: {  	v8 =	vadd.f32 v10, v8;
	v10 =	vmul.f32 v16, v12;
	v12 =	vld.idx.msk [tilespmem:v15+s18+$0x0], $0xffff;
	v15 =	vor.u32 s25, v3  }
0x19a: {  	v16 =	vld.idx.msk [tilespmem:v19+s16+$0x0], $0xffff;
	v19 =	vor.u32 s25, v7;
	s25 =	sadd.s32 $0xFFFFFFFA, s23  }
0x19b: {  	v8 =	vadd.f32 v10, v8;
	v10 =	vmul.f32 v13, v11;
	v11 =	vld.idx.msk [tilespmem:v21+s18+$0x0], $0xffff;
	v13 =	vor.u32 s25, v3  }
0x19c: {  	v21 =	vor.u32 s25, v7;
	s25 =	sadd.s32 $0xFFFFFFFB, s23;
	v17 =	vld.idx.msk [tilespmem:v17+s16+$0x0], $0xffff  }
0x19d: {  	v9 =	vmul.f32 v14, v9;
	v14 =	vor.u32 s25, v3;
	v8 =	vadd.f32 v10, v8;
	v10 =	vld.idx.msk [tilespmem:v20+s18+$0x0], $0xffff  }
0x19e: {  	v20 =	vor.u32 s25, v7;
	s25 =	sadd.s32 $0xFFFFFFFC, s23;
	v15 =	vld.idx.msk [tilespmem:v15+s16+$0x0], $0xffff  }
0x19f: {  	v8 =	vadd.f32 v9, v8;
	v9 =	vmul.f32 v12, v18;
	v12 =	vld.idx.msk [tilespmem:v19+s18+$0x0], $0xffff;
	v18 =	vor.u32 s25, v3  }
0x1a0: {  	v19 =	vor.u32 s25, v7;
	s25 =	sadd.s32 $0xFFFFFFFD, s23;
	v13 =	vld.idx.msk [tilespmem:v13+s16+$0x0], $0xffff  }
0x1a1: {  	v8 =	vadd.f32 v9, v8;
	v9 =	vmul.f32 v11, v16;
	v11 =	vld.idx.msk [tilespmem:v21+s18+$0x0], $0xffff;
	v16 =	vor.u32 s25, v3  }
0x1a2: {  	v21 =	vld.idx.msk [tilespmem:v14+s16+$0x0], $0xffff;
	v14 =	vor.u32 s25, v7;
	s25 =	sadd.s32 $0xFFFFFFFE, s23  }
0x1a3: {  	v10 =	vmul.f32 v10, v17;
	v8 =	vadd.f32 v9, v8;
	v20 =	vld.idx.msk [tilespmem:v20+s18+$0x0], $0xffff;
	v22 =	vor.u32 s25, v3  }
0x1a4: {  	v23 =	vor.u32 s25, v7;
	s25 =	sadd.s32 $0xFFFFFFFF, s23;
	v9 =	vld.idx.msk [tilespmem:v18+s16+$0x0], $0xffff  }
.Ltmp4:
0x1a5: {  	v15 =	vmul.f32 v12, v15;
	v18 =	vor.u32 s25, v3;
	v10 =	vadd.f32 v10, v8;
	v12 =	vld.idx.msk [tilespmem:v19+s18+$0x0], $0xffff;
	(pc) =	sbr.rel @p0 .LBB2_11-.Ltmp4, $4  }
0x1a6: {  	v17 =	vor.u32 s25, v7;
	v8 =	vld.idx.msk [tilespmem:v16+s16+$0x0], $0xffff  }
0x1a7: {  	v13 =	vmul.f32 v11, v13;
	v19 =	vadd.f32 v15, v10;
	v11 =	vld.idx.msk [tilespmem:v14+s18+$0x0], $0xffff;
	v15 =	vor.u32 s23, v3  }
0x1a8: {  	s25 =	sadd.s32 $0xFFFFFFF1, s24;
	v14 =	vor.u32 s23, v7;
	s23 =	smov.u32 s24;
	v10 =	vld.idx.msk [tilespmem:v22+s16+$0x0], $0xffff  }
0x1a9: {  	v16 =	vor.u32 s25, v3;
	s24 =	sadd.s32 $0x10, s24;
	v20 =	vmul.f32 v20, v21;
	v19 =	vadd.f32 v13, v19;
	v13 =	vld.idx.msk [tilespmem:v23+s18+$0x0], $0xffff  }
0x1aa: {  	_ =	sdelay $0x3  }
0x1ab: {  	v21 =	vor.u32 s25, v7;
	s24 =	sadd.s32 $0xFFFFFFF2, s23;
	v18 =	vld.idx.msk [tilespmem:v18+s16+$0x0], $0xffff;
	v9 =	vmul.f32 v12, v9;
	v19 =	vadd.f32 v20, v19  }
0x1ac: {  	v17 =	vld.idx.msk [tilespmem:v17+s18+$0x0], $0xffff;
	v12 =	vor.u32 s24, v3  }
0x1ad: {  	s29 =	sadd.s32 $0xFFFFFFF3, s23;
	v15 =	vld.idx.msk [tilespmem:v15+s16+$0x0], $0xffff;
	v20 =	vor.u32 s24, v7;
	v8 =	vmul.f32 v11, v8;
	v9 =	vadd.f32 v9, v19  }
0x1ae: {  	v14 =	vld.idx.msk [tilespmem:v14+s18+$0x0], $0xffff;
	v11 =	vor.u32 s29, v3  }
0x1af: {  	v16 =	vld.idx.msk [tilespmem:v16+s16+$0x0], $0xffff;
	s30 =	sadd.s32 $0xFFFFFFF4, s23;
	v19 =	vor.u32 s29, v7;
	v8 =	vadd.f32 v8, v9;
	v9 =	vmul.f32 v13, v10  }
0x1b0: {  	v10 =	vld.idx.msk [tilespmem:v21+s18+$0x0], $0xffff;
	v13 =	vor.u32 s30, v3  }
0x1b1: {  	s31 =	sadd.s32 $0xFFFFFFF5, s23;
	v21 =	vor.u32 s30, v7;
	v12 =	vld.idx.msk [tilespmem:v12+s16+$0x0], $0xffff;
	v8 =	vadd.f32 v9, v8;
	v9 =	vmul.f32 v17, v18  }
0x1b2: {  	v17 =	vld.idx.msk [tilespmem:v20+s18+$0x0], $0xffff;
	v18 =	vor.u32 s31, v3  }
0x1b3: {  	s25 =	sadd.s32 $0xFFFFFFF6, s23;
	v11 =	vld.idx.msk [tilespmem:v11+s16+$0x0], $0xffff;
	v20 =	vor.u32 s31, v7;
	v8 =	vadd.f32 v9, v8;
	v9 =	vmul.f32 v14, v15  }
0x1b4: {  	v14 =	vld.idx.msk [tilespmem:v19+s18+$0x0], $0xffff;
	v15 =	vor.u32 s25, v3  }
0x1b5: {  	s26 =	sadd.s32 $0xFFFFFFF7, s23;
	v19 =	vor.u32 s25, v7;
	v13 =	vld.idx.msk [tilespmem:v13+s16+$0x0], $0xffff;
	v10 =	vmul.f32 v10, v16;
	v8 =	vadd.f32 v9, v8  }
0x1b6: {  	v16 =	vor.u32 s26, v3;
	v9 =	vld.idx.msk [tilespmem:v21+s18+$0x0], $0xffff  }
0x1b7: {  	s28 =	sadd.s32 $0xFFFFFFF8, s23;
	v21 =	vor.u32 s26, v7;
	v18 =	vld.idx.msk [tilespmem:v18+s16+$0x0], $0xffff;
	v8 =	vadd.f32 v10, v8;
	v10 =	vmul.f32 v17, v12  }
0x1b8: {  	v12 =	vld.idx.msk [tilespmem:v20+s18+$0x0], $0xffff;
	v17 =	vor.u32 s28, v3  }
0x1b9: {  	s29 =	sadd.s32 $0xFFFFFFF9, s23;
	v20 =	vor.u32 s28, v7;
	v15 =	vld.idx.msk [tilespmem:v15+s16+$0x0], $0xffff;
	v8 =	vadd.f32 v10, v8;
	v10 =	vmul.f32 v14, v11  }
0x1ba: {  	v11 =	vld.idx.msk [tilespmem:v19+s18+$0x0], $0xffff;
	v14 =	vor.u32 s29, v3  }
0x1bb: {  	s30 =	sadd.s32 $0xFFFFFFFA, s23;
	v16 =	vld.idx.msk [tilespmem:v16+s16+$0x0], $0xffff;
	v19 =	vor.u32 s29, v7;
	v9 =	vmul.f32 v9, v13;
	v8 =	vadd.f32 v10, v8  }
0x1bc: {  	v13 =	vor.u32 s30, v3;
	v10 =	vld.idx.msk [tilespmem:v21+s18+$0x0], $0xffff  }
0x1bd: {  	s31 =	sadd.s32 $0xFFFFFFFB, s23;
	v21 =	vor.u32 s30, v7;
	v17 =	vld.idx.msk [tilespmem:v17+s16+$0x0], $0xffff;
	v8 =	vadd.f32 v9, v8;
	v9 =	vmul.f32 v12, v18  }
0x1be: {  	v12 =	vld.idx.msk [tilespmem:v20+s18+$0x0], $0xffff;
	v18 =	vor.u32 s31, v3  }
0x1bf: {  	s25 =	sadd.s32 $0xFFFFFFFC, s23;
	v20 =	vor.u32 s31, v7;
	v14 =	vld.idx.msk [tilespmem:v14+s16+$0x0], $0xffff;
	v8 =	vadd.f32 v9, v8;
	v9 =	vmul.f32 v11, v15  }
0x1c0: {  	v11 =	vld.idx.msk [tilespmem:v19+s18+$0x0], $0xffff;
	v15 =	vor.u32 s25, v3  }
0x1c1: {  	s26 =	sadd.s32 $0xFFFFFFFD, s23;
	v13 =	vld.idx.msk [tilespmem:v13+s16+$0x0], $0xffff;
	v19 =	vor.u32 s25, v7;
	v8 =	vadd.f32 v9, v8;
	v9 =	vmul.f32 v10, v16  }
0x1c2: {  	v10 =	vld.idx.msk [tilespmem:v21+s18+$0x0], $0xffff;
	v16 =	vor.u32 s26, v3  }
0x1c3: {  	s28 =	sadd.s32 $0xFFFFFFFE, s23;
	v21 =	vor.u32 s26, v7;
	v18 =	vld.idx.msk [tilespmem:v18+s16+$0x0], $0xffff;
	v8 =	vadd.f32 v9, v8;
	v9 =	vmul.f32 v12, v17  }
0x1c4: {  	v12 =	vld.idx.msk [tilespmem:v20+s18+$0x0], $0xffff;
	v17 =	vor.u32 s28, v3  }
0x1c5: {  	s29 =	sadd.s32 $0xFFFFFFFF, s23;
	v20 =	vor.u32 s28, v7;
	v15 =	vld.idx.msk [tilespmem:v15+s16+$0x0], $0xffff;
	v8 =	vadd.f32 v9, v8;
	v9 =	vmul.f32 v11, v14  }
0x1c6: {  	v11 =	vld.idx.msk [tilespmem:v19+s18+$0x0], $0xffff;
	v14 =	vor.u32 s29, v3  }
0x1c7: {  	v19 =	vor.u32 s29, v7;
	v16 =	vld.idx.msk [tilespmem:v16+s16+$0x0], $0xffff;
	v8 =	vadd.f32 v9, v8;
	v9 =	vmul.f32 v10, v13  }
0x1c8: {  	v7 =	vor.u32 s23, v7;
	v10 =	vld.idx.msk [tilespmem:v21+s18+$0x0], $0xffff  }
0x1c9: {  	v13 =	vor.u32 s23, v3;
	v17 =	vld.idx.msk [tilespmem:v17+s16+$0x0], $0xffff;
	v8 =	vadd.f32 v9, v8;
	v9 =	vmul.f32 v12, v18  }
0x1ca: {  	v12 =	vld.idx.msk [tilespmem:v20+s18+$0x0], $0xffff  }
0x1cb: {  	v14 =	vld.idx.msk [tilespmem:v14+s16+$0x0], $0xffff;
	v8 =	vadd.f32 v9, v8;
	v9 =	vmul.f32 v11, v15  }
0x1cc: {  	v11 =	vld.idx.msk [tilespmem:v19+s18+$0x0], $0xffff  }
0x1cd: {  	v7 =	vld.idx.msk [tilespmem:v7+s18+$0x0], $0xffff;
	v8 =	vadd.f32 v9, v8;
	v9 =	vmul.f32 v10, v16  }
0x1ce: {  	v13 =	vld.idx.msk [tilespmem:v13+s16+$0x0], $0xffff  }
0x1cf: {  	v8 =	vadd.f32 v9, v8;
	v9 =	vmul.f32 v12, v17;
	_ =	sdelay $0x1  }
0x1d0: {  	v8 =	vadd.f32 v9, v8;
	v9 =	vmul.f32 v11, v14;
	_ =	sdelay $0x1  }
0x1d1: {  	v7 =	vmul.f32 v7, v13;
	v8 =	vadd.f32 v9, v8;
	_ =	sdelay $0x1  }
0x1d2: {  	v7 =	vadd.f32 v7, v8;
	_ =	sdelay $0x1  }
0x1d3: {  	v8 =	vmul.f32 $9.999999770e-03, v7  }
0x1d4: {  	vm0 =	vge.f32 v7, $0.0e+00  }
0x1d5: {  	v7 =	vsel vm0, v7, v8  }
0x1d6: {  	v7 =	vmul.f32 $1.250000000e-01, v7;
	_ =	sdelay $0x1  }
0x1d7: {  	v7 =	vmul.f32 $1.442695020e+00, v7  }
0x1d8: {  	v8 =	vld [tilespmem:$0xB0]  }
0x1d9: {  	(erf) = vpow2.f32 v7;
	_ =	sdelay $0x3  }
0x1da: {  	v7 =	vshll.u32 v8, $0x6  }
0x1db: {  	s30 =	simm.s32 $0x0;
	v7 =	vand.u32 $0x40, v7  }
0x1dc: {  	v8 =	vor.u32 s30, v4;
	v7 =	vor.u32 v4, v7  }
0x1dd: {  	s31 =	simm.s32 $0x1;
	v9 =	vor.u32 s30, v7  }
0x1de: {  	v10 =	vor.u32 s31, v4  }
0x1df: {  	s24 =	simm.s32 $0x2;
	v12 =	vor.u32 s31, v7;
	v11 =	vpop (erf)  }
0x1e0: {  	v13 =	vor.u32 s24, v7;
	[tilespmem:$0x51A0] =	vst v11  }
0x1e1: {  	s25 =	simm.s32 $0x3;
	v11 =	vor.u32 s24, v4;
	v8 =	vld.idx.msk [tilespmem:v8+s16+$0x0], $0xffff  }
0x1e2: {  	v14 =	vor.u32 s25, v4;
	v9 =	vld.idx.msk [tilespmem:v9+s18+$0x0], $0xffff  }
0x1e3: {  	s26 =	simm.s32 $0x4;
	v15 =	vor.u32 s25, v7;
	v10 =	vld.idx.msk [tilespmem:v10+s16+$0x0], $0xffff  }
0x1e4: {  	v16 =	vor.u32 s26, v4;
	v12 =	vld.idx.msk [tilespmem:v12+s18+$0x0], $0xffff  }
0x1e5: {  	s28 =	simm.s32 $0x5;
	v17 =	vor.u32 s26, v7;
	v13 =	vld.idx.msk [tilespmem:v13+s18+$0x0], $0xffff  }
0x1e6: {  	v18 =	vor.u32 s28, v4;
	v11 =	vld.idx.msk [tilespmem:v11+s16+$0x0], $0xffff  }
0x1e7: {  	s29 =	simm.s32 $0x6;
	v19 =	vor.u32 s28, v7;
	v14 =	vld.idx.msk [tilespmem:v14+s16+$0x0], $0xffff;
	v8 =	vmul.f32 v9, v8  }
0x1e8: {  	v20 =	vimm.f32 $0.0e+00;
	v9 =	vld.idx.msk [tilespmem:v15+s18+$0x0], $0xffff;
	v15 =	vor.u32 s29, v4  }
0x1e9: {  	v21 =	vor.u32 s29, v7;
	s30 =	simm.s32 $0x7;
	v16 =	vld.idx.msk [tilespmem:v16+s16+$0x0], $0xffff;
	v10 =	vmul.f32 v12, v10;
	v8 =	vadd.f32 v8, v20  }
0x1ea: {  	v12 =	vld.idx.msk [tilespmem:v17+s18+$0x0], $0xffff;
	v17 =	vor.u32 s30, v4  }
0x1eb: {  	s31 =	simm.s32 $0x8;
	v18 =	vld.idx.msk [tilespmem:v18+s16+$0x0], $0xffff;
	v20 =	vor.u32 s30, v7;
	v8 =	vadd.f32 v10, v8;
	v10 =	vmul.f32 v13, v11  }
0x1ec: {  	v11 =	vld.idx.msk [tilespmem:v19+s18+$0x0], $0xffff;
	v13 =	vor.u32 s31, v4  }
0x1ed: {  	s24 =	simm.s32 $0x9;
	v19 =	vor.u32 s31, v7;
	v15 =	vld.idx.msk [tilespmem:v15+s16+$0x0], $0xffff;
	v9 =	vmul.f32 v9, v14;
	v8 =	vadd.f32 v10, v8  }
0x1ee: {  	v14 =	vor.u32 s24, v4;
	v10 =	vld.idx.msk [tilespmem:v21+s18+$0x0], $0xffff  }
0x1ef: {  	s25 =	simm.s32 $0xA;
	v17 =	vld.idx.msk [tilespmem:v17+s16+$0x0], $0xffff;
	v21 =	vor.u32 s24, v7;
	v8 =	vadd.f32 v9, v8;
	v9 =	vmul.f32 v12, v16  }
0x1f0: {  	v12 =	vld.idx.msk [tilespmem:v20+s18+$0x0], $0xffff;
	v16 =	vor.u32 s25, v4  }
0x1f1: {  	s26 =	simm.s32 $0xB;
	v20 =	vor.u32 s25, v7;
	v13 =	vld.idx.msk [tilespmem:v13+s16+$0x0], $0xffff;
	v8 =	vadd.f32 v9, v8;
	v9 =	vmul.f32 v11, v18  }
0x1f2: {  	v11 =	vld.idx.msk [tilespmem:v19+s18+$0x0], $0xffff;
	v18 =	vor.u32 s26, v4  }
0x1f3: {  	s28 =	simm.s32 $0xC;
	v14 =	vld.idx.msk [tilespmem:v14+s16+$0x0], $0xffff;
	v19 =	vor.u32 s26, v7;
	v8 =	vadd.f32 v9, v8;
	v9 =	vmul.f32 v10, v15  }
0x1f4: {  	s29 =	simm.s32 $0xD;
	v10 =	vld.idx.msk [tilespmem:v21+s18+$0x0], $0xffff;
	v15 =	vor.u32 s28, v4  }
0x1f5: {  	v22 =	vor.u32 s29, v4;
	v21 =	vld.idx.msk [tilespmem:v16+s16+$0x0], $0xffff;
	v12 =	vmul.f32 v12, v17;
	v8 =	vadd.f32 v9, v8  }
0x1f6: {  	v16 =	vor.u32 s28, v7;
	v20 =	vld.idx.msk [tilespmem:v20+s18+$0x0], $0xffff  }
0x1f7: {  	v23 =	vor.u32 s29, v7;
	s30 =	simm.s32 $0xE;
	v9 =	vld.idx.msk [tilespmem:v18+s16+$0x0], $0xffff;
	v11 =	vmul.f32 v11, v13;
	v17 =	vadd.f32 v12, v8  }
0x1f8: {  	v18 =	vor.u32 s30, v4;
	v12 =	vld.idx.msk [tilespmem:v19+s18+$0x0], $0xffff  }
0x1f9: {  	s31 =	simm.s32 $0xF;
	v8 =	vld.idx.msk [tilespmem:v15+s16+$0x0], $0xffff;
	v13 =	vadd.f32 v11, v17;
	v17 =	vor.u32 s30, v7  }
0x1fa: {  	v19 =	vmul.f32 v10, v14;
	v15 =	vor.u32 s31, v4;
	v10 =	vld.idx.msk [tilespmem:v22+s16+$0x0], $0xffff  }
0x1fb: {  	s25 =	simm.s32 $0x10;
	v14 =	vor.u32 s31, v7;
	v11 =	vld.idx.msk [tilespmem:v16+s18+$0x0], $0xffff  }
0x1fc: {  	s23 =	simm.s32 $0x1F;
	s24 =	simm.s32 $0x2F;
	v16 =	vor.u32 s25, v4;
	v20 =	vmul.f32 v20, v21;
	v19 =	vadd.f32 v19, v13;
	v13 =	vld.idx.msk [tilespmem:v23+s18+$0x0], $0xffff  }
.LBB2_13:
0x1fd: {  	p0 =	sne.s32 s24, $0x3F;
	v21 =	vor.u32 s25, v7;
	s25 =	sadd.s32 $0xFFFFFFF2, s23;
	v18 =	vld.idx.msk [tilespmem:v18+s16+$0x0], $0xffff  }
0x1fe: {  	v9 =	vmul.f32 v12, v9;
	v22 =	vor.u32 s25, v4;
	v19 =	vadd.f32 v20, v19;
	v12 =	vld.idx.msk [tilespmem:v17+s18+$0x0], $0xffff  }
0x1ff: {  	v17 =	vor.u32 s25, v7;
	s25 =	sadd.s32 $0xFFFFFFF3, s23;
	v15 =	vld.idx.msk [tilespmem:v15+s16+$0x0], $0xffff  }
0x200: {  	v20 =	vor.u32 s25, v4;
	v8 =	vmul.f32 v11, v8;
	v9 =	vadd.f32 v9, v19;
	v11 =	vld.idx.msk [tilespmem:v14+s18+$0x0], $0xffff  }
0x201: {  	v14 =	vld.idx.msk [tilespmem:v16+s16+$0x0], $0xffff;
	v16 =	vor.u32 s25, v7;
	s25 =	sadd.s32 $0xFFFFFFF4, s23  }
0x202: {  	v19 =	vld.idx.msk [tilespmem:v21+s18+$0x0], $0xffff;
	v21 =	vor.u32 s25, v4;
	v8 =	vadd.f32 v8, v9;
	v9 =	vmul.f32 v13, v10  }
0x203: {  	v13 =	vor.u32 s25, v7;
	s25 =	sadd.s32 $0xFFFFFFF5, s23;
	v10 =	vld.idx.msk [tilespmem:v22+s16+$0x0], $0xffff  }
0x204: {  	v22 =	vor.u32 s25, v4;
	v17 =	vld.idx.msk [tilespmem:v17+s18+$0x0], $0xffff;
	v8 =	vadd.f32 v9, v8;
	v9 =	vmul.f32 v12, v18  }
0x205: {  	v18 =	vor.u32 s25, v7;
	s25 =	sadd.s32 $0xFFFFFFF6, s23;
	v12 =	vld.idx.msk [tilespmem:v20+s16+$0x0], $0xffff  }
0x206: {  	v20 =	vor.u32 s25, v4;
	v16 =	vld.idx.msk [tilespmem:v16+s18+$0x0], $0xffff;
	v8 =	vadd.f32 v9, v8;
	v9 =	vmul.f32 v11, v15  }
0x207: {  	v15 =	vor.u32 s25, v7;
	s25 =	sadd.s32 $0xFFFFFFF7, s23;
	v11 =	vld.idx.msk [tilespmem:v21+s16+$0x0], $0xffff  }
0x208: {  	v14 =	vmul.f32 v19, v14;
	v19 =	vor.u32 s25, v4;
	v13 =	vld.idx.msk [tilespmem:v13+s18+$0x0], $0xffff;
	v8 =	vadd.f32 v9, v8  }
0x209: {  	v21 =	vor.u32 s25, v7;
	s25 =	sadd.s32 $0xFFFFFFF8, s23;
	v9 =	vld.idx.msk [tilespmem:v22+s16+$0x0], $0xffff  }
0x20a: {  	v10 =	vmul.f32 v17, v10;
	v17 =	vor.u32 s25, v4;
	v8 =	vadd.f32 v14, v8;
	v14 =	vld.idx.msk [tilespmem:v18+s18+$0x0], $0xffff  }
0x20b: {  	v18 =	vld.idx.msk [tilespmem:v20+s16+$0x0], $0xffff;
	v20 =	vor.u32 s25, v7;
	s25 =	sadd.s32 $0xFFFFFFF9, s23  }
0x20c: {  	v8 =	vadd.f32 v10, v8;
	v10 =	vmul.f32 v16, v12;
	v12 =	vld.idx.msk [tilespmem:v15+s18+$0x0], $0xffff;
	v15 =	vor.u32 s25, v4  }
0x20d: {  	v16 =	vld.idx.msk [tilespmem:v19+s16+$0x0], $0xffff;
	v19 =	vor.u32 s25, v7;
	s25 =	sadd.s32 $0xFFFFFFFA, s23  }
0x20e: {  	v8 =	vadd.f32 v10, v8;
	v10 =	vmul.f32 v13, v11;
	v11 =	vld.idx.msk [tilespmem:v21+s18+$0x0], $0xffff;
	v13 =	vor.u32 s25, v4  }
0x20f: {  	v21 =	vor.u32 s25, v7;
	s25 =	sadd.s32 $0xFFFFFFFB, s23;
	v17 =	vld.idx.msk [tilespmem:v17+s16+$0x0], $0xffff  }
0x210: {  	v9 =	vmul.f32 v14, v9;
	v14 =	vor.u32 s25, v4;
	v8 =	vadd.f32 v10, v8;
	v10 =	vld.idx.msk [tilespmem:v20+s18+$0x0], $0xffff  }
0x211: {  	v20 =	vor.u32 s25, v7;
	s25 =	sadd.s32 $0xFFFFFFFC, s23;
	v15 =	vld.idx.msk [tilespmem:v15+s16+$0x0], $0xffff  }
0x212: {  	v8 =	vadd.f32 v9, v8;
	v9 =	vmul.f32 v12, v18;
	v12 =	vld.idx.msk [tilespmem:v19+s18+$0x0], $0xffff;
	v18 =	vor.u32 s25, v4  }
0x213: {  	v19 =	vor.u32 s25, v7;
	s25 =	sadd.s32 $0xFFFFFFFD, s23;
	v13 =	vld.idx.msk [tilespmem:v13+s16+$0x0], $0xffff  }
0x214: {  	v8 =	vadd.f32 v9, v8;
	v9 =	vmul.f32 v11, v16;
	v11 =	vld.idx.msk [tilespmem:v21+s18+$0x0], $0xffff;
	v16 =	vor.u32 s25, v4  }
0x215: {  	v21 =	vld.idx.msk [tilespmem:v14+s16+$0x0], $0xffff;
	v14 =	vor.u32 s25, v7;
	s25 =	sadd.s32 $0xFFFFFFFE, s23  }
0x216: {  	v10 =	vmul.f32 v10, v17;
	v8 =	vadd.f32 v9, v8;
	v20 =	vld.idx.msk [tilespmem:v20+s18+$0x0], $0xffff;
	v22 =	vor.u32 s25, v4  }
0x217: {  	v23 =	vor.u32 s25, v7;
	s25 =	sadd.s32 $0xFFFFFFFF, s23;
	v9 =	vld.idx.msk [tilespmem:v18+s16+$0x0], $0xffff  }
.Ltmp5:
0x218: {  	v15 =	vmul.f32 v12, v15;
	v18 =	vor.u32 s25, v4;
	v10 =	vadd.f32 v10, v8;
	v12 =	vld.idx.msk [tilespmem:v19+s18+$0x0], $0xffff;
	(pc) =	sbr.rel @p0 .LBB2_13-.Ltmp5, $4  }
0x219: {  	v17 =	vor.u32 s25, v7;
	v8 =	vld.idx.msk [tilespmem:v16+s16+$0x0], $0xffff  }
0x21a: {  	v13 =	vmul.f32 v11, v13;
	v19 =	vadd.f32 v15, v10;
	v11 =	vld.idx.msk [tilespmem:v14+s18+$0x0], $0xffff;
	v15 =	vor.u32 s23, v4  }
0x21b: {  	s25 =	sadd.s32 $0xFFFFFFF1, s24;
	v14 =	vor.u32 s23, v7;
	s23 =	smov.u32 s24;
	v10 =	vld.idx.msk [tilespmem:v22+s16+$0x0], $0xffff  }
0x21c: {  	v16 =	vor.u32 s25, v4;
	s24 =	sadd.s32 $0x10, s24;
	v20 =	vmul.f32 v20, v21;
	v19 =	vadd.f32 v13, v19;
	v13 =	vld.idx.msk [tilespmem:v23+s18+$0x0], $0xffff  }
0x21d: {  	_ =	sdelay $0x3  }
0x21e: {  	v21 =	vor.u32 s25, v7;
	s24 =	sadd.s32 $0xFFFFFFF2, s23;
	v18 =	vld.idx.msk [tilespmem:v18+s16+$0x0], $0xffff;
	v9 =	vmul.f32 v12, v9;
	v19 =	vadd.f32 v20, v19  }
0x21f: {  	v17 =	vld.idx.msk [tilespmem:v17+s18+$0x0], $0xffff;
	v12 =	vor.u32 s24, v4  }
0x220: {  	s29 =	sadd.s32 $0xFFFFFFF3, s23;
	v15 =	vld.idx.msk [tilespmem:v15+s16+$0x0], $0xffff;
	v20 =	vor.u32 s24, v7;
	v8 =	vmul.f32 v11, v8;
	v9 =	vadd.f32 v9, v19  }
0x221: {  	v14 =	vld.idx.msk [tilespmem:v14+s18+$0x0], $0xffff;
	v11 =	vor.u32 s29, v4  }
0x222: {  	v16 =	vld.idx.msk [tilespmem:v16+s16+$0x0], $0xffff;
	s30 =	sadd.s32 $0xFFFFFFF4, s23;
	v19 =	vor.u32 s29, v7;
	v8 =	vadd.f32 v8, v9;
	v9 =	vmul.f32 v13, v10  }
0x223: {  	v10 =	vld.idx.msk [tilespmem:v21+s18+$0x0], $0xffff;
	v13 =	vor.u32 s30, v4  }
0x224: {  	s31 =	sadd.s32 $0xFFFFFFF5, s23;
	v21 =	vor.u32 s30, v7;
	v12 =	vld.idx.msk [tilespmem:v12+s16+$0x0], $0xffff;
	v8 =	vadd.f32 v9, v8;
	v9 =	vmul.f32 v17, v18  }
0x225: {  	v17 =	vld.idx.msk [tilespmem:v20+s18+$0x0], $0xffff;
	v18 =	vor.u32 s31, v4  }
0x226: {  	s25 =	sadd.s32 $0xFFFFFFF6, s23;
	v11 =	vld.idx.msk [tilespmem:v11+s16+$0x0], $0xffff;
	v20 =	vor.u32 s31, v7;
	v8 =	vadd.f32 v9, v8;
	v9 =	vmul.f32 v14, v15  }
0x227: {  	v14 =	vld.idx.msk [tilespmem:v19+s18+$0x0], $0xffff;
	v15 =	vor.u32 s25, v4  }
0x228: {  	s26 =	sadd.s32 $0xFFFFFFF7, s23;
	v19 =	vor.u32 s25, v7;
	v13 =	vld.idx.msk [tilespmem:v13+s16+$0x0], $0xffff;
	v10 =	vmul.f32 v10, v16;
	v8 =	vadd.f32 v9, v8  }
0x229: {  	v16 =	vor.u32 s26, v4;
	v9 =	vld.idx.msk [tilespmem:v21+s18+$0x0], $0xffff  }
0x22a: {  	s28 =	sadd.s32 $0xFFFFFFF8, s23;
	v21 =	vor.u32 s26, v7;
	v18 =	vld.idx.msk [tilespmem:v18+s16+$0x0], $0xffff;
	v8 =	vadd.f32 v10, v8;
	v10 =	vmul.f32 v17, v12  }
0x22b: {  	v12 =	vld.idx.msk [tilespmem:v20+s18+$0x0], $0xffff;
	v17 =	vor.u32 s28, v4  }
0x22c: {  	s29 =	sadd.s32 $0xFFFFFFF9, s23;
	v20 =	vor.u32 s28, v7;
	v15 =	vld.idx.msk [tilespmem:v15+s16+$0x0], $0xffff;
	v8 =	vadd.f32 v10, v8;
	v10 =	vmul.f32 v14, v11  }
0x22d: {  	v11 =	vld.idx.msk [tilespmem:v19+s18+$0x0], $0xffff;
	v14 =	vor.u32 s29, v4  }
0x22e: {  	s30 =	sadd.s32 $0xFFFFFFFA, s23;
	v16 =	vld.idx.msk [tilespmem:v16+s16+$0x0], $0xffff;
	v19 =	vor.u32 s29, v7;
	v9 =	vmul.f32 v9, v13;
	v8 =	vadd.f32 v10, v8  }
0x22f: {  	v13 =	vor.u32 s30, v4;
	v10 =	vld.idx.msk [tilespmem:v21+s18+$0x0], $0xffff  }
0x230: {  	s31 =	sadd.s32 $0xFFFFFFFB, s23;
	v21 =	vor.u32 s30, v7;
	v17 =	vld.idx.msk [tilespmem:v17+s16+$0x0], $0xffff;
	v8 =	vadd.f32 v9, v8;
	v9 =	vmul.f32 v12, v18  }
0x231: {  	v12 =	vld.idx.msk [tilespmem:v20+s18+$0x0], $0xffff;
	v18 =	vor.u32 s31, v4  }
0x232: {  	s25 =	sadd.s32 $0xFFFFFFFC, s23;
	v20 =	vor.u32 s31, v7;
	v14 =	vld.idx.msk [tilespmem:v14+s16+$0x0], $0xffff;
	v8 =	vadd.f32 v9, v8;
	v9 =	vmul.f32 v11, v15  }
0x233: {  	v11 =	vld.idx.msk [tilespmem:v19+s18+$0x0], $0xffff;
	v15 =	vor.u32 s25, v4  }
0x234: {  	s26 =	sadd.s32 $0xFFFFFFFD, s23;
	v13 =	vld.idx.msk [tilespmem:v13+s16+$0x0], $0xffff;
	v19 =	vor.u32 s25, v7;
	v8 =	vadd.f32 v9, v8;
	v9 =	vmul.f32 v10, v16  }
0x235: {  	v10 =	vld.idx.msk [tilespmem:v21+s18+$0x0], $0xffff;
	v16 =	vor.u32 s26, v4  }
0x236: {  	s28 =	sadd.s32 $0xFFFFFFFE, s23;
	v21 =	vor.u32 s26, v7;
	v18 =	vld.idx.msk [tilespmem:v18+s16+$0x0], $0xffff;
	v8 =	vadd.f32 v9, v8;
	v9 =	vmul.f32 v12, v17  }
0x237: {  	v12 =	vld.idx.msk [tilespmem:v20+s18+$0x0], $0xffff;
	v17 =	vor.u32 s28, v4  }
0x238: {  	s29 =	sadd.s32 $0xFFFFFFFF, s23;
	v20 =	vor.u32 s28, v7;
	v15 =	vld.idx.msk [tilespmem:v15+s16+$0x0], $0xffff;
	v8 =	vadd.f32 v9, v8;
	v9 =	vmul.f32 v11, v14  }
0x239: {  	v11 =	vld.idx.msk [tilespmem:v19+s18+$0x0], $0xffff;
	v14 =	vor.u32 s29, v4  }
0x23a: {  	v19 =	vor.u32 s29, v7;
	v16 =	vld.idx.msk [tilespmem:v16+s16+$0x0], $0xffff;
	v8 =	vadd.f32 v9, v8;
	v9 =	vmul.f32 v10, v13  }
0x23b: {  	v7 =	vor.u32 s23, v7;
	v10 =	vld.idx.msk [tilespmem:v21+s18+$0x0], $0xffff  }
0x23c: {  	v13 =	vor.u32 s23, v4;
	v17 =	vld.idx.msk [tilespmem:v17+s16+$0x0], $0xffff;
	v8 =	vadd.f32 v9, v8;
	v9 =	vmul.f32 v12, v18  }
0x23d: {  	v12 =	vld.idx.msk [tilespmem:v20+s18+$0x0], $0xffff  }
0x23e: {  	v14 =	vld.idx.msk [tilespmem:v14+s16+$0x0], $0xffff;
	v8 =	vadd.f32 v9, v8;
	v9 =	vmul.f32 v11, v15  }
0x23f: {  	v11 =	vld.idx.msk [tilespmem:v19+s18+$0x0], $0xffff  }
0x240: {  	v7 =	vld.idx.msk [tilespmem:v7+s18+$0x0], $0xffff;
	v8 =	vadd.f32 v9, v8;
	v9 =	vmul.f32 v10, v16  }
0x241: {  	v13 =	vld.idx.msk [tilespmem:v13+s16+$0x0], $0xffff  }
0x242: {  	v8 =	vadd.f32 v9, v8;
	v9 =	vmul.f32 v12, v17;
	_ =	sdelay $0x1  }
0x243: {  	v8 =	vadd.f32 v9, v8;
	v9 =	vmul.f32 v11, v14;
	_ =	sdelay $0x1  }
0x244: {  	v7 =	vmul.f32 v7, v13;
	v8 =	vadd.f32 v9, v8;
	_ =	sdelay $0x1  }
0x245: {  	v7 =	vadd.f32 v7, v8;
	_ =	sdelay $0x1  }
0x246: {  	v8 =	vmul.f32 $9.999999770e-03, v7  }
0x247: {  	vm0 =	vge.f32 v7, $0.0e+00  }
0x248: {  	v7 =	vsel vm0, v7, v8  }
0x249: {  	v7 =	vmul.f32 $1.250000000e-01, v7;
	_ =	sdelay $0x1  }
0x24a: {  	v7 =	vmul.f32 $1.442695020e+00, v7  }
0x24b: {  	v8 =	vld [tilespmem:$0xC0]  }
0x24c: {  	(erf) = vpow2.f32 v7;
	_ =	sdelay $0x3  }
0x24d: {  	v7 =	vshll.u32 v8, $0x6  }
0x24e: {  	s30 =	simm.s32 $0x0;
	v7 =	vand.u32 $0x40, v7  }
0x24f: {  	v8 =	vor.u32 s30, v5;
	v7 =	vor.u32 v5, v7  }
0x250: {  	s31 =	simm.s32 $0x1;
	v9 =	vor.u32 s30, v7  }
0x251: {  	v10 =	vor.u32 s31, v5  }
0x252: {  	s24 =	simm.s32 $0x2;
	v12 =	vor.u32 s31, v7;
	v11 =	vpop (erf)  }
0x253: {  	v13 =	vor.u32 s24, v7;
	[tilespmem:$0x51B0] =	vst v11  }
0x254: {  	s25 =	simm.s32 $0x3;
	v11 =	vor.u32 s24, v5;
	v8 =	vld.idx.msk [tilespmem:v8+s16+$0x0], $0xffff  }
0x255: {  	v14 =	vor.u32 s25, v5;
	v9 =	vld.idx.msk [tilespmem:v9+s18+$0x0], $0xffff  }
0x256: {  	s26 =	simm.s32 $0x4;
	v15 =	vor.u32 s25, v7;
	v10 =	vld.idx.msk [tilespmem:v10+s16+$0x0], $0xffff  }
0x257: {  	v16 =	vor.u32 s26, v5;
	v12 =	vld.idx.msk [tilespmem:v12+s18+$0x0], $0xffff  }
0x258: {  	s28 =	simm.s32 $0x5;
	v17 =	vor.u32 s26, v7;
	v13 =	vld.idx.msk [tilespmem:v13+s18+$0x0], $0xffff  }
0x259: {  	v18 =	vor.u32 s28, v5;
	v11 =	vld.idx.msk [tilespmem:v11+s16+$0x0], $0xffff  }
0x25a: {  	s29 =	simm.s32 $0x6;
	v19 =	vor.u32 s28, v7;
	v14 =	vld.idx.msk [tilespmem:v14+s16+$0x0], $0xffff;
	v8 =	vmul.f32 v9, v8  }
0x25b: {  	v20 =	vimm.f32 $0.0e+00;
	v9 =	vld.idx.msk [tilespmem:v15+s18+$0x0], $0xffff;
	v15 =	vor.u32 s29, v5  }
0x25c: {  	v21 =	vor.u32 s29, v7;
	s30 =	simm.s32 $0x7;
	v16 =	vld.idx.msk [tilespmem:v16+s16+$0x0], $0xffff;
	v10 =	vmul.f32 v12, v10;
	v8 =	vadd.f32 v8, v20  }
0x25d: {  	v12 =	vld.idx.msk [tilespmem:v17+s18+$0x0], $0xffff;
	v17 =	vor.u32 s30, v5  }
0x25e: {  	s31 =	simm.s32 $0x8;
	v18 =	vld.idx.msk [tilespmem:v18+s16+$0x0], $0xffff;
	v20 =	vor.u32 s30, v7;
	v8 =	vadd.f32 v10, v8;
	v10 =	vmul.f32 v13, v11  }
0x25f: {  	v11 =	vld.idx.msk [tilespmem:v19+s18+$0x0], $0xffff;
	v13 =	vor.u32 s31, v5  }
0x260: {  	s24 =	simm.s32 $0x9;
	v19 =	vor.u32 s31, v7;
	v15 =	vld.idx.msk [tilespmem:v15+s16+$0x0], $0xffff;
	v9 =	vmul.f32 v9, v14;
	v8 =	vadd.f32 v10, v8  }
0x261: {  	v14 =	vor.u32 s24, v5;
	v10 =	vld.idx.msk [tilespmem:v21+s18+$0x0], $0xffff  }
0x262: {  	s25 =	simm.s32 $0xA;
	v17 =	vld.idx.msk [tilespmem:v17+s16+$0x0], $0xffff;
	v21 =	vor.u32 s24, v7;
	v8 =	vadd.f32 v9, v8;
	v9 =	vmul.f32 v12, v16  }
0x263: {  	v12 =	vld.idx.msk [tilespmem:v20+s18+$0x0], $0xffff;
	v16 =	vor.u32 s25, v5  }
0x264: {  	s26 =	simm.s32 $0xB;
	v20 =	vor.u32 s25, v7;
	v13 =	vld.idx.msk [tilespmem:v13+s16+$0x0], $0xffff;
	v8 =	vadd.f32 v9, v8;
	v9 =	vmul.f32 v11, v18  }
0x265: {  	v11 =	vld.idx.msk [tilespmem:v19+s18+$0x0], $0xffff;
	v18 =	vor.u32 s26, v5  }
0x266: {  	s28 =	simm.s32 $0xC;
	v14 =	vld.idx.msk [tilespmem:v14+s16+$0x0], $0xffff;
	v19 =	vor.u32 s26, v7;
	v8 =	vadd.f32 v9, v8;
	v9 =	vmul.f32 v10, v15  }
0x267: {  	s29 =	simm.s32 $0xD;
	v10 =	vld.idx.msk [tilespmem:v21+s18+$0x0], $0xffff;
	v15 =	vor.u32 s28, v5  }
0x268: {  	v22 =	vor.u32 s29, v5;
	v21 =	vld.idx.msk [tilespmem:v16+s16+$0x0], $0xffff;
	v12 =	vmul.f32 v12, v17;
	v8 =	vadd.f32 v9, v8  }
0x269: {  	v16 =	vor.u32 s28, v7;
	v20 =	vld.idx.msk [tilespmem:v20+s18+$0x0], $0xffff  }
0x26a: {  	v23 =	vor.u32 s29, v7;
	s30 =	simm.s32 $0xE;
	v9 =	vld.idx.msk [tilespmem:v18+s16+$0x0], $0xffff;
	v11 =	vmul.f32 v11, v13;
	v17 =	vadd.f32 v12, v8  }
0x26b: {  	v18 =	vor.u32 s30, v5;
	v12 =	vld.idx.msk [tilespmem:v19+s18+$0x0], $0xffff  }
0x26c: {  	s31 =	simm.s32 $0xF;
	v8 =	vld.idx.msk [tilespmem:v15+s16+$0x0], $0xffff;
	v13 =	vadd.f32 v11, v17;
	v17 =	vor.u32 s30, v7  }
0x26d: {  	v19 =	vmul.f32 v10, v14;
	v15 =	vor.u32 s31, v5;
	v10 =	vld.idx.msk [tilespmem:v22+s16+$0x0], $0xffff  }
0x26e: {  	s25 =	simm.s32 $0x10;
	v14 =	vor.u32 s31, v7;
	v11 =	vld.idx.msk [tilespmem:v16+s18+$0x0], $0xffff  }
0x26f: {  	s23 =	simm.s32 $0x1F;
	s24 =	simm.s32 $0x2F;
	v16 =	vor.u32 s25, v5;
	v20 =	vmul.f32 v20, v21;
	v19 =	vadd.f32 v19, v13;
	v13 =	vld.idx.msk [tilespmem:v23+s18+$0x0], $0xffff  }
.LBB2_15:
0x270: {  	p0 =	sne.s32 s24, $0x3F;
	v21 =	vor.u32 s25, v7;
	s25 =	sadd.s32 $0xFFFFFFF2, s23;
	v18 =	vld.idx.msk [tilespmem:v18+s16+$0x0], $0xffff  }
0x271: {  	v9 =	vmul.f32 v12, v9;
	v22 =	vor.u32 s25, v5;
	v19 =	vadd.f32 v20, v19;
	v12 =	vld.idx.msk [tilespmem:v17+s18+$0x0], $0xffff  }
0x272: {  	v17 =	vor.u32 s25, v7;
	s25 =	sadd.s32 $0xFFFFFFF3, s23;
	v15 =	vld.idx.msk [tilespmem:v15+s16+$0x0], $0xffff  }
0x273: {  	v20 =	vor.u32 s25, v5;
	v8 =	vmul.f32 v11, v8;
	v9 =	vadd.f32 v9, v19;
	v11 =	vld.idx.msk [tilespmem:v14+s18+$0x0], $0xffff  }
0x274: {  	v14 =	vld.idx.msk [tilespmem:v16+s16+$0x0], $0xffff;
	v16 =	vor.u32 s25, v7;
	s25 =	sadd.s32 $0xFFFFFFF4, s23  }
0x275: {  	v19 =	vld.idx.msk [tilespmem:v21+s18+$0x0], $0xffff;
	v21 =	vor.u32 s25, v5;
	v8 =	vadd.f32 v8, v9;
	v9 =	vmul.f32 v13, v10  }
0x276: {  	v13 =	vor.u32 s25, v7;
	s25 =	sadd.s32 $0xFFFFFFF5, s23;
	v10 =	vld.idx.msk [tilespmem:v22+s16+$0x0], $0xffff  }
0x277: {  	v22 =	vor.u32 s25, v5;
	v17 =	vld.idx.msk [tilespmem:v17+s18+$0x0], $0xffff;
	v8 =	vadd.f32 v9, v8;
	v9 =	vmul.f32 v12, v18  }
0x278: {  	v18 =	vor.u32 s25, v7;
	s25 =	sadd.s32 $0xFFFFFFF6, s23;
	v12 =	vld.idx.msk [tilespmem:v20+s16+$0x0], $0xffff  }
0x279: {  	v20 =	vor.u32 s25, v5;
	v16 =	vld.idx.msk [tilespmem:v16+s18+$0x0], $0xffff;
	v8 =	vadd.f32 v9, v8;
	v9 =	vmul.f32 v11, v15  }
0x27a: {  	v15 =	vor.u32 s25, v7;
	s25 =	sadd.s32 $0xFFFFFFF7, s23;
	v11 =	vld.idx.msk [tilespmem:v21+s16+$0x0], $0xffff  }
0x27b: {  	v14 =	vmul.f32 v19, v14;
	v19 =	vor.u32 s25, v5;
	v13 =	vld.idx.msk [tilespmem:v13+s18+$0x0], $0xffff;
	v8 =	vadd.f32 v9, v8  }
0x27c: {  	v21 =	vor.u32 s25, v7;
	s25 =	sadd.s32 $0xFFFFFFF8, s23;
	v9 =	vld.idx.msk [tilespmem:v22+s16+$0x0], $0xffff  }
0x27d: {  	v10 =	vmul.f32 v17, v10;
	v17 =	vor.u32 s25, v5;
	v8 =	vadd.f32 v14, v8;
	v14 =	vld.idx.msk [tilespmem:v18+s18+$0x0], $0xffff  }
0x27e: {  	v18 =	vld.idx.msk [tilespmem:v20+s16+$0x0], $0xffff;
	v20 =	vor.u32 s25, v7;
	s25 =	sadd.s32 $0xFFFFFFF9, s23  }
0x27f: {  	v8 =	vadd.f32 v10, v8;
	v10 =	vmul.f32 v16, v12;
	v12 =	vld.idx.msk [tilespmem:v15+s18+$0x0], $0xffff;
	v15 =	vor.u32 s25, v5  }
0x280: {  	v16 =	vld.idx.msk [tilespmem:v19+s16+$0x0], $0xffff;
	v19 =	vor.u32 s25, v7;
	s25 =	sadd.s32 $0xFFFFFFFA, s23  }
0x281: {  	v8 =	vadd.f32 v10, v8;
	v10 =	vmul.f32 v13, v11;
	v11 =	vld.idx.msk [tilespmem:v21+s18+$0x0], $0xffff;
	v13 =	vor.u32 s25, v5  }
0x282: {  	v21 =	vor.u32 s25, v7;
	s25 =	sadd.s32 $0xFFFFFFFB, s23;
	v17 =	vld.idx.msk [tilespmem:v17+s16+$0x0], $0xffff  }
0x283: {  	v9 =	vmul.f32 v14, v9;
	v14 =	vor.u32 s25, v5;
	v8 =	vadd.f32 v10, v8;
	v10 =	vld.idx.msk [tilespmem:v20+s18+$0x0], $0xffff  }
0x284: {  	v20 =	vor.u32 s25, v7;
	s25 =	sadd.s32 $0xFFFFFFFC, s23;
	v15 =	vld.idx.msk [tilespmem:v15+s16+$0x0], $0xffff  }
0x285: {  	v8 =	vadd.f32 v9, v8;
	v9 =	vmul.f32 v12, v18;
	v12 =	vld.idx.msk [tilespmem:v19+s18+$0x0], $0xffff;
	v18 =	vor.u32 s25, v5  }
0x286: {  	v19 =	vor.u32 s25, v7;
	s25 =	sadd.s32 $0xFFFFFFFD, s23;
	v13 =	vld.idx.msk [tilespmem:v13+s16+$0x0], $0xffff  }
0x287: {  	v8 =	vadd.f32 v9, v8;
	v9 =	vmul.f32 v11, v16;
	v11 =	vld.idx.msk [tilespmem:v21+s18+$0x0], $0xffff;
	v16 =	vor.u32 s25, v5  }
0x288: {  	v21 =	vld.idx.msk [tilespmem:v14+s16+$0x0], $0xffff;
	v14 =	vor.u32 s25, v7;
	s25 =	sadd.s32 $0xFFFFFFFE, s23  }
0x289: {  	v10 =	vmul.f32 v10, v17;
	v8 =	vadd.f32 v9, v8;
	v20 =	vld.idx.msk [tilespmem:v20+s18+$0x0], $0xffff;
	v22 =	vor.u32 s25, v5  }
0x28a: {  	v23 =	vor.u32 s25, v7;
	s25 =	sadd.s32 $0xFFFFFFFF, s23;
	v9 =	vld.idx.msk [tilespmem:v18+s16+$0x0], $0xffff  }
.Ltmp6:
0x28b: {  	v15 =	vmul.f32 v12, v15;
	v18 =	vor.u32 s25, v5;
	v10 =	vadd.f32 v10, v8;
	v12 =	vld.idx.msk [tilespmem:v19+s18+$0x0], $0xffff;
	(pc) =	sbr.rel @p0 .LBB2_15-.Ltmp6, $4  }
0x28c: {  	v17 =	vor.u32 s25, v7;
	v8 =	vld.idx.msk [tilespmem:v16+s16+$0x0], $0xffff  }
0x28d: {  	v13 =	vmul.f32 v11, v13;
	v19 =	vadd.f32 v15, v10;
	v11 =	vld.idx.msk [tilespmem:v14+s18+$0x0], $0xffff;
	v15 =	vor.u32 s23, v5  }
0x28e: {  	s25 =	sadd.s32 $0xFFFFFFF1, s24;
	v14 =	vor.u32 s23, v7;
	s23 =	smov.u32 s24;
	v10 =	vld.idx.msk [tilespmem:v22+s16+$0x0], $0xffff  }
0x28f: {  	v16 =	vor.u32 s25, v5;
	s24 =	sadd.s32 $0x10, s24;
	v20 =	vmul.f32 v20, v21;
	v19 =	vadd.f32 v13, v19;
	v13 =	vld.idx.msk [tilespmem:v23+s18+$0x0], $0xffff  }
0x290: {  	_ =	sdelay $0x3  }
0x291: {  	v21 =	vor.u32 s25, v7;
	s24 =	sadd.s32 $0xFFFFFFF2, s23;
	v18 =	vld.idx.msk [tilespmem:v18+s16+$0x0], $0xffff;
	v9 =	vmul.f32 v12, v9;
	v19 =	vadd.f32 v20, v19  }
0x292: {  	v17 =	vld.idx.msk [tilespmem:v17+s18+$0x0], $0xffff;
	v30 =	vor.u32 s24, v5  }
0x293: {  	s29 =	sadd.s32 $0xFFFFFFF3, s23;
	v15 =	vld.idx.msk [tilespmem:v15+s16+$0x0], $0xffff;
	v31 =	vor.u32 s24, v7;
	v8 =	vmul.f32 v11, v8;
	v9 =	vadd.f32 v9, v19  }
0x294: {  	v14 =	vld.idx.msk [tilespmem:v14+s18+$0x0], $0xffff;
	v32 =	vor.u32 s29, v7  }
0x295: {  	v16 =	vld.idx.msk [tilespmem:v16+s16+$0x0], $0xffff;
	s30 =	sadd.s32 $0xFFFFFFF4, s23;
	v11 =	vor.u32 s29, v5;
	v8 =	vadd.f32 v8, v9;
	v9 =	vmul.f32 v13, v10  }
0x296: {  	v33 =	vor.u32 s30, v5;
	v10 =	vld.idx.msk [tilespmem:v21+s18+$0x0], $0xffff  }
0x297: {  	s31 =	sadd.s32 $0xFFFFFFF5, s23;
	v34 =	vor.u32 s30, v7;
	v12 =	vld.idx.msk [tilespmem:v30+s16+$0x0], $0xffff;
	v8 =	vadd.f32 v9, v8;
	v9 =	vmul.f32 v17, v18  }
0x298: {  	v37 =	vor.u32 s31, v7;
	v35 =	vld.idx.msk [tilespmem:v31+s18+$0x0], $0xffff  }
0x299: {  	s25 =	sadd.s32 $0xFFFFFFF6, s23;
	v36 =	vor.u32 s31, v5;
	v38 =	vld.idx.msk [tilespmem:v32+s18+$0x0], $0xffff;
	v8 =	vadd.f32 v9, v8;
	v9 =	vmul.f32 v14, v15  }
0x29a: {  	v39 =	vor.u32 s25, v5;
	v11 =	vld.idx.msk [tilespmem:v11+s16+$0x0], $0xffff  }
0x29b: {  	s26 =	sadd.s32 $0xFFFFFFF7, s23;
	v40 =	vor.u32 s25, v7;
	v13 =	vld.idx.msk [tilespmem:v33+s16+$0x0], $0xffff;
	v10 =	vmul.f32 v10, v16;
	v8 =	vadd.f32 v9, v8  }
0x29c: {  	v41 =	vor.u32 s26, v5;
	v9 =	vld.idx.msk [tilespmem:v34+s18+$0x0], $0xffff  }
0x29d: {  	s28 =	sadd.s32 $0xFFFFFFF8, s23;
	v42 =	vor.u32 s26, v7;
	v43 =	vld.idx.msk [tilespmem:v37+s18+$0x0], $0xffff;
	v8 =	vadd.f32 v10, v8;
	v10 =	vmul.f32 v35, v12  }
0x29e: {  	v45 =	vor.u32 s28, v7;
	v18 =	vld.idx.msk [tilespmem:v36+s16+$0x0], $0xffff  }
0x29f: {  	v44 =	vor.u32 s28, v5;
	s29 =	sadd.s32 $0xFFFFFFF9, s23;
	v15 =	vld.idx.msk [tilespmem:v39+s16+$0x0], $0xffff;
	v8 =	vadd.f32 v10, v8;
	v10 =	vmul.f32 v38, v11  }
0x2a0: {  	v46 =	vor.u32 s29, v5;
	v11 =	vld.idx.msk [tilespmem:v40+s18+$0x0], $0xffff  }
0x2a1: {  	s30 =	sadd.s32 $0xFFFFFFFA, s23;
	v47 =	vor.u32 s29, v7;
	v16 =	vld.idx.msk [tilespmem:v41+s16+$0x0], $0xffff;
	v9 =	vmul.f32 v9, v13;
	v8 =	vadd.f32 v10, v8  }
0x2a2: {  	v48 =	vor.u32 s30, v5;
	v10 =	vld.idx.msk [tilespmem:v42+s18+$0x0], $0xffff  }
0x2a3: {  	s31 =	sadd.s32 $0xFFFFFFFB, s23;
	v49 =	vor.u32 s30, v7;
	v50 =	vld.idx.msk [tilespmem:v45+s18+$0x0], $0xffff;
	v8 =	vadd.f32 v9, v8;
	v9 =	vmul.f32 v43, v18  }
0x2a4: {  	v52 =	vor.u32 s31, v7;
	v17 =	vld.idx.msk [tilespmem:v44+s16+$0x0], $0xffff  }
0x2a5: {  	s25 =	sadd.s32 $0xFFFFFFFC, s23;
	v51 =	vor.u32 s31, v5;
	v14 =	vld.idx.msk [tilespmem:v46+s16+$0x0], $0xffff;
	v8 =	vadd.f32 v9, v8;
	v9 =	vmul.f32 v11, v15  }
0x2a6: {  	v53 =	vor.u32 s25, v5;
	v11 =	vld.idx.msk [tilespmem:v47+s18+$0x0], $0xffff  }
0x2a7: {  	s26 =	sadd.s32 $0xFFFFFFFD, s23;
	v54 =	vor.u32 s25, v7;
	v13 =	vld.idx.msk [tilespmem:v48+s16+$0x0], $0xffff;
	v8 =	vadd.f32 v9, v8;
	v9 =	vmul.f32 v10, v16  }
0x2a8: {  	v55 =	vor.u32 s26, v5;
	v10 =	vld.idx.msk [tilespmem:v49+s18+$0x0], $0xffff  }
0x2a9: {  	s28 =	sadd.s32 $0xFFFFFFFE, s23;
	v56 =	vor.u32 s26, v7;
	v57 =	vld.idx.msk [tilespmem:v52+s18+$0x0], $0xffff;
	v8 =	vadd.f32 v9, v8;
	v9 =	vmul.f32 v50, v17  }
0x2aa: {  	v59 =	vor.u32 s28, v7;
	v18 =	vld.idx.msk [tilespmem:v51+s16+$0x0], $0xffff  }
0x2ab: {  	v58 =	vor.u32 s28, v5;
	s29 =	sadd.s32 $0xFFFFFFFF, s23;
	v15 =	vld.idx.msk [tilespmem:v53+s16+$0x0], $0xffff;
	v8 =	vadd.f32 v9, v8;
	v9 =	vmul.f32 v11, v14  }
0x2ac: {  	v60 =	vor.u32 s29, v5;
	v11 =	vld.idx.msk [tilespmem:v54+s18+$0x0], $0xffff  }
0x2ad: {  	v61 =	vor.u32 s29, v7;
	v16 =	vld.idx.msk [tilespmem:v55+s16+$0x0], $0xffff;
	v8 =	vadd.f32 v9, v8;
	v9 =	vmul.f32 v10, v13  }
0x2ae: {  	v7 =	vor.u32 s23, v7;
	v10 =	vld.idx.msk [tilespmem:v56+s18+$0x0], $0xffff  }
0x2af: {  	v62 =	vor.u32 s23, v5;
	v63 =	vld.idx.msk [tilespmem:v59+s18+$0x0], $0xffff;
	v8 =	vadd.f32 v9, v8;
	v9 =	vmul.f32 v57, v18  }
0x2b0: {  	v17 =	vld.idx.msk [tilespmem:v58+s16+$0x0], $0xffff  }
0x2b1: {  	v14 =	vld.idx.msk [tilespmem:v60+s16+$0x0], $0xffff;
	v8 =	vadd.f32 v9, v8;
	v9 =	vmul.f32 v11, v15  }
0x2b2: {  	v11 =	vld.idx.msk [tilespmem:v61+s18+$0x0], $0xffff  }
0x2b3: {  	v7 =	vld.idx.msk [tilespmem:v7+s18+$0x0], $0xffff;
	v8 =	vadd.f32 v9, v8;
	v9 =	vmul.f32 v10, v16  }
0x2b4: {  	v13 =	vld.idx.msk [tilespmem:v62+s16+$0x0], $0xffff  }
0x2b5: {  	v8 =	vadd.f32 v9, v8;
	v9 =	vmul.f32 v63, v17;
	_ =	sdelay $0x1  }
0x2b6: {  	v8 =	vadd.f32 v9, v8;
	v9 =	vmul.f32 v11, v14;
	_ =	sdelay $0x1  }
0x2b7: {  	v7 =	vmul.f32 v7, v13;
	v8 =	vadd.f32 v9, v8;
	_ =	sdelay $0x1  }
0x2b8: {  	v7 =	vadd.f32 v7, v8;
	_ =	sdelay $0x1  }
0x2b9: {  	v8 =	vmul.f32 $9.999999770e-03, v7  }
0x2ba: {  	vm0 =	vge.f32 v7, $0.0e+00  }
0x2bb: {  	v7 =	vsel vm0, v7, v8  }
0x2bc: {  	v7 =	vmul.f32 $1.250000000e-01, v7;
	_ =	sdelay $0x1  }
0x2bd: {  	v7 =	vmul.f32 $1.442695020e+00, v7;
	_ =	sdelay $0x1  }
0x2be: {  	(erf) = vpow2.f32 v7;
	_ =	sdelay $0x4  }
0x2bf: {  	s30 =	simm.s32 $0x0  }
0x2c0: {  	v7 =	vmov s30;
	_ =	sdelay $0x2  }
0x2c1: {  	v8 =	vpop (erf)  }
0x2c2: {  	[tilespmem:$0x51C0] =	vst v8  }
0x2c3: {  	s23 =	simm.s32 $0x1F0;
	v7 =	vld.idx.msk [tilespmem:v7+s19+$0x0], $0xffff  }
0x2c4: {  	v8 =	vld [tilespmem:s23+$0xFFFFFFD0];
	_ =	sdelay $0x4  }
0x2c5: {  	v8 =	vmul.f32 v8, v7  }
0x2c6: {  	s24 =	simm.s32 $0x5220  }
0x2c7: {  	[tilespmem:s24+$0xFFFFFFE0] =	vst v8  }
0x2c8: {  	v8 =	vld [tilespmem:s23+$0xFFFFFFE0];
	_ =	sdelay $0x4  }
0x2c9: {  	v8 =	vmul.f32 v8, v7;
	_ =	sdelay $0x1  }
0x2ca: {  	[tilespmem:s24+$0xFFFFFFF0] =	vst v8  }
0x2cb: {  	v8 =	vld [tilespmem:s23+$0xFFFFFFF0];
	_ =	sdelay $0x4  }
0x2cc: {  	v8 =	vmul.f32 v8, v7;
	_ =	sdelay $0x1  }
0x2cd: {  	[tilespmem:s24+$0x0] =	vst v8  }
0x2ce: {  	v8 =	vld [tilespmem:s23+$0x0]  }
0x2cf: {  	v9 =	vmul.f32 v6, v7  }
0x2d0: {  	s31 =	simm.s32 $0x1  }
0x2d1: {  	s25 =	simm.s32 $0x2;
	[tilespmem:s24+$0x20] =	vst v9;
	v9 =	vmov s31  }
.LBB2_17:
0x2d2: {  	p0 =	sne.s32 s25, $0x4F  }
0x2d3: {  	v7 =	vmul.f32 v8, v7;
	_ =	sdelay $0x1  }
0x2d4: {  	[tilespmem:s24+$0x10] =	vst v7  }
0x2d5: {  	s23 =	sadd.s32 $0x80, s23;
	v7 =	vld.idx.msk [tilespmem:v9+s19+$0x0], $0xffff  }
0x2d6: {  	v8 =	vld [tilespmem:s23+$0xFFFFFFD0];
	_ =	sdelay $0x4  }
0x2d7: {  	v9 =	vmul.f32 v6, v7;
	v8 =	vmul.f32 v8, v7  }
0x2d8: {  	s24 =	sadd.s32 $0x80, s24  }
0x2d9: {  	[tilespmem:s24+$0xFFFFFFE0] =	vst v8  }
0x2da: {  	v8 =	vld [tilespmem:s23+$0xFFFFFFE0];
	_ =	sdelay $0x4  }
0x2db: {  	v8 =	vmul.f32 v8, v7;
	_ =	sdelay $0x1  }
0x2dc: {  	[tilespmem:s24+$0xFFFFFFF0] =	vst v8  }
0x2dd: {  	v8 =	vld [tilespmem:s23+$0xFFFFFFF0];
	_ =	sdelay $0x4  }
0x2de: {  	v8 =	vmul.f32 v8, v7;
	_ =	sdelay $0x1  }
.Ltmp7:
0x2df: {  	[tilespmem:s24+$0x0] =	vst v8;
	(pc) =	sbr.rel @p0 .LBB2_17-.Ltmp7, $2  }
0x2e0: {  	v8 =	vld [tilespmem:s23+$0x0];
	[tilespmem:s24+$0x20] =	vst v9;
	_ =	sdelay $0x2  }
0x2e1: {  	v9 =	vmov s25;
	s25 =	sadd.s32 $0x1, s25  }
0x2e2: {  	_ = 	snop  }
0x2e3: {  	v7 =	vmul.f32 v8, v7;
	_ =	sdelay $0x1  }
0x2e4: {  	[tilespmem:s24+$0x10] =	vst v7  }
0x2e5: {  	s23 =	sadd.s32 $0x80, s23;
	v7 =	vld.idx.msk [tilespmem:v9+s19+$0x0], $0xffff  }
0x2e6: {  	v8 =	vld [tilespmem:s23+$0xFFFFFFD0];
	_ =	sdelay $0x4  }
0x2e7: {  	v8 =	vmul.f32 v8, v7  }
0x2e8: {  	s31 =	sadd.s32 $0x80, s24  }
0x2e9: {  	[tilespmem:s31+$0xFFFFFFE0] =	vst v8  }
0x2ea: {  	v8 =	vld [tilespmem:s23+$0xFFFFFFE0];
	_ =	sdelay $0x4  }
0x2eb: {  	v8 =	vmul.f32 v8, v7;
	_ =	sdelay $0x1  }
0x2ec: {  	[tilespmem:s31+$0xFFFFFFF0] =	vst v8  }
0x2ed: {  	v8 =	vld [tilespmem:s23+$0xFFFFFFF0];
	_ =	sdelay $0x4  }
0x2ee: {  	v8 =	vmul.f32 v8, v7;
	_ =	sdelay $0x1  }
0x2ef: {  	[tilespmem:s31+$0x0] =	vst v8  }
0x2f0: {  	v8 =	vld [tilespmem:s23+$0x0];
	_ =	sdelay $0x3  }
0x2f1: {  	v9 =	vmul.f32 v6, v7  }
0x2f2: {  	s22 =	sadd.s32 $0x1, s22;
	v7 =	vmul.f32 v8, v7  }
0x2f3: {  	p0 =	sne.s32 s22, $0x7D;
	[tilespmem:s31+$0x20] =	vst v9  }
.Ltmp8:
0x2f4: {  	[tilespmem:s31+$0x10] =	vst v7;
	(pc) =	sbr.rel @p0 .LBB2_6-.Ltmp8, $4  }
0x2f5: {  	[spmem:s5] =	stream.indirect.scatter.add.f32 [tilespmem:s20], [sflag:$0x1], $0x80, s14, s15, $0xb8;
	[tilespmem:$0x1BA00] =	vst v63  }
0x2f6: {  	_ =	swait.ge [sflag:s13], $0x2800  }
0x2f7: {  	[sflag:s13] =	ssyncset.done $0x0  }
0x2f8: {  	[sflag:s13] =	ssyncadd.s32 $0xFFFFD800  }
0x2f9: {  	s21 =	sadd.s32 $0x1, s21  }
0x2fa: {  	s22 =	sshll.u32 s3, $0x6;
	[bflag:$0x0] =	sbarrier.arrive $0xFFFF;
	p0 =	sne.s32 s21, s11  }
.Ltmp9:
0x2fb: {  	s23 =	sshrl.u32 s8, $0x3;
	s22 =	sor.u32 $0x1C01, s22;
	(pc) =	sbr.rel @p0 .LBB2_1-.Ltmp9, $4  }
0x2fc: {  	[hbm:s10], [sflag:s22] =	dma.local [spmem:s23], $0x2780  }
0x2fd: {  	_ =	swait.ge [sflag:s13], $0x2780  }
0x2fe: {  	[sflag:s13] =	ssyncset.done $0x0  }
0x2ff: {  	[sflag:s13] =	ssyncadd.s32 $0xFFFFD880  }
0x300: {  	_ =	sfence.sel $0x180000  }
0x301: {  	[bflag:$0x0] =	sbarrier.arrive $0xFFFF  }
0x302: {  	p0 =	sne.s32 s3, $0x0;
	_ =	strace $0x9000004A  }
0x303: {  	s0 =	sadd.s32 @!p0 $0x100000, s2;
	[bflag:$0x2] =	sbarrier.arrive $0xFFFF  }
0x304: {  	[sflag:s0] =	ssyncadd.tile.s32 @!p0 $0x1;
	_ =	shalt  }
.Lfunc_end2:
_tile_overlayer_lowered:
.L_overlay_start_2:
0x305: {  	(tag) =	ssettag $0x2  }
0x306: {  	s0 =	rddreg [dreg:$0x0];
	s2 =	stileid.u32  }
0x307: {  	s1 =	rddreg [dreg:$0x1];
	p0 =	sne.s32 s2, $0x0  }
0x308: {  	s3 =	rddreg [dreg:$0x2];
	[bflag:$0x3] =	sbarrier.arrive $0xFFFF;
	s2 =	simm.s32 @!p0 $0x1C01  }
0x309: {  	[timem:s3], [sflag:s2] =	dma.local @!p0 [hbm:s0], s1  }
0x30a: {  	s0 =	simm.s32 @!p0 $0x1  }
0x30b: {  	_ =	swait.ge @!p0 [sflag:s0], s1  }
0x30c: {  	s1 =	ssub.s32 @!p0 $0x0, s1;
	[sflag:s0] =	ssyncset.done @!p0 $0x0  }
0x30d: {  	[sflag:s0] =	ssyncadd.s32 @!p0 s1  }
0x30e: {  	[bflag:$0x3] =	sbarrier.arrive $0xFFFF  }
0x30f: {  	_ =	shalt  }

// kernel: kernel.7.cloned.1.call-start
scs
__scs_entry_jumppad:
0x0: {  	(pc) =	sbr.rel $0x88, $3  }
0x1: {  	(tag) =	ssettag $0x0;
	lr =	simm.s32 $0x1  }
0x2: {  	[smem:$0x3F8D] =	sst lr;
	_ =	strace $0xD0000000  }
0x3: {  	_ = 	snop  }
0x4: {  	_ = 	snop  }
0x5: {  	_ = 	snop  }
0x6: {  	_ = 	snop  }
0x7: {  	_ = 	snop  }
__scs_overlays_trampoline_lowered:
0x8: {  	[smem:$0x3F9C] =	sst s0  }
0x9: {  	[smem:$0x3F9D] =	sst s1  }
0xa: {  	[smem:$0x3F9E] =	sst s2  }
0xb: {  	[smem:$0x3F9F] =	sst s3  }
0xc: {  	[smem:$0x3FA0] =	sst s4  }
0xd: {  	[smem:$0x3FA1] =	sst s5  }
0xe: {  	[smem:$0x3FA2] =	sst s6  }
0xf: {  	[smem:$0x3FA3] =	sst s7  }
0x10: {  	[smem:$0x3FA4] =	sst s8  }
0x11: {  	[smem:$0x3FA5] =	sst s9;
	s0 =	simm.s32 @!p0 $0x0  }
0x12: {  	s1 =	sld [smem:$0x3F8B];
	s0 =	simm.s32 @p0 $0x1  }
0x13: {  	[smem:$0x3FA6] =	sst s0;
	s0 =	simm.s32 @!p1 $0x0  }
0x14: {  	s2 =	sld [smem:$0x3F8A];
	s0 =	simm.s32 @p1 $0x1  }
0x15: {  	[smem:$0x3FA7] =	sst s0;
	s0 =	simm.s32 @!p2 $0x0  }
0x16: {  	s3 =	sld [smem:$0x3FDB];
	s0 =	simm.s32 @p2 $0x1  }
0x17: {  	s4 =	simm.s32 $0x1BF5;
	[smem:$0x3FA9] =	sst s0  }
0x18: {  	s0 =	sld [smem:$0x3F8C];
	_ =	swait.ge [sflag:s4], $0x0  }
0x19: {  	s7 =	sld [smem:$0x3F8D]  }
0x1a: {  	s8 =	sadd.s32 $0xFFFFE003, lr  }
0x1b: {  	s9 =	sadd.s32 $0xFFFFFEF7, lr;
	s5 =	simm.s32 $0xFFFFFFFF;
	p2 =	slt.u32 s8, $0xFFFFF086  }
0x1c: {  	p1 =	slt.u32 s9, $0xF7A;
	s5 =	simm.s32 @!p2 $0x0  }
0x1d: {  	s5 =	simm.s32 @p1 $0x1;
	p0 =	seq.s32 s7, s2  }
0x1e: {  	s7 =	smul.u32 @!p0 $0xF7A, s2;
	p2 =	seq.s32 @!p0 s5, $0x0  }
0x1f: {  	s9 =	smul.u32 $0xF7A, s1;
	s8 =	simm.s32 @!p0 $0x1BF5;
	p2 =	por !p2, p0  }
0x20: {  	[sflag:s8] =	ssyncset.s32 @!p0 $0xFFFFF086;
	s6 =	sadd.s32 @!p0 s3, s7;
	s7 =	simm.s32 @!p0 $0x108  }
0x21: {  	s3 =	sadd.s32 s3, s9;
	s6 =	sadd.s32 @!p0 $0x88, s6;
	s7 =	simm.s32 @p2 $0x1082  }
0x22: {  	[simem:s7], [sflag:s8] =	dma.local @!p0 [hbm:s6], $0xF7A  }
0x23: {  	s9 =	sor.u32 $0xD0000000, s2;
	s6 =	simm.s32 $0x108;
	_ =	swait.ge @!p0 [sflag:s8], $0x0  }
0x24: {  	s3 =	sadd.s32 $0x88, s3;
	s6 =	simm.s32 @!p1 $0x1082;
	[sflag:s4] =	ssyncset.s32 $0xFFFFF086  }
0x25: {  	[simem:s6], [sflag:s4] =	dma.local [hbm:s3], $0xF7A  }
0x26: {  	[smem:$0x3F8D] =	sst s1;
	(tag) =	ssettag s2;
	_ =	strace s9  }
0x27: {  	s1 =	sld [smem:$0x3F9D]  }
0x28: {  	s2 =	sld [smem:$0x3F9E]  }
0x29: {  	s4 =	sld [smem:$0x3FA0]  }
0x2a: {  	p0 =	seq.s32 s5, $0x0;
	s5 =	sld [smem:$0x3FA1]  }
0x2b: {  	s6 =	sld [smem:$0x3FA2]  }
0x2c: {  	s7 =	sld [smem:$0x3FA3]  }
0x2d: {  	s3 =	simm.s32 $0x108;
	s8 =	sld [smem:$0x3FA4]  }
0x2e: {  	s3 =	simm.s32 @!p0 $0x1082;
	s9 =	sld [smem:$0x3FA5]  }
0x2f: {  	lr =	sadd.s32 s0, s3;
	s0 =	sld [smem:$0x3F9C]  }
0x30: {  	s3 =	sld [smem:$0x3F9F]  }
0x31: {  	[smem:$0x3FA8] =	sst s10  }
0x32: {  	s10 =	sld [smem:$0x3FA6];
	_ =	sdelay $0x3  }
0x33: {  	p0 =	seq.s32 s10, $0x1;
	s10 =	sld [smem:$0x3FA8];
	_ =	sdelay $0x3  }
0x34: {  	[smem:$0x3FA8] =	sst s10  }
0x35: {  	s10 =	sld [smem:$0x3FA7];
	_ =	sdelay $0x3  }
0x36: {  	p1 =	seq.s32 s10, $0x1;
	s10 =	sld [smem:$0x3FA8];
	_ =	sdelay $0x3  }
0x37: {  	[smem:$0x3FA8] =	sst s10  }
0x38: {  	s10 =	sld [smem:$0x3FA9]  }
0x39: {  	_ = 	snop;
	(pc) =	sbr.ind lr, $3  }
0x3a: {  	_ = 	snop  }
0x3b: {  	_ = 	snop  }
0x3c: {  	p2 =	seq.s32 s10, $0x1;
	s10 =	sld [smem:$0x3FA8]  }
0x3d: {  	_ =	shalt  }
0x3e: {  	_ =	shalt  }
0x3f: {  	_ =	shalt  }
0x40: {  	_ =	shalt  }
0x41: {  	_ =	shalt  }
0x42: {  	_ =	shalt  }
0x43: {  	_ =	shalt  }
0x44: {  	_ =	shalt  }
0x45: {  	_ =	shalt  }
0x46: {  	_ =	shalt  }
0x47: {  	_ =	shalt  }
0x48: {  	_ =	shalt  }
0x49: {  	_ =	shalt  }
0x4a: {  	_ =	shalt  }
0x4b: {  	_ =	shalt  }
0x4c: {  	_ =	shalt  }
0x4d: {  	_ =	shalt  }
0x4e: {  	_ =	shalt  }
0x4f: {  	_ =	shalt  }
0x50: {  	_ =	shalt  }
0x51: {  	_ =	shalt  }
0x52: {  	_ =	shalt  }
0x53: {  	_ =	shalt  }
0x54: {  	_ =	shalt  }
0x55: {  	_ =	shalt  }
0x56: {  	_ =	shalt  }
0x57: {  	_ =	shalt  }
0x58: {  	_ =	shalt  }
0x59: {  	_ =	shalt  }
0x5a: {  	_ =	shalt  }
0x5b: {  	_ =	shalt  }
0x5c: {  	_ =	shalt  }
0x5d: {  	_ =	shalt  }
0x5e: {  	_ =	shalt  }
0x5f: {  	_ =	shalt  }
0x60: {  	_ =	shalt  }
0x61: {  	_ =	shalt  }
0x62: {  	_ =	shalt  }
0x63: {  	_ =	shalt  }
0x64: {  	_ =	shalt  }
0x65: {  	_ =	shalt  }
0x66: {  	_ =	shalt  }
0x67: {  	_ =	shalt  }
0x68: {  	_ =	shalt  }
0x69: {  	_ =	shalt  }
0x6a: {  	_ =	shalt  }
0x6b: {  	_ =	shalt  }
0x6c: {  	_ =	shalt  }
0x6d: {  	_ =	shalt  }
0x6e: {  	_ =	shalt  }
0x6f: {  	_ =	shalt  }
0x70: {  	_ =	shalt  }
0x71: {  	_ =	shalt  }
0x72: {  	_ =	shalt  }
0x73: {  	_ =	shalt  }
0x74: {  	_ =	shalt  }
0x75: {  	_ =	shalt  }
0x76: {  	_ =	shalt  }
0x77: {  	_ =	shalt  }
0x78: {  	_ =	shalt  }
0x79: {  	_ =	shalt  }
0x7a: {  	_ =	shalt  }
0x7b: {  	_ =	shalt  }
0x7c: {  	_ =	shalt  }
0x7d: {  	_ =	shalt  }
0x7e: {  	_ =	shalt  }
0x7f: {  	_ =	shalt  }
0x80: {  	_ =	shalt  }
0x81: {  	_ =	shalt  }
0x82: {  	_ =	shalt  }
0x83: {  	_ =	shalt  }
0x84: {  	_ =	shalt  }
0x85: {  	_ =	shalt  }
0x86: {  	_ =	shalt  }
0x87: {  	_ =	shalt  }
.Lfunc_end0:
.L_simem_size_0:
called_computation_lowered:
.L_overlay_start_0:
0x88: {  	s2 =	sld [smem:$0x3FD9]  }
0x89: {  	s3 =	sld [smem:$0x3FFE];
	_ =	sdelay $0x1  }
0x8a: {  	s1 =	srdreg.scid  }
0x8b: {  	s0 =	sand.u32 $0x1, s1  }
0x8c: {  	s14 =	sshll.u32 s0, $0xA;
	s2 =	sadd.s32 s3, s2  }
0x8d: {  	s2 =	sadd.s32 s2, s14  }
0x8e: {  	[smem:$0x3FB4] =	sst s2  }
0x8f: {  	_ = 	snop  }
0x90: {  	s2 =	sld [smem:$0x3FD0];
	_ =	sdelay $0x1  }
0x91: {  	s15 =	sld [smem:$0x3FC7]  }
0x92: {  	s5 =	simm.s32 $0xA;
	s6 =	simm.s32 $0x10;
	s4 =	sld [smem:$0x3FC6]  }
0x93: {  	[smem:s6], [sflag:s5] =	dma.local [hbm:s2], $0x1  }
0x94: {  	_ =	swait.eq [sflag:s5], $0x1  }
0x95: {  	[sflag:s5] =	ssyncset.done $0x0  }
0x96: {  	[sflag:s5] =	ssyncadd.s32 $0xFFFFFFFF  }
0x97: {  	s16 =	sld [smem:$0x11];
	(tm) =	ssettm $0x1  }
0x98: {  	s17 =	sld [smem:$0x3FFB];
	_ =	sdelay $0x3  }
0x99: {  	_ =	strace s17  }
0x9a: {  	s5 =	sld [smem:$0x3FFC];
	_ =	sdelay $0x3  }
0x9b: {  	_ =	strace s5  }
0x9c: {  	s5 =	sld [smem:$0x3FFD];
	_ =	sdelay $0x3  }
0x9d: {  	_ =	strace s5  }
0x9e: {  	_ =	strace $0x8FFFFFFF  }
0x9f: {  	s18 =	sld [smem:$0x3FDB];
	_ =	sdelay $0x1  }
0xa0: {  	s19 =	simm.s32 $_scs_section_size  }
0xa1: {  	s7 =	simm.s32 $_size__tile_overlayer_lowered;
	s8 =	simm.s32 $_tile_overlayer_lowered  }
0xa2: {  	s22 =	simm.s32 $0x1BFF;
	s21 =	sshll.u32 s8, $0x1;
	s5 =	sadd.s32 s19, s18  }
0xa3: {  	s9 =	simm.s32 $0x0;
	s20 =	sshll.u32 s7, $0x1;
	s7 =	sadd.s32 s21, s5  }
0xa4: {  	[timem:s9], [sflag:s22] =	dma.local [hbm:s7], s20  }
0xa5: {  	_ =	swait.ge [sflag:s22], s20  }
0xa6: {  	s6 =	ssub.s32 $0x0, s20;
	[sflag:s22] =	ssyncset.done $0x0  }
0xa7: {  	[sflag:s22] =	ssyncadd.s32 s6;
	_ =	sdelay $0x1  }
0xa8: {  	s23 =	simm.s32 $0x1B8B  }
0xa9: {  	_ =	swait.ge [sflag:s23], $0x1  }
0xaa: {  	[sflag:s23] =	ssyncset.done $0x0  }
0xab: {  	s25 =	simm.s32 $0x1B8E;
	s24 =	sld [smem:$0x3FFE];
	[sflag:s23] =	ssyncadd.s32 $0xFFFFFFFF  }
0xac: {  	s26 =	simm.s32 $execute0_lowered;
	[smem:$0x3FD2] =	sst s25  }
0xad: {  	s7 =	sshll.u32 s26, $0x1;
	_ =	strace $0x80000046;
	[dreg:$0x1] =	wrdreg $0xFFFFFFFF  }
0xae: {  	s28 =	simm.s32 $_size_execute0_lowered;
	s5 =	sadd.s32 s5, s7;
	[dreg:$0x0] =	wrdreg $0x0  }
0xaf: {  	s7 =	sshll.u32 s28, $0x1;
	[dreg:$0x2] =	wrdreg s5  }
0xb0: {  	[dreg:$0x3] =	wrdreg s7  }
0xb1: {  	[dreg:$0x4] =	wrdreg $0xC0  }
0xb2: {  	_ =	task [dreg:s9], $0x5FFFF  }
0xb3: {  	[dreg:$0x1] =	wrdreg $0xFFFFFFFF  }
0xb4: {  	[dreg:$0x0] =	wrdreg $0x60  }
0xb5: {  	[dreg:$0x2] =	wrdreg s24  }
0xb6: {  	[dreg:$0x3] =	wrdreg s16  }
0xb7: {  	[dreg:$0x4] =	wrdreg s15  }
0xb8: {  	[dreg:$0x5] =	wrdreg s4  }
0xb9: {  	[dreg:$0x6] =	wrdreg $0x7E000  }
0xba: {  	[dreg:$0x7] =	wrdreg $0x9  }
0xbb: {  	_ =	task.clear_ibuf [dreg:s9], $0x8FFFF;
	_ =	strace $0x90000046  }
0xbc: {  	s29 =	simm.s32 $0x9;
	_ =	strace $0x80000048  }
0xbd: {  	_ =	swait.ge [sflag:s29], $0x1  }
0xbe: {  	[sflag:s29] =	ssyncadd.s32 $0xFFFFFFFF  }
0xbf: {  	_ =	strace $0x90000048  }
0xc0: {  	_ =	sfence  }
0xc1: {  	s30 =	sld [smem:$0x0];
	_ =	sdelay $0x2  }
0xc2: {  	s31 =	sshll.u32 s1, $0xD;
	s1 =	sshrl.u32 s1, $0x2  }
0xc3: {  	s3 =	sand.u32 $0x4000, s31;
	s1 =	sadd.s32 s1, s30  }
0xc4: {  	s0 =	sor.u32 s3, s0;
	s1 =	sshll.u32 s1, $0x11  }
0xc5: {  	s0 =	sor.u32 s1, s0  }
0xc6: {  	s0 =	sadd.s32 $0x8F2B, s0  }
0xc7: {  	[sflag:s0] =	ssyncadd.remote.s32 $0x1  }
0xc8: {  	_ =	sfence.sel $0xFFFF  }
0xc9: {  	[dreg:$0x0] =	wrdreg $0xFFFFFFFF;
	(pc) =	sbr.abs _section_cstart, $3  }
0xca: {  	[dreg:$0x1] =	wrdreg $0xFFFFFFFF  }
0xcb: {  	_ =	task.clear_ibuf [dreg:s9], $0x2FFFF;
	_ =	strace $0x9FFFFFFF  }
0xcc: {  	(tm) =	ssettm $0x7FFFFFFF  }
0xcd: {  	_ =	shalt  }
tec
execute0_lowered:
.L_overlay_start_1:
0x0: {  	(tag) =	ssettag $0x1  }
0x1: {  	s8 =	rddreg [dreg:$0x0]  }
0x2: {  	s0 =	rddreg [dreg:$0x1]  }
0x3: {  	s1 =	rddreg [dreg:$0x2]  }
0x4: {  	s4 =	rddreg [dreg:$0x3]  }
0x5: {  	s2 =	srdreg.scid;
	s5 =	rddreg [dreg:$0x4]  }
0x6: {  	s3 =	stileid.u32;
	s6 =	simm.s32 $0x0;
	s13 =	simm.s32 $0x1  }
0x7: {  	s14 =	simm.s32 $0x80;
	s15 =	simm.s32 $0x50;
	s16 =	simm.s32 $0x180  }
0x8: {  	s17 =	simm.s32 $0x100;
	s18 =	simm.s32 $0x2980;
	s19 =	simm.s32 $0x5180  }
0x9: {  	s20 =	simm.s32 $0x5200;
	s21 =	simm.s32 $0x0;
	s10 =	smul.u32 $0xA000, s3  }
0xa: {  	s9 =	sand.u32 $0x1, s2;
	s2 =	rddreg [dreg:$0x5];
	s11 =	smul.u32 $0x28000, s3  }
0xb: {  	[smem:$0x7FF] =	sst s6;
	s7 =	smul.u32 $0xA0000, s9;
	s31 =	ssub.s32 $0x2, s9  }
0xc: {  	v0 =	vlaneseq.u32;
	_ =	strace $0x80000047;
	s9 =	sshll.u32 s9, $0x4;
	s12 =	sshrl.u32 s31, $0x1  }
0xd: {  	v0 =	vmul.u32 $0x80, v0;
	s9 =	sor.u32 s3, s9;
	s11 =	sshrl.u32 s11, $0x2;
	s10 =	sadd.s32 s10, s7  }
0xe: {  	v1 =	vimm.f32 $0.0e+00;
	vm0 =	vcmask $0x300;
	s7 =	sadd.s32 $0x2600, s8;
	s12 =	ssub.s32 s31, s12;
	s10 =	sshrl.u32 s10, $0x3  }
0xf: {  	v6 =	vsel vm0, $0x3F800000, v1;
	v2 =	vor.u32 $0x800, v0;
	s9 =	smul.u32 $0x2710, s9;
	s10 =	sadd.s32 s10, s8;
	s8 =	sadd.s32 s11, s5  }
0x10: {  	v3 =	vor.u32 $0x1000, v0;
	v4 =	vor.u32 $0x1800, v0;
	v5 =	vor.u32 $0x2000, v0;
	s11 =	smax.u32 s12, $0x1;
	s12 =	simm.s32 $0x7A00;
	s10 =	sadd.s32 $0x29800, s10  }
.LBB2_1:
0x11: {  	[tilespmem:$0x7A00] =	vst v1  }
0x12: {  	[tilespmem:$0x7A10] =	vst v1  }
0x13: {  	[tilespmem:$0x7A20] =	vst v1  }
0x14: {  	[tilespmem:$0x7A30] =	vst v1  }
0x15: {  	[tilespmem:$0x7A40] =	vst v1  }
0x16: {  	[tilespmem:$0x7A50] =	vst v1  }
0x17: {  	[tilespmem:$0x7A60] =	vst v1  }
0x18: {  	[tilespmem:$0x7A70] =	vst v1  }
0x19: {  	[tilespmem:$0x7A80] =	vst v1  }
0x1a: {  	[tilespmem:$0x7A90] =	vst v1  }
0x1b: {  	[tilespmem:$0x7AA0] =	vst v1  }
0x1c: {  	[tilespmem:$0x7AB0] =	vst v1  }
0x1d: {  	[tilespmem:$0x7AC0] =	vst v1  }
0x1e: {  	[tilespmem:$0x7AD0] =	vst v1  }
0x1f: {  	[tilespmem:$0x7AE0] =	vst v1  }
0x20: {  	[tilespmem:$0x7AF0] =	vst v1  }
0x21: {  	[tilespmem:$0x7B00] =	vst v1  }
0x22: {  	[tilespmem:$0x7B10] =	vst v1  }
0x23: {  	[tilespmem:$0x7B20] =	vst v1  }
0x24: {  	[tilespmem:$0x7B30] =	vst v1  }
0x25: {  	[tilespmem:$0x7B40] =	vst v1  }
0x26: {  	[tilespmem:$0x7B50] =	vst v1  }
0x27: {  	[tilespmem:$0x7B60] =	vst v1  }
0x28: {  	[tilespmem:$0x7B70] =	vst v1  }
0x29: {  	[tilespmem:$0x7B80] =	vst v1  }
0x2a: {  	[tilespmem:$0x7B90] =	vst v1  }
0x2b: {  	[tilespmem:$0x7BA0] =	vst v1  }
0x2c: {  	[tilespmem:$0x7BB0] =	vst v1  }
0x2d: {  	[tilespmem:$0x7BC0] =	vst v1  }
0x2e: {  	[tilespmem:$0x7BD0] =	vst v1  }
0x2f: {  	[tilespmem:$0x7BE0] =	vst v1  }
0x30: {  	[tilespmem:$0x7BF0] =	vst v1  }
0x31: {  	[tilespmem:$0x7C00] =	vst v1  }
0x32: {  	[tilespmem:$0x7C10] =	vst v1  }
0x33: {  	[tilespmem:$0x7C20] =	vst v1  }
0x34: {  	[tilespmem:$0x7C30] =	vst v1  }
0x35: {  	[tilespmem:$0x7C40] =	vst v1  }
0x36: {  	[tilespmem:$0x7C50] =	vst v1  }
0x37: {  	[tilespmem:$0x7C60] =	vst v1  }
0x38: {  	[tilespmem:$0x7C70] =	vst v1  }
0x39: {  	[tilespmem:$0x7C80] =	vst v1  }
0x3a: {  	[tilespmem:$0x7C90] =	vst v1  }
0x3b: {  	[tilespmem:$0x7CA0] =	vst v1  }
0x3c: {  	[tilespmem:$0x7CB0] =	vst v1  }
0x3d: {  	[tilespmem:$0x7CC0] =	vst v1  }
0x3e: {  	[tilespmem:$0x7CD0] =	vst v1  }
0x3f: {  	[tilespmem:$0x7CE0] =	vst v1  }
0x40: {  	[tilespmem:$0x7CF0] =	vst v1  }
0x41: {  	[tilespmem:$0x7D00] =	vst v1  }
0x42: {  	[tilespmem:$0x7D10] =	vst v1  }
0x43: {  	[tilespmem:$0x7D20] =	vst v1  }
0x44: {  	[tilespmem:$0x7D30] =	vst v1  }
0x45: {  	[tilespmem:$0x7D40] =	vst v1  }
0x46: {  	[tilespmem:$0x7D50] =	vst v1  }
0x47: {  	[tilespmem:$0x7D60] =	vst v1  }
0x48: {  	[tilespmem:$0x7D70] =	vst v1  }
0x49: {  	[tilespmem:$0x7D80] =	vst v1  }
0x4a: {  	[tilespmem:$0x7D90] =	vst v1  }
0x4b: {  	[tilespmem:$0x7DA0] =	vst v1  }
0x4c: {  	[tilespmem:$0x7DB0] =	vst v1  }
0x4d: {  	[tilespmem:$0x7DC0] =	vst v1  }
0x4e: {  	[tilespmem:$0x7DD0] =	vst v1  }
0x4f: {  	[tilespmem:$0x7DE0] =	vst v1  }
0x50: {  	[tilespmem:$0x7DF0] =	vst v1;
	s22 =	sadd.s32 $0x0, s8  }
0x51: {  	[spmem:s22] =	stream.linear.scatter [tilespmem:s12], [sflag:$0x1], $0x400, $0x38;
	[tilespmem:$0x11E00] =	vst v63  }
0x52: {  	s22 =	simm.s32 $0x1000;
	_ =	swait.ge [sflag:s13], $0x400  }
.LBB2_2:
0x53: {  	s23 =	sshra.s32 s22, $0x2;
	[sflag:s13] =	ssyncset.done $0x0;
	p0 =	sne.s32 s22, $0x27000  }
.Ltmp0:
0x54: {  	s23 =	sadd.s32 s23, s8;
	[sflag:s13] =	ssyncadd.s32 $0xFFFFFC00;
	(pc) =	sbr.rel @p0 .LBB2_2-.Ltmp0, $3  }
0x55: {  	[spmem:s23] =	stream.linear.scatter [tilespmem:s12], [sflag:$0x1], $0x400, $0x38;
	[tilespmem:$0x11E00] =	vst v63  }
0x56: {  	s22 =	sadd.s32 $0x1000, s22;
	_ =	sdelay $0x1  }
0x57: {  	_ =	swait.ge [sflag:s13], $0x400  }
0x58: {  	[sflag:s13] =	ssyncset.done $0x0  }
0x59: {  	s22 =	simm.s32 $0x200;
	s23 =	simm.s32 $0x0;
	[sflag:s13] =	ssyncadd.s32 $0xFFFFFC00  }
.LBB2_4:
0x5a: {  	p0 =	sne.s32 s22, $0x9E00;
	[tilespmem:s23+$0x5270] =	vst v1;
	s24 =	smov.u32 s22;
	s22 =	sadd.s32 $0x200, s22  }
.Ltmp1:
0x5b: {  	[tilespmem:s23+$0x5250] =	vst v1;
	(pc) =	sbr.rel @p0 .LBB2_4-.Ltmp1, $2  }
0x5c: {  	[tilespmem:s23+$0x5260] =	vst v1;
	_ =	sdelay $0x2  }
0x5d: {  	s23 =	sshra.s32 s24, $0x2  }
0x5e: {  	[tilespmem:s23+$0x5270] =	vst v1  }
0x5f: {  	[tilespmem:s23+$0x5250] =	vst v1  }
0x60: {  	[tilespmem:s23+$0x5260] =	vst v1  }
0x61: {  	s22 =	simm.s32 $0x0;
	[bflag:$0x0] =	sbarrier.arrive $0xFFFF  }
.LBB2_6:
0x62: {  	s23 =	smul.u32 $0x50, s22;
	_ =	sdelay $0x1  }
0x63: {  	s23 =	sadd.s32 s9, s23  }
0x64: {  	s23 =	sshrl.u32 s23, $0x3  }
0x65: {  	s24 =	sadd.s32 s1, s23  }
0x66: {  	[tilespmem:s6], [sflag:$0x1] =	stream.linear.gather [hbm4b:s24+s6], $0x50, $0x38;
	[tilespmem:$0x11E00] =	vst v63  }
0x67: {  	_ =	swait.ge [sflag:s13], $0x50  }
0x68: {  	[sflag:s13] =	ssyncset.done $0x0  }
0x69: {  	s23 =	sadd.s32 s4, s23;
	[sflag:s13] =	ssyncadd.s32 $0xFFFFFFB0  }
0x6a: {  	[tilespmem:s14], [sflag:$0x1] =	stream.linear.gather [hbm4b:s23+s6], $0x50, $0x38;
	[tilespmem:$0x11E00] =	vst v63  }
0x6b: {  	_ =	swait.ge [sflag:s13], $0x50  }
0x6c: {  	[sflag:s13] =	ssyncset.done $0x0  }
0x6d: {  	[sflag:s13] =	ssyncadd.s32 $0xFFFFFFB0  }
0x6e: {  	v7 =	vld [tilespmem:$0x80]  }
0x6f: {  	v8 =	vld [tilespmem:$0x90]  }
0x70: {  	v9 =	vld [tilespmem:$0xA0]  }
0x71: {  	v10 =	vld [tilespmem:$0xB0]  }
0x72: {  	v11 =	vld [tilespmem:$0xC0]  }
0x73: {  	v7 =	vshrl.u32 v7, $0x1  }
0x74: {  	[tilespmem:$0x100] =	vst v7;
	v7 =	vshrl.u32 v8, $0x1  }
0x75: {  	[tilespmem:$0x110] =	vst v7;
	v7 =	vshrl.u32 v9, $0x1  }
0x76: {  	[tilespmem:$0x120] =	vst v7;
	v7 =	vshrl.u32 v10, $0x1  }
0x77: {  	[tilespmem:$0x130] =	vst v7;
	v7 =	vshrl.u32 v11, $0x1  }
0x78: {  	[tilespmem:$0x140] =	vst v7  }
0x79: {  	[tilespmem:s16], [sflag:$0x1] =	stream.indirect.gather [hbm4b:s7+s15], $0x80, s6, s15, $0xb8;
	[tilespmem:$0x11E00] =	vst v63  }
0x7a: {  	_ =	swait.ge [sflag:s13], $0x2800  }
0x7b: {  	[sflag:s13] =	ssyncset.done $0x0  }
0x7c: {  	[sflag:s13] =	ssyncadd.s32 $0xFFFFD800  }
0x7d: {  	[tilespmem:s18], [sflag:$0x1] =	stream.indirect.gather [hbm4b:s0+s15], $0x80, s17, s15, $0xb8;
	[tilespmem:$0x11E00] =	vst v63  }
0x7e: {  	_ =	swait.ge [sflag:s13], $0x2800  }
0x7f: {  	[sflag:s13] =	ssyncset.done $0x0  }
0x80: {  	[sflag:s13] =	ssyncadd.s32 $0xFFFFD800  }
0x81: {  	v7 =	vld [tilespmem:$0x80];
	_ =	sdelay $0x4  }
0x82: {  	s30 =	simm.s32 $0x0;
	v7 =	vshll.u32 v7, $0x6  }
0x83: {  	s31 =	simm.s32 $0x1;
	v8 =	vor.u32 s30, v0;
	v7 =	vand.u32 $0x40, v7  }
0x84: {  	v10 =	vor.u32 s31, v0;
	v7 =	vor.u32 v0, v7  }
0x85: {  	v9 =	vor.u32 s30, v7  }
0x86: {  	s24 =	simm.s32 $0x2;
	v11 =	vor.u32 s31, v7  }
0x87: {  	s25 =	simm.s32 $0x3;
	v12 =	vor.u32 s24, v0  }
0x88: {  	v14 =	vor.u32 s25, v0;
	v8 =	vld.idx.msk [tilespmem:v8+s16+$0x0], $0xffff  }
0x89: {  	v10 =	vld.idx.msk [tilespmem:v10+s16+$0x0], $0xffff;
	v13 =	vor.u32 s24, v7  }
0x8a: {  	s26 =	simm.s32 $0x4;
	v15 =	vor.u32 s25, v7;
	v9 =	vld.idx.msk [tilespmem:v9+s18+$0x0], $0xffff  }
0x8b: {  	v17 =	vor.u32 s26, v7;
	v11 =	vld.idx.msk [tilespmem:v11+s18+$0x0], $0xffff  }
0x8c: {  	s28 =	simm.s32 $0x5;
	v16 =	vor.u32 s26, v0;
	v12 =	vld.idx.msk [tilespmem:v12+s16+$0x0], $0xffff  }
0x8d: {  	v18 =	vor.u32 s28, v0;
	v14 =	vld.idx.msk [tilespmem:v14+s16+$0x0], $0xffff  }
0x8e: {  	s29 =	simm.s32 $0x6;
	v19 =	vor.u32 s28, v7;
	v13 =	vld.idx.msk [tilespmem:v13+s18+$0x0], $0xffff  }
0x8f: {  	s30 =	simm.s32 $0x7;
	v8 =	vmul.f32 v9, v8;
	v9 =	vld.idx.msk [tilespmem:v15+s18+$0x0], $0xffff;
	v15 =	vor.u32 s29, v0  }
0x90: {  	v20 =	vimm.f32 $0.0e+00;
	v10 =	vmul.f32 v11, v10;
	v11 =	vld.idx.msk [tilespmem:v17+s18+$0x0], $0xffff;
	v17 =	vor.u32 s30, v0  }
0x91: {  	v16 =	vld.idx.msk [tilespmem:v16+s16+$0x0], $0xffff;
	v21 =	vor.u32 s29, v7;
	v8 =	vadd.f32 v8, v20  }
0x92: {  	v18 =	vld.idx.msk [tilespmem:v18+s16+$0x0], $0xffff;
	s31 =	simm.s32 $0x8;
	v20 =	vor.u32 s30, v7  }
0x93: {  	v8 =	vadd.f32 v10, v8;
	v10 =	vmul.f32 v13, v12;
	v12 =	vld.idx.msk [tilespmem:v19+s18+$0x0], $0xffff;
	v13 =	vor.u32 s31, v0  }
0x94: {  	s24 =	simm.s32 $0x9;
	v19 =	vor.u32 s31, v7;
	v15 =	vld.idx.msk [tilespmem:v15+s16+$0x0], $0xffff  }
0x95: {  	v9 =	vmul.f32 v9, v14;
	v14 =	vor.u32 s24, v0;
	v17 =	vld.idx.msk [tilespmem:v17+s16+$0x0], $0xffff;
	v8 =	vadd.f32 v10, v8  }
0x96: {  	s25 =	simm.s32 $0xA;
	v10 =	vld.idx.msk [tilespmem:v21+s18+$0x0], $0xffff;
	v21 =	vor.u32 s24, v7  }
0x97: {  	v8 =	vadd.f32 v9, v8;
	v9 =	vmul.f32 v11, v16;
	v11 =	vld.idx.msk [tilespmem:v20+s18+$0x0], $0xffff;
	v16 =	vor.u32 s25, v0  }
0x98: {  	s26 =	simm.s32 $0xB;
	v20 =	vor.u32 s25, v7;
	v13 =	vld.idx.msk [tilespmem:v13+s16+$0x0], $0xffff  }
0x99: {  	v8 =	vadd.f32 v9, v8;
	v9 =	vmul.f32 v12, v18;
	v12 =	vld.idx.msk [tilespmem:v19+s18+$0x0], $0xffff;
	v18 =	vor.u32 s26, v0  }
0x9a: {  	s28 =	simm.s32 $0xC;
	v14 =	vld.idx.msk [tilespmem:v14+s16+$0x0], $0xffff;
	v19 =	vor.u32 s26, v7  }
0x9b: {  	s29 =	simm.s32 $0xD;
	v8 =	vadd.f32 v9, v8;
	v9 =	vmul.f32 v10, v15;
	v10 =	vld.idx.msk [tilespmem:v21+s18+$0x0], $0xffff;
	v15 =	vor.u32 s28, v0  }
0x9c: {  	v22 =	vor.u32 s29, v0;
	v21 =	vld.idx.msk [tilespmem:v16+s16+$0x0], $0xffff  }
0x9d: {  	v16 =	vor.u32 s28, v7;
	v11 =	vmul.f32 v11, v17;
	v20 =	vld.idx.msk [tilespmem:v20+s18+$0x0], $0xffff;
	v8 =	vadd.f32 v9, v8  }
0x9e: {  	v23 =	vor.u32 s29, v7;
	s30 =	simm.s32 $0xE;
	v9 =	vld.idx.msk [tilespmem:v18+s16+$0x0], $0xffff  }
0x9f: {  	v13 =	vmul.f32 v12, v13;
	v12 =	vld.idx.msk [tilespmem:v19+s18+$0x0], $0xffff;
	v18 =	vor.u32 s30, v0;
	v11 =	vadd.f32 v11, v8  }
0xa0: {  	s31 =	simm.s32 $0xF;
	v17 =	vor.u32 s30, v7;
	v8 =	vld.idx.msk [tilespmem:v15+s16+$0x0], $0xffff  }
0xa1: {  	v19 =	vmul.f32 v10, v14;
	v15 =	vor.u32 s31, v0;
	v10 =	vld.idx.msk [tilespmem:v22+s16+$0x0], $0xffff;
	v13 =	vadd.f32 v13, v11  }
0xa2: {  	s25 =	simm.s32 $0x10;
	v14 =	vor.u32 s31, v7;
	v11 =	vld.idx.msk [tilespmem:v16+s18+$0x0], $0xffff  }
0xa3: {  	s23 =	simm.s32 $0x1F;
	s24 =	simm.s32 $0x2F;
	v16 =	vor.u32 s25, v0;
	v20 =	vmul.f32 v20, v21;
	v19 =	vadd.f32 v19, v13;
	v13 =	vld.idx.msk [tilespmem:v23+s18+$0x0], $0xffff  }
.LBB2_7:
0xa4: {  	p0 =	sne.s32 s24, $0x3F;
	v21 =	vor.u32 s25, v7;
	s25 =	sadd.s32 $0xFFFFFFF2, s23;
	v18 =	vld.idx.msk [tilespmem:v18+s16+$0x0], $0xffff  }
0xa5: {  	v9 =	vmul.f32 v12, v9;
	v22 =	vor.u32 s25, v0;
	v19 =	vadd.f32 v20, v19;
	v12 =	vld.idx.msk [tilespmem:v17+s18+$0x0], $0xffff  }
0xa6: {  	v17 =	vor.u32 s25, v7;
	s25 =	sadd.s32 $0xFFFFFFF3, s23;
	v15 =	vld.idx.msk [tilespmem:v15+s16+$0x0], $0xffff  }
0xa7: {  	v20 =	vor.u32 s25, v0;
	v8 =	vmul.f32 v11, v8;
	v9 =	vadd.f32 v9, v19;
	v11 =	vld.idx.msk [tilespmem:v14+s18+$0x0], $0xffff  }
0xa8: {  	v14 =	vld.idx.msk [tilespmem:v16+s16+$0x0], $0xffff;
	v16 =	vor.u32 s25, v7;
	s25 =	sadd.s32 $0xFFFFFFF4, s23  }
0xa9: {  	v19 =	vld.idx.msk [tilespmem:v21+s18+$0x0], $0xffff;
	v21 =	vor.u32 s25, v0;
	v8 =	vadd.f32 v8, v9;
	v9 =	vmul.f32 v13, v10  }
0xaa: {  	v13 =	vor.u32 s25, v7;
	s25 =	sadd.s32 $0xFFFFFFF5, s23;
	v10 =	vld.idx.msk [tilespmem:v22+s16+$0x0], $0xffff  }
0xab: {  	v22 =	vor.u32 s25, v0;
	v17 =	vld.idx.msk [tilespmem:v17+s18+$0x0], $0xffff;
	v8 =	vadd.f32 v9, v8;
	v9 =	vmul.f32 v12, v18  }
0xac: {  	v18 =	vor.u32 s25, v7;
	s25 =	sadd.s32 $0xFFFFFFF6, s23;
	v12 =	vld.idx.msk [tilespmem:v20+s16+$0x0], $0xffff  }
0xad: {  	v20 =	vor.u32 s25, v0;
	v16 =	vld.idx.msk [tilespmem:v16+s18+$0x0], $0xffff;
	v8 =	vadd.f32 v9, v8;
	v9 =	vmul.f32 v11, v15  }
0xae: {  	v15 =	vor.u32 s25, v7;
	s25 =	sadd.s32 $0xFFFFFFF7, s23;
	v11 =	vld.idx.msk [tilespmem:v21+s16+$0x0], $0xffff  }
0xaf: {  	v14 =	vmul.f32 v19, v14;
	v19 =	vor.u32 s25, v0;
	v13 =	vld.idx.msk [tilespmem:v13+s18+$0x0], $0xffff;
	v8 =	vadd.f32 v9, v8  }
0xb0: {  	v21 =	vor.u32 s25, v7;
	s25 =	sadd.s32 $0xFFFFFFF8, s23;
	v9 =	vld.idx.msk [tilespmem:v22+s16+$0x0], $0xffff  }
0xb1: {  	v10 =	vmul.f32 v17, v10;
	v17 =	vor.u32 s25, v0;
	v8 =	vadd.f32 v14, v8;
	v14 =	vld.idx.msk [tilespmem:v18+s18+$0x0], $0xffff  }
0xb2: {  	v18 =	vld.idx.msk [tilespmem:v20+s16+$0x0], $0xffff;
	v20 =	vor.u32 s25, v7;
	s25 =	sadd.s32 $0xFFFFFFF9, s23  }
0xb3: {  	v8 =	vadd.f32 v10, v8;
	v10 =	vmul.f32 v16, v12;
	v12 =	vld.idx.msk [tilespmem:v15+s18+$0x0], $0xffff;
	v15 =	vor.u32 s25, v0  }
0xb4: {  	v16 =	vld.idx.msk [tilespmem:v19+s16+$0x0], $0xffff;
	v19 =	vor.u32 s25, v7;
	s25 =	sadd.s32 $0xFFFFFFFA, s23  }
0xb5: {  	v8 =	vadd.f32 v10, v8;
	v10 =	vmul.f32 v13, v11;
	v11 =	vld.idx.msk [tilespmem:v21+s18+$0x0], $0xffff;
	v13 =	vor.u32 s25, v0  }
0xb6: {  	v21 =	vor.u32 s25, v7;
	s25 =	sadd.s32 $0xFFFFFFFB, s23;
	v17 =	vld.idx.msk [tilespmem:v17+s16+$0x0], $0xffff  }
0xb7: {  	v9 =	vmul.f32 v14, v9;
	v14 =	vor.u32 s25, v0;
	v8 =	vadd.f32 v10, v8;
	v10 =	vld.idx.msk [tilespmem:v20+s18+$0x0], $0xffff  }
0xb8: {  	v20 =	vor.u32 s25, v7;
	s25 =	sadd.s32 $0xFFFFFFFC, s23;
	v15 =	vld.idx.msk [tilespmem:v15+s16+$0x0], $0xffff  }
0xb9: {  	v8 =	vadd.f32 v9, v8;
	v9 =	vmul.f32 v12, v18;
	v12 =	vld.idx.msk [tilespmem:v19+s18+$0x0], $0xffff;
	v18 =	vor.u32 s25, v0  }
0xba: {  	v19 =	vor.u32 s25, v7;
	s25 =	sadd.s32 $0xFFFFFFFD, s23;
	v13 =	vld.idx.msk [tilespmem:v13+s16+$0x0], $0xffff  }
0xbb: {  	v8 =	vadd.f32 v9, v8;
	v9 =	vmul.f32 v11, v16;
	v11 =	vld.idx.msk [tilespmem:v21+s18+$0x0], $0xffff;
	v16 =	vor.u32 s25, v0  }
0xbc: {  	v21 =	vld.idx.msk [tilespmem:v14+s16+$0x0], $0xffff;
	v14 =	vor.u32 s25, v7;
	s25 =	sadd.s32 $0xFFFFFFFE, s23  }
0xbd: {  	v10 =	vmul.f32 v10, v17;
	v8 =	vadd.f32 v9, v8;
	v20 =	vld.idx.msk [tilespmem:v20+s18+$0x0], $0xffff;
	v22 =	vor.u32 s25, v0  }
0xbe: {  	v23 =	vor.u32 s25, v7;
	s25 =	sadd.s32 $0xFFFFFFFF, s23;
	v9 =	vld.idx.msk [tilespmem:v18+s16+$0x0], $0xffff  }
.Ltmp2:
0xbf: {  	v15 =	vmul.f32 v12, v15;
	v18 =	vor.u32 s25, v0;
	v10 =	vadd.f32 v10, v8;
	v12 =	vld.idx.msk [tilespmem:v19+s18+$0x0], $0xffff;
	(pc) =	sbr.rel @p0 .LBB2_7-.Ltmp2, $4  }
0xc0: {  	v17 =	vor.u32 s25, v7;
	v8 =	vld.idx.msk [tilespmem:v16+s16+$0x0], $0xffff  }
0xc1: {  	v13 =	vmul.f32 v11, v13;
	v19 =	vadd.f32 v15, v10;
	v11 =	vld.idx.msk [tilespmem:v14+s18+$0x0], $0xffff;
	v15 =	vor.u32 s23, v0  }
0xc2: {  	s25 =	sadd.s32 $0xFFFFFFF1, s24;
	v14 =	vor.u32 s23, v7;
	s23 =	smov.u32 s24;
	v10 =	vld.idx.msk [tilespmem:v22+s16+$0x0], $0xffff  }
0xc3: {  	v16 =	vor.u32 s25, v0;
	s24 =	sadd.s32 $0x10, s24;
	v20 =	vmul.f32 v20, v21;
	v19 =	vadd.f32 v13, v19;
	v13 =	vld.idx.msk [tilespmem:v23+s18+$0x0], $0xffff  }
0xc4: {  	_ =	sdelay $0x3  }
0xc5: {  	v21 =	vor.u32 s25, v7;
	s24 =	sadd.s32 $0xFFFFFFF2, s23;
	v18 =	vld.idx.msk [tilespmem:v18+s16+$0x0], $0xffff;
	v9 =	vmul.f32 v12, v9;
	v19 =	vadd.f32 v20, v19  }
0xc6: {  	v17 =	vld.idx.msk [tilespmem:v17+s18+$0x0], $0xffff;
	v12 =	vor.u32 s24, v0  }
0xc7: {  	s29 =	sadd.s32 $0xFFFFFFF3, s23;
	v15 =	vld.idx.msk [tilespmem:v15+s16+$0x0], $0xffff;
	v20 =	vor.u32 s24, v7;
	v8 =	vmul.f32 v11, v8;
	v9 =	vadd.f32 v9, v19  }
0xc8: {  	v14 =	vld.idx.msk [tilespmem:v14+s18+$0x0], $0xffff;
	v11 =	vor.u32 s29, v0  }
0xc9: {  	v16 =	vld.idx.msk [tilespmem:v16+s16+$0x0], $0xffff;
	s30 =	sadd.s32 $0xFFFFFFF4, s23;
	v19 =	vor.u32 s29, v7;
	v8 =	vadd.f32 v8, v9;
	v9 =	vmul.f32 v13, v10  }
0xca: {  	v10 =	vld.idx.msk [tilespmem:v21+s18+$0x0], $0xffff;
	v13 =	vor.u32 s30, v0  }
0xcb: {  	s31 =	sadd.s32 $0xFFFFFFF5, s23;
	v21 =	vor.u32 s30, v7;
	v12 =	vld.idx.msk [tilespmem:v12+s16+$0x0], $0xffff;
	v8 =	vadd.f32 v9, v8;
	v9 =	vmul.f32 v17, v18  }
0xcc: {  	v17 =	vld.idx.msk [tilespmem:v20+s18+$0x0], $0xffff;
	v18 =	vor.u32 s31, v0  }
0xcd: {  	s25 =	sadd.s32 $0xFFFFFFF6, s23;
	v11 =	vld.idx.msk [tilespmem:v11+s16+$0x0], $0xffff;
	v20 =	vor.u32 s31, v7;
	v8 =	vadd.f32 v9, v8;
	v9 =	vmul.f32 v14, v15  }
0xce: {  	v14 =	vld.idx.msk [tilespmem:v19+s18+$0x0], $0xffff;
	v15 =	vor.u32 s25, v0  }
0xcf: {  	s26 =	sadd.s32 $0xFFFFFFF7, s23;
	v19 =	vor.u32 s25, v7;
	v13 =	vld.idx.msk [tilespmem:v13+s16+$0x0], $0xffff;
	v10 =	vmul.f32 v10, v16;
	v8 =	vadd.f32 v9, v8  }
0xd0: {  	v16 =	vor.u32 s26, v0;
	v9 =	vld.idx.msk [tilespmem:v21+s18+$0x0], $0xffff  }
0xd1: {  	s28 =	sadd.s32 $0xFFFFFFF8, s23;
	v21 =	vor.u32 s26, v7;
	v18 =	vld.idx.msk [tilespmem:v18+s16+$0x0], $0xffff;
	v8 =	vadd.f32 v10, v8;
	v10 =	vmul.f32 v17, v12  }
0xd2: {  	v12 =	vld.idx.msk [tilespmem:v20+s18+$0x0], $0xffff;
	v17 =	vor.u32 s28, v0  }
0xd3: {  	s29 =	sadd.s32 $0xFFFFFFF9, s23;
	v20 =	vor.u32 s28, v7;
	v15 =	vld.idx.msk [tilespmem:v15+s16+$0x0], $0xffff;
	v8 =	vadd.f32 v10, v8;
	v10 =	vmul.f32 v14, v11  }
0xd4: {  	v11 =	vld.idx.msk [tilespmem:v19+s18+$0x0], $0xffff;
	v14 =	vor.u32 s29, v0  }
0xd5: {  	s30 =	sadd.s32 $0xFFFFFFFA, s23;
	v16 =	vld.idx.msk [tilespmem:v16+s16+$0x0], $0xffff;
	v19 =	vor.u32 s29, v7;
	v9 =	vmul.f32 v9, v13;
	v8 =	vadd.f32 v10, v8  }
0xd6: {  	v13 =	vor.u32 s30, v0;
	v10 =	vld.idx.msk [tilespmem:v21+s18+$0x0], $0xffff  }
0xd7: {  	s31 =	sadd.s32 $0xFFFFFFFB, s23;
	v21 =	vor.u32 s30, v7;
	v17 =	vld.idx.msk [tilespmem:v17+s16+$0x0], $0xffff;
	v8 =	vadd.f32 v9, v8;
	v9 =	vmul.f32 v12, v18  }
0xd8: {  	v12 =	vld.idx.msk [tilespmem:v20+s18+$0x0], $0xffff;
	v18 =	vor.u32 s31, v0  }
0xd9: {  	s25 =	sadd.s32 $0xFFFFFFFC, s23;
	v20 =	vor.u32 s31, v7;
	v14 =	vld.idx.msk [tilespmem:v14+s16+$0x0], $0xffff;
	v8 =	vadd.f32 v9, v8;
	v9 =	vmul.f32 v11, v15  }
0xda: {  	v11 =	vld.idx.msk [tilespmem:v19+s18+$0x0], $0xffff;
	v15 =	vor.u32 s25, v0  }
0xdb: {  	s26 =	sadd.s32 $0xFFFFFFFD, s23;
	v13 =	vld.idx.msk [tilespmem:v13+s16+$0x0], $0xffff;
	v19 =	vor.u32 s25, v7;
	v8 =	vadd.f32 v9, v8;
	v9 =	vmul.f32 v10, v16  }
0xdc: {  	v10 =	vld.idx.msk [tilespmem:v21+s18+$0x0], $0xffff;
	v16 =	vor.u32 s26, v0  }
0xdd: {  	s28 =	sadd.s32 $0xFFFFFFFE, s23;
	v21 =	vor.u32 s26, v7;
	v18 =	vld.idx.msk [tilespmem:v18+s16+$0x0], $0xffff;
	v8 =	vadd.f32 v9, v8;
	v9 =	vmul.f32 v12, v17  }
0xde: {  	v12 =	vld.idx.msk [tilespmem:v20+s18+$0x0], $0xffff;
	v17 =	vor.u32 s28, v0  }
0xdf: {  	s29 =	sadd.s32 $0xFFFFFFFF, s23;
	v20 =	vor.u32 s28, v7;
	v15 =	vld.idx.msk [tilespmem:v15+s16+$0x0], $0xffff;
	v8 =	vadd.f32 v9, v8;
	v9 =	vmul.f32 v11, v14  }
0xe0: {  	v11 =	vld.idx.msk [tilespmem:v19+s18+$0x0], $0xffff;
	v14 =	vor.u32 s29, v0  }
0xe1: {  	v19 =	vor.u32 s29, v7;
	v16 =	vld.idx.msk [tilespmem:v16+s16+$0x0], $0xffff;
	v8 =	vadd.f32 v9, v8;
	v9 =	vmul.f32 v10, v13  }
0xe2: {  	v7 =	vor.u32 s23, v7;
	v10 =	vld.idx.msk [tilespmem:v21+s18+$0x0], $0xffff  }
0xe3: {  	v13 =	vor.u32 s23, v0;
	v17 =	vld.idx.msk [tilespmem:v17+s16+$0x0], $0xffff;
	v8 =	vadd.f32 v9, v8;
	v9 =	vmul.f32 v12, v18  }
0xe4: {  	v12 =	vld.idx.msk [tilespmem:v20+s18+$0x0], $0xffff  }
0xe5: {  	v14 =	vld.idx.msk [tilespmem:v14+s16+$0x0], $0xffff;
	v8 =	vadd.f32 v9, v8;
	v9 =	vmul.f32 v11, v15  }
0xe6: {  	v11 =	vld.idx.msk [tilespmem:v19+s18+$0x0], $0xffff  }
0xe7: {  	v7 =	vld.idx.msk [tilespmem:v7+s18+$0x0], $0xffff;
	v8 =	vadd.f32 v9, v8;
	v9 =	vmul.f32 v10, v16  }
0xe8: {  	v13 =	vld.idx.msk [tilespmem:v13+s16+$0x0], $0xffff  }
0xe9: {  	v8 =	vadd.f32 v9, v8;
	v9 =	vmul.f32 v12, v17;
	_ =	sdelay $0x1  }
0xea: {  	v8 =	vadd.f32 v9, v8;
	v9 =	vmul.f32 v11, v14;
	_ =	sdelay $0x1  }
0xeb: {  	v7 =	vmul.f32 v7, v13;
	v8 =	vadd.f32 v9, v8;
	_ =	sdelay $0x1  }
0xec: {  	v7 =	vadd.f32 v7, v8;
	_ =	sdelay $0x1  }
0xed: {  	v8 =	vmul.f32 $9.999999770e-03, v7  }
0xee: {  	vm0 =	vge.f32 v7, $0.0e+00  }
0xef: {  	v7 =	vsel vm0, v7, v8  }
0xf0: {  	v7 =	vmul.f32 $1.250000000e-01, v7;
	_ =	sdelay $0x1  }
0xf1: {  	v7 =	vmul.f32 $1.442695020e+00, v7  }
0xf2: {  	v8 =	vld [tilespmem:$0x90]  }
0xf3: {  	(erf) = vpow2.f32 v7;
	_ =	sdelay $0x3  }
0xf4: {  	v7 =	vshll.u32 v8, $0x6  }
0xf5: {  	s30 =	simm.s32 $0x0;
	v7 =	vand.u32 $0x40, v7  }
0xf6: {  	v8 =	vor.u32 s30, v2;
	v7 =	vor.u32 v2, v7  }
0xf7: {  	s31 =	simm.s32 $0x1;
	v9 =	vor.u32 s30, v7  }
0xf8: {  	v10 =	vor.u32 s31, v2  }
0xf9: {  	s24 =	simm.s32 $0x2;
	v12 =	vor.u32 s31, v7;
	v11 =	vpop (erf)  }
0xfa: {  	v13 =	vor.u32 s24, v7;
	[tilespmem:$0x5180] =	vst v11  }
0xfb: {  	s25 =	simm.s32 $0x3;
	v11 =	vor.u32 s24, v2;
	v8 =	vld.idx.msk [tilespmem:v8+s16+$0x0], $0xffff  }
0xfc: {  	v14 =	vor.u32 s25, v2;
	v9 =	vld.idx.msk [tilespmem:v9+s18+$0x0], $0xffff  }
0xfd: {  	s26 =	simm.s32 $0x4;
	v15 =	vor.u32 s25, v7;
	v10 =	vld.idx.msk [tilespmem:v10+s16+$0x0], $0xffff  }
0xfe: {  	v16 =	vor.u32 s26, v2;
	v12 =	vld.idx.msk [tilespmem:v12+s18+$0x0], $0xffff  }
0xff: {  	s28 =	simm.s32 $0x5;
	v17 =	vor.u32 s26, v7;
	v13 =	vld.idx.msk [tilespmem:v13+s18+$0x0], $0xffff  }
0x100: {  	v18 =	vor.u32 s28, v2;
	v11 =	vld.idx.msk [tilespmem:v11+s16+$0x0], $0xffff  }
0x101: {  	s29 =	simm.s32 $0x6;
	v19 =	vor.u32 s28, v7;
	v14 =	vld.idx.msk [tilespmem:v14+s16+$0x0], $0xffff;
	v8 =	vmul.f32 v9, v8  }
0x102: {  	v20 =	vimm.f32 $0.0e+00;
	v9 =	vld.idx.msk [tilespmem:v15+s18+$0x0], $0xffff;
	v15 =	vor.u32 s29, v2  }
0x103: {  	v21 =	vor.u32 s29, v7;
	s30 =	simm.s32 $0x7;
	v16 =	vld.idx.msk [tilespmem:v16+s16+$0x0], $0xffff;
	v10 =	vmul.f32 v12, v10;
	v8 =	vadd.f32 v8, v20  }
0x104: {  	v12 =	vld.idx.msk [tilespmem:v17+s18+$0x0], $0xffff;
	v17 =	vor.u32 s30, v2  }
0x105: {  	s31 =	simm.s32 $0x8;
	v18 =	vld.idx.msk [tilespmem:v18+s16+$0x0], $0xffff;
	v20 =	vor.u32 s30, v7;
	v8 =	vadd.f32 v10, v8;
	v10 =	vmul.f32 v13, v11  }
0x106: {  	v11 =	vld.idx.msk [tilespmem:v19+s18+$0x0], $0xffff;
	v13 =	vor.u32 s31, v2  }
0x107: {  	s24 =	simm.s32 $0x9;
	v19 =	vor.u32 s31, v7;
	v15 =	vld.idx.msk [tilespmem:v15+s16+$0x0], $0xffff;
	v9 =	vmul.f32 v9, v14;
	v8 =	vadd.f32 v10, v8  }
0x108: {  	v14 =	vor.u32 s24, v2;
	v10 =	vld.idx.msk [tilespmem:v21+s18+$0x0], $0xffff  }
0x109: {  	s25 =	simm.s32 $0xA;
	v17 =	vld.idx.msk [tilespmem:v17+s16+$0x0], $0xffff;
	v21 =	vor.u32 s24, v7;
	v8 =	vadd.f32 v9, v8;
	v9 =	vmul.f32 v12, v16  }
0x10a: {  	v12 =	vld.idx.msk [tilespmem:v20+s18+$0x0], $0xffff;
	v16 =	vor.u32 s25, v2  }
0x10b: {  	s26 =	simm.s32 $0xB;
	v20 =	vor.u32 s25, v7;
	v13 =	vld.idx.msk [tilespmem:v13+s16+$0x0], $0xffff;
	v8 =	vadd.f32 v9, v8;
	v9 =	vmul.f32 v11, v18  }
0x10c: {  	v11 =	vld.idx.msk [tilespmem:v19+s18+$0x0], $0xffff;
	v18 =	vor.u32 s26, v2  }
0x10d: {  	s28 =	simm.s32 $0xC;
	v14 =	vld.idx.msk [tilespmem:v14+s16+$0x0], $0xffff;
	v19 =	vor.u32 s26, v7;
	v8 =	vadd.f32 v9, v8;
	v9 =	vmul.f32 v10, v15  }
0x10e: {  	s29 =	simm.s32 $0xD;
	v10 =	vld.idx.msk [tilespmem:v21+s18+$0x0], $0xffff;
	v15 =	vor.u32 s28, v2  }
0x10f: {  	v22 =	vor.u32 s29, v2;
	v21 =	vld.idx.msk [tilespmem:v16+s16+$0x0], $0xffff;
	v12 =	vmul.f32 v12, v17;
	v8 =	vadd.f32 v9, v8  }
0x110: {  	v16 =	vor.u32 s28, v7;
	v20 =	vld.idx.msk [tilespmem:v20+s18+$0x0], $0xffff  }
0x111: {  	v23 =	vor.u32 s29, v7;
	s30 =	simm.s32 $0xE;
	v9 =	vld.idx.msk [tilespmem:v18+s16+$0x0], $0xffff;
	v11 =	vmul.f32 v11, v13;
	v17 =	vadd.f32 v12, v8  }
0x112: {  	v18 =	vor.u32 s30, v2;
	v12 =	vld.idx.msk [tilespmem:v19+s18+$0x0], $0xffff  }
0x113: {  	s31 =	simm.s32 $0xF;
	v8 =	vld.idx.msk [tilespmem:v15+s16+$0x0], $0xffff;
	v13 =	vadd.f32 v11, v17;
	v17 =	vor.u32 s30, v7  }
0x114: {  	v19 =	vmul.f32 v10, v14;
	v15 =	vor.u32 s31, v2;
	v10 =	vld.idx.msk [tilespmem:v22+s16+$0x0], $0xffff  }
0x115: {  	s25 =	simm.s32 $0x10;
	v14 =	vor.u32 s31, v7;
	v11 =	vld.idx.msk [tilespmem:v16+s18+$0x0], $0xffff  }
0x116: {  	s23 =	simm.s32 $0x1F;
	s24 =	simm.s32 $0x2F;
	v16 =	vor.u32 s25, v2;
	v20 =	vmul.f32 v20, v21;
	v19 =	vadd.f32 v19, v13;
	v13 =	vld.idx.msk [tilespmem:v23+s18+$0x0], $0xffff  }
.LBB2_9:
0x117: {  	p0 =	sne.s32 s24, $0x3F;
	v21 =	vor.u32 s25, v7;
	s25 =	sadd.s32 $0xFFFFFFF2, s23;
	v18 =	vld.idx.msk [tilespmem:v18+s16+$0x0], $0xffff  }
0x118: {  	v9 =	vmul.f32 v12, v9;
	v22 =	vor.u32 s25, v2;
	v19 =	vadd.f32 v20, v19;
	v12 =	vld.idx.msk [tilespmem:v17+s18+$0x0], $0xffff  }
0x119: {  	v17 =	vor.u32 s25, v7;
	s25 =	sadd.s32 $0xFFFFFFF3, s23;
	v15 =	vld.idx.msk [tilespmem:v15+s16+$0x0], $0xffff  }
0x11a: {  	v20 =	vor.u32 s25, v2;
	v8 =	vmul.f32 v11, v8;
	v9 =	vadd.f32 v9, v19;
	v11 =	vld.idx.msk [tilespmem:v14+s18+$0x0], $0xffff  }
0x11b: {  	v14 =	vld.idx.msk [tilespmem:v16+s16+$0x0], $0xffff;
	v16 =	vor.u32 s25, v7;
	s25 =	sadd.s32 $0xFFFFFFF4, s23  }
0x11c: {  	v19 =	vld.idx.msk [tilespmem:v21+s18+$0x0], $0xffff;
	v21 =	vor.u32 s25, v2;
	v8 =	vadd.f32 v8, v9;
	v9 =	vmul.f32 v13, v10  }
0x11d: {  	v13 =	vor.u32 s25, v7;
	s25 =	sadd.s32 $0xFFFFFFF5, s23;
	v10 =	vld.idx.msk [tilespmem:v22+s16+$0x0], $0xffff  }
0x11e: {  	v22 =	vor.u32 s25, v2;
	v17 =	vld.idx.msk [tilespmem:v17+s18+$0x0], $0xffff;
	v8 =	vadd.f32 v9, v8;
	v9 =	vmul.f32 v12, v18  }
0x11f: {  	v18 =	vor.u32 s25, v7;
	s25 =	sadd.s32 $0xFFFFFFF6, s23;
	v12 =	vld.idx.msk [tilespmem:v20+s16+$0x0], $0xffff  }
0x120: {  	v20 =	vor.u32 s25, v2;
	v16 =	vld.idx.msk [tilespmem:v16+s18+$0x0], $0xffff;
	v8 =	vadd.f32 v9, v8;
	v9 =	vmul.f32 v11, v15  }
0x121: {  	v15 =	vor.u32 s25, v7;
	s25 =	sadd.s32 $0xFFFFFFF7, s23;
	v11 =	vld.idx.msk [tilespmem:v21+s16+$0x0], $0xffff  }
0x122: {  	v14 =	vmul.f32 v19, v14;
	v19 =	vor.u32 s25, v2;
	v13 =	vld.idx.msk [tilespmem:v13+s18+$0x0], $0xffff;
	v8 =	vadd.f32 v9, v8  }
0x123: {  	v21 =	vor.u32 s25, v7;
	s25 =	sadd.s32 $0xFFFFFFF8, s23;
	v9 =	vld.idx.msk [tilespmem:v22+s16+$0x0], $0xffff  }
0x124: {  	v10 =	vmul.f32 v17, v10;
	v17 =	vor.u32 s25, v2;
	v8 =	vadd.f32 v14, v8;
	v14 =	vld.idx.msk [tilespmem:v18+s18+$0x0], $0xffff  }
0x125: {  	v18 =	vld.idx.msk [tilespmem:v20+s16+$0x0], $0xffff;
	v20 =	vor.u32 s25, v7;
	s25 =	sadd.s32 $0xFFFFFFF9, s23  }
0x126: {  	v8 =	vadd.f32 v10, v8;
	v10 =	vmul.f32 v16, v12;
	v12 =	vld.idx.msk [tilespmem:v15+s18+$0x0], $0xffff;
	v15 =	vor.u32 s25, v2  }
0x127: {  	v16 =	vld.idx.msk [tilespmem:v19+s16+$0x0], $0xffff;
	v19 =	vor.u32 s25, v7;
	s25 =	sadd.s32 $0xFFFFFFFA, s23  }
0x128: {  	v8 =	vadd.f32 v10, v8;
	v10 =	vmul.f32 v13, v11;
	v11 =	vld.idx.msk [tilespmem:v21+s18+$0x0], $0xffff;
	v13 =	vor.u32 s25, v2  }
0x129: {  	v21 =	vor.u32 s25, v7;
	s25 =	sadd.s32 $0xFFFFFFFB, s23;
	v17 =	vld.idx.msk [tilespmem:v17+s16+$0x0], $0xffff  }
0x12a: {  	v9 =	vmul.f32 v14, v9;
	v14 =	vor.u32 s25, v2;
	v8 =	vadd.f32 v10, v8;
	v10 =	vld.idx.msk [tilespmem:v20+s18+$0x0], $0xffff  }
0x12b: {  	v20 =	vor.u32 s25, v7;
	s25 =	sadd.s32 $0xFFFFFFFC, s23;
	v15 =	vld.idx.msk [tilespmem:v15+s16+$0x0], $0xffff  }
0x12c: {  	v8 =	vadd.f32 v9, v8;
	v9 =	vmul.f32 v12, v18;
	v12 =	vld.idx.msk [tilespmem:v19+s18+$0x0], $0xffff;
	v18 =	vor.u32 s25, v2  }
0x12d: {  	v19 =	vor.u32 s25, v7;
	s25 =	sadd.s32 $0xFFFFFFFD, s23;
	v13 =	vld.idx.msk [tilespmem:v13+s16+$0x0], $0xffff  }
0x12e: {  	v8 =	vadd.f32 v9, v8;
	v9 =	vmul.f32 v11, v16;
	v11 =	vld.idx.msk [tilespmem:v21+s18+$0x0], $0xffff;
	v16 =	vor.u32 s25, v2  }
0x12f: {  	v21 =	vld.idx.msk [tilespmem:v14+s16+$0x0], $0xffff;
	v14 =	vor.u32 s25, v7;
	s25 =	sadd.s32 $0xFFFFFFFE, s23  }
0x130: {  	v10 =	vmul.f32 v10, v17;
	v8 =	vadd.f32 v9, v8;
	v20 =	vld.idx.msk [tilespmem:v20+s18+$0x0], $0xffff;
	v22 =	vor.u32 s25, v2  }
0x131: {  	v23 =	vor.u32 s25, v7;
	s25 =	sadd.s32 $0xFFFFFFFF, s23;
	v9 =	vld.idx.msk [tilespmem:v18+s16+$0x0], $0xffff  }
.Ltmp3:
0x132: {  	v15 =	vmul.f32 v12, v15;
	v18 =	vor.u32 s25, v2;
	v10 =	vadd.f32 v10, v8;
	v12 =	vld.idx.msk [tilespmem:v19+s18+$0x0], $0xffff;
	(pc) =	sbr.rel @p0 .LBB2_9-.Ltmp3, $4  }
0x133: {  	v17 =	vor.u32 s25, v7;
	v8 =	vld.idx.msk [tilespmem:v16+s16+$0x0], $0xffff  }
0x134: {  	v13 =	vmul.f32 v11, v13;
	v19 =	vadd.f32 v15, v10;
	v11 =	vld.idx.msk [tilespmem:v14+s18+$0x0], $0xffff;
	v15 =	vor.u32 s23, v2  }
0x135: {  	s25 =	sadd.s32 $0xFFFFFFF1, s24;
	v14 =	vor.u32 s23, v7;
	s23 =	smov.u32 s24;
	v10 =	vld.idx.msk [tilespmem:v22+s16+$0x0], $0xffff  }
0x136: {  	v16 =	vor.u32 s25, v2;
	s24 =	sadd.s32 $0x10, s24;
	v20 =	vmul.f32 v20, v21;
	v19 =	vadd.f32 v13, v19;
	v13 =	vld.idx.msk [tilespmem:v23+s18+$0x0], $0xffff  }
0x137: {  	_ =	sdelay $0x3  }
0x138: {  	v21 =	vor.u32 s25, v7;
	s24 =	sadd.s32 $0xFFFFFFF2, s23;
	v18 =	vld.idx.msk [tilespmem:v18+s16+$0x0], $0xffff;
	v9 =	vmul.f32 v12, v9;
	v19 =	vadd.f32 v20, v19  }
0x139: {  	v17 =	vld.idx.msk [tilespmem:v17+s18+$0x0], $0xffff;
	v12 =	vor.u32 s24, v2  }
0x13a: {  	s29 =	sadd.s32 $0xFFFFFFF3, s23;
	v15 =	vld.idx.msk [tilespmem:v15+s16+$0x0], $0xffff;
	v20 =	vor.u32 s24, v7;
	v8 =	vmul.f32 v11, v8;
	v9 =	vadd.f32 v9, v19  }
0x13b: {  	v14 =	vld.idx.msk [tilespmem:v14+s18+$0x0], $0xffff;
	v11 =	vor.u32 s29, v2  }
0x13c: {  	v16 =	vld.idx.msk [tilespmem:v16+s16+$0x0], $0xffff;
	s30 =	sadd.s32 $0xFFFFFFF4, s23;
	v19 =	vor.u32 s29, v7;
	v8 =	vadd.f32 v8, v9;
	v9 =	vmul.f32 v13, v10  }
0x13d: {  	v10 =	vld.idx.msk [tilespmem:v21+s18+$0x0], $0xffff;
	v13 =	vor.u32 s30, v2  }
0x13e: {  	s31 =	sadd.s32 $0xFFFFFFF5, s23;
	v21 =	vor.u32 s30, v7;
	v12 =	vld.idx.msk [tilespmem:v12+s16+$0x0], $0xffff;
	v8 =	vadd.f32 v9, v8;
	v9 =	vmul.f32 v17, v18  }
0x13f: {  	v17 =	vld.idx.msk [tilespmem:v20+s18+$0x0], $0xffff;
	v18 =	vor.u32 s31, v2  }
0x140: {  	s25 =	sadd.s32 $0xFFFFFFF6, s23;
	v11 =	vld.idx.msk [tilespmem:v11+s16+$0x0], $0xffff;
	v20 =	vor.u32 s31, v7;
	v8 =	vadd.f32 v9, v8;
	v9 =	vmul.f32 v14, v15  }
0x141: {  	v14 =	vld.idx.msk [tilespmem:v19+s18+$0x0], $0xffff;
	v15 =	vor.u32 s25, v2  }
0x142: {  	s26 =	sadd.s32 $0xFFFFFFF7, s23;
	v19 =	vor.u32 s25, v7;
	v13 =	vld.idx.msk [tilespmem:v13+s16+$0x0], $0xffff;
	v10 =	vmul.f32 v10, v16;
	v8 =	vadd.f32 v9, v8  }
0x143: {  	v16 =	vor.u32 s26, v2;
	v9 =	vld.idx.msk [tilespmem:v21+s18+$0x0], $0xffff  }
0x144: {  	s28 =	sadd.s32 $0xFFFFFFF8, s23;
	v21 =	vor.u32 s26, v7;
	v18 =	vld.idx.msk [tilespmem:v18+s16+$0x0], $0xffff;
	v8 =	vadd.f32 v10, v8;
	v10 =	vmul.f32 v17, v12  }
0x145: {  	v12 =	vld.idx.msk [tilespmem:v20+s18+$0x0], $0xffff;
	v17 =	vor.u32 s28, v2  }
0x146: {  	s29 =	sadd.s32 $0xFFFFFFF9, s23;
	v20 =	vor.u32 s28, v7;
	v15 =	vld.idx.msk [tilespmem:v15+s16+$0x0], $0xffff;
	v8 =	vadd.f32 v10, v8;
	v10 =	vmul.f32 v14, v11  }
0x147: {  	v11 =	vld.idx.msk [tilespmem:v19+s18+$0x0], $0xffff;
	v14 =	vor.u32 s29, v2  }
0x148: {  	s30 =	sadd.s32 $0xFFFFFFFA, s23;
	v16 =	vld.idx.msk [tilespmem:v16+s16+$0x0], $0xffff;
	v19 =	vor.u32 s29, v7;
	v9 =	vmul.f32 v9, v13;
	v8 =	vadd.f32 v10, v8  }
0x149: {  	v13 =	vor.u32 s30, v2;
	v10 =	vld.idx.msk [tilespmem:v21+s18+$0x0], $0xffff  }
0x14a: {  	s31 =	sadd.s32 $0xFFFFFFFB, s23;
	v21 =	vor.u32 s30, v7;
	v17 =	vld.idx.msk [tilespmem:v17+s16+$0x0], $0xffff;
	v8 =	vadd.f32 v9, v8;
	v9 =	vmul.f32 v12, v18  }
0x14b: {  	v12 =	vld.idx.msk [tilespmem:v20+s18+$0x0], $0xffff;
	v18 =	vor.u32 s31, v2  }
0x14c: {  	s25 =	sadd.s32 $0xFFFFFFFC, s23;
	v20 =	vor.u32 s31, v7;
	v14 =	vld.idx.msk [tilespmem:v14+s16+$0x0], $0xffff;
	v8 =	vadd.f32 v9, v8;
	v9 =	vmul.f32 v11, v15  }
0x14d: {  	v11 =	vld.idx.msk [tilespmem:v19+s18+$0x0], $0xffff;
	v15 =	vor.u32 s25, v2  }
0x14e: {  	s26 =	sadd.s32 $0xFFFFFFFD, s23;
	v13 =	vld.idx.msk [tilespmem:v13+s16+$0x0], $0xffff;
	v19 =	vor.u32 s25, v7;
	v8 =	vadd.f32 v9, v8;
	v9 =	vmul.f32 v10, v16  }
0x14f: {  	v10 =	vld.idx.msk [tilespmem:v21+s18+$0x0], $0xffff;
	v16 =	vor.u32 s26, v2  }
0x150: {  	s28 =	sadd.s32 $0xFFFFFFFE, s23;
	v21 =	vor.u32 s26, v7;
	v18 =	vld.idx.msk [tilespmem:v18+s16+$0x0], $0xffff;
	v8 =	vadd.f32 v9, v8;
	v9 =	vmul.f32 v12, v17  }
0x151: {  	v12 =	vld.idx.msk [tilespmem:v20+s18+$0x0], $0xffff;
	v17 =	vor.u32 s28, v2  }
0x152: {  	s29 =	sadd.s32 $0xFFFFFFFF, s23;
	v20 =	vor.u32 s28, v7;
	v15 =	vld.idx.msk [tilespmem:v15+s16+$0x0], $0xffff;
	v8 =	vadd.f32 v9, v8;
	v9 =	vmul.f32 v11, v14  }
0x153: {  	v11 =	vld.idx.msk [tilespmem:v19+s18+$0x0], $0xffff;
	v14 =	vor.u32 s29, v2  }
0x154: {  	v19 =	vor.u32 s29, v7;
	v16 =	vld.idx.msk [tilespmem:v16+s16+$0x0], $0xffff;
	v8 =	vadd.f32 v9, v8;
	v9 =	vmul.f32 v10, v13  }
0x155: {  	v7 =	vor.u32 s23, v7;
	v10 =	vld.idx.msk [tilespmem:v21+s18+$0x0], $0xffff  }
0x156: {  	v13 =	vor.u32 s23, v2;
	v17 =	vld.idx.msk [tilespmem:v17+s16+$0x0], $0xffff;
	v8 =	vadd.f32 v9, v8;
	v9 =	vmul.f32 v12, v18  }
0x157: {  	v12 =	vld.idx.msk [tilespmem:v20+s18+$0x0], $0xffff  }
0x158: {  	v14 =	vld.idx.msk [tilespmem:v14+s16+$0x0], $0xffff;
	v8 =	vadd.f32 v9, v8;
	v9 =	vmul.f32 v11, v15  }
0x159: {  	v11 =	vld.idx.msk [tilespmem:v19+s18+$0x0], $0xffff  }
0x15a: {  	v7 =	vld.idx.msk [tilespmem:v7+s18+$0x0], $0xffff;
	v8 =	vadd.f32 v9, v8;
	v9 =	vmul.f32 v10, v16  }
0x15b: {  	v13 =	vld.idx.msk [tilespmem:v13+s16+$0x0], $0xffff  }
0x15c: {  	v8 =	vadd.f32 v9, v8;
	v9 =	vmul.f32 v12, v17;
	_ =	sdelay $0x1  }
0x15d: {  	v8 =	vadd.f32 v9, v8;
	v9 =	vmul.f32 v11, v14;
	_ =	sdelay $0x1  }
0x15e: {  	v7 =	vmul.f32 v7, v13;
	v8 =	vadd.f32 v9, v8;
	_ =	sdelay $0x1  }
0x15f: {  	v7 =	vadd.f32 v7, v8;
	_ =	sdelay $0x1  }
0x160: {  	v8 =	vmul.f32 $9.999999770e-03, v7  }
0x161: {  	vm0 =	vge.f32 v7, $0.0e+00  }
0x162: {  	v7 =	vsel vm0, v7, v8  }
0x163: {  	v7 =	vmul.f32 $1.250000000e-01, v7;
	_ =	sdelay $0x1  }
0x164: {  	v7 =	vmul.f32 $1.442695020e+00, v7  }
0x165: {  	v8 =	vld [tilespmem:$0xA0]  }
0x166: {  	(erf) = vpow2.f32 v7;
	_ =	sdelay $0x3  }
0x167: {  	v7 =	vshll.u32 v8, $0x6  }
0x168: {  	s30 =	simm.s32 $0x0;
	v7 =	vand.u32 $0x40, v7  }
0x169: {  	v8 =	vor.u32 s30, v3;
	v7 =	vor.u32 v3, v7  }
0x16a: {  	s31 =	simm.s32 $0x1;
	v9 =	vor.u32 s30, v7  }
0x16b: {  	v10 =	vor.u32 s31, v3  }
0x16c: {  	s24 =	simm.s32 $0x2;
	v12 =	vor.u32 s31, v7;
	v11 =	vpop (erf)  }
0x16d: {  	v13 =	vor.u32 s24, v7;
	[tilespmem:$0x5190] =	vst v11  }
0x16e: {  	s25 =	simm.s32 $0x3;
	v11 =	vor.u32 s24, v3;
	v8 =	vld.idx.msk [tilespmem:v8+s16+$0x0], $0xffff  }
0x16f: {  	v14 =	vor.u32 s25, v3;
	v9 =	vld.idx.msk [tilespmem:v9+s18+$0x0], $0xffff  }
0x170: {  	s26 =	simm.s32 $0x4;
	v15 =	vor.u32 s25, v7;
	v10 =	vld.idx.msk [tilespmem:v10+s16+$0x0], $0xffff  }
0x171: {  	v16 =	vor.u32 s26, v3;
	v12 =	vld.idx.msk [tilespmem:v12+s18+$0x0], $0xffff  }
0x172: {  	s28 =	simm.s32 $0x5;
	v17 =	vor.u32 s26, v7;
	v13 =	vld.idx.msk [tilespmem:v13+s18+$0x0], $0xffff  }
0x173: {  	v18 =	vor.u32 s28, v3;
	v11 =	vld.idx.msk [tilespmem:v11+s16+$0x0], $0xffff  }
0x174: {  	s29 =	simm.s32 $0x6;
	v19 =	vor.u32 s28, v7;
	v14 =	vld.idx.msk [tilespmem:v14+s16+$0x0], $0xffff;
	v8 =	vmul.f32 v9, v8  }
0x175: {  	v20 =	vimm.f32 $0.0e+00;
	v9 =	vld.idx.msk [tilespmem:v15+s18+$0x0], $0xffff;
	v15 =	vor.u32 s29, v3  }
0x176: {  	v21 =	vor.u32 s29, v7;
	s30 =	simm.s32 $0x7;
	v16 =	vld.idx.msk [tilespmem:v16+s16+$0x0], $0xffff;
	v10 =	vmul.f32 v12, v10;
	v8 =	vadd.f32 v8, v20  }
0x177: {  	v12 =	vld.idx.msk [tilespmem:v17+s18+$0x0], $0xffff;
	v17 =	vor.u32 s30, v3  }
0x178: {  	s31 =	simm.s32 $0x8;
	v18 =	vld.idx.msk [tilespmem:v18+s16+$0x0], $0xffff;
	v20 =	vor.u32 s30, v7;
	v8 =	vadd.f32 v10, v8;
	v10 =	vmul.f32 v13, v11  }
0x179: {  	v11 =	vld.idx.msk [tilespmem:v19+s18+$0x0], $0xffff;
	v13 =	vor.u32 s31, v3  }
0x17a: {  	s24 =	simm.s32 $0x9;
	v19 =	vor.u32 s31, v7;
	v15 =	vld.idx.msk [tilespmem:v15+s16+$0x0], $0xffff;
	v9 =	vmul.f32 v9, v14;
	v8 =	vadd.f32 v10, v8  }
0x17b: {  	v14 =	vor.u32 s24, v3;
	v10 =	vld.idx.msk [tilespmem:v21+s18+$0x0], $0xffff  }
0x17c: {  	s25 =	simm.s32 $0xA;
	v17 =	vld.idx.msk [tilespmem:v17+s16+$0x0], $0xffff;
	v21 =	vor.u32 s24, v7;
	v8 =	vadd.f32 v9, v8;
	v9 =	vmul.f32 v12, v16  }
0x17d: {  	v12 =	vld.idx.msk [tilespmem:v20+s18+$0x0], $0xffff;
	v16 =	vor.u32 s25, v3  }
0x17e: {  	s26 =	simm.s32 $0xB;
	v20 =	vor.u32 s25, v7;
	v13 =	vld.idx.msk [tilespmem:v13+s16+$0x0], $0xffff;
	v8 =	vadd.f32 v9, v8;
	v9 =	vmul.f32 v11, v18  }
0x17f: {  	v11 =	vld.idx.msk [tilespmem:v19+s18+$0x0], $0xffff;
	v18 =	vor.u32 s26, v3  }
0x180: {  	s28 =	simm.s32 $0xC;
	v14 =	vld.idx.msk [tilespmem:v14+s16+$0x0], $0xffff;
	v19 =	vor.u32 s26, v7;
	v8 =	vadd.f32 v9, v8;
	v9 =	vmul.f32 v10, v15  }
0x181: {  	s29 =	simm.s32 $0xD;
	v10 =	vld.idx.msk [tilespmem:v21+s18+$0x0], $0xffff;
	v15 =	vor.u32 s28, v3  }
0x182: {  	v22 =	vor.u32 s29, v3;
	v21 =	vld.idx.msk [tilespmem:v16+s16+$0x0], $0xffff;
	v12 =	vmul.f32 v12, v17;
	v8 =	vadd.f32 v9, v8  }
0x183: {  	v16 =	vor.u32 s28, v7;
	v20 =	vld.idx.msk [tilespmem:v20+s18+$0x0], $0xffff  }
0x184: {  	v23 =	vor.u32 s29, v7;
	s30 =	simm.s32 $0xE;
	v9 =	vld.idx.msk [tilespmem:v18+s16+$0x0], $0xffff;
	v11 =	vmul.f32 v11, v13;
	v17 =	vadd.f32 v12, v8  }
0x185: {  	v18 =	vor.u32 s30, v3;
	v12 =	vld.idx.msk [tilespmem:v19+s18+$0x0], $0xffff  }
0x186: {  	s31 =	simm.s32 $0xF;
	v8 =	vld.idx.msk [tilespmem:v15+s16+$0x0], $0xffff;
	v13 =	vadd.f32 v11, v17;
	v17 =	vor.u32 s30, v7  }
0x187: {  	v19 =	vmul.f32 v10, v14;
	v15 =	vor.u32 s31, v3;
	v10 =	vld.idx.msk [tilespmem:v22+s16+$0x0], $0xffff  }
0x188: {  	s25 =	simm.s32 $0x10;
	v14 =	vor.u32 s31, v7;
	v11 =	vld.idx.msk [tilespmem:v16+s18+$0x0], $0xffff  }
0x189: {  	s23 =	simm.s32 $0x1F;
	s24 =	simm.s32 $0x2F;
	v16 =	vor.u32 s25, v3;
	v20 =	vmul.f32 v20, v21;
	v19 =	vadd.f32 v19, v13;
	v13 =	vld.idx.msk [tilespmem:v23+s18+$0x0], $0xffff  }
.LBB2_11:
0x18a: {  	p0 =	sne.s32 s24, $0x3F;
	v21 =	vor.u32 s25, v7;
	s25 =	sadd.s32 $0xFFFFFFF2, s23;
	v18 =	vld.idx.msk [tilespmem:v18+s16+$0x0], $0xffff  }
0x18b: {  	v9 =	vmul.f32 v12, v9;
	v22 =	vor.u32 s25, v3;
	v19 =	vadd.f32 v20, v19;
	v12 =	vld.idx.msk [tilespmem:v17+s18+$0x0], $0xffff  }
0x18c: {  	v17 =	vor.u32 s25, v7;
	s25 =	sadd.s32 $0xFFFFFFF3, s23;
	v15 =	vld.idx.msk [tilespmem:v15+s16+$0x0], $0xffff  }
0x18d: {  	v20 =	vor.u32 s25, v3;
	v8 =	vmul.f32 v11, v8;
	v9 =	vadd.f32 v9, v19;
	v11 =	vld.idx.msk [tilespmem:v14+s18+$0x0], $0xffff  }
0x18e: {  	v14 =	vld.idx.msk [tilespmem:v16+s16+$0x0], $0xffff;
	v16 =	vor.u32 s25, v7;
	s25 =	sadd.s32 $0xFFFFFFF4, s23  }
0x18f: {  	v19 =	vld.idx.msk [tilespmem:v21+s18+$0x0], $0xffff;
	v21 =	vor.u32 s25, v3;
	v8 =	vadd.f32 v8, v9;
	v9 =	vmul.f32 v13, v10  }
0x190: {  	v13 =	vor.u32 s25, v7;
	s25 =	sadd.s32 $0xFFFFFFF5, s23;
	v10 =	vld.idx.msk [tilespmem:v22+s16+$0x0], $0xffff  }
0x191: {  	v22 =	vor.u32 s25, v3;
	v17 =	vld.idx.msk [tilespmem:v17+s18+$0x0], $0xffff;
	v8 =	vadd.f32 v9, v8;
	v9 =	vmul.f32 v12, v18  }
0x192: {  	v18 =	vor.u32 s25, v7;
	s25 =	sadd.s32 $0xFFFFFFF6, s23;
	v12 =	vld.idx.msk [tilespmem:v20+s16+$0x0], $0xffff  }
0x193: {  	v20 =	vor.u32 s25, v3;
	v16 =	vld.idx.msk [tilespmem:v16+s18+$0x0], $0xffff;
	v8 =	vadd.f32 v9, v8;
	v9 =	vmul.f32 v11, v15  }
0x194: {  	v15 =	vor.u32 s25, v7;
	s25 =	sadd.s32 $0xFFFFFFF7, s23;
	v11 =	vld.idx.msk [tilespmem:v21+s16+$0x0], $0xffff  }
0x195: {  	v14 =	vmul.f32 v19, v14;
	v19 =	vor.u32 s25, v3;
	v13 =	vld.idx.msk [tilespmem:v13+s18+$0x0], $0xffff;
	v8 =	vadd.f32 v9, v8  }
0x196: {  	v21 =	vor.u32 s25, v7;
	s25 =	sadd.s32 $0xFFFFFFF8, s23;
	v9 =	vld.idx.msk [tilespmem:v22+s16+$0x0], $0xffff  }
0x197: {  	v10 =	vmul.f32 v17, v10;
	v17 =	vor.u32 s25, v3;
	v8 =	vadd.f32 v14, v8;
	v14 =	vld.idx.msk [tilespmem:v18+s18+$0x0], $0xffff  }
0x198: {  	v18 =	vld.idx.msk [tilespmem:v20+s16+$0x0], $0xffff;
	v20 =	vor.u32 s25, v7;
	s25 =	sadd.s32 $0xFFFFFFF9, s23  }
0x199: {  	v8 =	vadd.f32 v10, v8;
	v10 =	vmul.f32 v16, v12;
	v12 =	vld.idx.msk [tilespmem:v15+s18+$0x0], $0xffff;
	v15 =	vor.u32 s25, v3  }
0x19a: {  	v16 =	vld.idx.msk [tilespmem:v19+s16+$0x0], $0xffff;
	v19 =	vor.u32 s25, v7;
	s25 =	sadd.s32 $0xFFFFFFFA, s23  }
0x19b: {  	v8 =	vadd.f32 v10, v8;
	v10 =	vmul.f32 v13, v11;
	v11 =	vld.idx.msk [tilespmem:v21+s18+$0x0], $0xffff;
	v13 =	vor.u32 s25, v3  }
0x19c: {  	v21 =	vor.u32 s25, v7;
	s25 =	sadd.s32 $0xFFFFFFFB, s23;
	v17 =	vld.idx.msk [tilespmem:v17+s16+$0x0], $0xffff  }
0x19d: {  	v9 =	vmul.f32 v14, v9;
	v14 =	vor.u32 s25, v3;
	v8 =	vadd.f32 v10, v8;
	v10 =	vld.idx.msk [tilespmem:v20+s18+$0x0], $0xffff  }
0x19e: {  	v20 =	vor.u32 s25, v7;
	s25 =	sadd.s32 $0xFFFFFFFC, s23;
	v15 =	vld.idx.msk [tilespmem:v15+s16+$0x0], $0xffff  }
0x19f: {  	v8 =	vadd.f32 v9, v8;
	v9 =	vmul.f32 v12, v18;
	v12 =	vld.idx.msk [tilespmem:v19+s18+$0x0], $0xffff;
	v18 =	vor.u32 s25, v3  }
0x1a0: {  	v19 =	vor.u32 s25, v7;
	s25 =	sadd.s32 $0xFFFFFFFD, s23;
	v13 =	vld.idx.msk [tilespmem:v13+s16+$0x0], $0xffff  }
0x1a1: {  	v8 =	vadd.f32 v9, v8;
	v9 =	vmul.f32 v11, v16;
	v11 =	vld.idx.msk [tilespmem:v21+s18+$0x0], $0xffff;
	v16 =	vor.u32 s25, v3  }
0x1a2: {  	v21 =	vld.idx.msk [tilespmem:v14+s16+$0x0], $0xffff;
	v14 =	vor.u32 s25, v7;
	s25 =	sadd.s32 $0xFFFFFFFE, s23  }
0x1a3: {  	v10 =	vmul.f32 v10, v17;
	v8 =	vadd.f32 v9, v8;
	v20 =	vld.idx.msk [tilespmem:v20+s18+$0x0], $0xffff;
	v22 =	vor.u32 s25, v3  }
0x1a4: {  	v23 =	vor.u32 s25, v7;
	s25 =	sadd.s32 $0xFFFFFFFF, s23;
	v9 =	vld.idx.msk [tilespmem:v18+s16+$0x0], $0xffff  }
.Ltmp4:
0x1a5: {  	v15 =	vmul.f32 v12, v15;
	v18 =	vor.u32 s25, v3;
	v10 =	vadd.f32 v10, v8;
	v12 =	vld.idx.msk [tilespmem:v19+s18+$0x0], $0xffff;
	(pc) =	sbr.rel @p0 .LBB2_11-.Ltmp4, $4  }
0x1a6: {  	v17 =	vor.u32 s25, v7;
	v8 =	vld.idx.msk [tilespmem:v16+s16+$0x0], $0xffff  }
0x1a7: {  	v13 =	vmul.f32 v11, v13;
	v19 =	vadd.f32 v15, v10;
	v11 =	vld.idx.msk [tilespmem:v14+s18+$0x0], $0xffff;
	v15 =	vor.u32 s23, v3  }
0x1a8: {  	s25 =	sadd.s32 $0xFFFFFFF1, s24;
	v14 =	vor.u32 s23, v7;
	s23 =	smov.u32 s24;
	v10 =	vld.idx.msk [tilespmem:v22+s16+$0x0], $0xffff  }
0x1a9: {  	v16 =	vor.u32 s25, v3;
	s24 =	sadd.s32 $0x10, s24;
	v20 =	vmul.f32 v20, v21;
	v19 =	vadd.f32 v13, v19;
	v13 =	vld.idx.msk [tilespmem:v23+s18+$0x0], $0xffff  }
0x1aa: {  	_ =	sdelay $0x3  }
0x1ab: {  	v21 =	vor.u32 s25, v7;
	s24 =	sadd.s32 $0xFFFFFFF2, s23;
	v18 =	vld.idx.msk [tilespmem:v18+s16+$0x0], $0xffff;
	v9 =	vmul.f32 v12, v9;
	v19 =	vadd.f32 v20, v19  }
0x1ac: {  	v17 =	vld.idx.msk [tilespmem:v17+s18+$0x0], $0xffff;
	v12 =	vor.u32 s24, v3  }
0x1ad: {  	s29 =	sadd.s32 $0xFFFFFFF3, s23;
	v15 =	vld.idx.msk [tilespmem:v15+s16+$0x0], $0xffff;
	v20 =	vor.u32 s24, v7;
	v8 =	vmul.f32 v11, v8;
	v9 =	vadd.f32 v9, v19  }
0x1ae: {  	v14 =	vld.idx.msk [tilespmem:v14+s18+$0x0], $0xffff;
	v11 =	vor.u32 s29, v3  }
0x1af: {  	v16 =	vld.idx.msk [tilespmem:v16+s16+$0x0], $0xffff;
	s30 =	sadd.s32 $0xFFFFFFF4, s23;
	v19 =	vor.u32 s29, v7;
	v8 =	vadd.f32 v8, v9;
	v9 =	vmul.f32 v13, v10  }
0x1b0: {  	v10 =	vld.idx.msk [tilespmem:v21+s18+$0x0], $0xffff;
	v13 =	vor.u32 s30, v3  }
0x1b1: {  	s31 =	sadd.s32 $0xFFFFFFF5, s23;
	v21 =	vor.u32 s30, v7;
	v12 =	vld.idx.msk [tilespmem:v12+s16+$0x0], $0xffff;
	v8 =	vadd.f32 v9, v8;
	v9 =	vmul.f32 v17, v18  }
0x1b2: {  	v17 =	vld.idx.msk [tilespmem:v20+s18+$0x0], $0xffff;
	v18 =	vor.u32 s31, v3  }
0x1b3: {  	s25 =	sadd.s32 $0xFFFFFFF6, s23;
	v11 =	vld.idx.msk [tilespmem:v11+s16+$0x0], $0xffff;
	v20 =	vor.u32 s31, v7;
	v8 =	vadd.f32 v9, v8;
	v9 =	vmul.f32 v14, v15  }
0x1b4: {  	v14 =	vld.idx.msk [tilespmem:v19+s18+$0x0], $0xffff;
	v15 =	vor.u32 s25, v3  }
0x1b5: {  	s26 =	sadd.s32 $0xFFFFFFF7, s23;
	v19 =	vor.u32 s25, v7;
	v13 =	vld.idx.msk [tilespmem:v13+s16+$0x0], $0xffff;
	v10 =	vmul.f32 v10, v16;
	v8 =	vadd.f32 v9, v8  }
0x1b6: {  	v16 =	vor.u32 s26, v3;
	v9 =	vld.idx.msk [tilespmem:v21+s18+$0x0], $0xffff  }
0x1b7: {  	s28 =	sadd.s32 $0xFFFFFFF8, s23;
	v21 =	vor.u32 s26, v7;
	v18 =	vld.idx.msk [tilespmem:v18+s16+$0x0], $0xffff;
	v8 =	vadd.f32 v10, v8;
	v10 =	vmul.f32 v17, v12  }
0x1b8: {  	v12 =	vld.idx.msk [tilespmem:v20+s18+$0x0], $0xffff;
	v17 =	vor.u32 s28, v3  }
0x1b9: {  	s29 =	sadd.s32 $0xFFFFFFF9, s23;
	v20 =	vor.u32 s28, v7;
	v15 =	vld.idx.msk [tilespmem:v15+s16+$0x0], $0xffff;
	v8 =	vadd.f32 v10, v8;
	v10 =	vmul.f32 v14, v11  }
0x1ba: {  	v11 =	vld.idx.msk [tilespmem:v19+s18+$0x0], $0xffff;
	v14 =	vor.u32 s29, v3  }
0x1bb: {  	s30 =	sadd.s32 $0xFFFFFFFA, s23;
	v16 =	vld.idx.msk [tilespmem:v16+s16+$0x0], $0xffff;
	v19 =	vor.u32 s29, v7;
	v9 =	vmul.f32 v9, v13;
	v8 =	vadd.f32 v10, v8  }
0x1bc: {  	v13 =	vor.u32 s30, v3;
	v10 =	vld.idx.msk [tilespmem:v21+s18+$0x0], $0xffff  }
0x1bd: {  	s31 =	sadd.s32 $0xFFFFFFFB, s23;
	v21 =	vor.u32 s30, v7;
	v17 =	vld.idx.msk [tilespmem:v17+s16+$0x0], $0xffff;
	v8 =	vadd.f32 v9, v8;
	v9 =	vmul.f32 v12, v18  }
0x1be: {  	v12 =	vld.idx.msk [tilespmem:v20+s18+$0x0], $0xffff;
	v18 =	vor.u32 s31, v3  }
0x1bf: {  	s25 =	sadd.s32 $0xFFFFFFFC, s23;
	v20 =	vor.u32 s31, v7;
	v14 =	vld.idx.msk [tilespmem:v14+s16+$0x0], $0xffff;
	v8 =	vadd.f32 v9, v8;
	v9 =	vmul.f32 v11, v15  }
0x1c0: {  	v11 =	vld.idx.msk [tilespmem:v19+s18+$0x0], $0xffff;
	v15 =	vor.u32 s25, v3  }
0x1c1: {  	s26 =	sadd.s32 $0xFFFFFFFD, s23;
	v13 =	vld.idx.msk [tilespmem:v13+s16+$0x0], $0xffff;
	v19 =	vor.u32 s25, v7;
	v8 =	vadd.f32 v9, v8;
	v9 =	vmul.f32 v10, v16  }
0x1c2: {  	v10 =	vld.idx.msk [tilespmem:v21+s18+$0x0], $0xffff;
	v16 =	vor.u32 s26, v3  }
0x1c3: {  	s28 =	sadd.s32 $0xFFFFFFFE, s23;
	v21 =	vor.u32 s26, v7;
	v18 =	vld.idx.msk [tilespmem:v18+s16+$0x0], $0xffff;
	v8 =	vadd.f32 v9, v8;
	v9 =	vmul.f32 v12, v17  }
0x1c4: {  	v12 =	vld.idx.msk [tilespmem:v20+s18+$0x0], $0xffff;
	v17 =	vor.u32 s28, v3  }
0x1c5: {  	s29 =	sadd.s32 $0xFFFFFFFF, s23;
	v20 =	vor.u32 s28, v7;
	v15 =	vld.idx.msk [tilespmem:v15+s16+$0x0], $0xffff;
	v8 =	vadd.f32 v9, v8;
	v9 =	vmul.f32 v11, v14  }
0x1c6: {  	v11 =	vld.idx.msk [tilespmem:v19+s18+$0x0], $0xffff;
	v14 =	vor.u32 s29, v3  }
0x1c7: {  	v19 =	vor.u32 s29, v7;
	v16 =	vld.idx.msk [tilespmem:v16+s16+$0x0], $0xffff;
	v8 =	vadd.f32 v9, v8;
	v9 =	vmul.f32 v10, v13  }
0x1c8: {  	v7 =	vor.u32 s23, v7;
	v10 =	vld.idx.msk [tilespmem:v21+s18+$0x0], $0xffff  }
0x1c9: {  	v13 =	vor.u32 s23, v3;
	v17 =	vld.idx.msk [tilespmem:v17+s16+$0x0], $0xffff;
	v8 =	vadd.f32 v9, v8;
	v9 =	vmul.f32 v12, v18  }
0x1ca: {  	v12 =	vld.idx.msk [tilespmem:v20+s18+$0x0], $0xffff  }
0x1cb: {  	v14 =	vld.idx.msk [tilespmem:v14+s16+$0x0], $0xffff;
	v8 =	vadd.f32 v9, v8;
	v9 =	vmul.f32 v11, v15  }
0x1cc: {  	v11 =	vld.idx.msk [tilespmem:v19+s18+$0x0], $0xffff  }
0x1cd: {  	v7 =	vld.idx.msk [tilespmem:v7+s18+$0x0], $0xffff;
	v8 =	vadd.f32 v9, v8;
	v9 =	vmul.f32 v10, v16  }
0x1ce: {  	v13 =	vld.idx.msk [tilespmem:v13+s16+$0x0], $0xffff  }
0x1cf: {  	v8 =	vadd.f32 v9, v8;
	v9 =	vmul.f32 v12, v17;
	_ =	sdelay $0x1  }
0x1d0: {  	v8 =	vadd.f32 v9, v8;
	v9 =	vmul.f32 v11, v14;
	_ =	sdelay $0x1  }
0x1d1: {  	v7 =	vmul.f32 v7, v13;
	v8 =	vadd.f32 v9, v8;
	_ =	sdelay $0x1  }
0x1d2: {  	v7 =	vadd.f32 v7, v8;
	_ =	sdelay $0x1  }
0x1d3: {  	v8 =	vmul.f32 $9.999999770e-03, v7  }
0x1d4: {  	vm0 =	vge.f32 v7, $0.0e+00  }
0x1d5: {  	v7 =	vsel vm0, v7, v8  }
0x1d6: {  	v7 =	vmul.f32 $1.250000000e-01, v7;
	_ =	sdelay $0x1  }
0x1d7: {  	v7 =	vmul.f32 $1.442695020e+00, v7  }
0x1d8: {  	v8 =	vld [tilespmem:$0xB0]  }
0x1d9: {  	(erf) = vpow2.f32 v7;
	_ =	sdelay $0x3  }
0x1da: {  	v7 =	vshll.u32 v8, $0x6  }
0x1db: {  	s30 =	simm.s32 $0x0;
	v7 =	vand.u32 $0x40, v7  }
0x1dc: {  	v8 =	vor.u32 s30, v4;
	v7 =	vor.u32 v4, v7  }
0x1dd: {  	s31 =	simm.s32 $0x1;
	v9 =	vor.u32 s30, v7  }
0x1de: {  	v10 =	vor.u32 s31, v4  }
0x1df: {  	s24 =	simm.s32 $0x2;
	v12 =	vor.u32 s31, v7;
	v11 =	vpop (erf)  }
0x1e0: {  	v13 =	vor.u32 s24, v7;
	[tilespmem:$0x51A0] =	vst v11  }
0x1e1: {  	s25 =	simm.s32 $0x3;
	v11 =	vor.u32 s24, v4;
	v8 =	vld.idx.msk [tilespmem:v8+s16+$0x0], $0xffff  }
0x1e2: {  	v14 =	vor.u32 s25, v4;
	v9 =	vld.idx.msk [tilespmem:v9+s18+$0x0], $0xffff  }
0x1e3: {  	s26 =	simm.s32 $0x4;
	v15 =	vor.u32 s25, v7;
	v10 =	vld.idx.msk [tilespmem:v10+s16+$0x0], $0xffff  }
0x1e4: {  	v16 =	vor.u32 s26, v4;
	v12 =	vld.idx.msk [tilespmem:v12+s18+$0x0], $0xffff  }
0x1e5: {  	s28 =	simm.s32 $0x5;
	v17 =	vor.u32 s26, v7;
	v13 =	vld.idx.msk [tilespmem:v13+s18+$0x0], $0xffff  }
0x1e6: {  	v18 =	vor.u32 s28, v4;
	v11 =	vld.idx.msk [tilespmem:v11+s16+$0x0], $0xffff  }
0x1e7: {  	s29 =	simm.s32 $0x6;
	v19 =	vor.u32 s28, v7;
	v14 =	vld.idx.msk [tilespmem:v14+s16+$0x0], $0xffff;
	v8 =	vmul.f32 v9, v8  }
0x1e8: {  	v20 =	vimm.f32 $0.0e+00;
	v9 =	vld.idx.msk [tilespmem:v15+s18+$0x0], $0xffff;
	v15 =	vor.u32 s29, v4  }
0x1e9: {  	v21 =	vor.u32 s29, v7;
	s30 =	simm.s32 $0x7;
	v16 =	vld.idx.msk [tilespmem:v16+s16+$0x0], $0xffff;
	v10 =	vmul.f32 v12, v10;
	v8 =	vadd.f32 v8, v20  }
0x1ea: {  	v12 =	vld.idx.msk [tilespmem:v17+s18+$0x0], $0xffff;
	v17 =	vor.u32 s30, v4  }
0x1eb: {  	s31 =	simm.s32 $0x8;
	v18 =	vld.idx.msk [tilespmem:v18+s16+$0x0], $0xffff;
	v20 =	vor.u32 s30, v7;
	v8 =	vadd.f32 v10, v8;
	v10 =	vmul.f32 v13, v11  }
0x1ec: {  	v11 =	vld.idx.msk [tilespmem:v19+s18+$0x0], $0xffff;
	v13 =	vor.u32 s31, v4  }
0x1ed: {  	s24 =	simm.s32 $0x9;
	v19 =	vor.u32 s31, v7;
	v15 =	vld.idx.msk [tilespmem:v15+s16+$0x0], $0xffff;
	v9 =	vmul.f32 v9, v14;
	v8 =	vadd.f32 v10, v8  }
0x1ee: {  	v14 =	vor.u32 s24, v4;
	v10 =	vld.idx.msk [tilespmem:v21+s18+$0x0], $0xffff  }
0x1ef: {  	s25 =	simm.s32 $0xA;
	v17 =	vld.idx.msk [tilespmem:v17+s16+$0x0], $0xffff;
	v21 =	vor.u32 s24, v7;
	v8 =	vadd.f32 v9, v8;
	v9 =	vmul.f32 v12, v16  }
0x1f0: {  	v12 =	vld.idx.msk [tilespmem:v20+s18+$0x0], $0xffff;
	v16 =	vor.u32 s25, v4  }
0x1f1: {  	s26 =	simm.s32 $0xB;
	v20 =	vor.u32 s25, v7;
	v13 =	vld.idx.msk [tilespmem:v13+s16+$0x0], $0xffff;
	v8 =	vadd.f32 v9, v8;
	v9 =	vmul.f32 v11, v18  }
0x1f2: {  	v11 =	vld.idx.msk [tilespmem:v19+s18+$0x0], $0xffff;
	v18 =	vor.u32 s26, v4  }
0x1f3: {  	s28 =	simm.s32 $0xC;
	v14 =	vld.idx.msk [tilespmem:v14+s16+$0x0], $0xffff;
	v19 =	vor.u32 s26, v7;
	v8 =	vadd.f32 v9, v8;
	v9 =	vmul.f32 v10, v15  }
0x1f4: {  	s29 =	simm.s32 $0xD;
	v10 =	vld.idx.msk [tilespmem:v21+s18+$0x0], $0xffff;
	v15 =	vor.u32 s28, v4  }
0x1f5: {  	v22 =	vor.u32 s29, v4;
	v21 =	vld.idx.msk [tilespmem:v16+s16+$0x0], $0xffff;
	v12 =	vmul.f32 v12, v17;
	v8 =	vadd.f32 v9, v8  }
0x1f6: {  	v16 =	vor.u32 s28, v7;
	v20 =	vld.idx.msk [tilespmem:v20+s18+$0x0], $0xffff  }
0x1f7: {  	v23 =	vor.u32 s29, v7;
	s30 =	simm.s32 $0xE;
	v9 =	vld.idx.msk [tilespmem:v18+s16+$0x0], $0xffff;
	v11 =	vmul.f32 v11, v13;
	v17 =	vadd.f32 v12, v8  }
0x1f8: {  	v18 =	vor.u32 s30, v4;
	v12 =	vld.idx.msk [tilespmem:v19+s18+$0x0], $0xffff  }
0x1f9: {  	s31 =	simm.s32 $0xF;
	v8 =	vld.idx.msk [tilespmem:v15+s16+$0x0], $0xffff;
	v13 =	vadd.f32 v11, v17;
	v17 =	vor.u32 s30, v7  }
0x1fa: {  	v19 =	vmul.f32 v10, v14;
	v15 =	vor.u32 s31, v4;
	v10 =	vld.idx.msk [tilespmem:v22+s16+$0x0], $0xffff  }
0x1fb: {  	s25 =	simm.s32 $0x10;
	v14 =	vor.u32 s31, v7;
	v11 =	vld.idx.msk [tilespmem:v16+s18+$0x0], $0xffff  }
0x1fc: {  	s23 =	simm.s32 $0x1F;
	s24 =	simm.s32 $0x2F;
	v16 =	vor.u32 s25, v4;
	v20 =	vmul.f32 v20, v21;
	v19 =	vadd.f32 v19, v13;
	v13 =	vld.idx.msk [tilespmem:v23+s18+$0x0], $0xffff  }
.LBB2_13:
0x1fd: {  	p0 =	sne.s32 s24, $0x3F;
	v21 =	vor.u32 s25, v7;
	s25 =	sadd.s32 $0xFFFFFFF2, s23;
	v18 =	vld.idx.msk [tilespmem:v18+s16+$0x0], $0xffff  }
0x1fe: {  	v9 =	vmul.f32 v12, v9;
	v22 =	vor.u32 s25, v4;
	v19 =	vadd.f32 v20, v19;
	v12 =	vld.idx.msk [tilespmem:v17+s18+$0x0], $0xffff  }
0x1ff: {  	v17 =	vor.u32 s25, v7;
	s25 =	sadd.s32 $0xFFFFFFF3, s23;
	v15 =	vld.idx.msk [tilespmem:v15+s16+$0x0], $0xffff  }
0x200: {  	v20 =	vor.u32 s25, v4;
	v8 =	vmul.f32 v11, v8;
	v9 =	vadd.f32 v9, v19;
	v11 =	vld.idx.msk [tilespmem:v14+s18+$0x0], $0xffff  }
0x201: {  	v14 =	vld.idx.msk [tilespmem:v16+s16+$0x0], $0xffff;
	v16 =	vor.u32 s25, v7;
	s25 =	sadd.s32 $0xFFFFFFF4, s23  }
0x202: {  	v19 =	vld.idx.msk [tilespmem:v21+s18+$0x0], $0xffff;
	v21 =	vor.u32 s25, v4;
	v8 =	vadd.f32 v8, v9;
	v9 =	vmul.f32 v13, v10  }
0x203: {  	v13 =	vor.u32 s25, v7;
	s25 =	sadd.s32 $0xFFFFFFF5, s23;
	v10 =	vld.idx.msk [tilespmem:v22+s16+$0x0], $0xffff  }
0x204: {  	v22 =	vor.u32 s25, v4;
	v17 =	vld.idx.msk [tilespmem:v17+s18+$0x0], $0xffff;
	v8 =	vadd.f32 v9, v8;
	v9 =	vmul.f32 v12, v18  }
0x205: {  	v18 =	vor.u32 s25, v7;
	s25 =	sadd.s32 $0xFFFFFFF6, s23;
	v12 =	vld.idx.msk [tilespmem:v20+s16+$0x0], $0xffff  }
0x206: {  	v20 =	vor.u32 s25, v4;
	v16 =	vld.idx.msk [tilespmem:v16+s18+$0x0], $0xffff;
	v8 =	vadd.f32 v9, v8;
	v9 =	vmul.f32 v11, v15  }
0x207: {  	v15 =	vor.u32 s25, v7;
	s25 =	sadd.s32 $0xFFFFFFF7, s23;
	v11 =	vld.idx.msk [tilespmem:v21+s16+$0x0], $0xffff  }
0x208: {  	v14 =	vmul.f32 v19, v14;
	v19 =	vor.u32 s25, v4;
	v13 =	vld.idx.msk [tilespmem:v13+s18+$0x0], $0xffff;
	v8 =	vadd.f32 v9, v8  }
0x209: {  	v21 =	vor.u32 s25, v7;
	s25 =	sadd.s32 $0xFFFFFFF8, s23;
	v9 =	vld.idx.msk [tilespmem:v22+s16+$0x0], $0xffff  }
0x20a: {  	v10 =	vmul.f32 v17, v10;
	v17 =	vor.u32 s25, v4;
	v8 =	vadd.f32 v14, v8;
	v14 =	vld.idx.msk [tilespmem:v18+s18+$0x0], $0xffff  }
0x20b: {  	v18 =	vld.idx.msk [tilespmem:v20+s16+$0x0], $0xffff;
	v20 =	vor.u32 s25, v7;
	s25 =	sadd.s32 $0xFFFFFFF9, s23  }
0x20c: {  	v8 =	vadd.f32 v10, v8;
	v10 =	vmul.f32 v16, v12;
	v12 =	vld.idx.msk [tilespmem:v15+s18+$0x0], $0xffff;
	v15 =	vor.u32 s25, v4  }
0x20d: {  	v16 =	vld.idx.msk [tilespmem:v19+s16+$0x0], $0xffff;
	v19 =	vor.u32 s25, v7;
	s25 =	sadd.s32 $0xFFFFFFFA, s23  }
0x20e: {  	v8 =	vadd.f32 v10, v8;
	v10 =	vmul.f32 v13, v11;
	v11 =	vld.idx.msk [tilespmem:v21+s18+$0x0], $0xffff;
	v13 =	vor.u32 s25, v4  }
0x20f: {  	v21 =	vor.u32 s25, v7;
	s25 =	sadd.s32 $0xFFFFFFFB, s23;
	v17 =	vld.idx.msk [tilespmem:v17+s16+$0x0], $0xffff  }
0x210: {  	v9 =	vmul.f32 v14, v9;
	v14 =	vor.u32 s25, v4;
	v8 =	vadd.f32 v10, v8;
	v10 =	vld.idx.msk [tilespmem:v20+s18+$0x0], $0xffff  }
0x211: {  	v20 =	vor.u32 s25, v7;
	s25 =	sadd.s32 $0xFFFFFFFC, s23;
	v15 =	vld.idx.msk [tilespmem:v15+s16+$0x0], $0xffff  }
0x212: {  	v8 =	vadd.f32 v9, v8;
	v9 =	vmul.f32 v12, v18;
	v12 =	vld.idx.msk [tilespmem:v19+s18+$0x0], $0xffff;
	v18 =	vor.u32 s25, v4  }
0x213: {  	v19 =	vor.u32 s25, v7;
	s25 =	sadd.s32 $0xFFFFFFFD, s23;
	v13 =	vld.idx.msk [tilespmem:v13+s16+$0x0], $0xffff  }
0x214: {  	v8 =	vadd.f32 v9, v8;
	v9 =	vmul.f32 v11, v16;
	v11 =	vld.idx.msk [tilespmem:v21+s18+$0x0], $0xffff;
	v16 =	vor.u32 s25, v4  }
0x215: {  	v21 =	vld.idx.msk [tilespmem:v14+s16+$0x0], $0xffff;
	v14 =	vor.u32 s25, v7;
	s25 =	sadd.s32 $0xFFFFFFFE, s23  }
0x216: {  	v10 =	vmul.f32 v10, v17;
	v8 =	vadd.f32 v9, v8;
	v20 =	vld.idx.msk [tilespmem:v20+s18+$0x0], $0xffff;
	v22 =	vor.u32 s25, v4  }
0x217: {  	v23 =	vor.u32 s25, v7;
	s25 =	sadd.s32 $0xFFFFFFFF, s23;
	v9 =	vld.idx.msk [tilespmem:v18+s16+$0x0], $0xffff  }
.Ltmp5:
0x218: {  	v15 =	vmul.f32 v12, v15;
	v18 =	vor.u32 s25, v4;
	v10 =	vadd.f32 v10, v8;
	v12 =	vld.idx.msk [tilespmem:v19+s18+$0x0], $0xffff;
	(pc) =	sbr.rel @p0 .LBB2_13-.Ltmp5, $4  }
0x219: {  	v17 =	vor.u32 s25, v7;
	v8 =	vld.idx.msk [tilespmem:v16+s16+$0x0], $0xffff  }
0x21a: {  	v13 =	vmul.f32 v11, v13;
	v19 =	vadd.f32 v15, v10;
	v11 =	vld.idx.msk [tilespmem:v14+s18+$0x0], $0xffff;
	v15 =	vor.u32 s23, v4  }
0x21b: {  	s25 =	sadd.s32 $0xFFFFFFF1, s24;
	v14 =	vor.u32 s23, v7;
	s23 =	smov.u32 s24;
	v10 =	vld.idx.msk [tilespmem:v22+s16+$0x0], $0xffff  }
0x21c: {  	v16 =	vor.u32 s25, v4;
	s24 =	sadd.s32 $0x10, s24;
	v20 =	vmul.f32 v20, v21;
	v19 =	vadd.f32 v13, v19;
	v13 =	vld.idx.msk [tilespmem:v23+s18+$0x0], $0xffff  }
0x21d: {  	_ =	sdelay $0x3  }
0x21e: {  	v21 =	vor.u32 s25, v7;
	s24 =	sadd.s32 $0xFFFFFFF2, s23;
	v18 =	vld.idx.msk [tilespmem:v18+s16+$0x0], $0xffff;
	v9 =	vmul.f32 v12, v9;
	v19 =	vadd.f32 v20, v19  }
0x21f: {  	v17 =	vld.idx.msk [tilespmem:v17+s18+$0x0], $0xffff;
	v12 =	vor.u32 s24, v4  }
0x220: {  	s29 =	sadd.s32 $0xFFFFFFF3, s23;
	v15 =	vld.idx.msk [tilespmem:v15+s16+$0x0], $0xffff;
	v20 =	vor.u32 s24, v7;
	v8 =	vmul.f32 v11, v8;
	v9 =	vadd.f32 v9, v19  }
0x221: {  	v14 =	vld.idx.msk [tilespmem:v14+s18+$0x0], $0xffff;
	v11 =	vor.u32 s29, v4  }
0x222: {  	v16 =	vld.idx.msk [tilespmem:v16+s16+$0x0], $0xffff;
	s30 =	sadd.s32 $0xFFFFFFF4, s23;
	v19 =	vor.u32 s29, v7;
	v8 =	vadd.f32 v8, v9;
	v9 =	vmul.f32 v13, v10  }
0x223: {  	v10 =	vld.idx.msk [tilespmem:v21+s18+$0x0], $0xffff;
	v13 =	vor.u32 s30, v4  }
0x224: {  	s31 =	sadd.s32 $0xFFFFFFF5, s23;
	v21 =	vor.u32 s30, v7;
	v12 =	vld.idx.msk [tilespmem:v12+s16+$0x0], $0xffff;
	v8 =	vadd.f32 v9, v8;
	v9 =	vmul.f32 v17, v18  }
0x225: {  	v17 =	vld.idx.msk [tilespmem:v20+s18+$0x0], $0xffff;
	v18 =	vor.u32 s31, v4  }
0x226: {  	s25 =	sadd.s32 $0xFFFFFFF6, s23;
	v11 =	vld.idx.msk [tilespmem:v11+s16+$0x0], $0xffff;
	v20 =	vor.u32 s31, v7;
	v8 =	vadd.f32 v9, v8;
	v9 =	vmul.f32 v14, v15  }
0x227: {  	v14 =	vld.idx.msk [tilespmem:v19+s18+$0x0], $0xffff;
	v15 =	vor.u32 s25, v4  }
0x228: {  	s26 =	sadd.s32 $0xFFFFFFF7, s23;
	v19 =	vor.u32 s25, v7;
	v13 =	vld.idx.msk [tilespmem:v13+s16+$0x0], $0xffff;
	v10 =	vmul.f32 v10, v16;
	v8 =	vadd.f32 v9, v8  }
0x229: {  	v16 =	vor.u32 s26, v4;
	v9 =	vld.idx.msk [tilespmem:v21+s18+$0x0], $0xffff  }
0x22a: {  	s28 =	sadd.s32 $0xFFFFFFF8, s23;
	v21 =	vor.u32 s26, v7;
	v18 =	vld.idx.msk [tilespmem:v18+s16+$0x0], $0xffff;
	v8 =	vadd.f32 v10, v8;
	v10 =	vmul.f32 v17, v12  }
0x22b: {  	v12 =	vld.idx.msk [tilespmem:v20+s18+$0x0], $0xffff;
	v17 =	vor.u32 s28, v4  }
0x22c: {  	s29 =	sadd.s32 $0xFFFFFFF9, s23;
	v20 =	vor.u32 s28, v7;
	v15 =	vld.idx.msk [tilespmem:v15+s16+$0x0], $0xffff;
	v8 =	vadd.f32 v10, v8;
	v10 =	vmul.f32 v14, v11  }
0x22d: {  	v11 =	vld.idx.msk [tilespmem:v19+s18+$0x0], $0xffff;
	v14 =	vor.u32 s29, v4  }
0x22e: {  	s30 =	sadd.s32 $0xFFFFFFFA, s23;
	v16 =	vld.idx.msk [tilespmem:v16+s16+$0x0], $0xffff;
	v19 =	vor.u32 s29, v7;
	v9 =	vmul.f32 v9, v13;
	v8 =	vadd.f32 v10, v8  }
0x22f: {  	v13 =	vor.u32 s30, v4;
	v10 =	vld.idx.msk [tilespmem:v21+s18+$0x0], $0xffff  }
0x230: {  	s31 =	sadd.s32 $0xFFFFFFFB, s23;
	v21 =	vor.u32 s30, v7;
	v17 =	vld.idx.msk [tilespmem:v17+s16+$0x0], $0xffff;
	v8 =	vadd.f32 v9, v8;
	v9 =	vmul.f32 v12, v18  }
0x231: {  	v12 =	vld.idx.msk [tilespmem:v20+s18+$0x0], $0xffff;
	v18 =	vor.u32 s31, v4  }
0x232: {  	s25 =	sadd.s32 $0xFFFFFFFC, s23;
	v20 =	vor.u32 s31, v7;
	v14 =	vld.idx.msk [tilespmem:v14+s16+$0x0], $0xffff;
	v8 =	vadd.f32 v9, v8;
	v9 =	vmul.f32 v11, v15  }
0x233: {  	v11 =	vld.idx.msk [tilespmem:v19+s18+$0x0], $0xffff;
	v15 =	vor.u32 s25, v4  }
0x234: {  	s26 =	sadd.s32 $0xFFFFFFFD, s23;
	v13 =	vld.idx.msk [tilespmem:v13+s16+$0x0], $0xffff;
	v19 =	vor.u32 s25, v7;
	v8 =	vadd.f32 v9, v8;
	v9 =	vmul.f32 v10, v16  }
0x235: {  	v10 =	vld.idx.msk [tilespmem:v21+s18+$0x0], $0xffff;
	v16 =	vor.u32 s26, v4  }
0x236: {  	s28 =	sadd.s32 $0xFFFFFFFE, s23;
	v21 =	vor.u32 s26, v7;
	v18 =	vld.idx.msk [tilespmem:v18+s16+$0x0], $0xffff;
	v8 =	vadd.f32 v9, v8;
	v9 =	vmul.f32 v12, v17  }
0x237: {  	v12 =	vld.idx.msk [tilespmem:v20+s18+$0x0], $0xffff;
	v17 =	vor.u32 s28, v4  }
0x238: {  	s29 =	sadd.s32 $0xFFFFFFFF, s23;
	v20 =	vor.u32 s28, v7;
	v15 =	vld.idx.msk [tilespmem:v15+s16+$0x0], $0xffff;
	v8 =	vadd.f32 v9, v8;
	v9 =	vmul.f32 v11, v14  }
0x239: {  	v11 =	vld.idx.msk [tilespmem:v19+s18+$0x0], $0xffff;
	v14 =	vor.u32 s29, v4  }
0x23a: {  	v19 =	vor.u32 s29, v7;
	v16 =	vld.idx.msk [tilespmem:v16+s16+$0x0], $0xffff;
	v8 =	vadd.f32 v9, v8;
	v9 =	vmul.f32 v10, v13  }
0x23b: {  	v7 =	vor.u32 s23, v7;
	v10 =	vld.idx.msk [tilespmem:v21+s18+$0x0], $0xffff  }
0x23c: {  	v13 =	vor.u32 s23, v4;
	v17 =	vld.idx.msk [tilespmem:v17+s16+$0x0], $0xffff;
	v8 =	vadd.f32 v9, v8;
	v9 =	vmul.f32 v12, v18  }
0x23d: {  	v12 =	vld.idx.msk [tilespmem:v20+s18+$0x0], $0xffff  }
0x23e: {  	v14 =	vld.idx.msk [tilespmem:v14+s16+$0x0], $0xffff;
	v8 =	vadd.f32 v9, v8;
	v9 =	vmul.f32 v11, v15  }
0x23f: {  	v11 =	vld.idx.msk [tilespmem:v19+s18+$0x0], $0xffff  }
0x240: {  	v7 =	vld.idx.msk [tilespmem:v7+s18+$0x0], $0xffff;
	v8 =	vadd.f32 v9, v8;
	v9 =	vmul.f32 v10, v16  }
0x241: {  	v13 =	vld.idx.msk [tilespmem:v13+s16+$0x0], $0xffff  }
0x242: {  	v8 =	vadd.f32 v9, v8;
	v9 =	vmul.f32 v12, v17;
	_ =	sdelay $0x1  }
0x243: {  	v8 =	vadd.f32 v9, v8;
	v9 =	vmul.f32 v11, v14;
	_ =	sdelay $0x1  }
0x244: {  	v7 =	vmul.f32 v7, v13;
	v8 =	vadd.f32 v9, v8;
	_ =	sdelay $0x1  }
0x245: {  	v7 =	vadd.f32 v7, v8;
	_ =	sdelay $0x1  }
0x246: {  	v8 =	vmul.f32 $9.999999770e-03, v7  }
0x247: {  	vm0 =	vge.f32 v7, $0.0e+00  }
0x248: {  	v7 =	vsel vm0, v7, v8  }
0x249: {  	v7 =	vmul.f32 $1.250000000e-01, v7;
	_ =	sdelay $0x1  }
0x24a: {  	v7 =	vmul.f32 $1.442695020e+00, v7  }
0x24b: {  	v8 =	vld [tilespmem:$0xC0]  }
0x24c: {  	(erf) = vpow2.f32 v7;
	_ =	sdelay $0x3  }
0x24d: {  	v7 =	vshll.u32 v8, $0x6  }
0x24e: {  	s30 =	simm.s32 $0x0;
	v7 =	vand.u32 $0x40, v7  }
0x24f: {  	v8 =	vor.u32 s30, v5;
	v7 =	vor.u32 v5, v7  }
0x250: {  	s31 =	simm.s32 $0x1;
	v9 =	vor.u32 s30, v7  }
0x251: {  	v10 =	vor.u32 s31, v5  }
0x252: {  	s24 =	simm.s32 $0x2;
	v12 =	vor.u32 s31, v7;
	v11 =	vpop (erf)  }
0x253: {  	v13 =	vor.u32 s24, v7;
	[tilespmem:$0x51B0] =	vst v11  }
0x254: {  	s25 =	simm.s32 $0x3;
	v11 =	vor.u32 s24, v5;
	v8 =	vld.idx.msk [tilespmem:v8+s16+$0x0], $0xffff  }
0x255: {  	v14 =	vor.u32 s25, v5;
	v9 =	vld.idx.msk [tilespmem:v9+s18+$0x0], $0xffff  }
0x256: {  	s26 =	simm.s32 $0x4;
	v15 =	vor.u32 s25, v7;
	v10 =	vld.idx.msk [tilespmem:v10+s16+$0x0], $0xffff  }
0x257: {  	v16 =	vor.u32 s26, v5;
	v12 =	vld.idx.msk [tilespmem:v12+s18+$0x0], $0xffff  }
0x258: {  	s28 =	simm.s32 $0x5;
	v17 =	vor.u32 s26, v7;
	v13 =	vld.idx.msk [tilespmem:v13+s18+$0x0], $0xffff  }
0x259: {  	v18 =	vor.u32 s28, v5;
	v11 =	vld.idx.msk [tilespmem:v11+s16+$0x0], $0xffff  }
0x25a: {  	s29 =	simm.s32 $0x6;
	v19 =	vor.u32 s28, v7;
	v14 =	vld.idx.msk [tilespmem:v14+s16+$0x0], $0xffff;
	v8 =	vmul.f32 v9, v8  }
0x25b: {  	v20 =	vimm.f32 $0.0e+00;
	v9 =	vld.idx.msk [tilespmem:v15+s18+$0x0], $0xffff;
	v15 =	vor.u32 s29, v5  }
0x25c: {  	v21 =	vor.u32 s29, v7;
	s30 =	simm.s32 $0x7;
	v16 =	vld.idx.msk [tilespmem:v16+s16+$0x0], $0xffff;
	v10 =	vmul.f32 v12, v10;
	v8 =	vadd.f32 v8, v20  }
0x25d: {  	v12 =	vld.idx.msk [tilespmem:v17+s18+$0x0], $0xffff;
	v17 =	vor.u32 s30, v5  }
0x25e: {  	s31 =	simm.s32 $0x8;
	v18 =	vld.idx.msk [tilespmem:v18+s16+$0x0], $0xffff;
	v20 =	vor.u32 s30, v7;
	v8 =	vadd.f32 v10, v8;
	v10 =	vmul.f32 v13, v11  }
0x25f: {  	v11 =	vld.idx.msk [tilespmem:v19+s18+$0x0], $0xffff;
	v13 =	vor.u32 s31, v5  }
0x260: {  	s24 =	simm.s32 $0x9;
	v19 =	vor.u32 s31, v7;
	v15 =	vld.idx.msk [tilespmem:v15+s16+$0x0], $0xffff;
	v9 =	vmul.f32 v9, v14;
	v8 =	vadd.f32 v10, v8  }
0x261: {  	v14 =	vor.u32 s24, v5;
	v10 =	vld.idx.msk [tilespmem:v21+s18+$0x0], $0xffff  }
0x262: {  	s25 =	simm.s32 $0xA;
	v17 =	vld.idx.msk [tilespmem:v17+s16+$0x0], $0xffff;
	v21 =	vor.u32 s24, v7;
	v8 =	vadd.f32 v9, v8;
	v9 =	vmul.f32 v12, v16  }
0x263: {  	v12 =	vld.idx.msk [tilespmem:v20+s18+$0x0], $0xffff;
	v16 =	vor.u32 s25, v5  }
0x264: {  	s26 =	simm.s32 $0xB;
	v20 =	vor.u32 s25, v7;
	v13 =	vld.idx.msk [tilespmem:v13+s16+$0x0], $0xffff;
	v8 =	vadd.f32 v9, v8;
	v9 =	vmul.f32 v11, v18  }
0x265: {  	v11 =	vld.idx.msk [tilespmem:v19+s18+$0x0], $0xffff;
	v18 =	vor.u32 s26, v5  }
0x266: {  	s28 =	simm.s32 $0xC;
	v14 =	vld.idx.msk [tilespmem:v14+s16+$0x0], $0xffff;
	v19 =	vor.u32 s26, v7;
	v8 =	vadd.f32 v9, v8;
	v9 =	vmul.f32 v10, v15  }
0x267: {  	s29 =	simm.s32 $0xD;
	v10 =	vld.idx.msk [tilespmem:v21+s18+$0x0], $0xffff;
	v15 =	vor.u32 s28, v5  }
0x268: {  	v22 =	vor.u32 s29, v5;
	v21 =	vld.idx.msk [tilespmem:v16+s16+$0x0], $0xffff;
	v12 =	vmul.f32 v12, v17;
	v8 =	vadd.f32 v9, v8  }
0x269: {  	v16 =	vor.u32 s28, v7;
	v20 =	vld.idx.msk [tilespmem:v20+s18+$0x0], $0xffff  }
0x26a: {  	v23 =	vor.u32 s29, v7;
	s30 =	simm.s32 $0xE;
	v9 =	vld.idx.msk [tilespmem:v18+s16+$0x0], $0xffff;
	v11 =	vmul.f32 v11, v13;
	v17 =	vadd.f32 v12, v8  }
0x26b: {  	v18 =	vor.u32 s30, v5;
	v12 =	vld.idx.msk [tilespmem:v19+s18+$0x0], $0xffff  }
0x26c: {  	s31 =	simm.s32 $0xF;
	v8 =	vld.idx.msk [tilespmem:v15+s16+$0x0], $0xffff;
	v13 =	vadd.f32 v11, v17;
	v17 =	vor.u32 s30, v7  }
0x26d: {  	v19 =	vmul.f32 v10, v14;
	v15 =	vor.u32 s31, v5;
	v10 =	vld.idx.msk [tilespmem:v22+s16+$0x0], $0xffff  }
0x26e: {  	s25 =	simm.s32 $0x10;
	v14 =	vor.u32 s31, v7;
	v11 =	vld.idx.msk [tilespmem:v16+s18+$0x0], $0xffff  }
0x26f: {  	s23 =	simm.s32 $0x1F;
	s24 =	simm.s32 $0x2F;
	v16 =	vor.u32 s25, v5;
	v20 =	vmul.f32 v20, v21;
	v19 =	vadd.f32 v19, v13;
	v13 =	vld.idx.msk [tilespmem:v23+s18+$0x0], $0xffff  }
.LBB2_15:
0x270: {  	p0 =	sne.s32 s24, $0x3F;
	v21 =	vor.u32 s25, v7;
	s25 =	sadd.s32 $0xFFFFFFF2, s23;
	v18 =	vld.idx.msk [tilespmem:v18+s16+$0x0], $0xffff  }
0x271: {  	v9 =	vmul.f32 v12, v9;
	v22 =	vor.u32 s25, v5;
	v19 =	vadd.f32 v20, v19;
	v12 =	vld.idx.msk [tilespmem:v17+s18+$0x0], $0xffff  }
0x272: {  	v17 =	vor.u32 s25, v7;
	s25 =	sadd.s32 $0xFFFFFFF3, s23;
	v15 =	vld.idx.msk [tilespmem:v15+s16+$0x0], $0xffff  }
0x273: {  	v20 =	vor.u32 s25, v5;
	v8 =	vmul.f32 v11, v8;
	v9 =	vadd.f32 v9, v19;
	v11 =	vld.idx.msk [tilespmem:v14+s18+$0x0], $0xffff  }
0x274: {  	v14 =	vld.idx.msk [tilespmem:v16+s16+$0x0], $0xffff;
	v16 =	vor.u32 s25, v7;
	s25 =	sadd.s32 $0xFFFFFFF4, s23  }
0x275: {  	v19 =	vld.idx.msk [tilespmem:v21+s18+$0x0], $0xffff;
	v21 =	vor.u32 s25, v5;
	v8 =	vadd.f32 v8, v9;
	v9 =	vmul.f32 v13, v10  }
0x276: {  	v13 =	vor.u32 s25, v7;
	s25 =	sadd.s32 $0xFFFFFFF5, s23;
	v10 =	vld.idx.msk [tilespmem:v22+s16+$0x0], $0xffff  }
0x277: {  	v22 =	vor.u32 s25, v5;
	v17 =	vld.idx.msk [tilespmem:v17+s18+$0x0], $0xffff;
	v8 =	vadd.f32 v9, v8;
	v9 =	vmul.f32 v12, v18  }
0x278: {  	v18 =	vor.u32 s25, v7;
	s25 =	sadd.s32 $0xFFFFFFF6, s23;
	v12 =	vld.idx.msk [tilespmem:v20+s16+$0x0], $0xffff  }
0x279: {  	v20 =	vor.u32 s25, v5;
	v16 =	vld.idx.msk [tilespmem:v16+s18+$0x0], $0xffff;
	v8 =	vadd.f32 v9, v8;
	v9 =	vmul.f32 v11, v15  }
0x27a: {  	v15 =	vor.u32 s25, v7;
	s25 =	sadd.s32 $0xFFFFFFF7, s23;
	v11 =	vld.idx.msk [tilespmem:v21+s16+$0x0], $0xffff  }
0x27b: {  	v14 =	vmul.f32 v19, v14;
	v19 =	vor.u32 s25, v5;
	v13 =	vld.idx.msk [tilespmem:v13+s18+$0x0], $0xffff;
	v8 =	vadd.f32 v9, v8  }
0x27c: {  	v21 =	vor.u32 s25, v7;
	s25 =	sadd.s32 $0xFFFFFFF8, s23;
	v9 =	vld.idx.msk [tilespmem:v22+s16+$0x0], $0xffff  }
0x27d: {  	v10 =	vmul.f32 v17, v10;
	v17 =	vor.u32 s25, v5;
	v8 =	vadd.f32 v14, v8;
	v14 =	vld.idx.msk [tilespmem:v18+s18+$0x0], $0xffff  }
0x27e: {  	v18 =	vld.idx.msk [tilespmem:v20+s16+$0x0], $0xffff;
	v20 =	vor.u32 s25, v7;
	s25 =	sadd.s32 $0xFFFFFFF9, s23  }
0x27f: {  	v8 =	vadd.f32 v10, v8;
	v10 =	vmul.f32 v16, v12;
	v12 =	vld.idx.msk [tilespmem:v15+s18+$0x0], $0xffff;
	v15 =	vor.u32 s25, v5  }
0x280: {  	v16 =	vld.idx.msk [tilespmem:v19+s16+$0x0], $0xffff;
	v19 =	vor.u32 s25, v7;
	s25 =	sadd.s32 $0xFFFFFFFA, s23  }
0x281: {  	v8 =	vadd.f32 v10, v8;
	v10 =	vmul.f32 v13, v11;
	v11 =	vld.idx.msk [tilespmem:v21+s18+$0x0], $0xffff;
	v13 =	vor.u32 s25, v5  }
0x282: {  	v21 =	vor.u32 s25, v7;
	s25 =	sadd.s32 $0xFFFFFFFB, s23;
	v17 =	vld.idx.msk [tilespmem:v17+s16+$0x0], $0xffff  }
0x283: {  	v9 =	vmul.f32 v14, v9;
	v14 =	vor.u32 s25, v5;
	v8 =	vadd.f32 v10, v8;
	v10 =	vld.idx.msk [tilespmem:v20+s18+$0x0], $0xffff  }
0x284: {  	v20 =	vor.u32 s25, v7;
	s25 =	sadd.s32 $0xFFFFFFFC, s23;
	v15 =	vld.idx.msk [tilespmem:v15+s16+$0x0], $0xffff  }
0x285: {  	v8 =	vadd.f32 v9, v8;
	v9 =	vmul.f32 v12, v18;
	v12 =	vld.idx.msk [tilespmem:v19+s18+$0x0], $0xffff;
	v18 =	vor.u32 s25, v5  }
0x286: {  	v19 =	vor.u32 s25, v7;
	s25 =	sadd.s32 $0xFFFFFFFD, s23;
	v13 =	vld.idx.msk [tilespmem:v13+s16+$0x0], $0xffff  }
0x287: {  	v8 =	vadd.f32 v9, v8;
	v9 =	vmul.f32 v11, v16;
	v11 =	vld.idx.msk [tilespmem:v21+s18+$0x0], $0xffff;
	v16 =	vor.u32 s25, v5  }
0x288: {  	v21 =	vld.idx.msk [tilespmem:v14+s16+$0x0], $0xffff;
	v14 =	vor.u32 s25, v7;
	s25 =	sadd.s32 $0xFFFFFFFE, s23  }
0x289: {  	v10 =	vmul.f32 v10, v17;
	v8 =	vadd.f32 v9, v8;
	v20 =	vld.idx.msk [tilespmem:v20+s18+$0x0], $0xffff;
	v22 =	vor.u32 s25, v5  }
0x28a: {  	v23 =	vor.u32 s25, v7;
	s25 =	sadd.s32 $0xFFFFFFFF, s23;
	v9 =	vld.idx.msk [tilespmem:v18+s16+$0x0], $0xffff  }
.Ltmp6:
0x28b: {  	v15 =	vmul.f32 v12, v15;
	v18 =	vor.u32 s25, v5;
	v10 =	vadd.f32 v10, v8;
	v12 =	vld.idx.msk [tilespmem:v19+s18+$0x0], $0xffff;
	(pc) =	sbr.rel @p0 .LBB2_15-.Ltmp6, $4  }
0x28c: {  	v17 =	vor.u32 s25, v7;
	v8 =	vld.idx.msk [tilespmem:v16+s16+$0x0], $0xffff  }
0x28d: {  	v13 =	vmul.f32 v11, v13;
	v19 =	vadd.f32 v15, v10;
	v11 =	vld.idx.msk [tilespmem:v14+s18+$0x0], $0xffff;
	v15 =	vor.u32 s23, v5  }
0x28e: {  	s25 =	sadd.s32 $0xFFFFFFF1, s24;
	v14 =	vor.u32 s23, v7;
	s23 =	smov.u32 s24;
	v10 =	vld.idx.msk [tilespmem:v22+s16+$0x0], $0xffff  }
0x28f: {  	v16 =	vor.u32 s25, v5;
	s24 =	sadd.s32 $0x10, s24;
	v20 =	vmul.f32 v20, v21;
	v19 =	vadd.f32 v13, v19;
	v13 =	vld.idx.msk [tilespmem:v23+s18+$0x0], $0xffff  }
0x290: {  	_ =	sdelay $0x3  }
0x291: {  	v21 =	vor.u32 s25, v7;
	s24 =	sadd.s32 $0xFFFFFFF2, s23;
	v18 =	vld.idx.msk [tilespmem:v18+s16+$0x0], $0xffff;
	v9 =	vmul.f32 v12, v9;
	v19 =	vadd.f32 v20, v19  }
0x292: {  	v17 =	vld.idx.msk [tilespmem:v17+s18+$0x0], $0xffff;
	v30 =	vor.u32 s24, v5  }
0x293: {  	s29 =	sadd.s32 $0xFFFFFFF3, s23;
	v15 =	vld.idx.msk [tilespmem:v15+s16+$0x0], $0xffff;
	v31 =	vor.u32 s24, v7;
	v8 =	vmul.f32 v11, v8;
	v9 =	vadd.f32 v9, v19  }
0x294: {  	v14 =	vld.idx.msk [tilespmem:v14+s18+$0x0], $0xffff;
	v32 =	vor.u32 s29, v7  }
0x295: {  	v16 =	vld.idx.msk [tilespmem:v16+s16+$0x0], $0xffff;
	s30 =	sadd.s32 $0xFFFFFFF4, s23;
	v11 =	vor.u32 s29, v5;
	v8 =	vadd.f32 v8, v9;
	v9 =	vmul.f32 v13, v10  }
0x296: {  	v33 =	vor.u32 s30, v5;
	v10 =	vld.idx.msk [tilespmem:v21+s18+$0x0], $0xffff  }
0x297: {  	s31 =	sadd.s32 $0xFFFFFFF5, s23;
	v34 =	vor.u32 s30, v7;
	v12 =	vld.idx.msk [tilespmem:v30+s16+$0x0], $0xffff;
	v8 =	vadd.f32 v9, v8;
	v9 =	vmul.f32 v17, v18  }
0x298: {  	v37 =	vor.u32 s31, v7;
	v35 =	vld.idx.msk [tilespmem:v31+s18+$0x0], $0xffff  }
0x299: {  	s25 =	sadd.s32 $0xFFFFFFF6, s23;
	v36 =	vor.u32 s31, v5;
	v38 =	vld.idx.msk [tilespmem:v32+s18+$0x0], $0xffff;
	v8 =	vadd.f32 v9, v8;
	v9 =	vmul.f32 v14, v15  }
0x29a: {  	v39 =	vor.u32 s25, v5;
	v11 =	vld.idx.msk [tilespmem:v11+s16+$0x0], $0xffff  }
0x29b: {  	s26 =	sadd.s32 $0xFFFFFFF7, s23;
	v40 =	vor.u32 s25, v7;
	v13 =	vld.idx.msk [tilespmem:v33+s16+$0x0], $0xffff;
	v10 =	vmul.f32 v10, v16;
	v8 =	vadd.f32 v9, v8  }
0x29c: {  	v41 =	vor.u32 s26, v5;
	v9 =	vld.idx.msk [tilespmem:v34+s18+$0x0], $0xffff  }
0x29d: {  	s28 =	sadd.s32 $0xFFFFFFF8, s23;
	v42 =	vor.u32 s26, v7;
	v43 =	vld.idx.msk [tilespmem:v37+s18+$0x0], $0xffff;
	v8 =	vadd.f32 v10, v8;
	v10 =	vmul.f32 v35, v12  }
0x29e: {  	v45 =	vor.u32 s28, v7;
	v18 =	vld.idx.msk [tilespmem:v36+s16+$0x0], $0xffff  }
0x29f: {  	v44 =	vor.u32 s28, v5;
	s29 =	sadd.s32 $0xFFFFFFF9, s23;
	v15 =	vld.idx.msk [tilespmem:v39+s16+$0x0], $0xffff;
	v8 =	vadd.f32 v10, v8;
	v10 =	vmul.f32 v38, v11  }
0x2a0: {  	v46 =	vor.u32 s29, v5;
	v11 =	vld.idx.msk [tilespmem:v40+s18+$0x0], $0xffff  }
0x2a1: {  	s30 =	sadd.s32 $0xFFFFFFFA, s23;
	v47 =	vor.u32 s29, v7;
	v16 =	vld.idx.msk [tilespmem:v41+s16+$0x0], $0xffff;
	v9 =	vmul.f32 v9, v13;
	v8 =	vadd.f32 v10, v8  }
0x2a2: {  	v48 =	vor.u32 s30, v5;
	v10 =	vld.idx.msk [tilespmem:v42+s18+$0x0], $0xffff  }
0x2a3: {  	s31 =	sadd.s32 $0xFFFFFFFB, s23;
	v49 =	vor.u32 s30, v7;
	v50 =	vld.idx.msk [tilespmem:v45+s18+$0x0], $0xffff;
	v8 =	vadd.f32 v9, v8;
	v9 =	vmul.f32 v43, v18  }
0x2a4: {  	v52 =	vor.u32 s31, v7;
	v17 =	vld.idx.msk [tilespmem:v44+s16+$0x0], $0xffff  }
0x2a5: {  	s25 =	sadd.s32 $0xFFFFFFFC, s23;
	v51 =	vor.u32 s31, v5;
	v14 =	vld.idx.msk [tilespmem:v46+s16+$0x0], $0xffff;
	v8 =	vadd.f32 v9, v8;
	v9 =	vmul.f32 v11, v15  }
0x2a6: {  	v53 =	vor.u32 s25, v5;
	v11 =	vld.idx.msk [tilespmem:v47+s18+$0x0], $0xffff  }
0x2a7: {  	s26 =	sadd.s32 $0xFFFFFFFD, s23;
	v54 =	vor.u32 s25, v7;
	v13 =	vld.idx.msk [tilespmem:v48+s16+$0x0], $0xffff;
	v8 =	vadd.f32 v9, v8;
	v9 =	vmul.f32 v10, v16  }
0x2a8: {  	v55 =	vor.u32 s26, v5;
	v10 =	vld.idx.msk [tilespmem:v49+s18+$0x0], $0xffff  }
0x2a9: {  	s28 =	sadd.s32 $0xFFFFFFFE, s23;
	v56 =	vor.u32 s26, v7;
	v57 =	vld.idx.msk [tilespmem:v52+s18+$0x0], $0xffff;
	v8 =	vadd.f32 v9, v8;
	v9 =	vmul.f32 v50, v17  }
0x2aa: {  	v59 =	vor.u32 s28, v7;
	v18 =	vld.idx.msk [tilespmem:v51+s16+$0x0], $0xffff  }
0x2ab: {  	v58 =	vor.u32 s28, v5;
	s29 =	sadd.s32 $0xFFFFFFFF, s23;
	v15 =	vld.idx.msk [tilespmem:v53+s16+$0x0], $0xffff;
	v8 =	vadd.f32 v9, v8;
	v9 =	vmul.f32 v11, v14  }
0x2ac: {  	v60 =	vor.u32 s29, v5;
	v11 =	vld.idx.msk [tilespmem:v54+s18+$0x0], $0xffff  }
0x2ad: {  	v61 =	vor.u32 s29, v7;
	v16 =	vld.idx.msk [tilespmem:v55+s16+$0x0], $0xffff;
	v8 =	vadd.f32 v9, v8;
	v9 =	vmul.f32 v10, v13  }
0x2ae: {  	v7 =	vor.u32 s23, v7;
	v10 =	vld.idx.msk [tilespmem:v56+s18+$0x0], $0xffff  }
0x2af: {  	v62 =	vor.u32 s23, v5;
	v63 =	vld.idx.msk [tilespmem:v59+s18+$0x0], $0xffff;
	v8 =	vadd.f32 v9, v8;
	v9 =	vmul.f32 v57, v18  }
0x2b0: {  	v17 =	vld.idx.msk [tilespmem:v58+s16+$0x0], $0xffff  }
0x2b1: {  	v14 =	vld.idx.msk [tilespmem:v60+s16+$0x0], $0xffff;
	v8 =	vadd.f32 v9, v8;
	v9 =	vmul.f32 v11, v15  }
0x2b2: {  	v11 =	vld.idx.msk [tilespmem:v61+s18+$0x0], $0xffff  }
0x2b3: {  	v7 =	vld.idx.msk [tilespmem:v7+s18+$0x0], $0xffff;
	v8 =	vadd.f32 v9, v8;
	v9 =	vmul.f32 v10, v16  }
0x2b4: {  	v13 =	vld.idx.msk [tilespmem:v62+s16+$0x0], $0xffff  }
0x2b5: {  	v8 =	vadd.f32 v9, v8;
	v9 =	vmul.f32 v63, v17;
	_ =	sdelay $0x1  }
0x2b6: {  	v8 =	vadd.f32 v9, v8;
	v9 =	vmul.f32 v11, v14;
	_ =	sdelay $0x1  }
0x2b7: {  	v7 =	vmul.f32 v7, v13;
	v8 =	vadd.f32 v9, v8;
	_ =	sdelay $0x1  }
0x2b8: {  	v7 =	vadd.f32 v7, v8;
	_ =	sdelay $0x1  }
0x2b9: {  	v8 =	vmul.f32 $9.999999770e-03, v7  }
0x2ba: {  	vm0 =	vge.f32 v7, $0.0e+00  }
0x2bb: {  	v7 =	vsel vm0, v7, v8  }
0x2bc: {  	v7 =	vmul.f32 $1.250000000e-01, v7;
	_ =	sdelay $0x1  }
0x2bd: {  	v7 =	vmul.f32 $1.442695020e+00, v7;
	_ =	sdelay $0x1  }
0x2be: {  	(erf) = vpow2.f32 v7;
	_ =	sdelay $0x4  }
0x2bf: {  	s30 =	simm.s32 $0x0  }
0x2c0: {  	v7 =	vmov s30;
	_ =	sdelay $0x2  }
0x2c1: {  	v8 =	vpop (erf)  }
0x2c2: {  	[tilespmem:$0x51C0] =	vst v8  }
0x2c3: {  	s23 =	simm.s32 $0x1F0;
	v7 =	vld.idx.msk [tilespmem:v7+s19+$0x0], $0xffff  }
0x2c4: {  	v8 =	vld [tilespmem:s23+$0xFFFFFFD0];
	_ =	sdelay $0x4  }
0x2c5: {  	v8 =	vmul.f32 v8, v7  }
0x2c6: {  	s24 =	simm.s32 $0x5220  }
0x2c7: {  	[tilespmem:s24+$0xFFFFFFE0] =	vst v8  }
0x2c8: {  	v8 =	vld [tilespmem:s23+$0xFFFFFFE0];
	_ =	sdelay $0x4  }
0x2c9: {  	v8 =	vmul.f32 v8, v7;
	_ =	sdelay $0x1  }
0x2ca: {  	[tilespmem:s24+$0xFFFFFFF0] =	vst v8  }
0x2cb: {  	v8 =	vld [tilespmem:s23+$0xFFFFFFF0];
	_ =	sdelay $0x4  }
0x2cc: {  	v8 =	vmul.f32 v8, v7;
	_ =	sdelay $0x1  }
0x2cd: {  	[tilespmem:s24+$0x0] =	vst v8  }
0x2ce: {  	v8 =	vld [tilespmem:s23+$0x0]  }
0x2cf: {  	v9 =	vmul.f32 v6, v7  }
0x2d0: {  	s31 =	simm.s32 $0x1  }
0x2d1: {  	s25 =	simm.s32 $0x2;
	[tilespmem:s24+$0x20] =	vst v9;
	v9 =	vmov s31  }
.LBB2_17:
0x2d2: {  	p0 =	sne.s32 s25, $0x4F  }
0x2d3: {  	v7 =	vmul.f32 v8, v7;
	_ =	sdelay $0x1  }
0x2d4: {  	[tilespmem:s24+$0x10] =	vst v7  }
0x2d5: {  	s23 =	sadd.s32 $0x80, s23;
	v7 =	vld.idx.msk [tilespmem:v9+s19+$0x0], $0xffff  }
0x2d6: {  	v8 =	vld [tilespmem:s23+$0xFFFFFFD0];
	_ =	sdelay $0x4  }
0x2d7: {  	v9 =	vmul.f32 v6, v7;
	v8 =	vmul.f32 v8, v7  }
0x2d8: {  	s24 =	sadd.s32 $0x80, s24  }
0x2d9: {  	[tilespmem:s24+$0xFFFFFFE0] =	vst v8  }
0x2da: {  	v8 =	vld [tilespmem:s23+$0xFFFFFFE0];
	_ =	sdelay $0x4  }
0x2db: {  	v8 =	vmul.f32 v8, v7;
	_ =	sdelay $0x1  }
0x2dc: {  	[tilespmem:s24+$0xFFFFFFF0] =	vst v8  }
0x2dd: {  	v8 =	vld [tilespmem:s23+$0xFFFFFFF0];
	_ =	sdelay $0x4  }
0x2de: {  	v8 =	vmul.f32 v8, v7;
	_ =	sdelay $0x1  }
.Ltmp7:
0x2df: {  	[tilespmem:s24+$0x0] =	vst v8;
	(pc) =	sbr.rel @p0 .LBB2_17-.Ltmp7, $2  }
0x2e0: {  	v8 =	vld [tilespmem:s23+$0x0];
	[tilespmem:s24+$0x20] =	vst v9;
	_ =	sdelay $0x2  }
0x2e1: {  	v9 =	vmov s25;
	s25 =	sadd.s32 $0x1, s25  }
0x2e2: {  	_ = 	snop  }
0x2e3: {  	v7 =	vmul.f32 v8, v7;
	_ =	sdelay $0x1  }
0x2e4: {  	[tilespmem:s24+$0x10] =	vst v7  }
0x2e5: {  	s23 =	sadd.s32 $0x80, s23;
	v7 =	vld.idx.msk [tilespmem:v9+s19+$0x0], $0xffff  }
0x2e6: {  	v8 =	vld [tilespmem:s23+$0xFFFFFFD0];
	_ =	sdelay $0x4  }
0x2e7: {  	v8 =	vmul.f32 v8, v7  }
0x2e8: {  	s31 =	sadd.s32 $0x80, s24  }
0x2e9: {  	[tilespmem:s31+$0xFFFFFFE0] =	vst v8  }
0x2ea: {  	v8 =	vld [tilespmem:s23+$0xFFFFFFE0];
	_ =	sdelay $0x4  }
0x2eb: {  	v8 =	vmul.f32 v8, v7;
	_ =	sdelay $0x1  }
0x2ec: {  	[tilespmem:s31+$0xFFFFFFF0] =	vst v8  }
0x2ed: {  	v8 =	vld [tilespmem:s23+$0xFFFFFFF0];
	_ =	sdelay $0x4  }
0x2ee: {  	v8 =	vmul.f32 v8, v7;
	_ =	sdelay $0x1  }
0x2ef: {  	[tilespmem:s31+$0x0] =	vst v8  }
0x2f0: {  	v8 =	vld [tilespmem:s23+$0x0];
	_ =	sdelay $0x3  }
0x2f1: {  	v9 =	vmul.f32 v6, v7  }
0x2f2: {  	s22 =	sadd.s32 $0x1, s22;
	v7 =	vmul.f32 v8, v7  }
0x2f3: {  	p0 =	sne.s32 s22, $0x7D;
	[tilespmem:s31+$0x20] =	vst v9  }
.Ltmp8:
0x2f4: {  	[tilespmem:s31+$0x10] =	vst v7;
	(pc) =	sbr.rel @p0 .LBB2_6-.Ltmp8, $4  }
0x2f5: {  	[spmem:s5] =	stream.indirect.scatter.add.f32 [tilespmem:s20], [sflag:$0x1], $0x80, s14, s15, $0xb8;
	[tilespmem:$0x11E00] =	vst v63  }
0x2f6: {  	_ =	swait.ge [sflag:s13], $0x2800  }
0x2f7: {  	[sflag:s13] =	ssyncset.done $0x0  }
0x2f8: {  	[sflag:s13] =	ssyncadd.s32 $0xFFFFD800  }
0x2f9: {  	s21 =	sadd.s32 $0x1, s21  }
0x2fa: {  	s22 =	sshll.u32 s3, $0x6;
	[bflag:$0x0] =	sbarrier.arrive $0xFFFF;
	p0 =	sne.s32 s21, s11  }
.Ltmp9:
0x2fb: {  	s23 =	sshrl.u32 s8, $0x3;
	s22 =	sor.u32 $0x1C01, s22;
	(pc) =	sbr.rel @p0 .LBB2_1-.Ltmp9, $4  }
0x2fc: {  	[hbm:s10], [sflag:s22] =	dma.local [spmem:s23], $0x1400  }
0x2fd: {  	_ =	swait.ge [sflag:s13], $0x1400  }
0x2fe: {  	[sflag:s13] =	ssyncset.done $0x0  }
0x2ff: {  	[sflag:s13] =	ssyncadd.s32 $0xFFFFEC00  }
0x300: {  	_ =	sfence.sel $0x180000  }
0x301: {  	[bflag:$0x0] =	sbarrier.arrive $0xFFFF  }
0x302: {  	p0 =	sne.s32 s3, $0x0;
	_ =	strace $0x90000047  }
0x303: {  	s0 =	sadd.s32 @!p0 $0x100000, s2;
	[bflag:$0x2] =	sbarrier.arrive $0xFFFF  }
0x304: {  	[sflag:s0] =	ssyncadd.tile.s32 @!p0 $0x1;
	_ =	shalt  }
.Lfunc_end2:
_tile_overlayer_lowered:
.L_overlay_start_2:
0x305: {  	(tag) =	ssettag $0x2  }
0x306: {  	s0 =	rddreg [dreg:$0x0];
	s2 =	stileid.u32  }
0x307: {  	s1 =	rddreg [dreg:$0x1];
	p0 =	sne.s32 s2, $0x0  }
0x308: {  	s3 =	rddreg [dreg:$0x2];
	[bflag:$0x3] =	sbarrier.arrive $0xFFFF;
	s2 =	simm.s32 @!p0 $0x1C01  }
0x309: {  	[timem:s3], [sflag:s2] =	dma.local @!p0 [hbm:s0], s1  }
0x30a: {  	s0 =	simm.s32 @!p0 $0x1  }
0x30b: {  	_ =	swait.ge @!p0 [sflag:s0], s1  }
0x30c: {  	s1 =	ssub.s32 @!p0 $0x0, s1;
	[sflag:s0] =	ssyncset.done @!p0 $0x0  }
0x30d: {  	[sflag:s0] =	ssyncadd.s32 @!p0 s1  }
0x30e: {  	[bflag:$0x3] =	sbarrier.arrive $0xFFFF  }
0x30f: {  	_ =	shalt  }

</sc_bundles>
